<compile_context>
chip_gen: v7x
topology: tpu7x:2x2x1
jax: 0.10.2.dev20260603
libtpu: 0.0.44.dev20260713+nightly
codegen_flags: <defaults>
</compile_context>

<pallas_src>
import functools

import jax
import jax.numpy as jnp
from jax import lax
from jax.experimental import pallas as pl
from jax.experimental.pallas import tpu as pltpu
from jax.experimental.pallas import tpu_sc as plsc

_NC = 2
_NS = 16
_L = 16
_NW = _NC * _NS
_G = 8
_CH = 16


def _body(users_h, items_h, uw_h, iw_h, ubg_h, ibg_h, out_h,
          uidx, iidx, usub, isub, u3, i3, ubv, ibv, outv,
          sem_uw, sem_iw, *, bpw, D):
    wid = lax.axis_index("s") * _NC + lax.axis_index("c")
    base = wid * bpw

    pltpu.sync_copy(users_h.at[pl.ds(base, bpw)], uidx)
    pltpu.sync_copy(items_h.at[pl.ds(base, bpw)], iidx)
    for c in range(bpw // _L):
        s = pl.ds(c * _L, _L)
        um1 = uidx[s] - 1
        im1 = iidx[s] - 1
        uidx[s] = um1
        iidx[s] = im1
        usub[s] = lax.bitwise_and(um1, _G - 1)
        isub[s] = lax.bitwise_and(im1, _G - 1)

    pltpu.sync_copy(ubg_h.at[pl.ds(base, bpw)], ubv)
    pltpu.sync_copy(ibg_h.at[pl.ds(base, bpw)], ibv)

    col0 = lax.iota(jnp.int32, _L)

    def chunk(k, carry):
        c0 = k * _CH

        for q in range(_CH // _L):
            ug16 = lax.shift_right_logical(
                uidx[pl.ds(c0 + q * _L, _L)], 3)
            ig16 = lax.shift_right_logical(
                iidx[pl.ds(c0 + q * _L, _L)], 3)
            for l in range(_L):
                jj = q * _L + l
                pltpu.async_copy(
                    uw_h.at[pl.ds(ug16[l] * _G, _G)], u3.at[jj], sem_uw)
                pltpu.async_copy(
                    iw_h.at[pl.ds(ig16[l] * _G, _G)], i3.at[jj], sem_iw)


        for q in range(_CH // _L):
            ug16 = lax.shift_right_logical(
                uidx[pl.ds(c0 + q * _L, _L)], 3)
            ig16 = lax.shift_right_logical(
                iidx[pl.ds(c0 + q * _L, _L)], 3)
            for l in range(_L):
                jj = q * _L + l
                pltpu.make_async_copy(
                    uw_h.at[pl.ds(ug16[l] * _G, _G)], u3.at[jj],
                    sem_uw).wait()
                pltpu.make_async_copy(
                    iw_h.at[pl.ds(ig16[l] * _G, _G)], i3.at[jj],
                    sem_iw).wait()


        for g in range(_CH // _L):
            b0 = c0 + g * _L
            row16 = col0 + g * _L
            us16 = usub[pl.ds(b0, _L)]
            is16 = isub[pl.ds(b0, _L)]
            acc = ubv[pl.ds(b0, _L)] + ibv[pl.ds(b0, _L)]
            for d in range(D):
                dd = lax.bitwise_and(col0 + d, D - 1)
                uv = plsc.load_gather(u3, [row16, us16, dd])
                iv = plsc.load_gather(i3, [row16, is16, dd])
                acc = acc + uv * iv
            outv[pl.ds(b0, _L)] = 5.0 / (1.0 + jnp.exp(-acc))
        return carry

    lax.fori_loop(0, bpw // _CH, chunk, 0)

    pltpu.sync_copy(outv, out_h.at[pl.ds(base, bpw)])


@jax.jit
def kernel(users, items, u_weight, i_weight, u_bias, i_bias):
    B = users.shape[0]
    N, D = u_weight.shape
    bpw = B // _NW
    mesh = plsc.VectorSubcoreMesh(core_axis_name="c", subcore_axis_name="s")
    f = pl.kernel(
        functools.partial(_body, bpw=bpw, D=D),
        out_type=jax.ShapeDtypeStruct((B,), jnp.float32),
        mesh=mesh,
        compiler_params=pltpu.CompilerParams(needs_layout_passes=False),
        scratch_types=[
            pltpu.VMEM((bpw,), jnp.int32),
            pltpu.VMEM((bpw,), jnp.int32),
            pltpu.VMEM((bpw,), jnp.int32),
            pltpu.VMEM((bpw,), jnp.int32),
            pltpu.VMEM((_CH, _G, D), jnp.float32),
            pltpu.VMEM((_CH, _G, D), jnp.float32),
            pltpu.VMEM((bpw,), jnp.float32),
            pltpu.VMEM((bpw,), jnp.float32),
            pltpu.VMEM((bpw,), jnp.float32),
            pltpu.SemaphoreType.DMA,
            pltpu.SemaphoreType.DMA,
        ],
    )
    ubg = jnp.take(u_bias, users - 1, axis=0).reshape(-1)
    ibg = jnp.take(i_bias, items - 1, axis=0).reshape(-1)
    return f(users, items, u_weight, i_weight, ubg, ibg)

# --- scband reference (transcript-rebuilt; emitter-appended) ---
"""Pipeline reference for scband-embedding-net-27101243638006 (READ-ONLY COPY).

The authoritative reference and input builder live on the scoring server;
editing this copy changes nothing except your own understanding.
"""

import jax, jax.numpy as jnp
import numpy as np

N_USERS = 1000000
N_ITEMS = 1000000
D = 64
B = 16384
Y0, Y1 = 0.0, 5.0


def setup_inputs(seed: int = 0) -> dict:
    key = jax.random.key(seed)
    ks = jax.random.split(key, 6)
    # indices are 1-based in this model (forward subtracts 1), so sample in [1, vocab)
    users = jax.random.randint(ks[0], (B,), 1, N_USERS, dtype=jnp.int32)
    items = jax.random.randint(ks[1], (B,), 1, N_ITEMS, dtype=jnp.int32)
    u_weight = jax.random.normal(ks[2], (N_USERS, D), dtype=jnp.float32) * 0.01
    i_weight = jax.random.normal(ks[3], (N_ITEMS, D), dtype=jnp.float32) * 0.01
    u_bias = jax.random.normal(ks[4], (N_USERS, 1), dtype=jnp.float32) * 0.01
    i_bias = jax.random.normal(ks[5], (N_ITEMS, 1), dtype=jnp.float32) * 0.01
    return {"users": users, "items": items, "u_weight": u_weight, "i_weight": i_weight, "u_bias": u_bias, "i_bias": i_bias}


def reference(users, items, u_weight, i_weight, u_bias, i_bias):
    user_indices = users - 1
    item_indices = items - 1
    u_emb = jnp.take(u_weight, user_indices, axis=0)
    i_emb = jnp.take(i_weight, item_indices, axis=0)
    dot = (u_emb * i_emb).sum(axis=1)
    ub = jnp.take(u_bias, user_indices, axis=0).squeeze(-1)
    ib = jnp.take(i_bias, item_indices, axis=0).squeeze(-1)
    res = dot + ub + ib
    return jax.nn.sigmoid(res) * (Y1 - Y0) + Y0

if __name__ == "__main__":
    import jax
    _d = setup_inputs()
    print(jax.jit(kernel)(*tuple(_d.values())))

</pallas_src>

<mosaic_0001>
#map = affine_map<(d0, d1) -> (0)>
#map1 = affine_map<(d0, d1) -> (0, 0)>
module attributes {stable_mosaic.version = 14 : i64} {
  func.func @_body(%arg0: i32, %arg1: i32, %arg2: memref<16384xi32, #tpu.memory_space<hbm>>, %arg3: memref<16384xi32, #tpu.memory_space<hbm>>, %arg4: memref<1000000x64xf32, #tpu.memory_space<hbm>>, %arg5: memref<1000000x64xf32, #tpu.memory_space<hbm>>, %arg6: memref<16384xf32, #tpu.memory_space<hbm>>, %arg7: memref<16384xf32, #tpu.memory_space<hbm>>, %arg8: memref<16384xf32, #tpu.memory_space<hbm>>, %arg9: memref<512xi32, #tpu.memory_space<vmem>>, %arg10: memref<512xi32, #tpu.memory_space<vmem>>, %arg11: memref<512xi32, #tpu.memory_space<vmem>>, %arg12: memref<512xi32, #tpu.memory_space<vmem>>, %arg13: memref<16x8x64xf32, #tpu.memory_space<vmem>>, %arg14: memref<16x8x64xf32, #tpu.memory_space<vmem>>, %arg15: memref<512xf32, #tpu.memory_space<vmem>>, %arg16: memref<512xf32, #tpu.memory_space<vmem>>, %arg17: memref<512xf32, #tpu.memory_space<vmem>>, %arg18: memref<!tpu.dma_semaphore, #tpu.memory_space<semaphore_mem>>, %arg19: memref<!tpu.dma_semaphore, #tpu.memory_space<semaphore_mem>>) attributes {dimension_semantics = [#tpu.dimension_semantics<core_parallel>, #tpu.dimension_semantics<subcore_parallel>], iteration_bounds = array<i64: 2, 16>, scalar_prefetch = 0 : i64, scratch_operands = 11 : i64, tpu.core_type = #tpu.core_type<sc_vector_subcore>, window_params = [{transform_indices = #map}, {transform_indices = #map}, {transform_indices = #map1}, {transform_indices = #map1}, {transform_indices = #map}, {transform_indices = #map}, {transform_indices = #map}]} {
    %mul3A = arith.constant 2 : i32
    %mul3A_0 = arith.muli %arg1, %mul3A : i32
    %add3A = arith.addi %mul3A_0, %arg0 : i32
    %mul3A_1 = arith.constant 512 : i32
    %mul3A_2 = arith.muli %add3A, %mul3A_1 : i32
    "tpu.region"() ({
      %run_scoped3A = tpu.sem_alloc : memref<!tpu.dma_semaphore, #tpu.memory_space<semaphore_mem>>
      %dma_start3A = tpu.memref_slice %arg2[%mul3A_2] : memref<16384xi32, #tpu.memory_space<hbm>> -> memref<512xi32, #tpu.memory_space<hbm>>
      %dma_start3A_772 = tpu.memref_slice %arg2[%mul3A_2] : memref<16384xi32, #tpu.memory_space<hbm>> -> memref<512xi32, #tpu.memory_space<hbm>>
      tpu.enqueue_dma source(%dma_start3A_772 : memref<512xi32, #tpu.memory_space<hbm>>) target(%arg9 : memref<512xi32, #tpu.memory_space<vmem>>) target_semaphore(%run_scoped3A : memref<!tpu.dma_semaphore, #tpu.memory_space<semaphore_mem>>)
      %dma_wait3A = tpu.memref_slice %arg2[%mul3A_2] : memref<16384xi32, #tpu.memory_space<hbm>> -> memref<512xi32, #tpu.memory_space<hbm>>
      %dma_wait3A_773 = tpu.memref_slice %arg2[%mul3A_2] : memref<16384xi32, #tpu.memory_space<hbm>> -> memref<512xi32, #tpu.memory_space<hbm>>
      tpu.wait_dma2 semaphore(%run_scoped3A : memref<!tpu.dma_semaphore, #tpu.memory_space<semaphore_mem>>) src(%dma_wait3A_773 : memref<512xi32, #tpu.memory_space<hbm>>) dst(%arg9 : memref<512xi32, #tpu.memory_space<vmem>>)
      tpu.yield
    }) : () -> ()
    "tpu.region"() ({
      %run_scoped3A = tpu.sem_alloc : memref<!tpu.dma_semaphore, #tpu.memory_space<semaphore_mem>>
      %dma_start3A = tpu.memref_slice %arg3[%mul3A_2] : memref<16384xi32, #tpu.memory_space<hbm>> -> memref<512xi32, #tpu.memory_space<hbm>>
      %dma_start3A_772 = tpu.memref_slice %arg3[%mul3A_2] : memref<16384xi32, #tpu.memory_space<hbm>> -> memref<512xi32, #tpu.memory_space<hbm>>
      tpu.enqueue_dma source(%dma_start3A_772 : memref<512xi32, #tpu.memory_space<hbm>>) target(%arg10 : memref<512xi32, #tpu.memory_space<vmem>>) target_semaphore(%run_scoped3A : memref<!tpu.dma_semaphore, #tpu.memory_space<semaphore_mem>>)
      %dma_wait3A = tpu.memref_slice %arg3[%mul3A_2] : memref<16384xi32, #tpu.memory_space<hbm>> -> memref<512xi32, #tpu.memory_space<hbm>>
      %dma_wait3A_773 = tpu.memref_slice %arg3[%mul3A_2] : memref<16384xi32, #tpu.memory_space<hbm>> -> memref<512xi32, #tpu.memory_space<hbm>>
      tpu.wait_dma2 semaphore(%run_scoped3A : memref<!tpu.dma_semaphore, #tpu.memory_space<semaphore_mem>>) src(%dma_wait3A_773 : memref<512xi32, #tpu.memory_space<hbm>>) dst(%arg10 : memref<512xi32, #tpu.memory_space<vmem>>)
      tpu.yield
    }) : () -> ()
    %get3A = arith.constant 0 : index
    %get3A_3 = tpu.vector_load %arg9[%get3A] {strides = array<i32>} : memref<512xi32, #tpu.memory_space<vmem>>, vector<16xi32>,
    %sub3A = arith.constant 1 : i32
    %sub3A_4 = vector.broadcast %sub3A : i32 to vector<16xi32>
    %sub3A_5 = arith.subi %get3A_3, %sub3A_4 : vector<16xi32>
    %get3A_6 = arith.constant 0 : index
    %get3A_7 = tpu.vector_load %arg10[%get3A_6] {strides = array<i32>} : memref<512xi32, #tpu.memory_space<vmem>>, vector<16xi32>,
    %sub3A_8 = arith.constant 1 : i32
    %sub3A_9 = vector.broadcast %sub3A_8 : i32 to vector<16xi32>
    %sub3A_10 = arith.subi %get3A_7, %sub3A_9 : vector<16xi32>
    %swap3A = arith.constant 0 : index
    %swap3A_11 = tpu.vector_load %arg9[%swap3A] {strides = array<i32>} : memref<512xi32, #tpu.memory_space<vmem>>, vector<16xi32>,
    tpu.vector_store %arg9[%swap3A], %sub3A_5 {strides = array<i32>} : memref<512xi32, #tpu.memory_space<vmem>>, vector<16xi32>,
    %swap3A_12 = arith.constant 0 : index
    %swap3A_13 = tpu.vector_load %arg10[%swap3A_12] {strides = array<i32>} : memref<512xi32, #tpu.memory_space<vmem>>, vector<16xi32>,
    tpu.vector_store %arg10[%swap3A_12], %sub3A_10 {strides = array<i32>} : memref<512xi32, #tpu.memory_space<vmem>>, vector<16xi32>,
    %and3A = arith.constant 7 : i32
    %and3A_14 = vector.broadcast %and3A : i32 to vector<16xi32>
    %and3A_15 = arith.andi %sub3A_5, %and3A_14 : vector<16xi32>
    %swap3A_16 = arith.constant 0 : index
    %swap3A_17 = tpu.vector_load %arg11[%swap3A_16] {strides = array<i32>} : memref<512xi32, #tpu.memory_space<vmem>>, vector<16xi32>,
    tpu.vector_store %arg11[%swap3A_16], %and3A_15 {strides = array<i32>} : memref<512xi32, #tpu.memory_space<vmem>>, vector<16xi32>,
    %and3A_18 = arith.constant 7 : i32
    %and3A_19 = vector.broadcast %and3A_18 : i32 to vector<16xi32>
    %and3A_20 = arith.andi %sub3A_10, %and3A_19 : vector<16xi32>
    %swap3A_21 = arith.constant 0 : index
    %swap3A_22 = tpu.vector_load %arg12[%swap3A_21] {strides = array<i32>} : memref<512xi32, #tpu.memory_space<vmem>>, vector<16xi32>,
    tpu.vector_store %arg12[%swap3A_21], %and3A_20 {strides = array<i32>} : memref<512xi32, #tpu.memory_space<vmem>>, vector<16xi32>,
    %get3A_23 = arith.constant 16 : index
    %get3A_24 = tpu.vector_load %arg9[%get3A_23] {strides = array<i32>} : memref<512xi32, #tpu.memory_space<vmem>>, vector<16xi32>,
    %sub3A_25 = arith.constant 1 : i32
    %sub3A_26 = vector.broadcast %sub3A_25 : i32 to vector<16xi32>
    %sub3A_27 = arith.subi %get3A_24, %sub3A_26 : vector<16xi32>
    %get3A_28 = arith.constant 16 : index
    %get3A_29 = tpu.vector_load %arg10[%get3A_28] {strides = array<i32>} : memref<512xi32, #tpu.memory_space<vmem>>, vector<16xi32>,
    %sub3A_30 = arith.constant 1 : i32
    %sub3A_31 = vector.broadcast %sub3A_30 : i32 to vector<16xi32>
    %sub3A_32 = arith.subi %get3A_29, %sub3A_31 : vector<16xi32>
    %swap3A_33 = arith.constant 16 : index
    %swap3A_34 = tpu.vector_load %arg9[%swap3A_33] {strides = array<i32>} : memref<512xi32, #tpu.memory_space<vmem>>, vector<16xi32>,
    tpu.vector_store %arg9[%swap3A_33], %sub3A_27 {strides = array<i32>} : memref<512xi32, #tpu.memory_space<vmem>>, vector<16xi32>,
    %swap3A_35 = arith.constant 16 : index
    %swap3A_36 = tpu.vector_load %arg10[%swap3A_35] {strides = array<i32>} : memref<512xi32, #tpu.memory_space<vmem>>, vector<16xi32>,
    tpu.vector_store %arg10[%swap3A_35], %sub3A_32 {strides = array<i32>} : memref<512xi32, #tpu.memory_space<vmem>>, vector<16xi32>,
    %and3A_37 = arith.constant 7 : i32
    %and3A_38 = vector.broadcast %and3A_37 : i32 to vector<16xi32>
    %and3A_39 = arith.andi %sub3A_27, %and3A_38 : vector<16xi32>
    %swap3A_40 = arith.constant 16 : index
    %swap3A_41 = tpu.vector_load %arg11[%swap3A_40] {strides = array<i32>} : memref<512xi32, #tpu.memory_space<vmem>>, vector<16xi32>,
    tpu.vector_store %arg11[%swap3A_40], %and3A_39 {strides = array<i32>} : memref<512xi32, #tpu.memory_space<vmem>>, vector<16xi32>,
    %and3A_42 = arith.constant 7 : i32
    %and3A_43 = vector.broadcast %and3A_42 : i32 to vector<16xi32>
    %and3A_44 = arith.andi %sub3A_32, %and3A_43 : vector<16xi32>
    %swap3A_45 = arith.constant 16 : index
    %swap3A_46 = tpu.vector_load %arg12[%swap3A_45] {strides = array<i32>} : memref<512xi32, #tpu.memory_space<vmem>>, vector<16xi32>,
    tpu.vector_store %arg12[%swap3A_45], %and3A_44 {strides = array<i32>} : memref<512xi32, #tpu.memory_space<vmem>>, vector<16xi32>,
    %get3A_47 = arith.constant 32 : index
    %get3A_48 = tpu.vector_load %arg9[%get3A_47] {strides = array<i32>} : memref<512xi32, #tpu.memory_space<vmem>>, vector<16xi32>,
    %sub3A_49 = arith.constant 1 : i32
    %sub3A_50 = vector.broadcast %sub3A_49 : i32 to vector<16xi32>
    %sub3A_51 = arith.subi %get3A_48, %sub3A_50 : vector<16xi32>
    %get3A_52 = arith.constant 32 : index
    %get3A_53 = tpu.vector_load %arg10[%get3A_52] {strides = array<i32>} : memref<512xi32, #tpu.memory_space<vmem>>, vector<16xi32>,
    %sub3A_54 = arith.constant 1 : i32
    %sub3A_55 = vector.broadcast %sub3A_54 : i32 to vector<16xi32>
    %sub3A_56 = arith.subi %get3A_53, %sub3A_55 : vector<16xi32>
    %swap3A_57 = arith.constant 32 : index
    %swap3A_58 = tpu.vector_load %arg9[%swap3A_57] {strides = array<i32>} : memref<512xi32, #tpu.memory_space<vmem>>, vector<16xi32>,
    tpu.vector_store %arg9[%swap3A_57], %sub3A_51 {strides = array<i32>} : memref<512xi32, #tpu.memory_space<vmem>>, vector<16xi32>,
    %swap3A_59 = arith.constant 32 : index
    %swap3A_60 = tpu.vector_load %arg10[%swap3A_59] {strides = array<i32>} : memref<512xi32, #tpu.memory_space<vmem>>, vector<16xi32>,
    tpu.vector_store %arg10[%swap3A_59], %sub3A_56 {strides = array<i32>} : memref<512xi32, #tpu.memory_space<vmem>>, vector<16xi32>,
    %and3A_61 = arith.constant 7 : i32
    %and3A_62 = vector.broadcast %and3A_61 : i32 to vector<16xi32>
    %and3A_63 = arith.andi %sub3A_51, %and3A_62 : vector<16xi32>
    %swap3A_64 = arith.constant 32 : index
    %swap3A_65 = tpu.vector_load %arg11[%swap3A_64] {strides = array<i32>} : memref<512xi32, #tpu.memory_space<vmem>>, vector<16xi32>,
    tpu.vector_store %arg11[%swap3A_64], %and3A_63 {strides = array<i32>} : memref<512xi32, #tpu.memory_space<vmem>>, vector<16xi32>,
    %and3A_66 = arith.constant 7 : i32
    %and3A_67 = vector.broadcast %and3A_66 : i32 to vector<16xi32>
    %and3A_68 = arith.andi %sub3A_56, %and3A_67 : vector<16xi32>
    %swap3A_69 = arith.constant 32 : index
    %swap3A_70 = tpu.vector_load %arg12[%swap3A_69] {strides = array<i32>} : memref<512xi32, #tpu.memory_space<vmem>>, vector<16xi32>,
    tpu.vector_store %arg12[%swap3A_69], %and3A_68 {strides = array<i32>} : memref<512xi32, #tpu.memory_space<vmem>>, vector<16xi32>,
    %get3A_71 = arith.constant 48 : index
    %get3A_72 = tpu.vector_load %arg9[%get3A_71] {strides = array<i32>} : memref<512xi32, #tpu.memory_space<vmem>>, vector<16xi32>,
    %sub3A_73 = arith.constant 1 : i32
    %sub3A_74 = vector.broadcast %sub3A_73 : i32 to vector<16xi32>
    %sub3A_75 = arith.subi %get3A_72, %sub3A_74 : vector<16xi32>
    %get3A_76 = arith.constant 48 : index
    %get3A_77 = tpu.vector_load %arg10[%get3A_76] {strides = array<i32>} : memref<512xi32, #tpu.memory_space<vmem>>, vector<16xi32>,
    %sub3A_78 = arith.constant 1 : i32
    %sub3A_79 = vector.broadcast %sub3A_78 : i32 to vector<16xi32>
    %sub3A_80 = arith.subi %get3A_77, %sub3A_79 : vector<16xi32>
    %swap3A_81 = arith.constant 48 : index
    %swap3A_82 = tpu.vector_load %arg9[%swap3A_81] {strides = array<i32>} : memref<512xi32, #tpu.memory_space<vmem>>, vector<16xi32>,
    tpu.vector_store %arg9[%swap3A_81], %sub3A_75 {strides = array<i32>} : memref<512xi32, #tpu.memory_space<vmem>>, vector<16xi32>,
    %swap3A_83 = arith.constant 48 : index
    %swap3A_84 = tpu.vector_load %arg10[%swap3A_83] {strides = array<i32>} : memref<512xi32, #tpu.memory_space<vmem>>, vector<16xi32>,
    tpu.vector_store %arg10[%swap3A_83], %sub3A_80 {strides = array<i32>} : memref<512xi32, #tpu.memory_space<vmem>>, vector<16xi32>,
    %and3A_85 = arith.constant 7 : i32
    %and3A_86 = vector.broadcast %and3A_85 : i32 to vector<16xi32>
    %and3A_87 = arith.andi %sub3A_75, %and3A_86 : vector<16xi32>
    %swap3A_88 = arith.constant 48 : index
    %swap3A_89 = tpu.vector_load %arg11[%swap3A_88] {strides = array<i32>} : memref<512xi32, #tpu.memory_space<vmem>>, vector<16xi32>,
    tpu.vector_store %arg11[%swap3A_88], %and3A_87 {strides = array<i32>} : memref<512xi32, #tpu.memory_space<vmem>>, vector<16xi32>,
    %and3A_90 = arith.constant 7 : i32
    %and3A_91 = vector.broadcast %and3A_90 : i32 to vector<16xi32>
    %and3A_92 = arith.andi %sub3A_80, %and3A_91 : vector<16xi32>
    %swap3A_93 = arith.constant 48 : index
    %swap3A_94 = tpu.vector_load %arg12[%swap3A_93] {strides = array<i32>} : memref<512xi32, #tpu.memory_space<vmem>>, vector<16xi32>,
    tpu.vector_store %arg12[%swap3A_93], %and3A_92 {strides = array<i32>} : memref<512xi32, #tpu.memory_space<vmem>>, vector<16xi32>,
    %get3A_95 = arith.constant 64 : index
    %get3A_96 = tpu.vector_load %arg9[%get3A_95] {strides = array<i32>} : memref<512xi32, #tpu.memory_space<vmem>>, vector<16xi32>,
    %sub3A_97 = arith.constant 1 : i32
    %sub3A_98 = vector.broadcast %sub3A_97 : i32 to vector<16xi32>
    %sub3A_99 = arith.subi %get3A_96, %sub3A_98 : vector<16xi32>
    %get3A_100 = arith.constant 64 : index
    %get3A_101 = tpu.vector_load %arg10[%get3A_100] {strides = array<i32>} : memref<512xi32, #tpu.memory_space<vmem>>, vector<16xi32>,
    %sub3A_102 = arith.constant 1 : i32
    %sub3A_103 = vector.broadcast %sub3A_102 : i32 to vector<16xi32>
    %sub3A_104 = arith.subi %get3A_101, %sub3A_103 : vector<16xi32>
    %swap3A_105 = arith.constant 64 : index
    %swap3A_106 = tpu.vector_load %arg9[%swap3A_105] {strides = array<i32>} : memref<512xi32, #tpu.memory_space<vmem>>, vector<16xi32>,
    tpu.vector_store %arg9[%swap3A_105], %sub3A_99 {strides = array<i32>} : memref<512xi32, #tpu.memory_space<vmem>>, vector<16xi32>,
    %swap3A_107 = arith.constant 64 : index
    %swap3A_108 = tpu.vector_load %arg10[%swap3A_107] {strides = array<i32>} : memref<512xi32, #tpu.memory_space<vmem>>, vector<16xi32>,
    tpu.vector_store %arg10[%swap3A_107], %sub3A_104 {strides = array<i32>} : memref<512xi32, #tpu.memory_space<vmem>>, vector<16xi32>,
    %and3A_109 = arith.constant 7 : i32
    %and3A_110 = vector.broadcast %and3A_109 : i32 to vector<16xi32>
    %and3A_111 = arith.andi %sub3A_99, %and3A_110 : vector<16xi32>
    %swap3A_112 = arith.constant 64 : index
    %swap3A_113 = tpu.vector_load %arg11[%swap3A_112] {strides = array<i32>} : memref<512xi32, #tpu.memory_space<vmem>>, vector<16xi32>,
    tpu.vector_store %arg11[%swap3A_112], %and3A_111 {strides = array<i32>} : memref<512xi32, #tpu.memory_space<vmem>>, vector<16xi32>,
    %and3A_114 = arith.constant 7 : i32
    %and3A_115 = vector.broadcast %and3A_114 : i32 to vector<16xi32>
    %and3A_116 = arith.andi %sub3A_104, %and3A_115 : vector<16xi32>
    %swap3A_117 = arith.constant 64 : index
    %swap3A_118 = tpu.vector_load %arg12[%swap3A_117] {strides = array<i32>} : memref<512xi32, #tpu.memory_space<vmem>>, vector<16xi32>,
    tpu.vector_store %arg12[%swap3A_117], %and3A_116 {strides = array<i32>} : memref<512xi32, #tpu.memory_space<vmem>>, vector<16xi32>,
    %get3A_119 = arith.constant 80 : index
    %get3A_120 = tpu.vector_load %arg9[%get3A_119] {strides = array<i32>} : memref<512xi32, #tpu.memory_space<vmem>>, vector<16xi32>,
    %sub3A_121 = arith.constant 1 : i32
    %sub3A_122 = vector.broadcast %sub3A_121 : i32 to vector<16xi32>
    %sub3A_123 = arith.subi %get3A_120, %sub3A_122 : vector<16xi32>
    %get3A_124 = arith.constant 80 : index
    %get3A_125 = tpu.vector_load %arg10[%get3A_124] {strides = array<i32>} : memref<512xi32, #tpu.memory_space<vmem>>, vector<16xi32>,
    %sub3A_126 = arith.constant 1 : i32
    %sub3A_127 = vector.broadcast %sub3A_126 : i32 to vector<16xi32>
    %sub3A_128 = arith.subi %get3A_125, %sub3A_127 : vector<16xi32>
    %swap3A_129 = arith.constant 80 : index
    %swap3A_130 = tpu.vector_load %arg9[%swap3A_129] {strides = array<i32>} : memref<512xi32, #tpu.memory_space<vmem>>, vector<16xi32>,
    tpu.vector_store %arg9[%swap3A_129], %sub3A_123 {strides = array<i32>} : memref<512xi32, #tpu.memory_space<vmem>>, vector<16xi32>,
    %swap3A_131 = arith.constant 80 : index
    %swap3A_132 = tpu.vector_load %arg10[%swap3A_131] {strides = array<i32>} : memref<512xi32, #tpu.memory_space<vmem>>, vector<16xi32>,
    tpu.vector_store %arg10[%swap3A_131], %sub3A_128 {strides = array<i32>} : memref<512xi32, #tpu.memory_space<vmem>>, vector<16xi32>,
    %and3A_133 = arith.constant 7 : i32
    %and3A_134 = vector.broadcast %and3A_133 : i32 to vector<16xi32>
    %and3A_135 = arith.andi %sub3A_123, %and3A_134 : vector<16xi32>
    %swap3A_136 = arith.constant 80 : index
    %swap3A_137 = tpu.vector_load %arg11[%swap3A_136] {strides = array<i32>} : memref<512xi32, #tpu.memory_space<vmem>>, vector<16xi32>,
    tpu.vector_store %arg11[%swap3A_136], %and3A_135 {strides = array<i32>} : memref<512xi32, #tpu.memory_space<vmem>>, vector<16xi32>,
    %and3A_138 = arith.constant 7 : i32
    %and3A_139 = vector.broadcast %and3A_138 : i32 to vector<16xi32>
    %and3A_140 = arith.andi %sub3A_128, %and3A_139 : vector<16xi32>
    %swap3A_141 = arith.constant 80 : index
    %swap3A_142 = tpu.vector_load %arg12[%swap3A_141] {strides = array<i32>} : memref<512xi32, #tpu.memory_space<vmem>>, vector<16xi32>,
    tpu.vector_store %arg12[%swap3A_141], %and3A_140 {strides = array<i32>} : memref<512xi32, #tpu.memory_space<vmem>>, vector<16xi32>,
    %get3A_143 = arith.constant 96 : index
    %get3A_144 = tpu.vector_load %arg9[%get3A_143] {strides = array<i32>} : memref<512xi32, #tpu.memory_space<vmem>>, vector<16xi32>,
    %sub3A_145 = arith.constant 1 : i32
    %sub3A_146 = vector.broadcast %sub3A_145 : i32 to vector<16xi32>
    %sub3A_147 = arith.subi %get3A_144, %sub3A_146 : vector<16xi32>
    %get3A_148 = arith.constant 96 : index
    %get3A_149 = tpu.vector_load %arg10[%get3A_148] {strides = array<i32>} : memref<512xi32, #tpu.memory_space<vmem>>, vector<16xi32>,
    %sub3A_150 = arith.constant 1 : i32
    %sub3A_151 = vector.broadcast %sub3A_150 : i32 to vector<16xi32>
    %sub3A_152 = arith.subi %get3A_149, %sub3A_151 : vector<16xi32>
    %swap3A_153 = arith.constant 96 : index
    %swap3A_154 = tpu.vector_load %arg9[%swap3A_153] {strides = array<i32>} : memref<512xi32, #tpu.memory_space<vmem>>, vector<16xi32>,
    tpu.vector_store %arg9[%swap3A_153], %sub3A_147 {strides = array<i32>} : memref<512xi32, #tpu.memory_space<vmem>>, vector<16xi32>,
    %swap3A_155 = arith.constant 96 : index
    %swap3A_156 = tpu.vector_load %arg10[%swap3A_155] {strides = array<i32>} : memref<512xi32, #tpu.memory_space<vmem>>, vector<16xi32>,
    tpu.vector_store %arg10[%swap3A_155], %sub3A_152 {strides = array<i32>} : memref<512xi32, #tpu.memory_space<vmem>>, vector<16xi32>,
    %and3A_157 = arith.constant 7 : i32
    %and3A_158 = vector.broadcast %and3A_157 : i32 to vector<16xi32>
    %and3A_159 = arith.andi %sub3A_147, %and3A_158 : vector<16xi32>
    %swap3A_160 = arith.constant 96 : index
    %swap3A_161 = tpu.vector_load %arg11[%swap3A_160] {strides = array<i32>} : memref<512xi32, #tpu.memory_space<vmem>>, vector<16xi32>,
    tpu.vector_store %arg11[%swap3A_160], %and3A_159 {strides = array<i32>} : memref<512xi32, #tpu.memory_space<vmem>>, vector<16xi32>,
    %and3A_162 = arith.constant 7 : i32
    %and3A_163 = vector.broadcast %and3A_162 : i32 to vector<16xi32>
    %and3A_164 = arith.andi %sub3A_152, %and3A_163 : vector<16xi32>
    %swap3A_165 = arith.constant 96 : index
    %swap3A_166 = tpu.vector_load %arg12[%swap3A_165] {strides = array<i32>} : memref<512xi32, #tpu.memory_space<vmem>>, vector<16xi32>,
    tpu.vector_store %arg12[%swap3A_165], %and3A_164 {strides = array<i32>} : memref<512xi32, #tpu.memory_space<vmem>>, vector<16xi32>,
    %get3A_167 = arith.constant 112 : index
    %get3A_168 = tpu.vector_load %arg9[%get3A_167] {strides = array<i32>} : memref<512xi32, #tpu.memory_space<vmem>>, vector<16xi32>,
    %sub3A_169 = arith.constant 1 : i32
    %sub3A_170 = vector.broadcast %sub3A_169 : i32 to vector<16xi32>
    %sub3A_171 = arith.subi %get3A_168, %sub3A_170 : vector<16xi32>
    %get3A_172 = arith.constant 112 : index
    %get3A_173 = tpu.vector_load %arg10[%get3A_172] {strides = array<i32>} : memref<512xi32, #tpu.memory_space<vmem>>, vector<16xi32>,
    %sub3A_174 = arith.constant 1 : i32
    %sub3A_175 = vector.broadcast %sub3A_174 : i32 to vector<16xi32>
    %sub3A_176 = arith.subi %get3A_173, %sub3A_175 : vector<16xi32>
    %swap3A_177 = arith.constant 112 : index
    %swap3A_178 = tpu.vector_load %arg9[%swap3A_177] {strides = array<i32>} : memref<512xi32, #tpu.memory_space<vmem>>, vector<16xi32>,
    tpu.vector_store %arg9[%swap3A_177], %sub3A_171 {strides = array<i32>} : memref<512xi32, #tpu.memory_space<vmem>>, vector<16xi32>,
    %swap3A_179 = arith.constant 112 : index
    %swap3A_180 = tpu.vector_load %arg10[%swap3A_179] {strides = array<i32>} : memref<512xi32, #tpu.memory_space<vmem>>, vector<16xi32>,
    tpu.vector_store %arg10[%swap3A_179], %sub3A_176 {strides = array<i32>} : memref<512xi32, #tpu.memory_space<vmem>>, vector<16xi32>,
    %and3A_181 = arith.constant 7 : i32
    %and3A_182 = vector.broadcast %and3A_181 : i32 to vector<16xi32>
    %and3A_183 = arith.andi %sub3A_171, %and3A_182 : vector<16xi32>
    %swap3A_184 = arith.constant 112 : index
    %swap3A_185 = tpu.vector_load %arg11[%swap3A_184] {strides = array<i32>} : memref<512xi32, #tpu.memory_space<vmem>>, vector<16xi32>,
    tpu.vector_store %arg11[%swap3A_184], %and3A_183 {strides = array<i32>} : memref<512xi32, #tpu.memory_space<vmem>>, vector<16xi32>,
    %and3A_186 = arith.constant 7 : i32
    %and3A_187 = vector.broadcast %and3A_186 : i32 to vector<16xi32>
    %and3A_188 = arith.andi %sub3A_176, %and3A_187 : vector<16xi32>
    %swap3A_189 = arith.constant 112 : index
    %swap3A_190 = tpu.vector_load %arg12[%swap3A_189] {strides = array<i32>} : memref<512xi32, #tpu.memory_space<vmem>>, vector<16xi32>,
    tpu.vector_store %arg12[%swap3A_189], %and3A_188 {strides = array<i32>} : memref<512xi32, #tpu.memory_space<vmem>>, vector<16xi32>,
    %get3A_191 = arith.constant 128 : index
    %get3A_192 = tpu.vector_load %arg9[%get3A_191] {strides = array<i32>} : memref<512xi32, #tpu.memory_space<vmem>>, vector<16xi32>,
    %sub3A_193 = arith.constant 1 : i32
    %sub3A_194 = vector.broadcast %sub3A_193 : i32 to vector<16xi32>
    %sub3A_195 = arith.subi %get3A_192, %sub3A_194 : vector<16xi32>
    %get3A_196 = arith.constant 128 : index
    %get3A_197 = tpu.vector_load %arg10[%get3A_196] {strides = array<i32>} : memref<512xi32, #tpu.memory_space<vmem>>, vector<16xi32>,
    %sub3A_198 = arith.constant 1 : i32
    %sub3A_199 = vector.broadcast %sub3A_198 : i32 to vector<16xi32>
    %sub3A_200 = arith.subi %get3A_197, %sub3A_199 : vector<16xi32>
    %swap3A_201 = arith.constant 128 : index
    %swap3A_202 = tpu.vector_load %arg9[%swap3A_201] {strides = array<i32>} : memref<512xi32, #tpu.memory_space<vmem>>, vector<16xi32>,
    tpu.vector_store %arg9[%swap3A_201], %sub3A_195 {strides = array<i32>} : memref<512xi32, #tpu.memory_space<vmem>>, vector<16xi32>,
    %swap3A_203 = arith.constant 128 : index
    %swap3A_204 = tpu.vector_load %arg10[%swap3A_203] {strides = array<i32>} : memref<512xi32, #tpu.memory_space<vmem>>, vector<16xi32>,
    tpu.vector_store %arg10[%swap3A_203], %sub3A_200 {strides = array<i32>} : memref<512xi32, #tpu.memory_space<vmem>>, vector<16xi32>,
    %and3A_205 = arith.constant 7 : i32
    %and3A_206 = vector.broadcast %and3A_205 : i32 to vector<16xi32>
    %and3A_207 = arith.andi %sub3A_195, %and3A_206 : vector<16xi32>
    %swap3A_208 = arith.constant 128 : index
    %swap3A_209 = tpu.vector_load %arg11[%swap3A_208] {strides = array<i32>} : memref<512xi32, #tpu.memory_space<vmem>>, vector<16xi32>,
    tpu.vector_store %arg11[%swap3A_208], %and3A_207 {strides = array<i32>} : memref<512xi32, #tpu.memory_space<vmem>>, vector<16xi32>,
    %and3A_210 = arith.constant 7 : i32
    %and3A_211 = vector.broadcast %and3A_210 : i32 to vector<16xi32>
    %and3A_212 = arith.andi %sub3A_200, %and3A_211 : vector<16xi32>
    %swap3A_213 = arith.constant 128 : index
    %swap3A_214 = tpu.vector_load %arg12[%swap3A_213] {strides = array<i32>} : memref<512xi32, #tpu.memory_space<vmem>>, vector<16xi32>,
    tpu.vector_store %arg12[%swap3A_213], %and3A_212 {strides = array<i32>} : memref<512xi32, #tpu.memory_space<vmem>>, vector<16xi32>,
    %get3A_215 = arith.constant 144 : index
    %get3A_216 = tpu.vector_load %arg9[%get3A_215] {strides = array<i32>} : memref<512xi32, #tpu.memory_space<vmem>>, vector<16xi32>,
    %sub3A_217 = arith.constant 1 : i32
    %sub3A_218 = vector.broadcast %sub3A_217 : i32 to vector<16xi32>
    %sub3A_219 = arith.subi %get3A_216, %sub3A_218 : vector<16xi32>
    %get3A_220 = arith.constant 144 : index
    %get3A_221 = tpu.vector_load %arg10[%get3A_220] {strides = array<i32>} : memref<512xi32, #tpu.memory_space<vmem>>, vector<16xi32>,
    %sub3A_222 = arith.constant 1 : i32
    %sub3A_223 = vector.broadcast %sub3A_222 : i32 to vector<16xi32>
    %sub3A_224 = arith.subi %get3A_221, %sub3A_223 : vector<16xi32>
    %swap3A_225 = arith.constant 144 : index
    %swap3A_226 = tpu.vector_load %arg9[%swap3A_225] {strides = array<i32>} : memref<512xi32, #tpu.memory_space<vmem>>, vector<16xi32>,
    tpu.vector_store %arg9[%swap3A_225], %sub3A_219 {strides = array<i32>} : memref<512xi32, #tpu.memory_space<vmem>>, vector<16xi32>,
    %swap3A_227 = arith.constant 144 : index
    %swap3A_228 = tpu.vector_load %arg10[%swap3A_227] {strides = array<i32>} : memref<512xi32, #tpu.memory_space<vmem>>, vector<16xi32>,
    tpu.vector_store %arg10[%swap3A_227], %sub3A_224 {strides = array<i32>} : memref<512xi32, #tpu.memory_space<vmem>>, vector<16xi32>,
    %and3A_229 = arith.constant 7 : i32
    %and3A_230 = vector.broadcast %and3A_229 : i32 to vector<16xi32>
    %and3A_231 = arith.andi %sub3A_219, %and3A_230 : vector<16xi32>
    %swap3A_232 = arith.constant 144 : index
    %swap3A_233 = tpu.vector_load %arg11[%swap3A_232] {strides = array<i32>} : memref<512xi32, #tpu.memory_space<vmem>>, vector<16xi32>,
    tpu.vector_store %arg11[%swap3A_232], %and3A_231 {strides = array<i32>} : memref<512xi32, #tpu.memory_space<vmem>>, vector<16xi32>,
    %and3A_234 = arith.constant 7 : i32
    %and3A_235 = vector.broadcast %and3A_234 : i32 to vector<16xi32>
    %and3A_236 = arith.andi %sub3A_224, %and3A_235 : vector<16xi32>
    %swap3A_237 = arith.constant 144 : index
    %swap3A_238 = tpu.vector_load %arg12[%swap3A_237] {strides = array<i32>} : memref<512xi32, #tpu.memory_space<vmem>>, vector<16xi32>,
    tpu.vector_store %arg12[%swap3A_237], %and3A_236 {strides = array<i32>} : memref<512xi32, #tpu.memory_space<vmem>>, vector<16xi32>,
    %get3A_239 = arith.constant 160 : index
    %get3A_240 = tpu.vector_load %arg9[%get3A_239] {strides = array<i32>} : memref<512xi32, #tpu.memory_space<vmem>>, vector<16xi32>,
    %sub3A_241 = arith.constant 1 : i32
    %sub3A_242 = vector.broadcast %sub3A_241 : i32 to vector<16xi32>
    %sub3A_243 = arith.subi %get3A_240, %sub3A_242 : vector<16xi32>
    %get3A_244 = arith.constant 160 : index
    %get3A_245 = tpu.vector_load %arg10[%get3A_244] {strides = array<i32>} : memref<512xi32, #tpu.memory_space<vmem>>, vector<16xi32>,
    %sub3A_246 = arith.constant 1 : i32
    %sub3A_247 = vector.broadcast %sub3A_246 : i32 to vector<16xi32>
    %sub3A_248 = arith.subi %get3A_245, %sub3A_247 : vector<16xi32>
    %swap3A_249 = arith.constant 160 : index
    %swap3A_250 = tpu.vector_load %arg9[%swap3A_249] {strides = array<i32>} : memref<512xi32, #tpu.memory_space<vmem>>, vector<16xi32>,
    tpu.vector_store %arg9[%swap3A_249], %sub3A_243 {strides = array<i32>} : memref<512xi32, #tpu.memory_space<vmem>>, vector<16xi32>,
    %swap3A_251 = arith.constant 160 : index
    %swap3A_252 = tpu.vector_load %arg10[%swap3A_251] {strides = array<i32>} : memref<512xi32, #tpu.memory_space<vmem>>, vector<16xi32>,
    tpu.vector_store %arg10[%swap3A_251], %sub3A_248 {strides = array<i32>} : memref<512xi32, #tpu.memory_space<vmem>>, vector<16xi32>,
    %and3A_253 = arith.constant 7 : i32
    %and3A_254 = vector.broadcast %and3A_253 : i32 to vector<16xi32>
    %and3A_255 = arith.andi %sub3A_243, %and3A_254 : vector<16xi32>
    %swap3A_256 = arith.constant 160 : index
    %swap3A_257 = tpu.vector_load %arg11[%swap3A_256] {strides = array<i32>} : memref<512xi32, #tpu.memory_space<vmem>>, vector<16xi32>,
    tpu.vector_store %arg11[%swap3A_256], %and3A_255 {strides = array<i32>} : memref<512xi32, #tpu.memory_space<vmem>>, vector<16xi32>,
    %and3A_258 = arith.constant 7 : i32
    %and3A_259 = vector.broadcast %and3A_258 : i32 to vector<16xi32>
    %and3A_260 = arith.andi %sub3A_248, %and3A_259 : vector<16xi32>
    %swap3A_261 = arith.constant 160 : index
    %swap3A_262 = tpu.vector_load %arg12[%swap3A_261] {strides = array<i32>} : memref<512xi32, #tpu.memory_space<vmem>>, vector<16xi32>,
    tpu.vector_store %arg12[%swap3A_261], %and3A_260 {strides = array<i32>} : memref<512xi32, #tpu.memory_space<vmem>>, vector<16xi32>,
    %get3A_263 = arith.constant 176 : index
    %get3A_264 = tpu.vector_load %arg9[%get3A_263] {strides = array<i32>} : memref<512xi32, #tpu.memory_space<vmem>>, vector<16xi32>,
    %sub3A_265 = arith.constant 1 : i32
    %sub3A_266 = vector.broadcast %sub3A_265 : i32 to vector<16xi32>
    %sub3A_267 = arith.subi %get3A_264, %sub3A_266 : vector<16xi32>
    %get3A_268 = arith.constant 176 : index
    %get3A_269 = tpu.vector_load %arg10[%get3A_268] {strides = array<i32>} : memref<512xi32, #tpu.memory_space<vmem>>, vector<16xi32>,
    %sub3A_270 = arith.constant 1 : i32
    %sub3A_271 = vector.broadcast %sub3A_270 : i32 to vector<16xi32>
    %sub3A_272 = arith.subi %get3A_269, %sub3A_271 : vector<16xi32>
    %swap3A_273 = arith.constant 176 : index
    %swap3A_274 = tpu.vector_load %arg9[%swap3A_273] {strides = array<i32>} : memref<512xi32, #tpu.memory_space<vmem>>, vector<16xi32>,
    tpu.vector_store %arg9[%swap3A_273], %sub3A_267 {strides = array<i32>} : memref<512xi32, #tpu.memory_space<vmem>>, vector<16xi32>,
    %swap3A_275 = arith.constant 176 : index
    %swap3A_276 = tpu.vector_load %arg10[%swap3A_275] {strides = array<i32>} : memref<512xi32, #tpu.memory_space<vmem>>, vector<16xi32>,
    tpu.vector_store %arg10[%swap3A_275], %sub3A_272 {strides = array<i32>} : memref<512xi32, #tpu.memory_space<vmem>>, vector<16xi32>,
    %and3A_277 = arith.constant 7 : i32
    %and3A_278 = vector.broadcast %and3A_277 : i32 to vector<16xi32>
    %and3A_279 = arith.andi %sub3A_267, %and3A_278 : vector<16xi32>
    %swap3A_280 = arith.constant 176 : index
    %swap3A_281 = tpu.vector_load %arg11[%swap3A_280] {strides = array<i32>} : memref<512xi32, #tpu.memory_space<vmem>>, vector<16xi32>,
    tpu.vector_store %arg11[%swap3A_280], %and3A_279 {strides = array<i32>} : memref<512xi32, #tpu.memory_space<vmem>>, vector<16xi32>,
    %and3A_282 = arith.constant 7 : i32
    %and3A_283 = vector.broadcast %and3A_282 : i32 to vector<16xi32>
    %and3A_284 = arith.andi %sub3A_272, %and3A_283 : vector<16xi32>
    %swap3A_285 = arith.constant 176 : index
    %swap3A_286 = tpu.vector_load %arg12[%swap3A_285] {strides = array<i32>} : memref<512xi32, #tpu.memory_space<vmem>>, vector<16xi32>,
    tpu.vector_store %arg12[%swap3A_285], %and3A_284 {strides = array<i32>} : memref<512xi32, #tpu.memory_space<vmem>>, vector<16xi32>,
    %get3A_287 = arith.constant 192 : index
    %get3A_288 = tpu.vector_load %arg9[%get3A_287] {strides = array<i32>} : memref<512xi32, #tpu.memory_space<vmem>>, vector<16xi32>,
    %sub3A_289 = arith.constant 1 : i32
    %sub3A_290 = vector.broadcast %sub3A_289 : i32 to vector<16xi32>
    %sub3A_291 = arith.subi %get3A_288, %sub3A_290 : vector<16xi32>
    %get3A_292 = arith.constant 192 : index
    %get3A_293 = tpu.vector_load %arg10[%get3A_292] {strides = array<i32>} : memref<512xi32, #tpu.memory_space<vmem>>, vector<16xi32>,
    %sub3A_294 = arith.constant 1 : i32
    %sub3A_295 = vector.broadcast %sub3A_294 : i32 to vector<16xi32>
    %sub3A_296 = arith.subi %get3A_293, %sub3A_295 : vector<16xi32>
    %swap3A_297 = arith.constant 192 : index
    %swap3A_298 = tpu.vector_load %arg9[%swap3A_297] {strides = array<i32>} : memref<512xi32, #tpu.memory_space<vmem>>, vector<16xi32>,
    tpu.vector_store %arg9[%swap3A_297], %sub3A_291 {strides = array<i32>} : memref<512xi32, #tpu.memory_space<vmem>>, vector<16xi32>,
    %swap3A_299 = arith.constant 192 : index
    %swap3A_300 = tpu.vector_load %arg10[%swap3A_299] {strides = array<i32>} : memref<512xi32, #tpu.memory_space<vmem>>, vector<16xi32>,
    tpu.vector_store %arg10[%swap3A_299], %sub3A_296 {strides = array<i32>} : memref<512xi32, #tpu.memory_space<vmem>>, vector<16xi32>,
    %and3A_301 = arith.constant 7 : i32
    %and3A_302 = vector.broadcast %and3A_301 : i32 to vector<16xi32>
    %and3A_303 = arith.andi %sub3A_291, %and3A_302 : vector<16xi32>
    %swap3A_304 = arith.constant 192 : index
    %swap3A_305 = tpu.vector_load %arg11[%swap3A_304] {strides = array<i32>} : memref<512xi32, #tpu.memory_space<vmem>>, vector<16xi32>,
    tpu.vector_store %arg11[%swap3A_304], %and3A_303 {strides = array<i32>} : memref<512xi32, #tpu.memory_space<vmem>>, vector<16xi32>,
    %and3A_306 = arith.constant 7 : i32
    %and3A_307 = vector.broadcast %and3A_306 : i32 to vector<16xi32>
    %and3A_308 = arith.andi %sub3A_296, %and3A_307 : vector<16xi32>
    %swap3A_309 = arith.constant 192 : index
    %swap3A_310 = tpu.vector_load %arg12[%swap3A_309] {strides = array<i32>} : memref<512xi32, #tpu.memory_space<vmem>>, vector<16xi32>,
    tpu.vector_store %arg12[%swap3A_309], %and3A_308 {strides = array<i32>} : memref<512xi32, #tpu.memory_space<vmem>>, vector<16xi32>,
    %get3A_311 = arith.constant 208 : index
    %get3A_312 = tpu.vector_load %arg9[%get3A_311] {strides = array<i32>} : memref<512xi32, #tpu.memory_space<vmem>>, vector<16xi32>,
    %sub3A_313 = arith.constant 1 : i32
    %sub3A_314 = vector.broadcast %sub3A_313 : i32 to vector<16xi32>
    %sub3A_315 = arith.subi %get3A_312, %sub3A_314 : vector<16xi32>
    %get3A_316 = arith.constant 208 : index
    %get3A_317 = tpu.vector_load %arg10[%get3A_316] {strides = array<i32>} : memref<512xi32, #tpu.memory_space<vmem>>, vector<16xi32>,
    %sub3A_318 = arith.constant 1 : i32
    %sub3A_319 = vector.broadcast %sub3A_318 : i32 to vector<16xi32>
    %sub3A_320 = arith.subi %get3A_317, %sub3A_319 : vector<16xi32>
    %swap3A_321 = arith.constant 208 : index
    %swap3A_322 = tpu.vector_load %arg9[%swap3A_321] {strides = array<i32>} : memref<512xi32, #tpu.memory_space<vmem>>, vector<16xi32>,
    tpu.vector_store %arg9[%swap3A_321], %sub3A_315 {strides = array<i32>} : memref<512xi32, #tpu.memory_space<vmem>>, vector<16xi32>,
    %swap3A_323 = arith.constant 208 : index
    %swap3A_324 = tpu.vector_load %arg10[%swap3A_323] {strides = array<i32>} : memref<512xi32, #tpu.memory_space<vmem>>, vector<16xi32>,
    tpu.vector_store %arg10[%swap3A_323], %sub3A_320 {strides = array<i32>} : memref<512xi32, #tpu.memory_space<vmem>>, vector<16xi32>,
    %and3A_325 = arith.constant 7 : i32
    %and3A_326 = vector.broadcast %and3A_325 : i32 to vector<16xi32>
    %and3A_327 = arith.andi %sub3A_315, %and3A_326 : vector<16xi32>
    %swap3A_328 = arith.constant 208 : index
    %swap3A_329 = tpu.vector_load %arg11[%swap3A_328] {strides = array<i32>} : memref<512xi32, #tpu.memory_space<vmem>>, vector<16xi32>,
    tpu.vector_store %arg11[%swap3A_328], %and3A_327 {strides = array<i32>} : memref<512xi32, #tpu.memory_space<vmem>>, vector<16xi32>,
    %and3A_330 = arith.constant 7 : i32
    %and3A_331 = vector.broadcast %and3A_330 : i32 to vector<16xi32>
    %and3A_332 = arith.andi %sub3A_320, %and3A_331 : vector<16xi32>
    %swap3A_333 = arith.constant 208 : index
    %swap3A_334 = tpu.vector_load %arg12[%swap3A_333] {strides = array<i32>} : memref<512xi32, #tpu.memory_space<vmem>>, vector<16xi32>,
    tpu.vector_store %arg12[%swap3A_333], %and3A_332 {strides = array<i32>} : memref<512xi32, #tpu.memory_space<vmem>>, vector<16xi32>,
    %get3A_335 = arith.constant 224 : index
    %get3A_336 = tpu.vector_load %arg9[%get3A_335] {strides = array<i32>} : memref<512xi32, #tpu.memory_space<vmem>>, vector<16xi32>,
    %sub3A_337 = arith.constant 1 : i32
    %sub3A_338 = vector.broadcast %sub3A_337 : i32 to vector<16xi32>
    %sub3A_339 = arith.subi %get3A_336, %sub3A_338 : vector<16xi32>
    %get3A_340 = arith.constant 224 : index
    %get3A_341 = tpu.vector_load %arg10[%get3A_340] {strides = array<i32>} : memref<512xi32, #tpu.memory_space<vmem>>, vector<16xi32>,
    %sub3A_342 = arith.constant 1 : i32
    %sub3A_343 = vector.broadcast %sub3A_342 : i32 to vector<16xi32>
    %sub3A_344 = arith.subi %get3A_341, %sub3A_343 : vector<16xi32>
    %swap3A_345 = arith.constant 224 : index
    %swap3A_346 = tpu.vector_load %arg9[%swap3A_345] {strides = array<i32>} : memref<512xi32, #tpu.memory_space<vmem>>, vector<16xi32>,
    tpu.vector_store %arg9[%swap3A_345], %sub3A_339 {strides = array<i32>} : memref<512xi32, #tpu.memory_space<vmem>>, vector<16xi32>,
    %swap3A_347 = arith.constant 224 : index
    %swap3A_348 = tpu.vector_load %arg10[%swap3A_347] {strides = array<i32>} : memref<512xi32, #tpu.memory_space<vmem>>, vector<16xi32>,
    tpu.vector_store %arg10[%swap3A_347], %sub3A_344 {strides = array<i32>} : memref<512xi32, #tpu.memory_space<vmem>>, vector<16xi32>,
    %and3A_349 = arith.constant 7 : i32
    %and3A_350 = vector.broadcast %and3A_349 : i32 to vector<16xi32>
    %and3A_351 = arith.andi %sub3A_339, %and3A_350 : vector<16xi32>
    %swap3A_352 = arith.constant 224 : index
    %swap3A_353 = tpu.vector_load %arg11[%swap3A_352] {strides = array<i32>} : memref<512xi32, #tpu.memory_space<vmem>>, vector<16xi32>,
    tpu.vector_store %arg11[%swap3A_352], %and3A_351 {strides = array<i32>} : memref<512xi32, #tpu.memory_space<vmem>>, vector<16xi32>,
    %and3A_354 = arith.constant 7 : i32
    %and3A_355 = vector.broadcast %and3A_354 : i32 to vector<16xi32>
    %and3A_356 = arith.andi %sub3A_344, %and3A_355 : vector<16xi32>
    %swap3A_357 = arith.constant 224 : index
    %swap3A_358 = tpu.vector_load %arg12[%swap3A_357] {strides = array<i32>} : memref<512xi32, #tpu.memory_space<vmem>>, vector<16xi32>,
    tpu.vector_store %arg12[%swap3A_357], %and3A_356 {strides = array<i32>} : memref<512xi32, #tpu.memory_space<vmem>>, vector<16xi32>,
    %get3A_359 = arith.constant 240 : index
    %get3A_360 = tpu.vector_load %arg9[%get3A_359] {strides = array<i32>} : memref<512xi32, #tpu.memory_space<vmem>>, vector<16xi32>,
    %sub3A_361 = arith.constant 1 : i32
    %sub3A_362 = vector.broadcast %sub3A_361 : i32 to vector<16xi32>
    %sub3A_363 = arith.subi %get3A_360, %sub3A_362 : vector<16xi32>
    %get3A_364 = arith.constant 240 : index
    %get3A_365 = tpu.vector_load %arg10[%get3A_364] {strides = array<i32>} : memref<512xi32, #tpu.memory_space<vmem>>, vector<16xi32>,
    %sub3A_366 = arith.constant 1 : i32
    %sub3A_367 = vector.broadcast %sub3A_366 : i32 to vector<16xi32>
    %sub3A_368 = arith.subi %get3A_365, %sub3A_367 : vector<16xi32>
    %swap3A_369 = arith.constant 240 : index
    %swap3A_370 = tpu.vector_load %arg9[%swap3A_369] {strides = array<i32>} : memref<512xi32, #tpu.memory_space<vmem>>, vector<16xi32>,
    tpu.vector_store %arg9[%swap3A_369], %sub3A_363 {strides = array<i32>} : memref<512xi32, #tpu.memory_space<vmem>>, vector<16xi32>,
    %swap3A_371 = arith.constant 240 : index
    %swap3A_372 = tpu.vector_load %arg10[%swap3A_371] {strides = array<i32>} : memref<512xi32, #tpu.memory_space<vmem>>, vector<16xi32>,
    tpu.vector_store %arg10[%swap3A_371], %sub3A_368 {strides = array<i32>} : memref<512xi32, #tpu.memory_space<vmem>>, vector<16xi32>,
    %and3A_373 = arith.constant 7 : i32
    %and3A_374 = vector.broadcast %and3A_373 : i32 to vector<16xi32>
    %and3A_375 = arith.andi %sub3A_363, %and3A_374 : vector<16xi32>
    %swap3A_376 = arith.constant 240 : index
    %swap3A_377 = tpu.vector_load %arg11[%swap3A_376] {strides = array<i32>} : memref<512xi32, #tpu.memory_space<vmem>>, vector<16xi32>,
    tpu.vector_store %arg11[%swap3A_376], %and3A_375 {strides = array<i32>} : memref<512xi32, #tpu.memory_space<vmem>>, vector<16xi32>,
    %and3A_378 = arith.constant 7 : i32
    %and3A_379 = vector.broadcast %and3A_378 : i32 to vector<16xi32>
    %and3A_380 = arith.andi %sub3A_368, %and3A_379 : vector<16xi32>
    %swap3A_381 = arith.constant 240 : index
    %swap3A_382 = tpu.vector_load %arg12[%swap3A_381] {strides = array<i32>} : memref<512xi32, #tpu.memory_space<vmem>>, vector<16xi32>,
    tpu.vector_store %arg12[%swap3A_381], %and3A_380 {strides = array<i32>} : memref<512xi32, #tpu.memory_space<vmem>>, vector<16xi32>,
    %get3A_383 = arith.constant 256 : index
    %get3A_384 = tpu.vector_load %arg9[%get3A_383] {strides = array<i32>} : memref<512xi32, #tpu.memory_space<vmem>>, vector<16xi32>,
    %sub3A_385 = arith.constant 1 : i32
    %sub3A_386 = vector.broadcast %sub3A_385 : i32 to vector<16xi32>
    %sub3A_387 = arith.subi %get3A_384, %sub3A_386 : vector<16xi32>
    %get3A_388 = arith.constant 256 : index
    %get3A_389 = tpu.vector_load %arg10[%get3A_388] {strides = array<i32>} : memref<512xi32, #tpu.memory_space<vmem>>, vector<16xi32>,
    %sub3A_390 = arith.constant 1 : i32
    %sub3A_391 = vector.broadcast %sub3A_390 : i32 to vector<16xi32>
    %sub3A_392 = arith.subi %get3A_389, %sub3A_391 : vector<16xi32>
    %swap3A_393 = arith.constant 256 : index
    %swap3A_394 = tpu.vector_load %arg9[%swap3A_393] {strides = array<i32>} : memref<512xi32, #tpu.memory_space<vmem>>, vector<16xi32>,
    tpu.vector_store %arg9[%swap3A_393], %sub3A_387 {strides = array<i32>} : memref<512xi32, #tpu.memory_space<vmem>>, vector<16xi32>,
    %swap3A_395 = arith.constant 256 : index
    %swap3A_396 = tpu.vector_load %arg10[%swap3A_395] {strides = array<i32>} : memref<512xi32, #tpu.memory_space<vmem>>, vector<16xi32>,
    tpu.vector_store %arg10[%swap3A_395], %sub3A_392 {strides = array<i32>} : memref<512xi32, #tpu.memory_space<vmem>>, vector<16xi32>,
    %and3A_397 = arith.constant 7 : i32
    %and3A_398 = vector.broadcast %and3A_397 : i32 to vector<16xi32>
    %and3A_399 = arith.andi %sub3A_387, %and3A_398 : vector<16xi32>
    %swap3A_400 = arith.constant 256 : index
    %swap3A_401 = tpu.vector_load %arg11[%swap3A_400] {strides = array<i32>} : memref<512xi32, #tpu.memory_space<vmem>>, vector<16xi32>,
    tpu.vector_store %arg11[%swap3A_400], %and3A_399 {strides = array<i32>} : memref<512xi32, #tpu.memory_space<vmem>>, vector<16xi32>,
    %and3A_402 = arith.constant 7 : i32
    %and3A_403 = vector.broadcast %and3A_402 : i32 to vector<16xi32>
    %and3A_404 = arith.andi %sub3A_392, %and3A_403 : vector<16xi32>
    %swap3A_405 = arith.constant 256 : index
    %swap3A_406 = tpu.vector_load %arg12[%swap3A_405] {strides = array<i32>} : memref<512xi32, #tpu.memory_space<vmem>>, vector<16xi32>,
    tpu.vector_store %arg12[%swap3A_405], %and3A_404 {strides = array<i32>} : memref<512xi32, #tpu.memory_space<vmem>>, vector<16xi32>,
    %get3A_407 = arith.constant 272 : index
    %get3A_408 = tpu.vector_load %arg9[%get3A_407] {strides = array<i32>} : memref<512xi32, #tpu.memory_space<vmem>>, vector<16xi32>,
    %sub3A_409 = arith.constant 1 : i32
    %sub3A_410 = vector.broadcast %sub3A_409 : i32 to vector<16xi32>
    %sub3A_411 = arith.subi %get3A_408, %sub3A_410 : vector<16xi32>
    %get3A_412 = arith.constant 272 : index
    %get3A_413 = tpu.vector_load %arg10[%get3A_412] {strides = array<i32>} : memref<512xi32, #tpu.memory_space<vmem>>, vector<16xi32>,
    %sub3A_414 = arith.constant 1 : i32
    %sub3A_415 = vector.broadcast %sub3A_414 : i32 to vector<16xi32>
    %sub3A_416 = arith.subi %get3A_413, %sub3A_415 : vector<16xi32>
    %swap3A_417 = arith.constant 272 : index
    %swap3A_418 = tpu.vector_load %arg9[%swap3A_417] {strides = array<i32>} : memref<512xi32, #tpu.memory_space<vmem>>, vector<16xi32>,
    tpu.vector_store %arg9[%swap3A_417], %sub3A_411 {strides = array<i32>} : memref<512xi32, #tpu.memory_space<vmem>>, vector<16xi32>,
    %swap3A_419 = arith.constant 272 : index
    %swap3A_420 = tpu.vector_load %arg10[%swap3A_419] {strides = array<i32>} : memref<512xi32, #tpu.memory_space<vmem>>, vector<16xi32>,
    tpu.vector_store %arg10[%swap3A_419], %sub3A_416 {strides = array<i32>} : memref<512xi32, #tpu.memory_space<vmem>>, vector<16xi32>,
    %and3A_421 = arith.constant 7 : i32
    %and3A_422 = vector.broadcast %and3A_421 : i32 to vector<16xi32>
    %and3A_423 = arith.andi %sub3A_411, %and3A_422 : vector<16xi32>
    %swap3A_424 = arith.constant 272 : index
    %swap3A_425 = tpu.vector_load %arg11[%swap3A_424] {strides = array<i32>} : memref<512xi32, #tpu.memory_space<vmem>>, vector<16xi32>,
    tpu.vector_store %arg11[%swap3A_424], %and3A_423 {strides = array<i32>} : memref<512xi32, #tpu.memory_space<vmem>>, vector<16xi32>,
    %and3A_426 = arith.constant 7 : i32
    %and3A_427 = vector.broadcast %and3A_426 : i32 to vector<16xi32>
    %and3A_428 = arith.andi %sub3A_416, %and3A_427 : vector<16xi32>
    %swap3A_429 = arith.constant 272 : index
    %swap3A_430 = tpu.vector_load %arg12[%swap3A_429] {strides = array<i32>} : memref<512xi32, #tpu.memory_space<vmem>>, vector<16xi32>,
    tpu.vector_store %arg12[%swap3A_429], %and3A_428 {strides = array<i32>} : memref<512xi32, #tpu.memory_space<vmem>>, vector<16xi32>,
    %get3A_431 = arith.constant 288 : index
    %get3A_432 = tpu.vector_load %arg9[%get3A_431] {strides = array<i32>} : memref<512xi32, #tpu.memory_space<vmem>>, vector<16xi32>,
    %sub3A_433 = arith.constant 1 : i32
    %sub3A_434 = vector.broadcast %sub3A_433 : i32 to vector<16xi32>
    %sub3A_435 = arith.subi %get3A_432, %sub3A_434 : vector<16xi32>
    %get3A_436 = arith.constant 288 : index
    %get3A_437 = tpu.vector_load %arg10[%get3A_436] {strides = array<i32>} : memref<512xi32, #tpu.memory_space<vmem>>, vector<16xi32>,
    %sub3A_438 = arith.constant 1 : i32
    %sub3A_439 = vector.broadcast %sub3A_438 : i32 to vector<16xi32>
    %sub3A_440 = arith.subi %get3A_437, %sub3A_439 : vector<16xi32>
    %swap3A_441 = arith.constant 288 : index
    %swap3A_442 = tpu.vector_load %arg9[%swap3A_441] {strides = array<i32>} : memref<512xi32, #tpu.memory_space<vmem>>, vector<16xi32>,
    tpu.vector_store %arg9[%swap3A_441], %sub3A_435 {strides = array<i32>} : memref<512xi32, #tpu.memory_space<vmem>>, vector<16xi32>,
    %swap3A_443 = arith.constant 288 : index
    %swap3A_444 = tpu.vector_load %arg10[%swap3A_443] {strides = array<i32>} : memref<512xi32, #tpu.memory_space<vmem>>, vector<16xi32>,
    tpu.vector_store %arg10[%swap3A_443], %sub3A_440 {strides = array<i32>} : memref<512xi32, #tpu.memory_space<vmem>>, vector<16xi32>,
    %and3A_445 = arith.constant 7 : i32
    %and3A_446 = vector.broadcast %and3A_445 : i32 to vector<16xi32>
    %and3A_447 = arith.andi %sub3A_435, %and3A_446 : vector<16xi32>
    %swap3A_448 = arith.constant 288 : index
    %swap3A_449 = tpu.vector_load %arg11[%swap3A_448] {strides = array<i32>} : memref<512xi32, #tpu.memory_space<vmem>>, vector<16xi32>,
    tpu.vector_store %arg11[%swap3A_448], %and3A_447 {strides = array<i32>} : memref<512xi32, #tpu.memory_space<vmem>>, vector<16xi32>,
    %and3A_450 = arith.constant 7 : i32
    %and3A_451 = vector.broadcast %and3A_450 : i32 to vector<16xi32>
    %and3A_452 = arith.andi %sub3A_440, %and3A_451 : vector<16xi32>
    %swap3A_453 = arith.constant 288 : index
    %swap3A_454 = tpu.vector_load %arg12[%swap3A_453] {strides = array<i32>} : memref<512xi32, #tpu.memory_space<vmem>>, vector<16xi32>,
    tpu.vector_store %arg12[%swap3A_453], %and3A_452 {strides = array<i32>} : memref<512xi32, #tpu.memory_space<vmem>>, vector<16xi32>,
    %get3A_455 = arith.constant 304 : index
    %get3A_456 = tpu.vector_load %arg9[%get3A_455] {strides = array<i32>} : memref<512xi32, #tpu.memory_space<vmem>>, vector<16xi32>,
    %sub3A_457 = arith.constant 1 : i32
    %sub3A_458 = vector.broadcast %sub3A_457 : i32 to vector<16xi32>
    %sub3A_459 = arith.subi %get3A_456, %sub3A_458 : vector<16xi32>
    %get3A_460 = arith.constant 304 : index
    %get3A_461 = tpu.vector_load %arg10[%get3A_460] {strides = array<i32>} : memref<512xi32, #tpu.memory_space<vmem>>, vector<16xi32>,
    %sub3A_462 = arith.constant 1 : i32
    %sub3A_463 = vector.broadcast %sub3A_462 : i32 to vector<16xi32>
    %sub3A_464 = arith.subi %get3A_461, %sub3A_463 : vector<16xi32>
    %swap3A_465 = arith.constant 304 : index
    %swap3A_466 = tpu.vector_load %arg9[%swap3A_465] {strides = array<i32>} : memref<512xi32, #tpu.memory_space<vmem>>, vector<16xi32>,
    tpu.vector_store %arg9[%swap3A_465], %sub3A_459 {strides = array<i32>} : memref<512xi32, #tpu.memory_space<vmem>>, vector<16xi32>,
    %swap3A_467 = arith.constant 304 : index
    %swap3A_468 = tpu.vector_load %arg10[%swap3A_467] {strides = array<i32>} : memref<512xi32, #tpu.memory_space<vmem>>, vector<16xi32>,
    tpu.vector_store %arg10[%swap3A_467], %sub3A_464 {strides = array<i32>} : memref<512xi32, #tpu.memory_space<vmem>>, vector<16xi32>,
    %and3A_469 = arith.constant 7 : i32
    %and3A_470 = vector.broadcast %and3A_469 : i32 to vector<16xi32>
    %and3A_471 = arith.andi %sub3A_459, %and3A_470 : vector<16xi32>
    %swap3A_472 = arith.constant 304 : index
    %swap3A_473 = tpu.vector_load %arg11[%swap3A_472] {strides = array<i32>} : memref<512xi32, #tpu.memory_space<vmem>>, vector<16xi32>,
    tpu.vector_store %arg11[%swap3A_472], %and3A_471 {strides = array<i32>} : memref<512xi32, #tpu.memory_space<vmem>>, vector<16xi32>,
    %and3A_474 = arith.constant 7 : i32
    %and3A_475 = vector.broadcast %and3A_474 : i32 to vector<16xi32>
    %and3A_476 = arith.andi %sub3A_464, %and3A_475 : vector<16xi32>
    %swap3A_477 = arith.constant 304 : index
    %swap3A_478 = tpu.vector_load %arg12[%swap3A_477] {strides = array<i32>} : memref<512xi32, #tpu.memory_space<vmem>>, vector<16xi32>,
    tpu.vector_store %arg12[%swap3A_477], %and3A_476 {strides = array<i32>} : memref<512xi32, #tpu.memory_space<vmem>>, vector<16xi32>,
    %get3A_479 = arith.constant 320 : index
    %get3A_480 = tpu.vector_load %arg9[%get3A_479] {strides = array<i32>} : memref<512xi32, #tpu.memory_space<vmem>>, vector<16xi32>,
    %sub3A_481 = arith.constant 1 : i32
    %sub3A_482 = vector.broadcast %sub3A_481 : i32 to vector<16xi32>
    %sub3A_483 = arith.subi %get3A_480, %sub3A_482 : vector<16xi32>
    %get3A_484 = arith.constant 320 : index
    %get3A_485 = tpu.vector_load %arg10[%get3A_484] {strides = array<i32>} : memref<512xi32, #tpu.memory_space<vmem>>, vector<16xi32>,
    %sub3A_486 = arith.constant 1 : i32
    %sub3A_487 = vector.broadcast %sub3A_486 : i32 to vector<16xi32>
    %sub3A_488 = arith.subi %get3A_485, %sub3A_487 : vector<16xi32>
    %swap3A_489 = arith.constant 320 : index
    %swap3A_490 = tpu.vector_load %arg9[%swap3A_489] {strides = array<i32>} : memref<512xi32, #tpu.memory_space<vmem>>, vector<16xi32>,
    tpu.vector_store %arg9[%swap3A_489], %sub3A_483 {strides = array<i32>} : memref<512xi32, #tpu.memory_space<vmem>>, vector<16xi32>,
    %swap3A_491 = arith.constant 320 : index
    %swap3A_492 = tpu.vector_load %arg10[%swap3A_491] {strides = array<i32>} : memref<512xi32, #tpu.memory_space<vmem>>, vector<16xi32>,
    tpu.vector_store %arg10[%swap3A_491], %sub3A_488 {strides = array<i32>} : memref<512xi32, #tpu.memory_space<vmem>>, vector<16xi32>,
    %and3A_493 = arith.constant 7 : i32
    %and3A_494 = vector.broadcast %and3A_493 : i32 to vector<16xi32>
    %and3A_495 = arith.andi %sub3A_483, %and3A_494 : vector<16xi32>
    %swap3A_496 = arith.constant 320 : index
    %swap3A_497 = tpu.vector_load %arg11[%swap3A_496] {strides = array<i32>} : memref<512xi32, #tpu.memory_space<vmem>>, vector<16xi32>,
    tpu.vector_store %arg11[%swap3A_496], %and3A_495 {strides = array<i32>} : memref<512xi32, #tpu.memory_space<vmem>>, vector<16xi32>,
    %and3A_498 = arith.constant 7 : i32
    %and3A_499 = vector.broadcast %and3A_498 : i32 to vector<16xi32>
    %and3A_500 = arith.andi %sub3A_488, %and3A_499 : vector<16xi32>
    %swap3A_501 = arith.constant 320 : index
    %swap3A_502 = tpu.vector_load %arg12[%swap3A_501] {strides = array<i32>} : memref<512xi32, #tpu.memory_space<vmem>>, vector<16xi32>,
    tpu.vector_store %arg12[%swap3A_501], %and3A_500 {strides = array<i32>} : memref<512xi32, #tpu.memory_space<vmem>>, vector<16xi32>,
    %get3A_503 = arith.constant 336 : index
    %get3A_504 = tpu.vector_load %arg9[%get3A_503] {strides = array<i32>} : memref<512xi32, #tpu.memory_space<vmem>>, vector<16xi32>,
    %sub3A_505 = arith.constant 1 : i32
    %sub3A_506 = vector.broadcast %sub3A_505 : i32 to vector<16xi32>
    %sub3A_507 = arith.subi %get3A_504, %sub3A_506 : vector<16xi32>
    %get3A_508 = arith.constant 336 : index
    %get3A_509 = tpu.vector_load %arg10[%get3A_508] {strides = array<i32>} : memref<512xi32, #tpu.memory_space<vmem>>, vector<16xi32>,
    %sub3A_510 = arith.constant 1 : i32
    %sub3A_511 = vector.broadcast %sub3A_510 : i32 to vector<16xi32>
    %sub3A_512 = arith.subi %get3A_509, %sub3A_511 : vector<16xi32>
    %swap3A_513 = arith.constant 336 : index
    %swap3A_514 = tpu.vector_load %arg9[%swap3A_513] {strides = array<i32>} : memref<512xi32, #tpu.memory_space<vmem>>, vector<16xi32>,
    tpu.vector_store %arg9[%swap3A_513], %sub3A_507 {strides = array<i32>} : memref<512xi32, #tpu.memory_space<vmem>>, vector<16xi32>,
    %swap3A_515 = arith.constant 336 : index
    %swap3A_516 = tpu.vector_load %arg10[%swap3A_515] {strides = array<i32>} : memref<512xi32, #tpu.memory_space<vmem>>, vector<16xi32>,
    tpu.vector_store %arg10[%swap3A_515], %sub3A_512 {strides = array<i32>} : memref<512xi32, #tpu.memory_space<vmem>>, vector<16xi32>,
    %and3A_517 = arith.constant 7 : i32
    %and3A_518 = vector.broadcast %and3A_517 : i32 to vector<16xi32>
    %and3A_519 = arith.andi %sub3A_507, %and3A_518 : vector<16xi32>
    %swap3A_520 = arith.constant 336 : index
    %swap3A_521 = tpu.vector_load %arg11[%swap3A_520] {strides = array<i32>} : memref<512xi32, #tpu.memory_space<vmem>>, vector<16xi32>,
    tpu.vector_store %arg11[%swap3A_520], %and3A_519 {strides = array<i32>} : memref<512xi32, #tpu.memory_space<vmem>>, vector<16xi32>,
    %and3A_522 = arith.constant 7 : i32
    %and3A_523 = vector.broadcast %and3A_522 : i32 to vector<16xi32>
    %and3A_524 = arith.andi %sub3A_512, %and3A_523 : vector<16xi32>
    %swap3A_525 = arith.constant 336 : index
    %swap3A_526 = tpu.vector_load %arg12[%swap3A_525] {strides = array<i32>} : memref<512xi32, #tpu.memory_space<vmem>>, vector<16xi32>,
    tpu.vector_store %arg12[%swap3A_525], %and3A_524 {strides = array<i32>} : memref<512xi32, #tpu.memory_space<vmem>>, vector<16xi32>,
    %get3A_527 = arith.constant 352 : index
    %get3A_528 = tpu.vector_load %arg9[%get3A_527] {strides = array<i32>} : memref<512xi32, #tpu.memory_space<vmem>>, vector<16xi32>,
    %sub3A_529 = arith.constant 1 : i32
    %sub3A_530 = vector.broadcast %sub3A_529 : i32 to vector<16xi32>
    %sub3A_531 = arith.subi %get3A_528, %sub3A_530 : vector<16xi32>
    %get3A_532 = arith.constant 352 : index
    %get3A_533 = tpu.vector_load %arg10[%get3A_532] {strides = array<i32>} : memref<512xi32, #tpu.memory_space<vmem>>, vector<16xi32>,
    %sub3A_534 = arith.constant 1 : i32
    %sub3A_535 = vector.broadcast %sub3A_534 : i32 to vector<16xi32>
    %sub3A_536 = arith.subi %get3A_533, %sub3A_535 : vector<16xi32>
    %swap3A_537 = arith.constant 352 : index
    %swap3A_538 = tpu.vector_load %arg9[%swap3A_537] {strides = array<i32>} : memref<512xi32, #tpu.memory_space<vmem>>, vector<16xi32>,
    tpu.vector_store %arg9[%swap3A_537], %sub3A_531 {strides = array<i32>} : memref<512xi32, #tpu.memory_space<vmem>>, vector<16xi32>,
    %swap3A_539 = arith.constant 352 : index
    %swap3A_540 = tpu.vector_load %arg10[%swap3A_539] {strides = array<i32>} : memref<512xi32, #tpu.memory_space<vmem>>, vector<16xi32>,
    tpu.vector_store %arg10[%swap3A_539], %sub3A_536 {strides = array<i32>} : memref<512xi32, #tpu.memory_space<vmem>>, vector<16xi32>,
    %and3A_541 = arith.constant 7 : i32
    %and3A_542 = vector.broadcast %and3A_541 : i32 to vector<16xi32>
    %and3A_543 = arith.andi %sub3A_531, %and3A_542 : vector<16xi32>
    %swap3A_544 = arith.constant 352 : index
    %swap3A_545 = tpu.vector_load %arg11[%swap3A_544] {strides = array<i32>} : memref<512xi32, #tpu.memory_space<vmem>>, vector<16xi32>,
    tpu.vector_store %arg11[%swap3A_544], %and3A_543 {strides = array<i32>} : memref<512xi32, #tpu.memory_space<vmem>>, vector<16xi32>,
    %and3A_546 = arith.constant 7 : i32
    %and3A_547 = vector.broadcast %and3A_546 : i32 to vector<16xi32>
    %and3A_548 = arith.andi %sub3A_536, %and3A_547 : vector<16xi32>
    %swap3A_549 = arith.constant 352 : index
    %swap3A_550 = tpu.vector_load %arg12[%swap3A_549] {strides = array<i32>} : memref<512xi32, #tpu.memory_space<vmem>>, vector<16xi32>,
    tpu.vector_store %arg12[%swap3A_549], %and3A_548 {strides = array<i32>} : memref<512xi32, #tpu.memory_space<vmem>>, vector<16xi32>,
    %get3A_551 = arith.constant 368 : index
    %get3A_552 = tpu.vector_load %arg9[%get3A_551] {strides = array<i32>} : memref<512xi32, #tpu.memory_space<vmem>>, vector<16xi32>,
    %sub3A_553 = arith.constant 1 : i32
    %sub3A_554 = vector.broadcast %sub3A_553 : i32 to vector<16xi32>
    %sub3A_555 = arith.subi %get3A_552, %sub3A_554 : vector<16xi32>
    %get3A_556 = arith.constant 368 : index
    %get3A_557 = tpu.vector_load %arg10[%get3A_556] {strides = array<i32>} : memref<512xi32, #tpu.memory_space<vmem>>, vector<16xi32>,
    %sub3A_558 = arith.constant 1 : i32
    %sub3A_559 = vector.broadcast %sub3A_558 : i32 to vector<16xi32>
    %sub3A_560 = arith.subi %get3A_557, %sub3A_559 : vector<16xi32>
    %swap3A_561 = arith.constant 368 : index
    %swap3A_562 = tpu.vector_load %arg9[%swap3A_561] {strides = array<i32>} : memref<512xi32, #tpu.memory_space<vmem>>, vector<16xi32>,
    tpu.vector_store %arg9[%swap3A_561], %sub3A_555 {strides = array<i32>} : memref<512xi32, #tpu.memory_space<vmem>>, vector<16xi32>,
    %swap3A_563 = arith.constant 368 : index
    %swap3A_564 = tpu.vector_load %arg10[%swap3A_563] {strides = array<i32>} : memref<512xi32, #tpu.memory_space<vmem>>, vector<16xi32>,
    tpu.vector_store %arg10[%swap3A_563], %sub3A_560 {strides = array<i32>} : memref<512xi32, #tpu.memory_space<vmem>>, vector<16xi32>,
    %and3A_565 = arith.constant 7 : i32
    %and3A_566 = vector.broadcast %and3A_565 : i32 to vector<16xi32>
    %and3A_567 = arith.andi %sub3A_555, %and3A_566 : vector<16xi32>
    %swap3A_568 = arith.constant 368 : index
    %swap3A_569 = tpu.vector_load %arg11[%swap3A_568] {strides = array<i32>} : memref<512xi32, #tpu.memory_space<vmem>>, vector<16xi32>,
    tpu.vector_store %arg11[%swap3A_568], %and3A_567 {strides = array<i32>} : memref<512xi32, #tpu.memory_space<vmem>>, vector<16xi32>,
    %and3A_570 = arith.constant 7 : i32
    %and3A_571 = vector.broadcast %and3A_570 : i32 to vector<16xi32>
    %and3A_572 = arith.andi %sub3A_560, %and3A_571 : vector<16xi32>
    %swap3A_573 = arith.constant 368 : index
    %swap3A_574 = tpu.vector_load %arg12[%swap3A_573] {strides = array<i32>} : memref<512xi32, #tpu.memory_space<vmem>>, vector<16xi32>,
    tpu.vector_store %arg12[%swap3A_573], %and3A_572 {strides = array<i32>} : memref<512xi32, #tpu.memory_space<vmem>>, vector<16xi32>,
    %get3A_575 = arith.constant 384 : index
    %get3A_576 = tpu.vector_load %arg9[%get3A_575] {strides = array<i32>} : memref<512xi32, #tpu.memory_space<vmem>>, vector<16xi32>,
    %sub3A_577 = arith.constant 1 : i32
    %sub3A_578 = vector.broadcast %sub3A_577 : i32 to vector<16xi32>
    %sub3A_579 = arith.subi %get3A_576, %sub3A_578 : vector<16xi32>
    %get3A_580 = arith.constant 384 : index
    %get3A_581 = tpu.vector_load %arg10[%get3A_580] {strides = array<i32>} : memref<512xi32, #tpu.memory_space<vmem>>, vector<16xi32>,
    %sub3A_582 = arith.constant 1 : i32
    %sub3A_583 = vector.broadcast %sub3A_582 : i32 to vector<16xi32>
    %sub3A_584 = arith.subi %get3A_581, %sub3A_583 : vector<16xi32>
    %swap3A_585 = arith.constant 384 : index
    %swap3A_586 = tpu.vector_load %arg9[%swap3A_585] {strides = array<i32>} : memref<512xi32, #tpu.memory_space<vmem>>, vector<16xi32>,
    tpu.vector_store %arg9[%swap3A_585], %sub3A_579 {strides = array<i32>} : memref<512xi32, #tpu.memory_space<vmem>>, vector<16xi32>,
    %swap3A_587 = arith.constant 384 : index
    %swap3A_588 = tpu.vector_load %arg10[%swap3A_587] {strides = array<i32>} : memref<512xi32, #tpu.memory_space<vmem>>, vector<16xi32>,
    tpu.vector_store %arg10[%swap3A_587], %sub3A_584 {strides = array<i32>} : memref<512xi32, #tpu.memory_space<vmem>>, vector<16xi32>,
    %and3A_589 = arith.constant 7 : i32
    %and3A_590 = vector.broadcast %and3A_589 : i32 to vector<16xi32>
    %and3A_591 = arith.andi %sub3A_579, %and3A_590 : vector<16xi32>
    %swap3A_592 = arith.constant 384 : index
    %swap3A_593 = tpu.vector_load %arg11[%swap3A_592] {strides = array<i32>} : memref<512xi32, #tpu.memory_space<vmem>>, vector<16xi32>,
    tpu.vector_store %arg11[%swap3A_592], %and3A_591 {strides = array<i32>} : memref<512xi32, #tpu.memory_space<vmem>>, vector<16xi32>,
    %and3A_594 = arith.constant 7 : i32
    %and3A_595 = vector.broadcast %and3A_594 : i32 to vector<16xi32>
    %and3A_596 = arith.andi %sub3A_584, %and3A_595 : vector<16xi32>
    %swap3A_597 = arith.constant 384 : index
    %swap3A_598 = tpu.vector_load %arg12[%swap3A_597] {strides = array<i32>} : memref<512xi32, #tpu.memory_space<vmem>>, vector<16xi32>,
    tpu.vector_store %arg12[%swap3A_597], %and3A_596 {strides = array<i32>} : memref<512xi32, #tpu.memory_space<vmem>>, vector<16xi32>,
    %get3A_599 = arith.constant 400 : index
    %get3A_600 = tpu.vector_load %arg9[%get3A_599] {strides = array<i32>} : memref<512xi32, #tpu.memory_space<vmem>>, vector<16xi32>,
    %sub3A_601 = arith.constant 1 : i32
    %sub3A_602 = vector.broadcast %sub3A_601 : i32 to vector<16xi32>
    %sub3A_603 = arith.subi %get3A_600, %sub3A_602 : vector<16xi32>
    %get3A_604 = arith.constant 400 : index
    %get3A_605 = tpu.vector_load %arg10[%get3A_604] {strides = array<i32>} : memref<512xi32, #tpu.memory_space<vmem>>, vector<16xi32>,
    %sub3A_606 = arith.constant 1 : i32
    %sub3A_607 = vector.broadcast %sub3A_606 : i32 to vector<16xi32>
    %sub3A_608 = arith.subi %get3A_605, %sub3A_607 : vector<16xi32>
    %swap3A_609 = arith.constant 400 : index
    %swap3A_610 = tpu.vector_load %arg9[%swap3A_609] {strides = array<i32>} : memref<512xi32, #tpu.memory_space<vmem>>, vector<16xi32>,
    tpu.vector_store %arg9[%swap3A_609], %sub3A_603 {strides = array<i32>} : memref<512xi32, #tpu.memory_space<vmem>>, vector<16xi32>,
    %swap3A_611 = arith.constant 400 : index
    %swap3A_612 = tpu.vector_load %arg10[%swap3A_611] {strides = array<i32>} : memref<512xi32, #tpu.memory_space<vmem>>, vector<16xi32>,
    tpu.vector_store %arg10[%swap3A_611], %sub3A_608 {strides = array<i32>} : memref<512xi32, #tpu.memory_space<vmem>>, vector<16xi32>,
    %and3A_613 = arith.constant 7 : i32
    %and3A_614 = vector.broadcast %and3A_613 : i32 to vector<16xi32>
    %and3A_615 = arith.andi %sub3A_603, %and3A_614 : vector<16xi32>
    %swap3A_616 = arith.constant 400 : index
    %swap3A_617 = tpu.vector_load %arg11[%swap3A_616] {strides = array<i32>} : memref<512xi32, #tpu.memory_space<vmem>>, vector<16xi32>,
    tpu.vector_store %arg11[%swap3A_616], %and3A_615 {strides = array<i32>} : memref<512xi32, #tpu.memory_space<vmem>>, vector<16xi32>,
    %and3A_618 = arith.constant 7 : i32
    %and3A_619 = vector.broadcast %and3A_618 : i32 to vector<16xi32>
    %and3A_620 = arith.andi %sub3A_608, %and3A_619 : vector<16xi32>
    %swap3A_621 = arith.constant 400 : index
    %swap3A_622 = tpu.vector_load %arg12[%swap3A_621] {strides = array<i32>} : memref<512xi32, #tpu.memory_space<vmem>>, vector<16xi32>,
    tpu.vector_store %arg12[%swap3A_621], %and3A_620 {strides = array<i32>} : memref<512xi32, #tpu.memory_space<vmem>>, vector<16xi32>,
    %get3A_623 = arith.constant 416 : index
    %get3A_624 = tpu.vector_load %arg9[%get3A_623] {strides = array<i32>} : memref<512xi32, #tpu.memory_space<vmem>>, vector<16xi32>,
    %sub3A_625 = arith.constant 1 : i32
    %sub3A_626 = vector.broadcast %sub3A_625 : i32 to vector<16xi32>
    %sub3A_627 = arith.subi %get3A_624, %sub3A_626 : vector<16xi32>
    %get3A_628 = arith.constant 416 : index
    %get3A_629 = tpu.vector_load %arg10[%get3A_628] {strides = array<i32>} : memref<512xi32, #tpu.memory_space<vmem>>, vector<16xi32>,
    %sub3A_630 = arith.constant 1 : i32
    %sub3A_631 = vector.broadcast %sub3A_630 : i32 to vector<16xi32>
    %sub3A_632 = arith.subi %get3A_629, %sub3A_631 : vector<16xi32>
    %swap3A_633 = arith.constant 416 : index
    %swap3A_634 = tpu.vector_load %arg9[%swap3A_633] {strides = array<i32>} : memref<512xi32, #tpu.memory_space<vmem>>, vector<16xi32>,
    tpu.vector_store %arg9[%swap3A_633], %sub3A_627 {strides = array<i32>} : memref<512xi32, #tpu.memory_space<vmem>>, vector<16xi32>,
    %swap3A_635 = arith.constant 416 : index
    %swap3A_636 = tpu.vector_load %arg10[%swap3A_635] {strides = array<i32>} : memref<512xi32, #tpu.memory_space<vmem>>, vector<16xi32>,
    tpu.vector_store %arg10[%swap3A_635], %sub3A_632 {strides = array<i32>} : memref<512xi32, #tpu.memory_space<vmem>>, vector<16xi32>,
    %and3A_637 = arith.constant 7 : i32
    %and3A_638 = vector.broadcast %and3A_637 : i32 to vector<16xi32>
    %and3A_639 = arith.andi %sub3A_627, %and3A_638 : vector<16xi32>
    %swap3A_640 = arith.constant 416 : index
    %swap3A_641 = tpu.vector_load %arg11[%swap3A_640] {strides = array<i32>} : memref<512xi32, #tpu.memory_space<vmem>>, vector<16xi32>,
    tpu.vector_store %arg11[%swap3A_640], %and3A_639 {strides = array<i32>} : memref<512xi32, #tpu.memory_space<vmem>>, vector<16xi32>,
    %and3A_642 = arith.constant 7 : i32
    %and3A_643 = vector.broadcast %and3A_642 : i32 to vector<16xi32>
    %and3A_644 = arith.andi %sub3A_632, %and3A_643 : vector<16xi32>
    %swap3A_645 = arith.constant 416 : index
    %swap3A_646 = tpu.vector_load %arg12[%swap3A_645] {strides = array<i32>} : memref<512xi32, #tpu.memory_space<vmem>>, vector<16xi32>,
    tpu.vector_store %arg12[%swap3A_645], %and3A_644 {strides = array<i32>} : memref<512xi32, #tpu.memory_space<vmem>>, vector<16xi32>,
    %get3A_647 = arith.constant 432 : index
    %get3A_648 = tpu.vector_load %arg9[%get3A_647] {strides = array<i32>} : memref<512xi32, #tpu.memory_space<vmem>>, vector<16xi32>,
    %sub3A_649 = arith.constant 1 : i32
    %sub3A_650 = vector.broadcast %sub3A_649 : i32 to vector<16xi32>
    %sub3A_651 = arith.subi %get3A_648, %sub3A_650 : vector<16xi32>
    %get3A_652 = arith.constant 432 : index
    %get3A_653 = tpu.vector_load %arg10[%get3A_652] {strides = array<i32>} : memref<512xi32, #tpu.memory_space<vmem>>, vector<16xi32>,
    %sub3A_654 = arith.constant 1 : i32
    %sub3A_655 = vector.broadcast %sub3A_654 : i32 to vector<16xi32>
    %sub3A_656 = arith.subi %get3A_653, %sub3A_655 : vector<16xi32>
    %swap3A_657 = arith.constant 432 : index
    %swap3A_658 = tpu.vector_load %arg9[%swap3A_657] {strides = array<i32>} : memref<512xi32, #tpu.memory_space<vmem>>, vector<16xi32>,
    tpu.vector_store %arg9[%swap3A_657], %sub3A_651 {strides = array<i32>} : memref<512xi32, #tpu.memory_space<vmem>>, vector<16xi32>,
    %swap3A_659 = arith.constant 432 : index
    %swap3A_660 = tpu.vector_load %arg10[%swap3A_659] {strides = array<i32>} : memref<512xi32, #tpu.memory_space<vmem>>, vector<16xi32>,
    tpu.vector_store %arg10[%swap3A_659], %sub3A_656 {strides = array<i32>} : memref<512xi32, #tpu.memory_space<vmem>>, vector<16xi32>,
    %and3A_661 = arith.constant 7 : i32
    %and3A_662 = vector.broadcast %and3A_661 : i32 to vector<16xi32>
    %and3A_663 = arith.andi %sub3A_651, %and3A_662 : vector<16xi32>
    %swap3A_664 = arith.constant 432 : index
    %swap3A_665 = tpu.vector_load %arg11[%swap3A_664] {strides = array<i32>} : memref<512xi32, #tpu.memory_space<vmem>>, vector<16xi32>,
    tpu.vector_store %arg11[%swap3A_664], %and3A_663 {strides = array<i32>} : memref<512xi32, #tpu.memory_space<vmem>>, vector<16xi32>,
    %and3A_666 = arith.constant 7 : i32
    %and3A_667 = vector.broadcast %and3A_666 : i32 to vector<16xi32>
    %and3A_668 = arith.andi %sub3A_656, %and3A_667 : vector<16xi32>
    %swap3A_669 = arith.constant 432 : index
    %swap3A_670 = tpu.vector_load %arg12[%swap3A_669] {strides = array<i32>} : memref<512xi32, #tpu.memory_space<vmem>>, vector<16xi32>,
    tpu.vector_store %arg12[%swap3A_669], %and3A_668 {strides = array<i32>} : memref<512xi32, #tpu.memory_space<vmem>>, vector<16xi32>,
    %get3A_671 = arith.constant 448 : index
    %get3A_672 = tpu.vector_load %arg9[%get3A_671] {strides = array<i32>} : memref<512xi32, #tpu.memory_space<vmem>>, vector<16xi32>,
    %sub3A_673 = arith.constant 1 : i32
    %sub3A_674 = vector.broadcast %sub3A_673 : i32 to vector<16xi32>
    %sub3A_675 = arith.subi %get3A_672, %sub3A_674 : vector<16xi32>
    %get3A_676 = arith.constant 448 : index
    %get3A_677 = tpu.vector_load %arg10[%get3A_676] {strides = array<i32>} : memref<512xi32, #tpu.memory_space<vmem>>, vector<16xi32>,
    %sub3A_678 = arith.constant 1 : i32
    %sub3A_679 = vector.broadcast %sub3A_678 : i32 to vector<16xi32>
    %sub3A_680 = arith.subi %get3A_677, %sub3A_679 : vector<16xi32>
    %swap3A_681 = arith.constant 448 : index
    %swap3A_682 = tpu.vector_load %arg9[%swap3A_681] {strides = array<i32>} : memref<512xi32, #tpu.memory_space<vmem>>, vector<16xi32>,
    tpu.vector_store %arg9[%swap3A_681], %sub3A_675 {strides = array<i32>} : memref<512xi32, #tpu.memory_space<vmem>>, vector<16xi32>,
    %swap3A_683 = arith.constant 448 : index
    %swap3A_684 = tpu.vector_load %arg10[%swap3A_683] {strides = array<i32>} : memref<512xi32, #tpu.memory_space<vmem>>, vector<16xi32>,
    tpu.vector_store %arg10[%swap3A_683], %sub3A_680 {strides = array<i32>} : memref<512xi32, #tpu.memory_space<vmem>>, vector<16xi32>,
    %and3A_685 = arith.constant 7 : i32
    %and3A_686 = vector.broadcast %and3A_685 : i32 to vector<16xi32>
    %and3A_687 = arith.andi %sub3A_675, %and3A_686 : vector<16xi32>
    %swap3A_688 = arith.constant 448 : index
    %swap3A_689 = tpu.vector_load %arg11[%swap3A_688] {strides = array<i32>} : memref<512xi32, #tpu.memory_space<vmem>>, vector<16xi32>,
    tpu.vector_store %arg11[%swap3A_688], %and3A_687 {strides = array<i32>} : memref<512xi32, #tpu.memory_space<vmem>>, vector<16xi32>,
    %and3A_690 = arith.constant 7 : i32
    %and3A_691 = vector.broadcast %and3A_690 : i32 to vector<16xi32>
    %and3A_692 = arith.andi %sub3A_680, %and3A_691 : vector<16xi32>
    %swap3A_693 = arith.constant 448 : index
    %swap3A_694 = tpu.vector_load %arg12[%swap3A_693] {strides = array<i32>} : memref<512xi32, #tpu.memory_space<vmem>>, vector<16xi32>,
    tpu.vector_store %arg12[%swap3A_693], %and3A_692 {strides = array<i32>} : memref<512xi32, #tpu.memory_space<vmem>>, vector<16xi32>,
    %get3A_695 = arith.constant 464 : index
    %get3A_696 = tpu.vector_load %arg9[%get3A_695] {strides = array<i32>} : memref<512xi32, #tpu.memory_space<vmem>>, vector<16xi32>,
    %sub3A_697 = arith.constant 1 : i32
    %sub3A_698 = vector.broadcast %sub3A_697 : i32 to vector<16xi32>
    %sub3A_699 = arith.subi %get3A_696, %sub3A_698 : vector<16xi32>
    %get3A_700 = arith.constant 464 : index
    %get3A_701 = tpu.vector_load %arg10[%get3A_700] {strides = array<i32>} : memref<512xi32, #tpu.memory_space<vmem>>, vector<16xi32>,
    %sub3A_702 = arith.constant 1 : i32
    %sub3A_703 = vector.broadcast %sub3A_702 : i32 to vector<16xi32>
    %sub3A_704 = arith.subi %get3A_701, %sub3A_703 : vector<16xi32>
    %swap3A_705 = arith.constant 464 : index
    %swap3A_706 = tpu.vector_load %arg9[%swap3A_705] {strides = array<i32>} : memref<512xi32, #tpu.memory_space<vmem>>, vector<16xi32>,
    tpu.vector_store %arg9[%swap3A_705], %sub3A_699 {strides = array<i32>} : memref<512xi32, #tpu.memory_space<vmem>>, vector<16xi32>,
    %swap3A_707 = arith.constant 464 : index
    %swap3A_708 = tpu.vector_load %arg10[%swap3A_707] {strides = array<i32>} : memref<512xi32, #tpu.memory_space<vmem>>, vector<16xi32>,
    tpu.vector_store %arg10[%swap3A_707], %sub3A_704 {strides = array<i32>} : memref<512xi32, #tpu.memory_space<vmem>>, vector<16xi32>,
    %and3A_709 = arith.constant 7 : i32
    %and3A_710 = vector.broadcast %and3A_709 : i32 to vector<16xi32>
    %and3A_711 = arith.andi %sub3A_699, %and3A_710 : vector<16xi32>
    %swap3A_712 = arith.constant 464 : index
    %swap3A_713 = tpu.vector_load %arg11[%swap3A_712] {strides = array<i32>} : memref<512xi32, #tpu.memory_space<vmem>>, vector<16xi32>,
    tpu.vector_store %arg11[%swap3A_712], %and3A_711 {strides = array<i32>} : memref<512xi32, #tpu.memory_space<vmem>>, vector<16xi32>,
    %and3A_714 = arith.constant 7 : i32
    %and3A_715 = vector.broadcast %and3A_714 : i32 to vector<16xi32>
    %and3A_716 = arith.andi %sub3A_704, %and3A_715 : vector<16xi32>
    %swap3A_717 = arith.constant 464 : index
    %swap3A_718 = tpu.vector_load %arg12[%swap3A_717] {strides = array<i32>} : memref<512xi32, #tpu.memory_space<vmem>>, vector<16xi32>,
    tpu.vector_store %arg12[%swap3A_717], %and3A_716 {strides = array<i32>} : memref<512xi32, #tpu.memory_space<vmem>>, vector<16xi32>,
    %get3A_719 = arith.constant 480 : index
    %get3A_720 = tpu.vector_load %arg9[%get3A_719] {strides = array<i32>} : memref<512xi32, #tpu.memory_space<vmem>>, vector<16xi32>,
    %sub3A_721 = arith.constant 1 : i32
    %sub3A_722 = vector.broadcast %sub3A_721 : i32 to vector<16xi32>
    %sub3A_723 = arith.subi %get3A_720, %sub3A_722 : vector<16xi32>
    %get3A_724 = arith.constant 480 : index
    %get3A_725 = tpu.vector_load %arg10[%get3A_724] {strides = array<i32>} : memref<512xi32, #tpu.memory_space<vmem>>, vector<16xi32>,
    %sub3A_726 = arith.constant 1 : i32
    %sub3A_727 = vector.broadcast %sub3A_726 : i32 to vector<16xi32>
    %sub3A_728 = arith.subi %get3A_725, %sub3A_727 : vector<16xi32>
    %swap3A_729 = arith.constant 480 : index
    %swap3A_730 = tpu.vector_load %arg9[%swap3A_729] {strides = array<i32>} : memref<512xi32, #tpu.memory_space<vmem>>, vector<16xi32>,
    tpu.vector_store %arg9[%swap3A_729], %sub3A_723 {strides = array<i32>} : memref<512xi32, #tpu.memory_space<vmem>>, vector<16xi32>,
    %swap3A_731 = arith.constant 480 : index
    %swap3A_732 = tpu.vector_load %arg10[%swap3A_731] {strides = array<i32>} : memref<512xi32, #tpu.memory_space<vmem>>, vector<16xi32>,
    tpu.vector_store %arg10[%swap3A_731], %sub3A_728 {strides = array<i32>} : memref<512xi32, #tpu.memory_space<vmem>>, vector<16xi32>,
    %and3A_733 = arith.constant 7 : i32
    %and3A_734 = vector.broadcast %and3A_733 : i32 to vector<16xi32>
    %and3A_735 = arith.andi %sub3A_723, %and3A_734 : vector<16xi32>
    %swap3A_736 = arith.constant 480 : index
    %swap3A_737 = tpu.vector_load %arg11[%swap3A_736] {strides = array<i32>} : memref<512xi32, #tpu.memory_space<vmem>>, vector<16xi32>,
    tpu.vector_store %arg11[%swap3A_736], %and3A_735 {strides = array<i32>} : memref<512xi32, #tpu.memory_space<vmem>>, vector<16xi32>,
    %and3A_738 = arith.constant 7 : i32
    %and3A_739 = vector.broadcast %and3A_738 : i32 to vector<16xi32>
    %and3A_740 = arith.andi %sub3A_728, %and3A_739 : vector<16xi32>
    %swap3A_741 = arith.constant 480 : index
    %swap3A_742 = tpu.vector_load %arg12[%swap3A_741] {strides = array<i32>} : memref<512xi32, #tpu.memory_space<vmem>>, vector<16xi32>,
    tpu.vector_store %arg12[%swap3A_741], %and3A_740 {strides = array<i32>} : memref<512xi32, #tpu.memory_space<vmem>>, vector<16xi32>,
    %get3A_743 = arith.constant 496 : index
    %get3A_744 = tpu.vector_load %arg9[%get3A_743] {strides = array<i32>} : memref<512xi32, #tpu.memory_space<vmem>>, vector<16xi32>,
    %sub3A_745 = arith.constant 1 : i32
    %sub3A_746 = vector.broadcast %sub3A_745 : i32 to vector<16xi32>
    %sub3A_747 = arith.subi %get3A_744, %sub3A_746 : vector<16xi32>
    %get3A_748 = arith.constant 496 : index
    %get3A_749 = tpu.vector_load %arg10[%get3A_748] {strides = array<i32>} : memref<512xi32, #tpu.memory_space<vmem>>, vector<16xi32>,
    %sub3A_750 = arith.constant 1 : i32
    %sub3A_751 = vector.broadcast %sub3A_750 : i32 to vector<16xi32>
    %sub3A_752 = arith.subi %get3A_749, %sub3A_751 : vector<16xi32>
    %swap3A_753 = arith.constant 496 : index
    %swap3A_754 = tpu.vector_load %arg9[%swap3A_753] {strides = array<i32>} : memref<512xi32, #tpu.memory_space<vmem>>, vector<16xi32>,
    tpu.vector_store %arg9[%swap3A_753], %sub3A_747 {strides = array<i32>} : memref<512xi32, #tpu.memory_space<vmem>>, vector<16xi32>,
    %swap3A_755 = arith.constant 496 : index
    %swap3A_756 = tpu.vector_load %arg10[%swap3A_755] {strides = array<i32>} : memref<512xi32, #tpu.memory_space<vmem>>, vector<16xi32>,
    tpu.vector_store %arg10[%swap3A_755], %sub3A_752 {strides = array<i32>} : memref<512xi32, #tpu.memory_space<vmem>>, vector<16xi32>,
    %and3A_757 = arith.constant 7 : i32
    %and3A_758 = vector.broadcast %and3A_757 : i32 to vector<16xi32>
    %and3A_759 = arith.andi %sub3A_747, %and3A_758 : vector<16xi32>
    %swap3A_760 = arith.constant 496 : index
    %swap3A_761 = tpu.vector_load %arg11[%swap3A_760] {strides = array<i32>} : memref<512xi32, #tpu.memory_space<vmem>>, vector<16xi32>,
    tpu.vector_store %arg11[%swap3A_760], %and3A_759 {strides = array<i32>} : memref<512xi32, #tpu.memory_space<vmem>>, vector<16xi32>,
    %and3A_762 = arith.constant 7 : i32
    %and3A_763 = vector.broadcast %and3A_762 : i32 to vector<16xi32>
    %and3A_764 = arith.andi %sub3A_752, %and3A_763 : vector<16xi32>
    %swap3A_765 = arith.constant 496 : index
    %swap3A_766 = tpu.vector_load %arg12[%swap3A_765] {strides = array<i32>} : memref<512xi32, #tpu.memory_space<vmem>>, vector<16xi32>,
    tpu.vector_store %arg12[%swap3A_765], %and3A_764 {strides = array<i32>} : memref<512xi32, #tpu.memory_space<vmem>>, vector<16xi32>,
    "tpu.region"() ({
      %run_scoped3A = tpu.sem_alloc : memref<!tpu.dma_semaphore, #tpu.memory_space<semaphore_mem>>
      %dma_start3A = tpu.memref_slice %arg6[%mul3A_2] : memref<16384xf32, #tpu.memory_space<hbm>> -> memref<512xf32, #tpu.memory_space<hbm>>
      %dma_start3A_772 = tpu.memref_slice %arg6[%mul3A_2] : memref<16384xf32, #tpu.memory_space<hbm>> -> memref<512xf32, #tpu.memory_space<hbm>>
      tpu.enqueue_dma source(%dma_start3A_772 : memref<512xf32, #tpu.memory_space<hbm>>) target(%arg15 : memref<512xf32, #tpu.memory_space<vmem>>) target_semaphore(%run_scoped3A : memref<!tpu.dma_semaphore, #tpu.memory_space<semaphore_mem>>)
      %dma_wait3A = tpu.memref_slice %arg6[%mul3A_2] : memref<16384xf32, #tpu.memory_space<hbm>> -> memref<512xf32, #tpu.memory_space<hbm>>
      %dma_wait3A_773 = tpu.memref_slice %arg6[%mul3A_2] : memref<16384xf32, #tpu.memory_space<hbm>> -> memref<512xf32, #tpu.memory_space<hbm>>
      tpu.wait_dma2 semaphore(%run_scoped3A : memref<!tpu.dma_semaphore, #tpu.memory_space<semaphore_mem>>) src(%dma_wait3A_773 : memref<512xf32, #tpu.memory_space<hbm>>) dst(%arg15 : memref<512xf32, #tpu.memory_space<vmem>>)
      tpu.yield
    }) : () -> ()
    "tpu.region"() ({
      %run_scoped3A = tpu.sem_alloc : memref<!tpu.dma_semaphore, #tpu.memory_space<semaphore_mem>>
      %dma_start3A = tpu.memref_slice %arg7[%mul3A_2] : memref<16384xf32, #tpu.memory_space<hbm>> -> memref<512xf32, #tpu.memory_space<hbm>>
      %dma_start3A_772 = tpu.memref_slice %arg7[%mul3A_2] : memref<16384xf32, #tpu.memory_space<hbm>> -> memref<512xf32, #tpu.memory_space<hbm>>
      tpu.enqueue_dma source(%dma_start3A_772 : memref<512xf32, #tpu.memory_space<hbm>>) target(%arg16 : memref<512xf32, #tpu.memory_space<vmem>>) target_semaphore(%run_scoped3A : memref<!tpu.dma_semaphore, #tpu.memory_space<semaphore_mem>>)
      %dma_wait3A = tpu.memref_slice %arg7[%mul3A_2] : memref<16384xf32, #tpu.memory_space<hbm>> -> memref<512xf32, #tpu.memory_space<hbm>>
      %dma_wait3A_773 = tpu.memref_slice %arg7[%mul3A_2] : memref<16384xf32, #tpu.memory_space<hbm>> -> memref<512xf32, #tpu.memory_space<hbm>>
      tpu.wait_dma2 semaphore(%run_scoped3A : memref<!tpu.dma_semaphore, #tpu.memory_space<semaphore_mem>>) src(%dma_wait3A_773 : memref<512xf32, #tpu.memory_space<hbm>>) dst(%arg16 : memref<512xf32, #tpu.memory_space<vmem>>)
      tpu.yield
    }) : () -> ()
    %iota3A = tpu.iota {dimensions = array<i32: 0>} : vector<16xi32>
    %scan3A = arith.constant 0 : i32
    %scan3A_767 = arith.constant 0 : i32
    %scan3A_768 = arith.constant 32 : i32
    %scan3A_769 = arith.addi %scan3A_767, %scan3A_768 : i32
    %scan3A_770 = arith.constant 1 : i32
    scf.for %scan3A_772 = %scan3A_767 to %scan3A_769 step %scan3A_770  : i32 {
      %mul3A_773 = arith.constant 16 : i32
      %mul3A_774 = arith.muli %scan3A_772, %mul3A_773 : i32
      %add3A_775 = arith.constant 0 : i32
      %add3A_776 = arith.addi %mul3A_774, %add3A_775 : i32
      %get3A_777 = arith.index_cast %add3A_776 : i32 to index
      %get3A_778 = tpu.vector_load %arg9[%get3A_777] {strides = array<i32>} : memref<512xi32, #tpu.memory_space<vmem>>, vector<16xi32>,
      %shift_right_logical3A = arith.constant 3 : i32
      %shift_right_logical3A_779 = vector.broadcast %shift_right_logical3A : i32 to vector<16xi32>
      %shift_right_logical3A_780 = arith.shrui %get3A_778, %shift_right_logical3A_779 : vector<16xi32>
      %add3A_781 = arith.constant 0 : i32
      %add3A_782 = arith.addi %mul3A_774, %add3A_781 : i32
      %get3A_783 = arith.index_cast %add3A_782 : i32 to index
      %get3A_784 = tpu.vector_load %arg10[%get3A_783] {strides = array<i32>} : memref<512xi32, #tpu.memory_space<vmem>>, vector<16xi32>,
      %shift_right_logical3A_785 = arith.constant 3 : i32
      %shift_right_logical3A_786 = vector.broadcast %shift_right_logical3A_785 : i32 to vector<16xi32>
      %shift_right_logical3A_787 = arith.shrui %get3A_784, %shift_right_logical3A_786 : vector<16xi32>
      %slice3A = vector.extract_strided_slice %shift_right_logical3A_780 {offsets = [0], sizes = [1], strides = [1]} : vector<16xi32> to vector<1xi32>
      %squeeze3A = vector.extract %slice3A[0] : i32 from vector<1xi32>
      %mul3A_788 = arith.constant 8 : i32
      %mul3A_789 = arith.muli %squeeze3A, %mul3A_788 : i32
      %dma_start3A = arith.constant 0 : i32
      %dma_start3A_790 = arith.constant 0 : i32
      %dma_start3A_791 = arith.constant 0 : i32
      %dma_start3A_792 = tpu.memref_slice %arg13[%dma_start3A, %dma_start3A_790, %dma_start3A_791] : memref<16x8x64xf32, #tpu.memory_space<vmem>> -> memref<1x8x64xf32, #tpu.memory_space<vmem>>
      %dma_start3A_793 = tpu.memref_squeeze %dma_start3A_792 : memref<1x8x64xf32, #tpu.memory_space<vmem>> -> memref<8x64xf32, #tpu.memory_space<vmem>>
      %dma_start3A_794 = arith.constant 0 : i32
      %dma_start3A_795 = tpu.memref_slice %arg4[%mul3A_789, %dma_start3A_794] : memref<1000000x64xf32, #tpu.memory_space<hbm>> -> memref<8x64xf32, #tpu.memory_space<hbm>>
      %dma_start3A_796 = arith.constant 0 : i32
      %dma_start3A_797 = arith.constant 0 : i32
      %dma_start3A_798 = tpu.memref_slice %arg13[%dma_start3A, %dma_start3A_796, %dma_start3A_797] : memref<16x8x64xf32, #tpu.memory_space<vmem>> -> memref<1x8x64xf32, #tpu.memory_space<vmem>>
      %dma_start3A_799 = tpu.memref_squeeze %dma_start3A_798 : memref<1x8x64xf32, #tpu.memory_space<vmem>> -> memref<8x64xf32, #tpu.memory_space<vmem>>
      %dma_start3A_800 = arith.constant 0 : i32
      %dma_start3A_801 = tpu.memref_slice %arg4[%mul3A_789, %dma_start3A_800] : memref<1000000x64xf32, #tpu.memory_space<hbm>> -> memref<8x64xf32, #tpu.memory_space<hbm>>
      tpu.enqueue_dma source(%dma_start3A_801 : memref<8x64xf32, #tpu.memory_space<hbm>>) target(%dma_start3A_799 : memref<8x64xf32, #tpu.memory_space<vmem>>) target_semaphore(%arg18 : memref<!tpu.dma_semaphore, #tpu.memory_space<semaphore_mem>>)
      %slice3A_802 = vector.extract_strided_slice %shift_right_logical3A_787 {offsets = [0], sizes = [1], strides = [1]} : vector<16xi32> to vector<1xi32>
      %squeeze3A_803 = vector.extract %slice3A_802[0] : i32 from vector<1xi32>
      %mul3A_804 = arith.constant 8 : i32
      %mul3A_805 = arith.muli %squeeze3A_803, %mul3A_804 : i32
      %dma_start3A_806 = arith.constant 0 : i32
      %dma_start3A_807 = arith.constant 0 : i32
      %dma_start3A_808 = arith.constant 0 : i32
      %dma_start3A_809 = tpu.memref_slice %arg14[%dma_start3A_806, %dma_start3A_807, %dma_start3A_808] : memref<16x8x64xf32, #tpu.memory_space<vmem>> -> memref<1x8x64xf32, #tpu.memory_space<vmem>>
      %dma_start3A_810 = tpu.memref_squeeze %dma_start3A_809 : memref<1x8x64xf32, #tpu.memory_space<vmem>> -> memref<8x64xf32, #tpu.memory_space<vmem>>
      %dma_start3A_811 = arith.constant 0 : i32
      %dma_start3A_812 = tpu.memref_slice %arg5[%mul3A_805, %dma_start3A_811] : memref<1000000x64xf32, #tpu.memory_space<hbm>> -> memref<8x64xf32, #tpu.memory_space<hbm>>
      %dma_start3A_813 = arith.constant 0 : i32
      %dma_start3A_814 = arith.constant 0 : i32
      %dma_start3A_815 = tpu.memref_slice %arg14[%dma_start3A_806, %dma_start3A_813, %dma_start3A_814] : memref<16x8x64xf32, #tpu.memory_space<vmem>> -> memref<1x8x64xf32, #tpu.memory_space<vmem>>
      %dma_start3A_816 = tpu.memref_squeeze %dma_start3A_815 : memref<1x8x64xf32, #tpu.memory_space<vmem>> -> memref<8x64xf32, #tpu.memory_space<vmem>>
      %dma_start3A_817 = arith.constant 0 : i32
      %dma_start3A_818 = tpu.memref_slice %arg5[%mul3A_805, %dma_start3A_817] : memref<1000000x64xf32, #tpu.memory_space<hbm>> -> memref<8x64xf32, #tpu.memory_space<hbm>>
      tpu.enqueue_dma source(%dma_start3A_818 : memref<8x64xf32, #tpu.memory_space<hbm>>) target(%dma_start3A_816 : memref<8x64xf32, #tpu.memory_space<vmem>>) target_semaphore(%arg19 : memref<!tpu.dma_semaphore, #tpu.memory_space<semaphore_mem>>)
      %slice3A_819 = vector.extract_strided_slice %shift_right_logical3A_780 {offsets = [1], sizes = [1], strides = [1]} : vector<16xi32> to vector<1xi32>
      %squeeze3A_820 = vector.extract %slice3A_819[0] : i32 from vector<1xi32>
      %mul3A_821 = arith.constant 8 : i32
      %mul3A_822 = arith.muli %squeeze3A_820, %mul3A_821 : i32
      %dma_start3A_823 = arith.constant 1 : i32
      %dma_start3A_824 = arith.constant 0 : i32
      %dma_start3A_825 = arith.constant 0 : i32
      %dma_start3A_826 = tpu.memref_slice %arg13[%dma_start3A_823, %dma_start3A_824, %dma_start3A_825] : memref<16x8x64xf32, #tpu.memory_space<vmem>> -> memref<1x8x64xf32, #tpu.memory_space<vmem>>
      %dma_start3A_827 = tpu.memref_squeeze %dma_start3A_826 : memref<1x8x64xf32, #tpu.memory_space<vmem>> -> memref<8x64xf32, #tpu.memory_space<vmem>>
      %dma_start3A_828 = arith.constant 0 : i32
      %dma_start3A_829 = tpu.memref_slice %arg4[%mul3A_822, %dma_start3A_828] : memref<1000000x64xf32, #tpu.memory_space<hbm>> -> memref<8x64xf32, #tpu.memory_space<hbm>>
      %dma_start3A_830 = arith.constant 0 : i32
      %dma_start3A_831 = arith.constant 0 : i32
      %dma_start3A_832 = tpu.memref_slice %arg13[%dma_start3A_823, %dma_start3A_830, %dma_start3A_831] : memref<16x8x64xf32, #tpu.memory_space<vmem>> -> memref<1x8x64xf32, #tpu.memory_space<vmem>>
      %dma_start3A_833 = tpu.memref_squeeze %dma_start3A_832 : memref<1x8x64xf32, #tpu.memory_space<vmem>> -> memref<8x64xf32, #tpu.memory_space<vmem>>
      %dma_start3A_834 = arith.constant 0 : i32
      %dma_start3A_835 = tpu.memref_slice %arg4[%mul3A_822, %dma_start3A_834] : memref<1000000x64xf32, #tpu.memory_space<hbm>> -> memref<8x64xf32, #tpu.memory_space<hbm>>
      tpu.enqueue_dma source(%dma_start3A_835 : memref<8x64xf32, #tpu.memory_space<hbm>>) target(%dma_start3A_833 : memref<8x64xf32, #tpu.memory_space<vmem>>) target_semaphore(%arg18 : memref<!tpu.dma_semaphore, #tpu.memory_space<semaphore_mem>>)
      %slice3A_836 = vector.extract_strided_slice %shift_right_logical3A_787 {offsets = [1], sizes = [1], strides = [1]} : vector<16xi32> to vector<1xi32>
      %squeeze3A_837 = vector.extract %slice3A_836[0] : i32 from vector<1xi32>
      %mul3A_838 = arith.constant 8 : i32
      %mul3A_839 = arith.muli %squeeze3A_837, %mul3A_838 : i32
      %dma_start3A_840 = arith.constant 1 : i32
      %dma_start3A_841 = arith.constant 0 : i32
      %dma_start3A_842 = arith.constant 0 : i32
      %dma_start3A_843 = tpu.memref_slice %arg14[%dma_start3A_840, %dma_start3A_841, %dma_start3A_842] : memref<16x8x64xf32, #tpu.memory_space<vmem>> -> memref<1x8x64xf32, #tpu.memory_space<vmem>>
      %dma_start3A_844 = tpu.memref_squeeze %dma_start3A_843 : memref<1x8x64xf32, #tpu.memory_space<vmem>> -> memref<8x64xf32, #tpu.memory_space<vmem>>
      %dma_start3A_845 = arith.constant 0 : i32
      %dma_start3A_846 = tpu.memref_slice %arg5[%mul3A_839, %dma_start3A_845] : memref<1000000x64xf32, #tpu.memory_space<hbm>> -> memref<8x64xf32, #tpu.memory_space<hbm>>
      %dma_start3A_847 = arith.constant 0 : i32
      %dma_start3A_848 = arith.constant 0 : i32
      %dma_start3A_849 = tpu.memref_slice %arg14[%dma_start3A_840, %dma_start3A_847, %dma_start3A_848] : memref<16x8x64xf32, #tpu.memory_space<vmem>> -> memref<1x8x64xf32, #tpu.memory_space<vmem>>
      %dma_start3A_850 = tpu.memref_squeeze %dma_start3A_849 : memref<1x8x64xf32, #tpu.memory_space<vmem>> -> memref<8x64xf32, #tpu.memory_space<vmem>>
      %dma_start3A_851 = arith.constant 0 : i32
      %dma_start3A_852 = tpu.memref_slice %arg5[%mul3A_839, %dma_start3A_851] : memref<1000000x64xf32, #tpu.memory_space<hbm>> -> memref<8x64xf32, #tpu.memory_space<hbm>>
      tpu.enqueue_dma source(%dma_start3A_852 : memref<8x64xf32, #tpu.memory_space<hbm>>) target(%dma_start3A_850 : memref<8x64xf32, #tpu.memory_space<vmem>>) target_semaphore(%arg19 : memref<!tpu.dma_semaphore, #tpu.memory_space<semaphore_mem>>)
      %slice3A_853 = vector.extract_strided_slice %shift_right_logical3A_780 {offsets = [2], sizes = [1], strides = [1]} : vector<16xi32> to vector<1xi32>
      %squeeze3A_854 = vector.extract %slice3A_853[0] : i32 from vector<1xi32>
      %mul3A_855 = arith.constant 8 : i32
      %mul3A_856 = arith.muli %squeeze3A_854, %mul3A_855 : i32
      %dma_start3A_857 = arith.constant 2 : i32
      %dma_start3A_858 = arith.constant 0 : i32
      %dma_start3A_859 = arith.constant 0 : i32
      %dma_start3A_860 = tpu.memref_slice %arg13[%dma_start3A_857, %dma_start3A_858, %dma_start3A_859] : memref<16x8x64xf32, #tpu.memory_space<vmem>> -> memref<1x8x64xf32, #tpu.memory_space<vmem>>
      %dma_start3A_861 = tpu.memref_squeeze %dma_start3A_860 : memref<1x8x64xf32, #tpu.memory_space<vmem>> -> memref<8x64xf32, #tpu.memory_space<vmem>>
      %dma_start3A_862 = arith.constant 0 : i32
      %dma_start3A_863 = tpu.memref_slice %arg4[%mul3A_856, %dma_start3A_862] : memref<1000000x64xf32, #tpu.memory_space<hbm>> -> memref<8x64xf32, #tpu.memory_space<hbm>>
      %dma_start3A_864 = arith.constant 0 : i32
      %dma_start3A_865 = arith.constant 0 : i32
      %dma_start3A_866 = tpu.memref_slice %arg13[%dma_start3A_857, %dma_start3A_864, %dma_start3A_865] : memref<16x8x64xf32, #tpu.memory_space<vmem>> -> memref<1x8x64xf32, #tpu.memory_space<vmem>>
      %dma_start3A_867 = tpu.memref_squeeze %dma_start3A_866 : memref<1x8x64xf32, #tpu.memory_space<vmem>> -> memref<8x64xf32, #tpu.memory_space<vmem>>
      %dma_start3A_868 = arith.constant 0 : i32
      %dma_start3A_869 = tpu.memref_slice %arg4[%mul3A_856, %dma_start3A_868] : memref<1000000x64xf32, #tpu.memory_space<hbm>> -> memref<8x64xf32, #tpu.memory_space<hbm>>
      tpu.enqueue_dma source(%dma_start3A_869 : memref<8x64xf32, #tpu.memory_space<hbm>>) target(%dma_start3A_867 : memref<8x64xf32, #tpu.memory_space<vmem>>) target_semaphore(%arg18 : memref<!tpu.dma_semaphore, #tpu.memory_space<semaphore_mem>>)
      %slice3A_870 = vector.extract_strided_slice %shift_right_logical3A_787 {offsets = [2], sizes = [1], strides = [1]} : vector<16xi32> to vector<1xi32>
      %squeeze3A_871 = vector.extract %slice3A_870[0] : i32 from vector<1xi32>
      %mul3A_872 = arith.constant 8 : i32
      %mul3A_873 = arith.muli %squeeze3A_871, %mul3A_872 : i32
      %dma_start3A_874 = arith.constant 2 : i32
      %dma_start3A_875 = arith.constant 0 : i32
      %dma_start3A_876 = arith.constant 0 : i32
      %dma_start3A_877 = tpu.memref_slice %arg14[%dma_start3A_874, %dma_start3A_875, %dma_start3A_876] : memref<16x8x64xf32, #tpu.memory_space<vmem>> -> memref<1x8x64xf32, #tpu.memory_space<vmem>>
      %dma_start3A_878 = tpu.memref_squeeze %dma_start3A_877 : memref<1x8x64xf32, #tpu.memory_space<vmem>> -> memref<8x64xf32, #tpu.memory_space<vmem>>
      %dma_start3A_879 = arith.constant 0 : i32
      %dma_start3A_880 = tpu.memref_slice %arg5[%mul3A_873, %dma_start3A_879] : memref<1000000x64xf32, #tpu.memory_space<hbm>> -> memref<8x64xf32, #tpu.memory_space<hbm>>
      %dma_start3A_881 = arith.constant 0 : i32
      %dma_start3A_882 = arith.constant 0 : i32
      %dma_start3A_883 = tpu.memref_slice %arg14[%dma_start3A_874, %dma_start3A_881, %dma_start3A_882] : memref<16x8x64xf32, #tpu.memory_space<vmem>> -> memref<1x8x64xf32, #tpu.memory_space<vmem>>
      %dma_start3A_884 = tpu.memref_squeeze %dma_start3A_883 : memref<1x8x64xf32, #tpu.memory_space<vmem>> -> memref<8x64xf32, #tpu.memory_space<vmem>>
      %dma_start3A_885 = arith.constant 0 : i32
      %dma_start3A_886 = tpu.memref_slice %arg5[%mul3A_873, %dma_start3A_885] : memref<1000000x64xf32, #tpu.memory_space<hbm>> -> memref<8x64xf32, #tpu.memory_space<hbm>>
      tpu.enqueue_dma source(%dma_start3A_886 : memref<8x64xf32, #tpu.memory_space<hbm>>) target(%dma_start3A_884 : memref<8x64xf32, #tpu.memory_space<vmem>>) target_semaphore(%arg19 : memref<!tpu.dma_semaphore, #tpu.memory_space<semaphore_mem>>)
      %slice3A_887 = vector.extract_strided_slice %shift_right_logical3A_780 {offsets = [3], sizes = [1], strides = [1]} : vector<16xi32> to vector<1xi32>
      %squeeze3A_888 = vector.extract %slice3A_887[0] : i32 from vector<1xi32>
      %mul3A_889 = arith.constant 8 : i32
      %mul3A_890 = arith.muli %squeeze3A_888, %mul3A_889 : i32
      %dma_start3A_891 = arith.constant 3 : i32
      %dma_start3A_892 = arith.constant 0 : i32
      %dma_start3A_893 = arith.constant 0 : i32
      %dma_start3A_894 = tpu.memref_slice %arg13[%dma_start3A_891, %dma_start3A_892, %dma_start3A_893] : memref<16x8x64xf32, #tpu.memory_space<vmem>> -> memref<1x8x64xf32, #tpu.memory_space<vmem>>
      %dma_start3A_895 = tpu.memref_squeeze %dma_start3A_894 : memref<1x8x64xf32, #tpu.memory_space<vmem>> -> memref<8x64xf32, #tpu.memory_space<vmem>>
      %dma_start3A_896 = arith.constant 0 : i32
      %dma_start3A_897 = tpu.memref_slice %arg4[%mul3A_890, %dma_start3A_896] : memref<1000000x64xf32, #tpu.memory_space<hbm>> -> memref<8x64xf32, #tpu.memory_space<hbm>>
      %dma_start3A_898 = arith.constant 0 : i32
      %dma_start3A_899 = arith.constant 0 : i32
      %dma_start3A_900 = tpu.memref_slice %arg13[%dma_start3A_891, %dma_start3A_898, %dma_start3A_899] : memref<16x8x64xf32, #tpu.memory_space<vmem>> -> memref<1x8x64xf32, #tpu.memory_space<vmem>>
      %dma_start3A_901 = tpu.memref_squeeze %dma_start3A_900 : memref<1x8x64xf32, #tpu.memory_space<vmem>> -> memref<8x64xf32, #tpu.memory_space<vmem>>
      %dma_start3A_902 = arith.constant 0 : i32
      %dma_start3A_903 = tpu.memref_slice %arg4[%mul3A_890, %dma_start3A_902] : memref<1000000x64xf32, #tpu.memory_space<hbm>> -> memref<8x64xf32, #tpu.memory_space<hbm>>
      tpu.enqueue_dma source(%dma_start3A_903 : memref<8x64xf32, #tpu.memory_space<hbm>>) target(%dma_start3A_901 : memref<8x64xf32, #tpu.memory_space<vmem>>) target_semaphore(%arg18 : memref<!tpu.dma_semaphore, #tpu.memory_space<semaphore_mem>>)
      %slice3A_904 = vector.extract_strided_slice %shift_right_logical3A_787 {offsets = [3], sizes = [1], strides = [1]} : vector<16xi32> to vector<1xi32>
      %squeeze3A_905 = vector.extract %slice3A_904[0] : i32 from vector<1xi32>
      %mul3A_906 = arith.constant 8 : i32
      %mul3A_907 = arith.muli %squeeze3A_905, %mul3A_906 : i32
      %dma_start3A_908 = arith.constant 3 : i32
      %dma_start3A_909 = arith.constant 0 : i32
      %dma_start3A_910 = arith.constant 0 : i32
      %dma_start3A_911 = tpu.memref_slice %arg14[%dma_start3A_908, %dma_start3A_909, %dma_start3A_910] : memref<16x8x64xf32, #tpu.memory_space<vmem>> -> memref<1x8x64xf32, #tpu.memory_space<vmem>>
      %dma_start3A_912 = tpu.memref_squeeze %dma_start3A_911 : memref<1x8x64xf32, #tpu.memory_space<vmem>> -> memref<8x64xf32, #tpu.memory_space<vmem>>
      %dma_start3A_913 = arith.constant 0 : i32
      %dma_start3A_914 = tpu.memref_slice %arg5[%mul3A_907, %dma_start3A_913] : memref<1000000x64xf32, #tpu.memory_space<hbm>> -> memref<8x64xf32, #tpu.memory_space<hbm>>
      %dma_start3A_915 = arith.constant 0 : i32
      %dma_start3A_916 = arith.constant 0 : i32
      %dma_start3A_917 = tpu.memref_slice %arg14[%dma_start3A_908, %dma_start3A_915, %dma_start3A_916] : memref<16x8x64xf32, #tpu.memory_space<vmem>> -> memref<1x8x64xf32, #tpu.memory_space<vmem>>
      %dma_start3A_918 = tpu.memref_squeeze %dma_start3A_917 : memref<1x8x64xf32, #tpu.memory_space<vmem>> -> memref<8x64xf32, #tpu.memory_space<vmem>>
      %dma_start3A_919 = arith.constant 0 : i32
      %dma_start3A_920 = tpu.memref_slice %arg5[%mul3A_907, %dma_start3A_919] : memref<1000000x64xf32, #tpu.memory_space<hbm>> -> memref<8x64xf32, #tpu.memory_space<hbm>>
      tpu.enqueue_dma source(%dma_start3A_920 : memref<8x64xf32, #tpu.memory_space<hbm>>) target(%dma_start3A_918 : memref<8x64xf32, #tpu.memory_space<vmem>>) target_semaphore(%arg19 : memref<!tpu.dma_semaphore, #tpu.memory_space<semaphore_mem>>)
      %slice3A_921 = vector.extract_strided_slice %shift_right_logical3A_780 {offsets = [4], sizes = [1], strides = [1]} : vector<16xi32> to vector<1xi32>
      %squeeze3A_922 = vector.extract %slice3A_921[0] : i32 from vector<1xi32>
      %mul3A_923 = arith.constant 8 : i32
      %mul3A_924 = arith.muli %squeeze3A_922, %mul3A_923 : i32
      %dma_start3A_925 = arith.constant 4 : i32
      %dma_start3A_926 = arith.constant 0 : i32
      %dma_start3A_927 = arith.constant 0 : i32
      %dma_start3A_928 = tpu.memref_slice %arg13[%dma_start3A_925, %dma_start3A_926, %dma_start3A_927] : memref<16x8x64xf32, #tpu.memory_space<vmem>> -> memref<1x8x64xf32, #tpu.memory_space<vmem>>
      %dma_start3A_929 = tpu.memref_squeeze %dma_start3A_928 : memref<1x8x64xf32, #tpu.memory_space<vmem>> -> memref<8x64xf32, #tpu.memory_space<vmem>>
      %dma_start3A_930 = arith.constant 0 : i32
      %dma_start3A_931 = tpu.memref_slice %arg4[%mul3A_924, %dma_start3A_930] : memref<1000000x64xf32, #tpu.memory_space<hbm>> -> memref<8x64xf32, #tpu.memory_space<hbm>>
      %dma_start3A_932 = arith.constant 0 : i32
      %dma_start3A_933 = arith.constant 0 : i32
      %dma_start3A_934 = tpu.memref_slice %arg13[%dma_start3A_925, %dma_start3A_932, %dma_start3A_933] : memref<16x8x64xf32, #tpu.memory_space<vmem>> -> memref<1x8x64xf32, #tpu.memory_space<vmem>>
      %dma_start3A_935 = tpu.memref_squeeze %dma_start3A_934 : memref<1x8x64xf32, #tpu.memory_space<vmem>> -> memref<8x64xf32, #tpu.memory_space<vmem>>
      %dma_start3A_936 = arith.constant 0 : i32
      %dma_start3A_937 = tpu.memref_slice %arg4[%mul3A_924, %dma_start3A_936] : memref<1000000x64xf32, #tpu.memory_space<hbm>> -> memref<8x64xf32, #tpu.memory_space<hbm>>
      tpu.enqueue_dma source(%dma_start3A_937 : memref<8x64xf32, #tpu.memory_space<hbm>>) target(%dma_start3A_935 : memref<8x64xf32, #tpu.memory_space<vmem>>) target_semaphore(%arg18 : memref<!tpu.dma_semaphore, #tpu.memory_space<semaphore_mem>>)
      %slice3A_938 = vector.extract_strided_slice %shift_right_logical3A_787 {offsets = [4], sizes = [1], strides = [1]} : vector<16xi32> to vector<1xi32>
      %squeeze3A_939 = vector.extract %slice3A_938[0] : i32 from vector<1xi32>
      %mul3A_940 = arith.constant 8 : i32
      %mul3A_941 = arith.muli %squeeze3A_939, %mul3A_940 : i32
      %dma_start3A_942 = arith.constant 4 : i32
      %dma_start3A_943 = arith.constant 0 : i32
      %dma_start3A_944 = arith.constant 0 : i32
      %dma_start3A_945 = tpu.memref_slice %arg14[%dma_start3A_942, %dma_start3A_943, %dma_start3A_944] : memref<16x8x64xf32, #tpu.memory_space<vmem>> -> memref<1x8x64xf32, #tpu.memory_space<vmem>>
      %dma_start3A_946 = tpu.memref_squeeze %dma_start3A_945 : memref<1x8x64xf32, #tpu.memory_space<vmem>> -> memref<8x64xf32, #tpu.memory_space<vmem>>
      %dma_start3A_947 = arith.constant 0 : i32
      %dma_start3A_948 = tpu.memref_slice %arg5[%mul3A_941, %dma_start3A_947] : memref<1000000x64xf32, #tpu.memory_space<hbm>> -> memref<8x64xf32, #tpu.memory_space<hbm>>
      %dma_start3A_949 = arith.constant 0 : i32
      %dma_start3A_950 = arith.constant 0 : i32
      %dma_start3A_951 = tpu.memref_slice %arg14[%dma_start3A_942, %dma_start3A_949, %dma_start3A_950] : memref<16x8x64xf32, #tpu.memory_space<vmem>> -> memref<1x8x64xf32, #tpu.memory_space<vmem>>
      %dma_start3A_952 = tpu.memref_squeeze %dma_start3A_951 : memref<1x8x64xf32, #tpu.memory_space<vmem>> -> memref<8x64xf32, #tpu.memory_space<vmem>>
      %dma_start3A_953 = arith.constant 0 : i32
      %dma_start3A_954 = tpu.memref_slice %arg5[%mul3A_941, %dma_start3A_953] : memref<1000000x64xf32, #tpu.memory_space<hbm>> -> memref<8x64xf32, #tpu.memory_space<hbm>>
      tpu.enqueue_dma source(%dma_start3A_954 : memref<8x64xf32, #tpu.memory_space<hbm>>) target(%dma_start3A_952 : memref<8x64xf32, #tpu.memory_space<vmem>>) target_semaphore(%arg19 : memref<!tpu.dma_semaphore, #tpu.memory_space<semaphore_mem>>)
      %slice3A_955 = vector.extract_strided_slice %shift_right_logical3A_780 {offsets = [5], sizes = [1], strides = [1]} : vector<16xi32> to vector<1xi32>
      %squeeze3A_956 = vector.extract %slice3A_955[0] : i32 from vector<1xi32>
      %mul3A_957 = arith.constant 8 : i32
      %mul3A_958 = arith.muli %squeeze3A_956, %mul3A_957 : i32
      %dma_start3A_959 = arith.constant 5 : i32
      %dma_start3A_960 = arith.constant 0 : i32
      %dma_start3A_961 = arith.constant 0 : i32
      %dma_start3A_962 = tpu.memref_slice %arg13[%dma_start3A_959, %dma_start3A_960, %dma_start3A_961] : memref<16x8x64xf32, #tpu.memory_space<vmem>> -> memref<1x8x64xf32, #tpu.memory_space<vmem>>
      %dma_start3A_963 = tpu.memref_squeeze %dma_start3A_962 : memref<1x8x64xf32, #tpu.memory_space<vmem>> -> memref<8x64xf32, #tpu.memory_space<vmem>>
      %dma_start3A_964 = arith.constant 0 : i32
      %dma_start3A_965 = tpu.memref_slice %arg4[%mul3A_958, %dma_start3A_964] : memref<1000000x64xf32, #tpu.memory_space<hbm>> -> memref<8x64xf32, #tpu.memory_space<hbm>>
      %dma_start3A_966 = arith.constant 0 : i32
      %dma_start3A_967 = arith.constant 0 : i32
      %dma_start3A_968 = tpu.memref_slice %arg13[%dma_start3A_959, %dma_start3A_966, %dma_start3A_967] : memref<16x8x64xf32, #tpu.memory_space<vmem>> -> memref<1x8x64xf32, #tpu.memory_space<vmem>>
      %dma_start3A_969 = tpu.memref_squeeze %dma_start3A_968 : memref<1x8x64xf32, #tpu.memory_space<vmem>> -> memref<8x64xf32, #tpu.memory_space<vmem>>
      %dma_start3A_970 = arith.constant 0 : i32
      %dma_start3A_971 = tpu.memref_slice %arg4[%mul3A_958, %dma_start3A_970] : memref<1000000x64xf32, #tpu.memory_space<hbm>> -> memref<8x64xf32, #tpu.memory_space<hbm>>
      tpu.enqueue_dma source(%dma_start3A_971 : memref<8x64xf32, #tpu.memory_space<hbm>>) target(%dma_start3A_969 : memref<8x64xf32, #tpu.memory_space<vmem>>) target_semaphore(%arg18 : memref<!tpu.dma_semaphore, #tpu.memory_space<semaphore_mem>>)
      %slice3A_972 = vector.extract_strided_slice %shift_right_logical3A_787 {offsets = [5], sizes = [1], strides = [1]} : vector<16xi32> to vector<1xi32>
      %squeeze3A_973 = vector.extract %slice3A_972[0] : i32 from vector<1xi32>
      %mul3A_974 = arith.constant 8 : i32
      %mul3A_975 = arith.muli %squeeze3A_973, %mul3A_974 : i32
      %dma_start3A_976 = arith.constant 5 : i32
      %dma_start3A_977 = arith.constant 0 : i32
      %dma_start3A_978 = arith.constant 0 : i32
      %dma_start3A_979 = tpu.memref_slice %arg14[%dma_start3A_976, %dma_start3A_977, %dma_start3A_978] : memref<16x8x64xf32, #tpu.memory_space<vmem>> -> memref<1x8x64xf32, #tpu.memory_space<vmem>>
      %dma_start3A_980 = tpu.memref_squeeze %dma_start3A_979 : memref<1x8x64xf32, #tpu.memory_space<vmem>> -> memref<8x64xf32, #tpu.memory_space<vmem>>
      %dma_start3A_981 = arith.constant 0 : i32
      %dma_start3A_982 = tpu.memref_slice %arg5[%mul3A_975, %dma_start3A_981] : memref<1000000x64xf32, #tpu.memory_space<hbm>> -> memref<8x64xf32, #tpu.memory_space<hbm>>
      %dma_start3A_983 = arith.constant 0 : i32
      %dma_start3A_984 = arith.constant 0 : i32
      %dma_start3A_985 = tpu.memref_slice %arg14[%dma_start3A_976, %dma_start3A_983, %dma_start3A_984] : memref<16x8x64xf32, #tpu.memory_space<vmem>> -> memref<1x8x64xf32, #tpu.memory_space<vmem>>
      %dma_start3A_986 = tpu.memref_squeeze %dma_start3A_985 : memref<1x8x64xf32, #tpu.memory_space<vmem>> -> memref<8x64xf32, #tpu.memory_space<vmem>>
      %dma_start3A_987 = arith.constant 0 : i32
      %dma_start3A_988 = tpu.memref_slice %arg5[%mul3A_975, %dma_start3A_987] : memref<1000000x64xf32, #tpu.memory_space<hbm>> -> memref<8x64xf32, #tpu.memory_space<hbm>>
      tpu.enqueue_dma source(%dma_start3A_988 : memref<8x64xf32, #tpu.memory_space<hbm>>) target(%dma_start3A_986 : memref<8x64xf32, #tpu.memory_space<vmem>>) target_semaphore(%arg19 : memref<!tpu.dma_semaphore, #tpu.memory_space<semaphore_mem>>)
      %slice3A_989 = vector.extract_strided_slice %shift_right_logical3A_780 {offsets = [6], sizes = [1], strides = [1]} : vector<16xi32> to vector<1xi32>
      %squeeze3A_990 = vector.extract %slice3A_989[0] : i32 from vector<1xi32>
      %mul3A_991 = arith.constant 8 : i32
      %mul3A_992 = arith.muli %squeeze3A_990, %mul3A_991 : i32
      %dma_start3A_993 = arith.constant 6 : i32
      %dma_start3A_994 = arith.constant 0 : i32
      %dma_start3A_995 = arith.constant 0 : i32
      %dma_start3A_996 = tpu.memref_slice %arg13[%dma_start3A_993, %dma_start3A_994, %dma_start3A_995] : memref<16x8x64xf32, #tpu.memory_space<vmem>> -> memref<1x8x64xf32, #tpu.memory_space<vmem>>
      %dma_start3A_997 = tpu.memref_squeeze %dma_start3A_996 : memref<1x8x64xf32, #tpu.memory_space<vmem>> -> memref<8x64xf32, #tpu.memory_space<vmem>>
      %dma_start3A_998 = arith.constant 0 : i32
      %dma_start3A_999 = tpu.memref_slice %arg4[%mul3A_992, %dma_start3A_998] : memref<1000000x64xf32, #tpu.memory_space<hbm>> -> memref<8x64xf32, #tpu.memory_space<hbm>>
      %dma_start3A_1000 = arith.constant 0 : i32
      %dma_start3A_1001 = arith.constant 0 : i32
      %dma_start3A_1002 = tpu.memref_slice %arg13[%dma_start3A_993, %dma_start3A_1000, %dma_start3A_1001] : memref<16x8x64xf32, #tpu.memory_space<vmem>> -> memref<1x8x64xf32, #tpu.memory_space<vmem>>
      %dma_start3A_1003 = tpu.memref_squeeze %dma_start3A_1002 : memref<1x8x64xf32, #tpu.memory_space<vmem>> -> memref<8x64xf32, #tpu.memory_space<vmem>>
      %dma_start3A_1004 = arith.constant 0 : i32
      %dma_start3A_1005 = tpu.memref_slice %arg4[%mul3A_992, %dma_start3A_1004] : memref<1000000x64xf32, #tpu.memory_space<hbm>> -> memref<8x64xf32, #tpu.memory_space<hbm>>
      tpu.enqueue_dma source(%dma_start3A_1005 : memref<8x64xf32, #tpu.memory_space<hbm>>) target(%dma_start3A_1003 : memref<8x64xf32, #tpu.memory_space<vmem>>) target_semaphore(%arg18 : memref<!tpu.dma_semaphore, #tpu.memory_space<semaphore_mem>>)
      %slice3A_1006 = vector.extract_strided_slice %shift_right_logical3A_787 {offsets = [6], sizes = [1], strides = [1]} : vector<16xi32> to vector<1xi32>
      %squeeze3A_1007 = vector.extract %slice3A_1006[0] : i32 from vector<1xi32>
      %mul3A_1008 = arith.constant 8 : i32
      %mul3A_1009 = arith.muli %squeeze3A_1007, %mul3A_1008 : i32
      %dma_start3A_1010 = arith.constant 6 : i32
      %dma_start3A_1011 = arith.constant 0 : i32
      %dma_start3A_1012 = arith.constant 0 : i32
      %dma_start3A_1013 = tpu.memref_slice %arg14[%dma_start3A_1010, %dma_start3A_1011, %dma_start3A_1012] : memref<16x8x64xf32, #tpu.memory_space<vmem>> -> memref<1x8x64xf32, #tpu.memory_space<vmem>>
      %dma_start3A_1014 = tpu.memref_squeeze %dma_start3A_1013 : memref<1x8x64xf32, #tpu.memory_space<vmem>> -> memref<8x64xf32, #tpu.memory_space<vmem>>
      %dma_start3A_1015 = arith.constant 0 : i32
      %dma_start3A_1016 = tpu.memref_slice %arg5[%mul3A_1009, %dma_start3A_1015] : memref<1000000x64xf32, #tpu.memory_space<hbm>> -> memref<8x64xf32, #tpu.memory_space<hbm>>
      %dma_start3A_1017 = arith.constant 0 : i32
      %dma_start3A_1018 = arith.constant 0 : i32
      %dma_start3A_1019 = tpu.memref_slice %arg14[%dma_start3A_1010, %dma_start3A_1017, %dma_start3A_1018] : memref<16x8x64xf32, #tpu.memory_space<vmem>> -> memref<1x8x64xf32, #tpu.memory_space<vmem>>
      %dma_start3A_1020 = tpu.memref_squeeze %dma_start3A_1019 : memref<1x8x64xf32, #tpu.memory_space<vmem>> -> memref<8x64xf32, #tpu.memory_space<vmem>>
      %dma_start3A_1021 = arith.constant 0 : i32
      %dma_start3A_1022 = tpu.memref_slice %arg5[%mul3A_1009, %dma_start3A_1021] : memref<1000000x64xf32, #tpu.memory_space<hbm>> -> memref<8x64xf32, #tpu.memory_space<hbm>>
      tpu.enqueue_dma source(%dma_start3A_1022 : memref<8x64xf32, #tpu.memory_space<hbm>>) target(%dma_start3A_1020 : memref<8x64xf32, #tpu.memory_space<vmem>>) target_semaphore(%arg19 : memref<!tpu.dma_semaphore, #tpu.memory_space<semaphore_mem>>)
      %slice3A_1023 = vector.extract_strided_slice %shift_right_logical3A_780 {offsets = [7], sizes = [1], strides = [1]} : vector<16xi32> to vector<1xi32>
      %squeeze3A_1024 = vector.extract %slice3A_1023[0] : i32 from vector<1xi32>
      %mul3A_1025 = arith.constant 8 : i32
      %mul3A_1026 = arith.muli %squeeze3A_1024, %mul3A_1025 : i32
      %dma_start3A_1027 = arith.constant 7 : i32
      %dma_start3A_1028 = arith.constant 0 : i32
      %dma_start3A_1029 = arith.constant 0 : i32
      %dma_start3A_1030 = tpu.memref_slice %arg13[%dma_start3A_1027, %dma_start3A_1028, %dma_start3A_1029] : memref<16x8x64xf32, #tpu.memory_space<vmem>> -> memref<1x8x64xf32, #tpu.memory_space<vmem>>
      %dma_start3A_1031 = tpu.memref_squeeze %dma_start3A_1030 : memref<1x8x64xf32, #tpu.memory_space<vmem>> -> memref<8x64xf32, #tpu.memory_space<vmem>>
      %dma_start3A_1032 = arith.constant 0 : i32
      %dma_start3A_1033 = tpu.memref_slice %arg4[%mul3A_1026, %dma_start3A_1032] : memref<1000000x64xf32, #tpu.memory_space<hbm>> -> memref<8x64xf32, #tpu.memory_space<hbm>>
      %dma_start3A_1034 = arith.constant 0 : i32
      %dma_start3A_1035 = arith.constant 0 : i32
      %dma_start3A_1036 = tpu.memref_slice %arg13[%dma_start3A_1027, %dma_start3A_1034, %dma_start3A_1035] : memref<16x8x64xf32, #tpu.memory_space<vmem>> -> memref<1x8x64xf32, #tpu.memory_space<vmem>>
      %dma_start3A_1037 = tpu.memref_squeeze %dma_start3A_1036 : memref<1x8x64xf32, #tpu.memory_space<vmem>> -> memref<8x64xf32, #tpu.memory_space<vmem>>
      %dma_start3A_1038 = arith.constant 0 : i32
      %dma_start3A_1039 = tpu.memref_slice %arg4[%mul3A_1026, %dma_start3A_1038] : memref<1000000x64xf32, #tpu.memory_space<hbm>> -> memref<8x64xf32, #tpu.memory_space<hbm>>
      tpu.enqueue_dma source(%dma_start3A_1039 : memref<8x64xf32, #tpu.memory_space<hbm>>) target(%dma_start3A_1037 : memref<8x64xf32, #tpu.memory_space<vmem>>) target_semaphore(%arg18 : memref<!tpu.dma_semaphore, #tpu.memory_space<semaphore_mem>>)
      %slice3A_1040 = vector.extract_strided_slice %shift_right_logical3A_787 {offsets = [7], sizes = [1], strides = [1]} : vector<16xi32> to vector<1xi32>
      %squeeze3A_1041 = vector.extract %slice3A_1040[0] : i32 from vector<1xi32>
      %mul3A_1042 = arith.constant 8 : i32
      %mul3A_1043 = arith.muli %squeeze3A_1041, %mul3A_1042 : i32
      %dma_start3A_1044 = arith.constant 7 : i32
      %dma_start3A_1045 = arith.constant 0 : i32
      %dma_start3A_1046 = arith.constant 0 : i32
      %dma_start3A_1047 = tpu.memref_slice %arg14[%dma_start3A_1044, %dma_start3A_1045, %dma_start3A_1046] : memref<16x8x64xf32, #tpu.memory_space<vmem>> -> memref<1x8x64xf32, #tpu.memory_space<vmem>>
      %dma_start3A_1048 = tpu.memref_squeeze %dma_start3A_1047 : memref<1x8x64xf32, #tpu.memory_space<vmem>> -> memref<8x64xf32, #tpu.memory_space<vmem>>
      %dma_start3A_1049 = arith.constant 0 : i32
      %dma_start3A_1050 = tpu.memref_slice %arg5[%mul3A_1043, %dma_start3A_1049] : memref<1000000x64xf32, #tpu.memory_space<hbm>> -> memref<8x64xf32, #tpu.memory_space<hbm>>
      %dma_start3A_1051 = arith.constant 0 : i32
      %dma_start3A_1052 = arith.constant 0 : i32
      %dma_start3A_1053 = tpu.memref_slice %arg14[%dma_start3A_1044, %dma_start3A_1051, %dma_start3A_1052] : memref<16x8x64xf32, #tpu.memory_space<vmem>> -> memref<1x8x64xf32, #tpu.memory_space<vmem>>
      %dma_start3A_1054 = tpu.memref_squeeze %dma_start3A_1053 : memref<1x8x64xf32, #tpu.memory_space<vmem>> -> memref<8x64xf32, #tpu.memory_space<vmem>>
      %dma_start3A_1055 = arith.constant 0 : i32
      %dma_start3A_1056 = tpu.memref_slice %arg5[%mul3A_1043, %dma_start3A_1055] : memref<1000000x64xf32, #tpu.memory_space<hbm>> -> memref<8x64xf32, #tpu.memory_space<hbm>>
      tpu.enqueue_dma source(%dma_start3A_1056 : memref<8x64xf32, #tpu.memory_space<hbm>>) target(%dma_start3A_1054 : memref<8x64xf32, #tpu.memory_space<vmem>>) target_semaphore(%arg19 : memref<!tpu.dma_semaphore, #tpu.memory_space<semaphore_mem>>)
      %slice3A_1057 = vector.extract_strided_slice %shift_right_logical3A_780 {offsets = [8], sizes = [1], strides = [1]} : vector<16xi32> to vector<1xi32>
      %squeeze3A_1058 = vector.extract %slice3A_1057[0] : i32 from vector<1xi32>
      %mul3A_1059 = arith.constant 8 : i32
      %mul3A_1060 = arith.muli %squeeze3A_1058, %mul3A_1059 : i32
      %dma_start3A_1061 = arith.constant 8 : i32
      %dma_start3A_1062 = arith.constant 0 : i32
      %dma_start3A_1063 = arith.constant 0 : i32
      %dma_start3A_1064 = tpu.memref_slice %arg13[%dma_start3A_1061, %dma_start3A_1062, %dma_start3A_1063] : memref<16x8x64xf32, #tpu.memory_space<vmem>> -> memref<1x8x64xf32, #tpu.memory_space<vmem>>
      %dma_start3A_1065 = tpu.memref_squeeze %dma_start3A_1064 : memref<1x8x64xf32, #tpu.memory_space<vmem>> -> memref<8x64xf32, #tpu.memory_space<vmem>>
      %dma_start3A_1066 = arith.constant 0 : i32
      %dma_start3A_1067 = tpu.memref_slice %arg4[%mul3A_1060, %dma_start3A_1066] : memref<1000000x64xf32, #tpu.memory_space<hbm>> -> memref<8x64xf32, #tpu.memory_space<hbm>>
      %dma_start3A_1068 = arith.constant 0 : i32
      %dma_start3A_1069 = arith.constant 0 : i32
      %dma_start3A_1070 = tpu.memref_slice %arg13[%dma_start3A_1061, %dma_start3A_1068, %dma_start3A_1069] : memref<16x8x64xf32, #tpu.memory_space<vmem>> -> memref<1x8x64xf32, #tpu.memory_space<vmem>>
      %dma_start3A_1071 = tpu.memref_squeeze %dma_start3A_1070 : memref<1x8x64xf32, #tpu.memory_space<vmem>> -> memref<8x64xf32, #tpu.memory_space<vmem>>
      %dma_start3A_1072 = arith.constant 0 : i32
      %dma_start3A_1073 = tpu.memref_slice %arg4[%mul3A_1060, %dma_start3A_1072] : memref<1000000x64xf32, #tpu.memory_space<hbm>> -> memref<8x64xf32, #tpu.memory_space<hbm>>
      tpu.enqueue_dma source(%dma_start3A_1073 : memref<8x64xf32, #tpu.memory_space<hbm>>) target(%dma_start3A_1071 : memref<8x64xf32, #tpu.memory_space<vmem>>) target_semaphore(%arg18 : memref<!tpu.dma_semaphore, #tpu.memory_space<semaphore_mem>>)
      %slice3A_1074 = vector.extract_strided_slice %shift_right_logical3A_787 {offsets = [8], sizes = [1], strides = [1]} : vector<16xi32> to vector<1xi32>
      %squeeze3A_1075 = vector.extract %slice3A_1074[0] : i32 from vector<1xi32>
      %mul3A_1076 = arith.constant 8 : i32
      %mul3A_1077 = arith.muli %squeeze3A_1075, %mul3A_1076 : i32
      %dma_start3A_1078 = arith.constant 8 : i32
      %dma_start3A_1079 = arith.constant 0 : i32
      %dma_start3A_1080 = arith.constant 0 : i32
      %dma_start3A_1081 = tpu.memref_slice %arg14[%dma_start3A_1078, %dma_start3A_1079, %dma_start3A_1080] : memref<16x8x64xf32, #tpu.memory_space<vmem>> -> memref<1x8x64xf32, #tpu.memory_space<vmem>>
      %dma_start3A_1082 = tpu.memref_squeeze %dma_start3A_1081 : memref<1x8x64xf32, #tpu.memory_space<vmem>> -> memref<8x64xf32, #tpu.memory_space<vmem>>
      %dma_start3A_1083 = arith.constant 0 : i32
      %dma_start3A_1084 = tpu.memref_slice %arg5[%mul3A_1077, %dma_start3A_1083] : memref<1000000x64xf32, #tpu.memory_space<hbm>> -> memref<8x64xf32, #tpu.memory_space<hbm>>
      %dma_start3A_1085 = arith.constant 0 : i32
      %dma_start3A_1086 = arith.constant 0 : i32
      %dma_start3A_1087 = tpu.memref_slice %arg14[%dma_start3A_1078, %dma_start3A_1085, %dma_start3A_1086] : memref<16x8x64xf32, #tpu.memory_space<vmem>> -> memref<1x8x64xf32, #tpu.memory_space<vmem>>
      %dma_start3A_1088 = tpu.memref_squeeze %dma_start3A_1087 : memref<1x8x64xf32, #tpu.memory_space<vmem>> -> memref<8x64xf32, #tpu.memory_space<vmem>>
      %dma_start3A_1089 = arith.constant 0 : i32
      %dma_start3A_1090 = tpu.memref_slice %arg5[%mul3A_1077, %dma_start3A_1089] : memref<1000000x64xf32, #tpu.memory_space<hbm>> -> memref<8x64xf32, #tpu.memory_space<hbm>>
      tpu.enqueue_dma source(%dma_start3A_1090 : memref<8x64xf32, #tpu.memory_space<hbm>>) target(%dma_start3A_1088 : memref<8x64xf32, #tpu.memory_space<vmem>>) target_semaphore(%arg19 : memref<!tpu.dma_semaphore, #tpu.memory_space<semaphore_mem>>)
      %slice3A_1091 = vector.extract_strided_slice %shift_right_logical3A_780 {offsets = [9], sizes = [1], strides = [1]} : vector<16xi32> to vector<1xi32>
      %squeeze3A_1092 = vector.extract %slice3A_1091[0] : i32 from vector<1xi32>
      %mul3A_1093 = arith.constant 8 : i32
      %mul3A_1094 = arith.muli %squeeze3A_1092, %mul3A_1093 : i32
      %dma_start3A_1095 = arith.constant 9 : i32
      %dma_start3A_1096 = arith.constant 0 : i32
      %dma_start3A_1097 = arith.constant 0 : i32
      %dma_start3A_1098 = tpu.memref_slice %arg13[%dma_start3A_1095, %dma_start3A_1096, %dma_start3A_1097] : memref<16x8x64xf32, #tpu.memory_space<vmem>> -> memref<1x8x64xf32, #tpu.memory_space<vmem>>
      %dma_start3A_1099 = tpu.memref_squeeze %dma_start3A_1098 : memref<1x8x64xf32, #tpu.memory_space<vmem>> -> memref<8x64xf32, #tpu.memory_space<vmem>>
      %dma_start3A_1100 = arith.constant 0 : i32
      %dma_start3A_1101 = tpu.memref_slice %arg4[%mul3A_1094, %dma_start3A_1100] : memref<1000000x64xf32, #tpu.memory_space<hbm>> -> memref<8x64xf32, #tpu.memory_space<hbm>>
      %dma_start3A_1102 = arith.constant 0 : i32
      %dma_start3A_1103 = arith.constant 0 : i32
      %dma_start3A_1104 = tpu.memref_slice %arg13[%dma_start3A_1095, %dma_start3A_1102, %dma_start3A_1103] : memref<16x8x64xf32, #tpu.memory_space<vmem>> -> memref<1x8x64xf32, #tpu.memory_space<vmem>>
      %dma_start3A_1105 = tpu.memref_squeeze %dma_start3A_1104 : memref<1x8x64xf32, #tpu.memory_space<vmem>> -> memref<8x64xf32, #tpu.memory_space<vmem>>
      %dma_start3A_1106 = arith.constant 0 : i32
      %dma_start3A_1107 = tpu.memref_slice %arg4[%mul3A_1094, %dma_start3A_1106] : memref<1000000x64xf32, #tpu.memory_space<hbm>> -> memref<8x64xf32, #tpu.memory_space<hbm>>
      tpu.enqueue_dma source(%dma_start3A_1107 : memref<8x64xf32, #tpu.memory_space<hbm>>) target(%dma_start3A_1105 : memref<8x64xf32, #tpu.memory_space<vmem>>) target_semaphore(%arg18 : memref<!tpu.dma_semaphore, #tpu.memory_space<semaphore_mem>>)
      %slice3A_1108 = vector.extract_strided_slice %shift_right_logical3A_787 {offsets = [9], sizes = [1], strides = [1]} : vector<16xi32> to vector<1xi32>
      %squeeze3A_1109 = vector.extract %slice3A_1108[0] : i32 from vector<1xi32>
      %mul3A_1110 = arith.constant 8 : i32
      %mul3A_1111 = arith.muli %squeeze3A_1109, %mul3A_1110 : i32
      %dma_start3A_1112 = arith.constant 9 : i32
      %dma_start3A_1113 = arith.constant 0 : i32
      %dma_start3A_1114 = arith.constant 0 : i32
      %dma_start3A_1115 = tpu.memref_slice %arg14[%dma_start3A_1112, %dma_start3A_1113, %dma_start3A_1114] : memref<16x8x64xf32, #tpu.memory_space<vmem>> -> memref<1x8x64xf32, #tpu.memory_space<vmem>>
      %dma_start3A_1116 = tpu.memref_squeeze %dma_start3A_1115 : memref<1x8x64xf32, #tpu.memory_space<vmem>> -> memref<8x64xf32, #tpu.memory_space<vmem>>
      %dma_start3A_1117 = arith.constant 0 : i32
      %dma_start3A_1118 = tpu.memref_slice %arg5[%mul3A_1111, %dma_start3A_1117] : memref<1000000x64xf32, #tpu.memory_space<hbm>> -> memref<8x64xf32, #tpu.memory_space<hbm>>
      %dma_start3A_1119 = arith.constant 0 : i32
      %dma_start3A_1120 = arith.constant 0 : i32
      %dma_start3A_1121 = tpu.memref_slice %arg14[%dma_start3A_1112, %dma_start3A_1119, %dma_start3A_1120] : memref<16x8x64xf32, #tpu.memory_space<vmem>> -> memref<1x8x64xf32, #tpu.memory_space<vmem>>
      %dma_start3A_1122 = tpu.memref_squeeze %dma_start3A_1121 : memref<1x8x64xf32, #tpu.memory_space<vmem>> -> memref<8x64xf32, #tpu.memory_space<vmem>>
      %dma_start3A_1123 = arith.constant 0 : i32
      %dma_start3A_1124 = tpu.memref_slice %arg5[%mul3A_1111, %dma_start3A_1123] : memref<1000000x64xf32, #tpu.memory_space<hbm>> -> memref<8x64xf32, #tpu.memory_space<hbm>>
      tpu.enqueue_dma source(%dma_start3A_1124 : memref<8x64xf32, #tpu.memory_space<hbm>>) target(%dma_start3A_1122 : memref<8x64xf32, #tpu.memory_space<vmem>>) target_semaphore(%arg19 : memref<!tpu.dma_semaphore, #tpu.memory_space<semaphore_mem>>)
      %slice3A_1125 = vector.extract_strided_slice %shift_right_logical3A_780 {offsets = [10], sizes = [1], strides = [1]} : vector<16xi32> to vector<1xi32>
      %squeeze3A_1126 = vector.extract %slice3A_1125[0] : i32 from vector<1xi32>
      %mul3A_1127 = arith.constant 8 : i32
      %mul3A_1128 = arith.muli %squeeze3A_1126, %mul3A_1127 : i32
      %dma_start3A_1129 = arith.constant 10 : i32
      %dma_start3A_1130 = arith.constant 0 : i32
      %dma_start3A_1131 = arith.constant 0 : i32
      %dma_start3A_1132 = tpu.memref_slice %arg13[%dma_start3A_1129, %dma_start3A_1130, %dma_start3A_1131] : memref<16x8x64xf32, #tpu.memory_space<vmem>> -> memref<1x8x64xf32, #tpu.memory_space<vmem>>
      %dma_start3A_1133 = tpu.memref_squeeze %dma_start3A_1132 : memref<1x8x64xf32, #tpu.memory_space<vmem>> -> memref<8x64xf32, #tpu.memory_space<vmem>>
      %dma_start3A_1134 = arith.constant 0 : i32
      %dma_start3A_1135 = tpu.memref_slice %arg4[%mul3A_1128, %dma_start3A_1134] : memref<1000000x64xf32, #tpu.memory_space<hbm>> -> memref<8x64xf32, #tpu.memory_space<hbm>>
      %dma_start3A_1136 = arith.constant 0 : i32
      %dma_start3A_1137 = arith.constant 0 : i32
      %dma_start3A_1138 = tpu.memref_slice %arg13[%dma_start3A_1129, %dma_start3A_1136, %dma_start3A_1137] : memref<16x8x64xf32, #tpu.memory_space<vmem>> -> memref<1x8x64xf32, #tpu.memory_space<vmem>>
      %dma_start3A_1139 = tpu.memref_squeeze %dma_start3A_1138 : memref<1x8x64xf32, #tpu.memory_space<vmem>> -> memref<8x64xf32, #tpu.memory_space<vmem>>
      %dma_start3A_1140 = arith.constant 0 : i32
      %dma_start3A_1141 = tpu.memref_slice %arg4[%mul3A_1128, %dma_start3A_1140] : memref<1000000x64xf32, #tpu.memory_space<hbm>> -> memref<8x64xf32, #tpu.memory_space<hbm>>
      tpu.enqueue_dma source(%dma_start3A_1141 : memref<8x64xf32, #tpu.memory_space<hbm>>) target(%dma_start3A_1139 : memref<8x64xf32, #tpu.memory_space<vmem>>) target_semaphore(%arg18 : memref<!tpu.dma_semaphore, #tpu.memory_space<semaphore_mem>>)
      %slice3A_1142 = vector.extract_strided_slice %shift_right_logical3A_787 {offsets = [10], sizes = [1], strides = [1]} : vector<16xi32> to vector<1xi32>
      %squeeze3A_1143 = vector.extract %slice3A_1142[0] : i32 from vector<1xi32>
      %mul3A_1144 = arith.constant 8 : i32
      %mul3A_1145 = arith.muli %squeeze3A_1143, %mul3A_1144 : i32
      %dma_start3A_1146 = arith.constant 10 : i32
      %dma_start3A_1147 = arith.constant 0 : i32
      %dma_start3A_1148 = arith.constant 0 : i32
      %dma_start3A_1149 = tpu.memref_slice %arg14[%dma_start3A_1146, %dma_start3A_1147, %dma_start3A_1148] : memref<16x8x64xf32, #tpu.memory_space<vmem>> -> memref<1x8x64xf32, #tpu.memory_space<vmem>>
      %dma_start3A_1150 = tpu.memref_squeeze %dma_start3A_1149 : memref<1x8x64xf32, #tpu.memory_space<vmem>> -> memref<8x64xf32, #tpu.memory_space<vmem>>
      %dma_start3A_1151 = arith.constant 0 : i32
      %dma_start3A_1152 = tpu.memref_slice %arg5[%mul3A_1145, %dma_start3A_1151] : memref<1000000x64xf32, #tpu.memory_space<hbm>> -> memref<8x64xf32, #tpu.memory_space<hbm>>
      %dma_start3A_1153 = arith.constant 0 : i32
      %dma_start3A_1154 = arith.constant 0 : i32
      %dma_start3A_1155 = tpu.memref_slice %arg14[%dma_start3A_1146, %dma_start3A_1153, %dma_start3A_1154] : memref<16x8x64xf32, #tpu.memory_space<vmem>> -> memref<1x8x64xf32, #tpu.memory_space<vmem>>
      %dma_start3A_1156 = tpu.memref_squeeze %dma_start3A_1155 : memref<1x8x64xf32, #tpu.memory_space<vmem>> -> memref<8x64xf32, #tpu.memory_space<vmem>>
      %dma_start3A_1157 = arith.constant 0 : i32
      %dma_start3A_1158 = tpu.memref_slice %arg5[%mul3A_1145, %dma_start3A_1157] : memref<1000000x64xf32, #tpu.memory_space<hbm>> -> memref<8x64xf32, #tpu.memory_space<hbm>>
      tpu.enqueue_dma source(%dma_start3A_1158 : memref<8x64xf32, #tpu.memory_space<hbm>>) target(%dma_start3A_1156 : memref<8x64xf32, #tpu.memory_space<vmem>>) target_semaphore(%arg19 : memref<!tpu.dma_semaphore, #tpu.memory_space<semaphore_mem>>)
      %slice3A_1159 = vector.extract_strided_slice %shift_right_logical3A_780 {offsets = [11], sizes = [1], strides = [1]} : vector<16xi32> to vector<1xi32>
      %squeeze3A_1160 = vector.extract %slice3A_1159[0] : i32 from vector<1xi32>
      %mul3A_1161 = arith.constant 8 : i32
      %mul3A_1162 = arith.muli %squeeze3A_1160, %mul3A_1161 : i32
      %dma_start3A_1163 = arith.constant 11 : i32
      %dma_start3A_1164 = arith.constant 0 : i32
      %dma_start3A_1165 = arith.constant 0 : i32
      %dma_start3A_1166 = tpu.memref_slice %arg13[%dma_start3A_1163, %dma_start3A_1164, %dma_start3A_1165] : memref<16x8x64xf32, #tpu.memory_space<vmem>> -> memref<1x8x64xf32, #tpu.memory_space<vmem>>
      %dma_start3A_1167 = tpu.memref_squeeze %dma_start3A_1166 : memref<1x8x64xf32, #tpu.memory_space<vmem>> -> memref<8x64xf32, #tpu.memory_space<vmem>>
      %dma_start3A_1168 = arith.constant 0 : i32
      %dma_start3A_1169 = tpu.memref_slice %arg4[%mul3A_1162, %dma_start3A_1168] : memref<1000000x64xf32, #tpu.memory_space<hbm>> -> memref<8x64xf32, #tpu.memory_space<hbm>>
      %dma_start3A_1170 = arith.constant 0 : i32
      %dma_start3A_1171 = arith.constant 0 : i32
      %dma_start3A_1172 = tpu.memref_slice %arg13[%dma_start3A_1163, %dma_start3A_1170, %dma_start3A_1171] : memref<16x8x64xf32, #tpu.memory_space<vmem>> -> memref<1x8x64xf32, #tpu.memory_space<vmem>>
      %dma_start3A_1173 = tpu.memref_squeeze %dma_start3A_1172 : memref<1x8x64xf32, #tpu.memory_space<vmem>> -> memref<8x64xf32, #tpu.memory_space<vmem>>
      %dma_start3A_1174 = arith.constant 0 : i32
      %dma_start3A_1175 = tpu.memref_slice %arg4[%mul3A_1162, %dma_start3A_1174] : memref<1000000x64xf32, #tpu.memory_space<hbm>> -> memref<8x64xf32, #tpu.memory_space<hbm>>
      tpu.enqueue_dma source(%dma_start3A_1175 : memref<8x64xf32, #tpu.memory_space<hbm>>) target(%dma_start3A_1173 : memref<8x64xf32, #tpu.memory_space<vmem>>) target_semaphore(%arg18 : memref<!tpu.dma_semaphore, #tpu.memory_space<semaphore_mem>>)
      %slice3A_1176 = vector.extract_strided_slice %shift_right_logical3A_787 {offsets = [11], sizes = [1], strides = [1]} : vector<16xi32> to vector<1xi32>
      %squeeze3A_1177 = vector.extract %slice3A_1176[0] : i32 from vector<1xi32>
      %mul3A_1178 = arith.constant 8 : i32
      %mul3A_1179 = arith.muli %squeeze3A_1177, %mul3A_1178 : i32
      %dma_start3A_1180 = arith.constant 11 : i32
      %dma_start3A_1181 = arith.constant 0 : i32
      %dma_start3A_1182 = arith.constant 0 : i32
      %dma_start3A_1183 = tpu.memref_slice %arg14[%dma_start3A_1180, %dma_start3A_1181, %dma_start3A_1182] : memref<16x8x64xf32, #tpu.memory_space<vmem>> -> memref<1x8x64xf32, #tpu.memory_space<vmem>>
      %dma_start3A_1184 = tpu.memref_squeeze %dma_start3A_1183 : memref<1x8x64xf32, #tpu.memory_space<vmem>> -> memref<8x64xf32, #tpu.memory_space<vmem>>
      %dma_start3A_1185 = arith.constant 0 : i32
      %dma_start3A_1186 = tpu.memref_slice %arg5[%mul3A_1179, %dma_start3A_1185] : memref<1000000x64xf32, #tpu.memory_space<hbm>> -> memref<8x64xf32, #tpu.memory_space<hbm>>
      %dma_start3A_1187 = arith.constant 0 : i32
      %dma_start3A_1188 = arith.constant 0 : i32
      %dma_start3A_1189 = tpu.memref_slice %arg14[%dma_start3A_1180, %dma_start3A_1187, %dma_start3A_1188] : memref<16x8x64xf32, #tpu.memory_space<vmem>> -> memref<1x8x64xf32, #tpu.memory_space<vmem>>
      %dma_start3A_1190 = tpu.memref_squeeze %dma_start3A_1189 : memref<1x8x64xf32, #tpu.memory_space<vmem>> -> memref<8x64xf32, #tpu.memory_space<vmem>>
      %dma_start3A_1191 = arith.constant 0 : i32
      %dma_start3A_1192 = tpu.memref_slice %arg5[%mul3A_1179, %dma_start3A_1191] : memref<1000000x64xf32, #tpu.memory_space<hbm>> -> memref<8x64xf32, #tpu.memory_space<hbm>>
      tpu.enqueue_dma source(%dma_start3A_1192 : memref<8x64xf32, #tpu.memory_space<hbm>>) target(%dma_start3A_1190 : memref<8x64xf32, #tpu.memory_space<vmem>>) target_semaphore(%arg19 : memref<!tpu.dma_semaphore, #tpu.memory_space<semaphore_mem>>)
      %slice3A_1193 = vector.extract_strided_slice %shift_right_logical3A_780 {offsets = [12], sizes = [1], strides = [1]} : vector<16xi32> to vector<1xi32>
      %squeeze3A_1194 = vector.extract %slice3A_1193[0] : i32 from vector<1xi32>
      %mul3A_1195 = arith.constant 8 : i32
      %mul3A_1196 = arith.muli %squeeze3A_1194, %mul3A_1195 : i32
      %dma_start3A_1197 = arith.constant 12 : i32
      %dma_start3A_1198 = arith.constant 0 : i32
      %dma_start3A_1199 = arith.constant 0 : i32
      %dma_start3A_1200 = tpu.memref_slice %arg13[%dma_start3A_1197, %dma_start3A_1198, %dma_start3A_1199] : memref<16x8x64xf32, #tpu.memory_space<vmem>> -> memref<1x8x64xf32, #tpu.memory_space<vmem>>
      %dma_start3A_1201 = tpu.memref_squeeze %dma_start3A_1200 : memref<1x8x64xf32, #tpu.memory_space<vmem>> -> memref<8x64xf32, #tpu.memory_space<vmem>>
      %dma_start3A_1202 = arith.constant 0 : i32
      %dma_start3A_1203 = tpu.memref_slice %arg4[%mul3A_1196, %dma_start3A_1202] : memref<1000000x64xf32, #tpu.memory_space<hbm>> -> memref<8x64xf32, #tpu.memory_space<hbm>>
      %dma_start3A_1204 = arith.constant 0 : i32
      %dma_start3A_1205 = arith.constant 0 : i32
      %dma_start3A_1206 = tpu.memref_slice %arg13[%dma_start3A_1197, %dma_start3A_1204, %dma_start3A_1205] : memref<16x8x64xf32, #tpu.memory_space<vmem>> -> memref<1x8x64xf32, #tpu.memory_space<vmem>>
      %dma_start3A_1207 = tpu.memref_squeeze %dma_start3A_1206 : memref<1x8x64xf32, #tpu.memory_space<vmem>> -> memref<8x64xf32, #tpu.memory_space<vmem>>
      %dma_start3A_1208 = arith.constant 0 : i32
      %dma_start3A_1209 = tpu.memref_slice %arg4[%mul3A_1196, %dma_start3A_1208] : memref<1000000x64xf32, #tpu.memory_space<hbm>> -> memref<8x64xf32, #tpu.memory_space<hbm>>
      tpu.enqueue_dma source(%dma_start3A_1209 : memref<8x64xf32, #tpu.memory_space<hbm>>) target(%dma_start3A_1207 : memref<8x64xf32, #tpu.memory_space<vmem>>) target_semaphore(%arg18 : memref<!tpu.dma_semaphore, #tpu.memory_space<semaphore_mem>>)
      %slice3A_1210 = vector.extract_strided_slice %shift_right_logical3A_787 {offsets = [12], sizes = [1], strides = [1]} : vector<16xi32> to vector<1xi32>
      %squeeze3A_1211 = vector.extract %slice3A_1210[0] : i32 from vector<1xi32>
      %mul3A_1212 = arith.constant 8 : i32
      %mul3A_1213 = arith.muli %squeeze3A_1211, %mul3A_1212 : i32
      %dma_start3A_1214 = arith.constant 12 : i32
      %dma_start3A_1215 = arith.constant 0 : i32
      %dma_start3A_1216 = arith.constant 0 : i32
      %dma_start3A_1217 = tpu.memref_slice %arg14[%dma_start3A_1214, %dma_start3A_1215, %dma_start3A_1216] : memref<16x8x64xf32, #tpu.memory_space<vmem>> -> memref<1x8x64xf32, #tpu.memory_space<vmem>>
      %dma_start3A_1218 = tpu.memref_squeeze %dma_start3A_1217 : memref<1x8x64xf32, #tpu.memory_space<vmem>> -> memref<8x64xf32, #tpu.memory_space<vmem>>
      %dma_start3A_1219 = arith.constant 0 : i32
      %dma_start3A_1220 = tpu.memref_slice %arg5[%mul3A_1213, %dma_start3A_1219] : memref<1000000x64xf32, #tpu.memory_space<hbm>> -> memref<8x64xf32, #tpu.memory_space<hbm>>
      %dma_start3A_1221 = arith.constant 0 : i32
      %dma_start3A_1222 = arith.constant 0 : i32
      %dma_start3A_1223 = tpu.memref_slice %arg14[%dma_start3A_1214, %dma_start3A_1221, %dma_start3A_1222] : memref<16x8x64xf32, #tpu.memory_space<vmem>> -> memref<1x8x64xf32, #tpu.memory_space<vmem>>
      %dma_start3A_1224 = tpu.memref_squeeze %dma_start3A_1223 : memref<1x8x64xf32, #tpu.memory_space<vmem>> -> memref<8x64xf32, #tpu.memory_space<vmem>>
      %dma_start3A_1225 = arith.constant 0 : i32
      %dma_start3A_1226 = tpu.memref_slice %arg5[%mul3A_1213, %dma_start3A_1225] : memref<1000000x64xf32, #tpu.memory_space<hbm>> -> memref<8x64xf32, #tpu.memory_space<hbm>>
      tpu.enqueue_dma source(%dma_start3A_1226 : memref<8x64xf32, #tpu.memory_space<hbm>>) target(%dma_start3A_1224 : memref<8x64xf32, #tpu.memory_space<vmem>>) target_semaphore(%arg19 : memref<!tpu.dma_semaphore, #tpu.memory_space<semaphore_mem>>)
      %slice3A_1227 = vector.extract_strided_slice %shift_right_logical3A_780 {offsets = [13], sizes = [1], strides = [1]} : vector<16xi32> to vector<1xi32>
      %squeeze3A_1228 = vector.extract %slice3A_1227[0] : i32 from vector<1xi32>
      %mul3A_1229 = arith.constant 8 : i32
      %mul3A_1230 = arith.muli %squeeze3A_1228, %mul3A_1229 : i32
      %dma_start3A_1231 = arith.constant 13 : i32
      %dma_start3A_1232 = arith.constant 0 : i32
      %dma_start3A_1233 = arith.constant 0 : i32
      %dma_start3A_1234 = tpu.memref_slice %arg13[%dma_start3A_1231, %dma_start3A_1232, %dma_start3A_1233] : memref<16x8x64xf32, #tpu.memory_space<vmem>> -> memref<1x8x64xf32, #tpu.memory_space<vmem>>
      %dma_start3A_1235 = tpu.memref_squeeze %dma_start3A_1234 : memref<1x8x64xf32, #tpu.memory_space<vmem>> -> memref<8x64xf32, #tpu.memory_space<vmem>>
      %dma_start3A_1236 = arith.constant 0 : i32
      %dma_start3A_1237 = tpu.memref_slice %arg4[%mul3A_1230, %dma_start3A_1236] : memref<1000000x64xf32, #tpu.memory_space<hbm>> -> memref<8x64xf32, #tpu.memory_space<hbm>>
      %dma_start3A_1238 = arith.constant 0 : i32
      %dma_start3A_1239 = arith.constant 0 : i32
      %dma_start3A_1240 = tpu.memref_slice %arg13[%dma_start3A_1231, %dma_start3A_1238, %dma_start3A_1239] : memref<16x8x64xf32, #tpu.memory_space<vmem>> -> memref<1x8x64xf32, #tpu.memory_space<vmem>>
      %dma_start3A_1241 = tpu.memref_squeeze %dma_start3A_1240 : memref<1x8x64xf32, #tpu.memory_space<vmem>> -> memref<8x64xf32, #tpu.memory_space<vmem>>
      %dma_start3A_1242 = arith.constant 0 : i32
      %dma_start3A_1243 = tpu.memref_slice %arg4[%mul3A_1230, %dma_start3A_1242] : memref<1000000x64xf32, #tpu.memory_space<hbm>> -> memref<8x64xf32, #tpu.memory_space<hbm>>
      tpu.enqueue_dma source(%dma_start3A_1243 : memref<8x64xf32, #tpu.memory_space<hbm>>) target(%dma_start3A_1241 : memref<8x64xf32, #tpu.memory_space<vmem>>) target_semaphore(%arg18 : memref<!tpu.dma_semaphore, #tpu.memory_space<semaphore_mem>>)
      %slice3A_1244 = vector.extract_strided_slice %shift_right_logical3A_787 {offsets = [13], sizes = [1], strides = [1]} : vector<16xi32> to vector<1xi32>
      %squeeze3A_1245 = vector.extract %slice3A_1244[0] : i32 from vector<1xi32>
      %mul3A_1246 = arith.constant 8 : i32
      %mul3A_1247 = arith.muli %squeeze3A_1245, %mul3A_1246 : i32
      %dma_start3A_1248 = arith.constant 13 : i32
      %dma_start3A_1249 = arith.constant 0 : i32
      %dma_start3A_1250 = arith.constant 0 : i32
      %dma_start3A_1251 = tpu.memref_slice %arg14[%dma_start3A_1248, %dma_start3A_1249, %dma_start3A_1250] : memref<16x8x64xf32, #tpu.memory_space<vmem>> -> memref<1x8x64xf32, #tpu.memory_space<vmem>>
      %dma_start3A_1252 = tpu.memref_squeeze %dma_start3A_1251 : memref<1x8x64xf32, #tpu.memory_space<vmem>> -> memref<8x64xf32, #tpu.memory_space<vmem>>
      %dma_start3A_1253 = arith.constant 0 : i32
      %dma_start3A_1254 = tpu.memref_slice %arg5[%mul3A_1247, %dma_start3A_1253] : memref<1000000x64xf32, #tpu.memory_space<hbm>> -> memref<8x64xf32, #tpu.memory_space<hbm>>
      %dma_start3A_1255 = arith.constant 0 : i32
      %dma_start3A_1256 = arith.constant 0 : i32
      %dma_start3A_1257 = tpu.memref_slice %arg14[%dma_start3A_1248, %dma_start3A_1255, %dma_start3A_1256] : memref<16x8x64xf32, #tpu.memory_space<vmem>> -> memref<1x8x64xf32, #tpu.memory_space<vmem>>
      %dma_start3A_1258 = tpu.memref_squeeze %dma_start3A_1257 : memref<1x8x64xf32, #tpu.memory_space<vmem>> -> memref<8x64xf32, #tpu.memory_space<vmem>>
      %dma_start3A_1259 = arith.constant 0 : i32
      %dma_start3A_1260 = tpu.memref_slice %arg5[%mul3A_1247, %dma_start3A_1259] : memref<1000000x64xf32, #tpu.memory_space<hbm>> -> memref<8x64xf32, #tpu.memory_space<hbm>>
      tpu.enqueue_dma source(%dma_start3A_1260 : memref<8x64xf32, #tpu.memory_space<hbm>>) target(%dma_start3A_1258 : memref<8x64xf32, #tpu.memory_space<vmem>>) target_semaphore(%arg19 : memref<!tpu.dma_semaphore, #tpu.memory_space<semaphore_mem>>)
      %slice3A_1261 = vector.extract_strided_slice %shift_right_logical3A_780 {offsets = [14], sizes = [1], strides = [1]} : vector<16xi32> to vector<1xi32>
      %squeeze3A_1262 = vector.extract %slice3A_1261[0] : i32 from vector<1xi32>
      %mul3A_1263 = arith.constant 8 : i32
      %mul3A_1264 = arith.muli %squeeze3A_1262, %mul3A_1263 : i32
      %dma_start3A_1265 = arith.constant 14 : i32
      %dma_start3A_1266 = arith.constant 0 : i32
      %dma_start3A_1267 = arith.constant 0 : i32
      %dma_start3A_1268 = tpu.memref_slice %arg13[%dma_start3A_1265, %dma_start3A_1266, %dma_start3A_1267] : memref<16x8x64xf32, #tpu.memory_space<vmem>> -> memref<1x8x64xf32, #tpu.memory_space<vmem>>
      %dma_start3A_1269 = tpu.memref_squeeze %dma_start3A_1268 : memref<1x8x64xf32, #tpu.memory_space<vmem>> -> memref<8x64xf32, #tpu.memory_space<vmem>>
      %dma_start3A_1270 = arith.constant 0 : i32
      %dma_start3A_1271 = tpu.memref_slice %arg4[%mul3A_1264, %dma_start3A_1270] : memref<1000000x64xf32, #tpu.memory_space<hbm>> -> memref<8x64xf32, #tpu.memory_space<hbm>>
      %dma_start3A_1272 = arith.constant 0 : i32
      %dma_start3A_1273 = arith.constant 0 : i32
      %dma_start3A_1274 = tpu.memref_slice %arg13[%dma_start3A_1265, %dma_start3A_1272, %dma_start3A_1273] : memref<16x8x64xf32, #tpu.memory_space<vmem>> -> memref<1x8x64xf32, #tpu.memory_space<vmem>>
      %dma_start3A_1275 = tpu.memref_squeeze %dma_start3A_1274 : memref<1x8x64xf32, #tpu.memory_space<vmem>> -> memref<8x64xf32, #tpu.memory_space<vmem>>
      %dma_start3A_1276 = arith.constant 0 : i32
      %dma_start3A_1277 = tpu.memref_slice %arg4[%mul3A_1264, %dma_start3A_1276] : memref<1000000x64xf32, #tpu.memory_space<hbm>> -> memref<8x64xf32, #tpu.memory_space<hbm>>
      tpu.enqueue_dma source(%dma_start3A_1277 : memref<8x64xf32, #tpu.memory_space<hbm>>) target(%dma_start3A_1275 : memref<8x64xf32, #tpu.memory_space<vmem>>) target_semaphore(%arg18 : memref<!tpu.dma_semaphore, #tpu.memory_space<semaphore_mem>>)
      %slice3A_1278 = vector.extract_strided_slice %shift_right_logical3A_787 {offsets = [14], sizes = [1], strides = [1]} : vector<16xi32> to vector<1xi32>
      %squeeze3A_1279 = vector.extract %slice3A_1278[0] : i32 from vector<1xi32>
      %mul3A_1280 = arith.constant 8 : i32
      %mul3A_1281 = arith.muli %squeeze3A_1279, %mul3A_1280 : i32
      %dma_start3A_1282 = arith.constant 14 : i32
      %dma_start3A_1283 = arith.constant 0 : i32
      %dma_start3A_1284 = arith.constant 0 : i32
      %dma_start3A_1285 = tpu.memref_slice %arg14[%dma_start3A_1282, %dma_start3A_1283, %dma_start3A_1284] : memref<16x8x64xf32, #tpu.memory_space<vmem>> -> memref<1x8x64xf32, #tpu.memory_space<vmem>>
      %dma_start3A_1286 = tpu.memref_squeeze %dma_start3A_1285 : memref<1x8x64xf32, #tpu.memory_space<vmem>> -> memref<8x64xf32, #tpu.memory_space<vmem>>
      %dma_start3A_1287 = arith.constant 0 : i32
      %dma_start3A_1288 = tpu.memref_slice %arg5[%mul3A_1281, %dma_start3A_1287] : memref<1000000x64xf32, #tpu.memory_space<hbm>> -> memref<8x64xf32, #tpu.memory_space<hbm>>
      %dma_start3A_1289 = arith.constant 0 : i32
      %dma_start3A_1290 = arith.constant 0 : i32
      %dma_start3A_1291 = tpu.memref_slice %arg14[%dma_start3A_1282, %dma_start3A_1289, %dma_start3A_1290] : memref<16x8x64xf32, #tpu.memory_space<vmem>> -> memref<1x8x64xf32, #tpu.memory_space<vmem>>
      %dma_start3A_1292 = tpu.memref_squeeze %dma_start3A_1291 : memref<1x8x64xf32, #tpu.memory_space<vmem>> -> memref<8x64xf32, #tpu.memory_space<vmem>>
      %dma_start3A_1293 = arith.constant 0 : i32
      %dma_start3A_1294 = tpu.memref_slice %arg5[%mul3A_1281, %dma_start3A_1293] : memref<1000000x64xf32, #tpu.memory_space<hbm>> -> memref<8x64xf32, #tpu.memory_space<hbm>>
      tpu.enqueue_dma source(%dma_start3A_1294 : memref<8x64xf32, #tpu.memory_space<hbm>>) target(%dma_start3A_1292 : memref<8x64xf32, #tpu.memory_space<vmem>>) target_semaphore(%arg19 : memref<!tpu.dma_semaphore, #tpu.memory_space<semaphore_mem>>)
      %slice3A_1295 = vector.extract_strided_slice %shift_right_logical3A_780 {offsets = [15], sizes = [1], strides = [1]} : vector<16xi32> to vector<1xi32>
      %squeeze3A_1296 = vector.extract %slice3A_1295[0] : i32 from vector<1xi32>
      %mul3A_1297 = arith.constant 8 : i32
      %mul3A_1298 = arith.muli %squeeze3A_1296, %mul3A_1297 : i32
      %dma_start3A_1299 = arith.constant 15 : i32
      %dma_start3A_1300 = arith.constant 0 : i32
      %dma_start3A_1301 = arith.constant 0 : i32
      %dma_start3A_1302 = tpu.memref_slice %arg13[%dma_start3A_1299, %dma_start3A_1300, %dma_start3A_1301] : memref<16x8x64xf32, #tpu.memory_space<vmem>> -> memref<1x8x64xf32, #tpu.memory_space<vmem>>
      %dma_start3A_1303 = tpu.memref_squeeze %dma_start3A_1302 : memref<1x8x64xf32, #tpu.memory_space<vmem>> -> memref<8x64xf32, #tpu.memory_space<vmem>>
      %dma_start3A_1304 = arith.constant 0 : i32
      %dma_start3A_1305 = tpu.memref_slice %arg4[%mul3A_1298, %dma_start3A_1304] : memref<1000000x64xf32, #tpu.memory_space<hbm>> -> memref<8x64xf32, #tpu.memory_space<hbm>>
      %dma_start3A_1306 = arith.constant 0 : i32
      %dma_start3A_1307 = arith.constant 0 : i32
      %dma_start3A_1308 = tpu.memref_slice %arg13[%dma_start3A_1299, %dma_start3A_1306, %dma_start3A_1307] : memref<16x8x64xf32, #tpu.memory_space<vmem>> -> memref<1x8x64xf32, #tpu.memory_space<vmem>>
      %dma_start3A_1309 = tpu.memref_squeeze %dma_start3A_1308 : memref<1x8x64xf32, #tpu.memory_space<vmem>> -> memref<8x64xf32, #tpu.memory_space<vmem>>
      %dma_start3A_1310 = arith.constant 0 : i32
      %dma_start3A_1311 = tpu.memref_slice %arg4[%mul3A_1298, %dma_start3A_1310] : memref<1000000x64xf32, #tpu.memory_space<hbm>> -> memref<8x64xf32, #tpu.memory_space<hbm>>
      tpu.enqueue_dma source(%dma_start3A_1311 : memref<8x64xf32, #tpu.memory_space<hbm>>) target(%dma_start3A_1309 : memref<8x64xf32, #tpu.memory_space<vmem>>) target_semaphore(%arg18 : memref<!tpu.dma_semaphore, #tpu.memory_space<semaphore_mem>>)
      %slice3A_1312 = vector.extract_strided_slice %shift_right_logical3A_787 {offsets = [15], sizes = [1], strides = [1]} : vector<16xi32> to vector<1xi32>
      %squeeze3A_1313 = vector.extract %slice3A_1312[0] : i32 from vector<1xi32>
      %mul3A_1314 = arith.constant 8 : i32
      %mul3A_1315 = arith.muli %squeeze3A_1313, %mul3A_1314 : i32
      %dma_start3A_1316 = arith.constant 15 : i32
      %dma_start3A_1317 = arith.constant 0 : i32
      %dma_start3A_1318 = arith.constant 0 : i32
      %dma_start3A_1319 = tpu.memref_slice %arg14[%dma_start3A_1316, %dma_start3A_1317, %dma_start3A_1318] : memref<16x8x64xf32, #tpu.memory_space<vmem>> -> memref<1x8x64xf32, #tpu.memory_space<vmem>>
      %dma_start3A_1320 = tpu.memref_squeeze %dma_start3A_1319 : memref<1x8x64xf32, #tpu.memory_space<vmem>> -> memref<8x64xf32, #tpu.memory_space<vmem>>
      %dma_start3A_1321 = arith.constant 0 : i32
      %dma_start3A_1322 = tpu.memref_slice %arg5[%mul3A_1315, %dma_start3A_1321] : memref<1000000x64xf32, #tpu.memory_space<hbm>> -> memref<8x64xf32, #tpu.memory_space<hbm>>
      %dma_start3A_1323 = arith.constant 0 : i32
      %dma_start3A_1324 = arith.constant 0 : i32
      %dma_start3A_1325 = tpu.memref_slice %arg14[%dma_start3A_1316, %dma_start3A_1323, %dma_start3A_1324] : memref<16x8x64xf32, #tpu.memory_space<vmem>> -> memref<1x8x64xf32, #tpu.memory_space<vmem>>
      %dma_start3A_1326 = tpu.memref_squeeze %dma_start3A_1325 : memref<1x8x64xf32, #tpu.memory_space<vmem>> -> memref<8x64xf32, #tpu.memory_space<vmem>>
      %dma_start3A_1327 = arith.constant 0 : i32
      %dma_start3A_1328 = tpu.memref_slice %arg5[%mul3A_1315, %dma_start3A_1327] : memref<1000000x64xf32, #tpu.memory_space<hbm>> -> memref<8x64xf32, #tpu.memory_space<hbm>>
      tpu.enqueue_dma source(%dma_start3A_1328 : memref<8x64xf32, #tpu.memory_space<hbm>>) target(%dma_start3A_1326 : memref<8x64xf32, #tpu.memory_space<vmem>>) target_semaphore(%arg19 : memref<!tpu.dma_semaphore, #tpu.memory_space<semaphore_mem>>)
      %add3A_1329 = arith.constant 0 : i32
      %add3A_1330 = arith.addi %mul3A_774, %add3A_1329 : i32
      %get3A_1331 = arith.index_cast %add3A_1330 : i32 to index
      %get3A_1332 = tpu.vector_load %arg9[%get3A_1331] {strides = array<i32>} : memref<512xi32, #tpu.memory_space<vmem>>, vector<16xi32>,
      %shift_right_logical3A_1333 = arith.constant 3 : i32
      %shift_right_logical3A_1334 = vector.broadcast %shift_right_logical3A_1333 : i32 to vector<16xi32>
      %shift_right_logical3A_1335 = arith.shrui %get3A_1332, %shift_right_logical3A_1334 : vector<16xi32>
      %add3A_1336 = arith.constant 0 : i32
      %add3A_1337 = arith.addi %mul3A_774, %add3A_1336 : i32
      %get3A_1338 = arith.index_cast %add3A_1337 : i32 to index
      %get3A_1339 = tpu.vector_load %arg10[%get3A_1338] {strides = array<i32>} : memref<512xi32, #tpu.memory_space<vmem>>, vector<16xi32>,
      %shift_right_logical3A_1340 = arith.constant 3 : i32
      %shift_right_logical3A_1341 = vector.broadcast %shift_right_logical3A_1340 : i32 to vector<16xi32>
      %shift_right_logical3A_1342 = arith.shrui %get3A_1339, %shift_right_logical3A_1341 : vector<16xi32>
      %slice3A_1343 = vector.extract_strided_slice %shift_right_logical3A_1335 {offsets = [0], sizes = [1], strides = [1]} : vector<16xi32> to vector<1xi32>
      %squeeze3A_1344 = vector.extract %slice3A_1343[0] : i32 from vector<1xi32>
      %mul3A_1345 = arith.constant 8 : i32
      %mul3A_1346 = arith.muli %squeeze3A_1344, %mul3A_1345 : i32
      %dma_wait3A = arith.constant 0 : i32
      %dma_wait3A_1347 = arith.constant 0 : i32
      %dma_wait3A_1348 = arith.constant 0 : i32
      %dma_wait3A_1349 = tpu.memref_slice %arg13[%dma_wait3A, %dma_wait3A_1347, %dma_wait3A_1348] : memref<16x8x64xf32, #tpu.memory_space<vmem>> -> memref<1x8x64xf32, #tpu.memory_space<vmem>>
      %dma_wait3A_1350 = tpu.memref_squeeze %dma_wait3A_1349 : memref<1x8x64xf32, #tpu.memory_space<vmem>> -> memref<8x64xf32, #tpu.memory_space<vmem>>
      %dma_wait3A_1351 = arith.constant 0 : i32
      %dma_wait3A_1352 = tpu.memref_slice %arg4[%mul3A_1346, %dma_wait3A_1351] : memref<1000000x64xf32, #tpu.memory_space<hbm>> -> memref<8x64xf32, #tpu.memory_space<hbm>>
      %dma_wait3A_1353 = arith.constant 0 : i32
      %dma_wait3A_1354 = arith.constant 0 : i32
      %dma_wait3A_1355 = tpu.memref_slice %arg13[%dma_wait3A, %dma_wait3A_1353, %dma_wait3A_1354] : memref<16x8x64xf32, #tpu.memory_space<vmem>> -> memref<1x8x64xf32, #tpu.memory_space<vmem>>
      %dma_wait3A_1356 = tpu.memref_squeeze %dma_wait3A_1355 : memref<1x8x64xf32, #tpu.memory_space<vmem>> -> memref<8x64xf32, #tpu.memory_space<vmem>>
      %dma_wait3A_1357 = arith.constant 0 : i32
      %dma_wait3A_1358 = tpu.memref_slice %arg4[%mul3A_1346, %dma_wait3A_1357] : memref<1000000x64xf32, #tpu.memory_space<hbm>> -> memref<8x64xf32, #tpu.memory_space<hbm>>
      tpu.wait_dma2 semaphore(%arg18 : memref<!tpu.dma_semaphore, #tpu.memory_space<semaphore_mem>>) src(%dma_wait3A_1358 : memref<8x64xf32, #tpu.memory_space<hbm>>) dst(%dma_wait3A_1356 : memref<8x64xf32, #tpu.memory_space<vmem>>)
      %slice3A_1359 = vector.extract_strided_slice %shift_right_logical3A_1342 {offsets = [0], sizes = [1], strides = [1]} : vector<16xi32> to vector<1xi32>
      %squeeze3A_1360 = vector.extract %slice3A_1359[0] : i32 from vector<1xi32>
      %mul3A_1361 = arith.constant 8 : i32
      %mul3A_1362 = arith.muli %squeeze3A_1360, %mul3A_1361 : i32
      %dma_wait3A_1363 = arith.constant 0 : i32
      %dma_wait3A_1364 = arith.constant 0 : i32
      %dma_wait3A_1365 = arith.constant 0 : i32
      %dma_wait3A_1366 = tpu.memref_slice %arg14[%dma_wait3A_1363, %dma_wait3A_1364, %dma_wait3A_1365] : memref<16x8x64xf32, #tpu.memory_space<vmem>> -> memref<1x8x64xf32, #tpu.memory_space<vmem>>
      %dma_wait3A_1367 = tpu.memref_squeeze %dma_wait3A_1366 : memref<1x8x64xf32, #tpu.memory_space<vmem>> -> memref<8x64xf32, #tpu.memory_space<vmem>>
      %dma_wait3A_1368 = arith.constant 0 : i32
      %dma_wait3A_1369 = tpu.memref_slice %arg5[%mul3A_1362, %dma_wait3A_1368] : memref<1000000x64xf32, #tpu.memory_space<hbm>> -> memref<8x64xf32, #tpu.memory_space<hbm>>
      %dma_wait3A_1370 = arith.constant 0 : i32
      %dma_wait3A_1371 = arith.constant 0 : i32
      %dma_wait3A_1372 = tpu.memref_slice %arg14[%dma_wait3A_1363, %dma_wait3A_1370, %dma_wait3A_1371] : memref<16x8x64xf32, #tpu.memory_space<vmem>> -> memref<1x8x64xf32, #tpu.memory_space<vmem>>
      %dma_wait3A_1373 = tpu.memref_squeeze %dma_wait3A_1372 : memref<1x8x64xf32, #tpu.memory_space<vmem>> -> memref<8x64xf32, #tpu.memory_space<vmem>>
      %dma_wait3A_1374 = arith.constant 0 : i32
      %dma_wait3A_1375 = tpu.memref_slice %arg5[%mul3A_1362, %dma_wait3A_1374] : memref<1000000x64xf32, #tpu.memory_space<hbm>> -> memref<8x64xf32, #tpu.memory_space<hbm>>
      tpu.wait_dma2 semaphore(%arg19 : memref<!tpu.dma_semaphore, #tpu.memory_space<semaphore_mem>>) src(%dma_wait3A_1375 : memref<8x64xf32, #tpu.memory_space<hbm>>) dst(%dma_wait3A_1373 : memref<8x64xf32, #tpu.memory_space<vmem>>)
      %slice3A_1376 = vector.extract_strided_slice %shift_right_logical3A_1335 {offsets = [1], sizes = [1], strides = [1]} : vector<16xi32> to vector<1xi32>
      %squeeze3A_1377 = vector.extract %slice3A_1376[0] : i32 from vector<1xi32>
      %mul3A_1378 = arith.constant 8 : i32
      %mul3A_1379 = arith.muli %squeeze3A_1377, %mul3A_1378 : i32
      %dma_wait3A_1380 = arith.constant 1 : i32
      %dma_wait3A_1381 = arith.constant 0 : i32
      %dma_wait3A_1382 = arith.constant 0 : i32
      %dma_wait3A_1383 = tpu.memref_slice %arg13[%dma_wait3A_1380, %dma_wait3A_1381, %dma_wait3A_1382] : memref<16x8x64xf32, #tpu.memory_space<vmem>> -> memref<1x8x64xf32, #tpu.memory_space<vmem>>
      %dma_wait3A_1384 = tpu.memref_squeeze %dma_wait3A_1383 : memref<1x8x64xf32, #tpu.memory_space<vmem>> -> memref<8x64xf32, #tpu.memory_space<vmem>>
      %dma_wait3A_1385 = arith.constant 0 : i32
      %dma_wait3A_1386 = tpu.memref_slice %arg4[%mul3A_1379, %dma_wait3A_1385] : memref<1000000x64xf32, #tpu.memory_space<hbm>> -> memref<8x64xf32, #tpu.memory_space<hbm>>
      %dma_wait3A_1387 = arith.constant 0 : i32
      %dma_wait3A_1388 = arith.constant 0 : i32
      %dma_wait3A_1389 = tpu.memref_slice %arg13[%dma_wait3A_1380, %dma_wait3A_1387, %dma_wait3A_1388] : memref<16x8x64xf32, #tpu.memory_space<vmem>> -> memref<1x8x64xf32, #tpu.memory_space<vmem>>
      %dma_wait3A_1390 = tpu.memref_squeeze %dma_wait3A_1389 : memref<1x8x64xf32, #tpu.memory_space<vmem>> -> memref<8x64xf32, #tpu.memory_space<vmem>>
      %dma_wait3A_1391 = arith.constant 0 : i32
      %dma_wait3A_1392 = tpu.memref_slice %arg4[%mul3A_1379, %dma_wait3A_1391] : memref<1000000x64xf32, #tpu.memory_space<hbm>> -> memref<8x64xf32, #tpu.memory_space<hbm>>
      tpu.wait_dma2 semaphore(%arg18 : memref<!tpu.dma_semaphore, #tpu.memory_space<semaphore_mem>>) src(%dma_wait3A_1392 : memref<8x64xf32, #tpu.memory_space<hbm>>) dst(%dma_wait3A_1390 : memref<8x64xf32, #tpu.memory_space<vmem>>)
      %slice3A_1393 = vector.extract_strided_slice %shift_right_logical3A_1342 {offsets = [1], sizes = [1], strides = [1]} : vector<16xi32> to vector<1xi32>
      %squeeze3A_1394 = vector.extract %slice3A_1393[0] : i32 from vector<1xi32>
      %mul3A_1395 = arith.constant 8 : i32
      %mul3A_1396 = arith.muli %squeeze3A_1394, %mul3A_1395 : i32
      %dma_wait3A_1397 = arith.constant 1 : i32
      %dma_wait3A_1398 = arith.constant 0 : i32
      %dma_wait3A_1399 = arith.constant 0 : i32
      %dma_wait3A_1400 = tpu.memref_slice %arg14[%dma_wait3A_1397, %dma_wait3A_1398, %dma_wait3A_1399] : memref<16x8x64xf32, #tpu.memory_space<vmem>> -> memref<1x8x64xf32, #tpu.memory_space<vmem>>
      %dma_wait3A_1401 = tpu.memref_squeeze %dma_wait3A_1400 : memref<1x8x64xf32, #tpu.memory_space<vmem>> -> memref<8x64xf32, #tpu.memory_space<vmem>>
      %dma_wait3A_1402 = arith.constant 0 : i32
      %dma_wait3A_1403 = tpu.memref_slice %arg5[%mul3A_1396, %dma_wait3A_1402] : memref<1000000x64xf32, #tpu.memory_space<hbm>> -> memref<8x64xf32, #tpu.memory_space<hbm>>
      %dma_wait3A_1404 = arith.constant 0 : i32
      %dma_wait3A_1405 = arith.constant 0 : i32
      %dma_wait3A_1406 = tpu.memref_slice %arg14[%dma_wait3A_1397, %dma_wait3A_1404, %dma_wait3A_1405] : memref<16x8x64xf32, #tpu.memory_space<vmem>> -> memref<1x8x64xf32, #tpu.memory_space<vmem>>
      %dma_wait3A_1407 = tpu.memref_squeeze %dma_wait3A_1406 : memref<1x8x64xf32, #tpu.memory_space<vmem>> -> memref<8x64xf32, #tpu.memory_space<vmem>>
      %dma_wait3A_1408 = arith.constant 0 : i32
      %dma_wait3A_1409 = tpu.memref_slice %arg5[%mul3A_1396, %dma_wait3A_1408] : memref<1000000x64xf32, #tpu.memory_space<hbm>> -> memref<8x64xf32, #tpu.memory_space<hbm>>
      tpu.wait_dma2 semaphore(%arg19 : memref<!tpu.dma_semaphore, #tpu.memory_space<semaphore_mem>>) src(%dma_wait3A_1409 : memref<8x64xf32, #tpu.memory_space<hbm>>) dst(%dma_wait3A_1407 : memref<8x64xf32, #tpu.memory_space<vmem>>)
      %slice3A_1410 = vector.extract_strided_slice %shift_right_logical3A_1335 {offsets = [2], sizes = [1], strides = [1]} : vector<16xi32> to vector<1xi32>
      %squeeze3A_1411 = vector.extract %slice3A_1410[0] : i32 from vector<1xi32>
      %mul3A_1412 = arith.constant 8 : i32
      %mul3A_1413 = arith.muli %squeeze3A_1411, %mul3A_1412 : i32
      %dma_wait3A_1414 = arith.constant 2 : i32
      %dma_wait3A_1415 = arith.constant 0 : i32
      %dma_wait3A_1416 = arith.constant 0 : i32
      %dma_wait3A_1417 = tpu.memref_slice %arg13[%dma_wait3A_1414, %dma_wait3A_1415, %dma_wait3A_1416] : memref<16x8x64xf32, #tpu.memory_space<vmem>> -> memref<1x8x64xf32, #tpu.memory_space<vmem>>
      %dma_wait3A_1418 = tpu.memref_squeeze %dma_wait3A_1417 : memref<1x8x64xf32, #tpu.memory_space<vmem>> -> memref<8x64xf32, #tpu.memory_space<vmem>>
      %dma_wait3A_1419 = arith.constant 0 : i32
      %dma_wait3A_1420 = tpu.memref_slice %arg4[%mul3A_1413, %dma_wait3A_1419] : memref<1000000x64xf32, #tpu.memory_space<hbm>> -> memref<8x64xf32, #tpu.memory_space<hbm>>
      %dma_wait3A_1421 = arith.constant 0 : i32
      %dma_wait3A_1422 = arith.constant 0 : i32
      %dma_wait3A_1423 = tpu.memref_slice %arg13[%dma_wait3A_1414, %dma_wait3A_1421, %dma_wait3A_1422] : memref<16x8x64xf32, #tpu.memory_space<vmem>> -> memref<1x8x64xf32, #tpu.memory_space<vmem>>
      %dma_wait3A_1424 = tpu.memref_squeeze %dma_wait3A_1423 : memref<1x8x64xf32, #tpu.memory_space<vmem>> -> memref<8x64xf32, #tpu.memory_space<vmem>>
      %dma_wait3A_1425 = arith.constant 0 : i32
      %dma_wait3A_1426 = tpu.memref_slice %arg4[%mul3A_1413, %dma_wait3A_1425] : memref<1000000x64xf32, #tpu.memory_space<hbm>> -> memref<8x64xf32, #tpu.memory_space<hbm>>
      tpu.wait_dma2 semaphore(%arg18 : memref<!tpu.dma_semaphore, #tpu.memory_space<semaphore_mem>>) src(%dma_wait3A_1426 : memref<8x64xf32, #tpu.memory_space<hbm>>) dst(%dma_wait3A_1424 : memref<8x64xf32, #tpu.memory_space<vmem>>)
      %slice3A_1427 = vector.extract_strided_slice %shift_right_logical3A_1342 {offsets = [2], sizes = [1], strides = [1]} : vector<16xi32> to vector<1xi32>
      %squeeze3A_1428 = vector.extract %slice3A_1427[0] : i32 from vector<1xi32>
      %mul3A_1429 = arith.constant 8 : i32
      %mul3A_1430 = arith.muli %squeeze3A_1428, %mul3A_1429 : i32
      %dma_wait3A_1431 = arith.constant 2 : i32
      %dma_wait3A_1432 = arith.constant 0 : i32
      %dma_wait3A_1433 = arith.constant 0 : i32
      %dma_wait3A_1434 = tpu.memref_slice %arg14[%dma_wait3A_1431, %dma_wait3A_1432, %dma_wait3A_1433] : memref<16x8x64xf32, #tpu.memory_space<vmem>> -> memref<1x8x64xf32, #tpu.memory_space<vmem>>
      %dma_wait3A_1435 = tpu.memref_squeeze %dma_wait3A_1434 : memref<1x8x64xf32, #tpu.memory_space<vmem>> -> memref<8x64xf32, #tpu.memory_space<vmem>>
      %dma_wait3A_1436 = arith.constant 0 : i32
      %dma_wait3A_1437 = tpu.memref_slice %arg5[%mul3A_1430, %dma_wait3A_1436] : memref<1000000x64xf32, #tpu.memory_space<hbm>> -> memref<8x64xf32, #tpu.memory_space<hbm>>
      %dma_wait3A_1438 = arith.constant 0 : i32
      %dma_wait3A_1439 = arith.constant 0 : i32
      %dma_wait3A_1440 = tpu.memref_slice %arg14[%dma_wait3A_1431, %dma_wait3A_1438, %dma_wait3A_1439] : memref<16x8x64xf32, #tpu.memory_space<vmem>> -> memref<1x8x64xf32, #tpu.memory_space<vmem>>
      %dma_wait3A_1441 = tpu.memref_squeeze %dma_wait3A_1440 : memref<1x8x64xf32, #tpu.memory_space<vmem>> -> memref<8x64xf32, #tpu.memory_space<vmem>>
      %dma_wait3A_1442 = arith.constant 0 : i32
      %dma_wait3A_1443 = tpu.memref_slice %arg5[%mul3A_1430, %dma_wait3A_1442] : memref<1000000x64xf32, #tpu.memory_space<hbm>> -> memref<8x64xf32, #tpu.memory_space<hbm>>
      tpu.wait_dma2 semaphore(%arg19 : memref<!tpu.dma_semaphore, #tpu.memory_space<semaphore_mem>>) src(%dma_wait3A_1443 : memref<8x64xf32, #tpu.memory_space<hbm>>) dst(%dma_wait3A_1441 : memref<8x64xf32, #tpu.memory_space<vmem>>)
      %slice3A_1444 = vector.extract_strided_slice %shift_right_logical3A_1335 {offsets = [3], sizes = [1], strides = [1]} : vector<16xi32> to vector<1xi32>
      %squeeze3A_1445 = vector.extract %slice3A_1444[0] : i32 from vector<1xi32>
      %mul3A_1446 = arith.constant 8 : i32
      %mul3A_1447 = arith.muli %squeeze3A_1445, %mul3A_1446 : i32
      %dma_wait3A_1448 = arith.constant 3 : i32
      %dma_wait3A_1449 = arith.constant 0 : i32
      %dma_wait3A_1450 = arith.constant 0 : i32
      %dma_wait3A_1451 = tpu.memref_slice %arg13[%dma_wait3A_1448, %dma_wait3A_1449, %dma_wait3A_1450] : memref<16x8x64xf32, #tpu.memory_space<vmem>> -> memref<1x8x64xf32, #tpu.memory_space<vmem>>
      %dma_wait3A_1452 = tpu.memref_squeeze %dma_wait3A_1451 : memref<1x8x64xf32, #tpu.memory_space<vmem>> -> memref<8x64xf32, #tpu.memory_space<vmem>>
      %dma_wait3A_1453 = arith.constant 0 : i32
      %dma_wait3A_1454 = tpu.memref_slice %arg4[%mul3A_1447, %dma_wait3A_1453] : memref<1000000x64xf32, #tpu.memory_space<hbm>> -> memref<8x64xf32, #tpu.memory_space<hbm>>
      %dma_wait3A_1455 = arith.constant 0 : i32
      %dma_wait3A_1456 = arith.constant 0 : i32
      %dma_wait3A_1457 = tpu.memref_slice %arg13[%dma_wait3A_1448, %dma_wait3A_1455, %dma_wait3A_1456] : memref<16x8x64xf32, #tpu.memory_space<vmem>> -> memref<1x8x64xf32, #tpu.memory_space<vmem>>
      %dma_wait3A_1458 = tpu.memref_squeeze %dma_wait3A_1457 : memref<1x8x64xf32, #tpu.memory_space<vmem>> -> memref<8x64xf32, #tpu.memory_space<vmem>>
      %dma_wait3A_1459 = arith.constant 0 : i32
      %dma_wait3A_1460 = tpu.memref_slice %arg4[%mul3A_1447, %dma_wait3A_1459] : memref<1000000x64xf32, #tpu.memory_space<hbm>> -> memref<8x64xf32, #tpu.memory_space<hbm>>
      tpu.wait_dma2 semaphore(%arg18 : memref<!tpu.dma_semaphore, #tpu.memory_space<semaphore_mem>>) src(%dma_wait3A_1460 : memref<8x64xf32, #tpu.memory_space<hbm>>) dst(%dma_wait3A_1458 : memref<8x64xf32, #tpu.memory_space<vmem>>)
      %slice3A_1461 = vector.extract_strided_slice %shift_right_logical3A_1342 {offsets = [3], sizes = [1], strides = [1]} : vector<16xi32> to vector<1xi32>
      %squeeze3A_1462 = vector.extract %slice3A_1461[0] : i32 from vector<1xi32>
      %mul3A_1463 = arith.constant 8 : i32
      %mul3A_1464 = arith.muli %squeeze3A_1462, %mul3A_1463 : i32
      %dma_wait3A_1465 = arith.constant 3 : i32
      %dma_wait3A_1466 = arith.constant 0 : i32
      %dma_wait3A_1467 = arith.constant 0 : i32
      %dma_wait3A_1468 = tpu.memref_slice %arg14[%dma_wait3A_1465, %dma_wait3A_1466, %dma_wait3A_1467] : memref<16x8x64xf32, #tpu.memory_space<vmem>> -> memref<1x8x64xf32, #tpu.memory_space<vmem>>
      %dma_wait3A_1469 = tpu.memref_squeeze %dma_wait3A_1468 : memref<1x8x64xf32, #tpu.memory_space<vmem>> -> memref<8x64xf32, #tpu.memory_space<vmem>>
      %dma_wait3A_1470 = arith.constant 0 : i32
      %dma_wait3A_1471 = tpu.memref_slice %arg5[%mul3A_1464, %dma_wait3A_1470] : memref<1000000x64xf32, #tpu.memory_space<hbm>> -> memref<8x64xf32, #tpu.memory_space<hbm>>
      %dma_wait3A_1472 = arith.constant 0 : i32
      %dma_wait3A_1473 = arith.constant 0 : i32
      %dma_wait3A_1474 = tpu.memref_slice %arg14[%dma_wait3A_1465, %dma_wait3A_1472, %dma_wait3A_1473] : memref<16x8x64xf32, #tpu.memory_space<vmem>> -> memref<1x8x64xf32, #tpu.memory_space<vmem>>
      %dma_wait3A_1475 = tpu.memref_squeeze %dma_wait3A_1474 : memref<1x8x64xf32, #tpu.memory_space<vmem>> -> memref<8x64xf32, #tpu.memory_space<vmem>>
      %dma_wait3A_1476 = arith.constant 0 : i32
      %dma_wait3A_1477 = tpu.memref_slice %arg5[%mul3A_1464, %dma_wait3A_1476] : memref<1000000x64xf32, #tpu.memory_space<hbm>> -> memref<8x64xf32, #tpu.memory_space<hbm>>
      tpu.wait_dma2 semaphore(%arg19 : memref<!tpu.dma_semaphore, #tpu.memory_space<semaphore_mem>>) src(%dma_wait3A_1477 : memref<8x64xf32, #tpu.memory_space<hbm>>) dst(%dma_wait3A_1475 : memref<8x64xf32, #tpu.memory_space<vmem>>)
      %slice3A_1478 = vector.extract_strided_slice %shift_right_logical3A_1335 {offsets = [4], sizes = [1], strides = [1]} : vector<16xi32> to vector<1xi32>
      %squeeze3A_1479 = vector.extract %slice3A_1478[0] : i32 from vector<1xi32>
      %mul3A_1480 = arith.constant 8 : i32
      %mul3A_1481 = arith.muli %squeeze3A_1479, %mul3A_1480 : i32
      %dma_wait3A_1482 = arith.constant 4 : i32
      %dma_wait3A_1483 = arith.constant 0 : i32
      %dma_wait3A_1484 = arith.constant 0 : i32
      %dma_wait3A_1485 = tpu.memref_slice %arg13[%dma_wait3A_1482, %dma_wait3A_1483, %dma_wait3A_1484] : memref<16x8x64xf32, #tpu.memory_space<vmem>> -> memref<1x8x64xf32, #tpu.memory_space<vmem>>
      %dma_wait3A_1486 = tpu.memref_squeeze %dma_wait3A_1485 : memref<1x8x64xf32, #tpu.memory_space<vmem>> -> memref<8x64xf32, #tpu.memory_space<vmem>>
      %dma_wait3A_1487 = arith.constant 0 : i32
      %dma_wait3A_1488 = tpu.memref_slice %arg4[%mul3A_1481, %dma_wait3A_1487] : memref<1000000x64xf32, #tpu.memory_space<hbm>> -> memref<8x64xf32, #tpu.memory_space<hbm>>
      %dma_wait3A_1489 = arith.constant 0 : i32
      %dma_wait3A_1490 = arith.constant 0 : i32
      %dma_wait3A_1491 = tpu.memref_slice %arg13[%dma_wait3A_1482, %dma_wait3A_1489, %dma_wait3A_1490] : memref<16x8x64xf32, #tpu.memory_space<vmem>> -> memref<1x8x64xf32, #tpu.memory_space<vmem>>
      %dma_wait3A_1492 = tpu.memref_squeeze %dma_wait3A_1491 : memref<1x8x64xf32, #tpu.memory_space<vmem>> -> memref<8x64xf32, #tpu.memory_space<vmem>>
      %dma_wait3A_1493 = arith.constant 0 : i32
      %dma_wait3A_1494 = tpu.memref_slice %arg4[%mul3A_1481, %dma_wait3A_1493] : memref<1000000x64xf32, #tpu.memory_space<hbm>> -> memref<8x64xf32, #tpu.memory_space<hbm>>
      tpu.wait_dma2 semaphore(%arg18 : memref<!tpu.dma_semaphore, #tpu.memory_space<semaphore_mem>>) src(%dma_wait3A_1494 : memref<8x64xf32, #tpu.memory_space<hbm>>) dst(%dma_wait3A_1492 : memref<8x64xf32, #tpu.memory_space<vmem>>)
      %slice3A_1495 = vector.extract_strided_slice %shift_right_logical3A_1342 {offsets = [4], sizes = [1], strides = [1]} : vector<16xi32> to vector<1xi32>
      %squeeze3A_1496 = vector.extract %slice3A_1495[0] : i32 from vector<1xi32>
      %mul3A_1497 = arith.constant 8 : i32
      %mul3A_1498 = arith.muli %squeeze3A_1496, %mul3A_1497 : i32
      %dma_wait3A_1499 = arith.constant 4 : i32
      %dma_wait3A_1500 = arith.constant 0 : i32
      %dma_wait3A_1501 = arith.constant 0 : i32
      %dma_wait3A_1502 = tpu.memref_slice %arg14[%dma_wait3A_1499, %dma_wait3A_1500, %dma_wait3A_1501] : memref<16x8x64xf32, #tpu.memory_space<vmem>> -> memref<1x8x64xf32, #tpu.memory_space<vmem>>
      %dma_wait3A_1503 = tpu.memref_squeeze %dma_wait3A_1502 : memref<1x8x64xf32, #tpu.memory_space<vmem>> -> memref<8x64xf32, #tpu.memory_space<vmem>>
      %dma_wait3A_1504 = arith.constant 0 : i32
      %dma_wait3A_1505 = tpu.memref_slice %arg5[%mul3A_1498, %dma_wait3A_1504] : memref<1000000x64xf32, #tpu.memory_space<hbm>> -> memref<8x64xf32, #tpu.memory_space<hbm>>
      %dma_wait3A_1506 = arith.constant 0 : i32
      %dma_wait3A_1507 = arith.constant 0 : i32
      %dma_wait3A_1508 = tpu.memref_slice %arg14[%dma_wait3A_1499, %dma_wait3A_1506, %dma_wait3A_1507] : memref<16x8x64xf32, #tpu.memory_space<vmem>> -> memref<1x8x64xf32, #tpu.memory_space<vmem>>
      %dma_wait3A_1509 = tpu.memref_squeeze %dma_wait3A_1508 : memref<1x8x64xf32, #tpu.memory_space<vmem>> -> memref<8x64xf32, #tpu.memory_space<vmem>>
      %dma_wait3A_1510 = arith.constant 0 : i32
      %dma_wait3A_1511 = tpu.memref_slice %arg5[%mul3A_1498, %dma_wait3A_1510] : memref<1000000x64xf32, #tpu.memory_space<hbm>> -> memref<8x64xf32, #tpu.memory_space<hbm>>
      tpu.wait_dma2 semaphore(%arg19 : memref<!tpu.dma_semaphore, #tpu.memory_space<semaphore_mem>>) src(%dma_wait3A_1511 : memref<8x64xf32, #tpu.memory_space<hbm>>) dst(%dma_wait3A_1509 : memref<8x64xf32, #tpu.memory_space<vmem>>)
      %slice3A_1512 = vector.extract_strided_slice %shift_right_logical3A_1335 {offsets = [5], sizes = [1], strides = [1]} : vector<16xi32> to vector<1xi32>
      %squeeze3A_1513 = vector.extract %slice3A_1512[0] : i32 from vector<1xi32>
      %mul3A_1514 = arith.constant 8 : i32
      %mul3A_1515 = arith.muli %squeeze3A_1513, %mul3A_1514 : i32
      %dma_wait3A_1516 = arith.constant 5 : i32
      %dma_wait3A_1517 = arith.constant 0 : i32
      %dma_wait3A_1518 = arith.constant 0 : i32
      %dma_wait3A_1519 = tpu.memref_slice %arg13[%dma_wait3A_1516, %dma_wait3A_1517, %dma_wait3A_1518] : memref<16x8x64xf32, #tpu.memory_space<vmem>> -> memref<1x8x64xf32, #tpu.memory_space<vmem>>
      %dma_wait3A_1520 = tpu.memref_squeeze %dma_wait3A_1519 : memref<1x8x64xf32, #tpu.memory_space<vmem>> -> memref<8x64xf32, #tpu.memory_space<vmem>>
      %dma_wait3A_1521 = arith.constant 0 : i32
      %dma_wait3A_1522 = tpu.memref_slice %arg4[%mul3A_1515, %dma_wait3A_1521] : memref<1000000x64xf32, #tpu.memory_space<hbm>> -> memref<8x64xf32, #tpu.memory_space<hbm>>
      %dma_wait3A_1523 = arith.constant 0 : i32
      %dma_wait3A_1524 = arith.constant 0 : i32
      %dma_wait3A_1525 = tpu.memref_slice %arg13[%dma_wait3A_1516, %dma_wait3A_1523, %dma_wait3A_1524] : memref<16x8x64xf32, #tpu.memory_space<vmem>> -> memref<1x8x64xf32, #tpu.memory_space<vmem>>
      %dma_wait3A_1526 = tpu.memref_squeeze %dma_wait3A_1525 : memref<1x8x64xf32, #tpu.memory_space<vmem>> -> memref<8x64xf32, #tpu.memory_space<vmem>>
      %dma_wait3A_1527 = arith.constant 0 : i32
      %dma_wait3A_1528 = tpu.memref_slice %arg4[%mul3A_1515, %dma_wait3A_1527] : memref<1000000x64xf32, #tpu.memory_space<hbm>> -> memref<8x64xf32, #tpu.memory_space<hbm>>
      tpu.wait_dma2 semaphore(%arg18 : memref<!tpu.dma_semaphore, #tpu.memory_space<semaphore_mem>>) src(%dma_wait3A_1528 : memref<8x64xf32, #tpu.memory_space<hbm>>) dst(%dma_wait3A_1526 : memref<8x64xf32, #tpu.memory_space<vmem>>)
      %slice3A_1529 = vector.extract_strided_slice %shift_right_logical3A_1342 {offsets = [5], sizes = [1], strides = [1]} : vector<16xi32> to vector<1xi32>
      %squeeze3A_1530 = vector.extract %slice3A_1529[0] : i32 from vector<1xi32>
      %mul3A_1531 = arith.constant 8 : i32
      %mul3A_1532 = arith.muli %squeeze3A_1530, %mul3A_1531 : i32
      %dma_wait3A_1533 = arith.constant 5 : i32
      %dma_wait3A_1534 = arith.constant 0 : i32
      %dma_wait3A_1535 = arith.constant 0 : i32
      %dma_wait3A_1536 = tpu.memref_slice %arg14[%dma_wait3A_1533, %dma_wait3A_1534, %dma_wait3A_1535] : memref<16x8x64xf32, #tpu.memory_space<vmem>> -> memref<1x8x64xf32, #tpu.memory_space<vmem>>
      %dma_wait3A_1537 = tpu.memref_squeeze %dma_wait3A_1536 : memref<1x8x64xf32, #tpu.memory_space<vmem>> -> memref<8x64xf32, #tpu.memory_space<vmem>>
      %dma_wait3A_1538 = arith.constant 0 : i32
      %dma_wait3A_1539 = tpu.memref_slice %arg5[%mul3A_1532, %dma_wait3A_1538] : memref<1000000x64xf32, #tpu.memory_space<hbm>> -> memref<8x64xf32, #tpu.memory_space<hbm>>
      %dma_wait3A_1540 = arith.constant 0 : i32
      %dma_wait3A_1541 = arith.constant 0 : i32
      %dma_wait3A_1542 = tpu.memref_slice %arg14[%dma_wait3A_1533, %dma_wait3A_1540, %dma_wait3A_1541] : memref<16x8x64xf32, #tpu.memory_space<vmem>> -> memref<1x8x64xf32, #tpu.memory_space<vmem>>
      %dma_wait3A_1543 = tpu.memref_squeeze %dma_wait3A_1542 : memref<1x8x64xf32, #tpu.memory_space<vmem>> -> memref<8x64xf32, #tpu.memory_space<vmem>>
      %dma_wait3A_1544 = arith.constant 0 : i32
      %dma_wait3A_1545 = tpu.memref_slice %arg5[%mul3A_1532, %dma_wait3A_1544] : memref<1000000x64xf32, #tpu.memory_space<hbm>> -> memref<8x64xf32, #tpu.memory_space<hbm>>
      tpu.wait_dma2 semaphore(%arg19 : memref<!tpu.dma_semaphore, #tpu.memory_space<semaphore_mem>>) src(%dma_wait3A_1545 : memref<8x64xf32, #tpu.memory_space<hbm>>) dst(%dma_wait3A_1543 : memref<8x64xf32, #tpu.memory_space<vmem>>)
      %slice3A_1546 = vector.extract_strided_slice %shift_right_logical3A_1335 {offsets = [6], sizes = [1], strides = [1]} : vector<16xi32> to vector<1xi32>
      %squeeze3A_1547 = vector.extract %slice3A_1546[0] : i32 from vector<1xi32>
      %mul3A_1548 = arith.constant 8 : i32
      %mul3A_1549 = arith.muli %squeeze3A_1547, %mul3A_1548 : i32
      %dma_wait3A_1550 = arith.constant 6 : i32
      %dma_wait3A_1551 = arith.constant 0 : i32
      %dma_wait3A_1552 = arith.constant 0 : i32
      %dma_wait3A_1553 = tpu.memref_slice %arg13[%dma_wait3A_1550, %dma_wait3A_1551, %dma_wait3A_1552] : memref<16x8x64xf32, #tpu.memory_space<vmem>> -> memref<1x8x64xf32, #tpu.memory_space<vmem>>
      %dma_wait3A_1554 = tpu.memref_squeeze %dma_wait3A_1553 : memref<1x8x64xf32, #tpu.memory_space<vmem>> -> memref<8x64xf32, #tpu.memory_space<vmem>>
      %dma_wait3A_1555 = arith.constant 0 : i32
      %dma_wait3A_1556 = tpu.memref_slice %arg4[%mul3A_1549, %dma_wait3A_1555] : memref<1000000x64xf32, #tpu.memory_space<hbm>> -> memref<8x64xf32, #tpu.memory_space<hbm>>
      %dma_wait3A_1557 = arith.constant 0 : i32
      %dma_wait3A_1558 = arith.constant 0 : i32
      %dma_wait3A_1559 = tpu.memref_slice %arg13[%dma_wait3A_1550, %dma_wait3A_1557, %dma_wait3A_1558] : memref<16x8x64xf32, #tpu.memory_space<vmem>> -> memref<1x8x64xf32, #tpu.memory_space<vmem>>
      %dma_wait3A_1560 = tpu.memref_squeeze %dma_wait3A_1559 : memref<1x8x64xf32, #tpu.memory_space<vmem>> -> memref<8x64xf32, #tpu.memory_space<vmem>>
      %dma_wait3A_1561 = arith.constant 0 : i32
      %dma_wait3A_1562 = tpu.memref_slice %arg4[%mul3A_1549, %dma_wait3A_1561] : memref<1000000x64xf32, #tpu.memory_space<hbm>> -> memref<8x64xf32, #tpu.memory_space<hbm>>
      tpu.wait_dma2 semaphore(%arg18 : memref<!tpu.dma_semaphore, #tpu.memory_space<semaphore_mem>>) src(%dma_wait3A_1562 : memref<8x64xf32, #tpu.memory_space<hbm>>) dst(%dma_wait3A_1560 : memref<8x64xf32, #tpu.memory_space<vmem>>)
      %slice3A_1563 = vector.extract_strided_slice %shift_right_logical3A_1342 {offsets = [6], sizes = [1], strides = [1]} : vector<16xi32> to vector<1xi32>
      %squeeze3A_1564 = vector.extract %slice3A_1563[0] : i32 from vector<1xi32>
      %mul3A_1565 = arith.constant 8 : i32
      %mul3A_1566 = arith.muli %squeeze3A_1564, %mul3A_1565 : i32
      %dma_wait3A_1567 = arith.constant 6 : i32
      %dma_wait3A_1568 = arith.constant 0 : i32
      %dma_wait3A_1569 = arith.constant 0 : i32
      %dma_wait3A_1570 = tpu.memref_slice %arg14[%dma_wait3A_1567, %dma_wait3A_1568, %dma_wait3A_1569] : memref<16x8x64xf32, #tpu.memory_space<vmem>> -> memref<1x8x64xf32, #tpu.memory_space<vmem>>
      %dma_wait3A_1571 = tpu.memref_squeeze %dma_wait3A_1570 : memref<1x8x64xf32, #tpu.memory_space<vmem>> -> memref<8x64xf32, #tpu.memory_space<vmem>>
      %dma_wait3A_1572 = arith.constant 0 : i32
      %dma_wait3A_1573 = tpu.memref_slice %arg5[%mul3A_1566, %dma_wait3A_1572] : memref<1000000x64xf32, #tpu.memory_space<hbm>> -> memref<8x64xf32, #tpu.memory_space<hbm>>
      %dma_wait3A_1574 = arith.constant 0 : i32
      %dma_wait3A_1575 = arith.constant 0 : i32
      %dma_wait3A_1576 = tpu.memref_slice %arg14[%dma_wait3A_1567, %dma_wait3A_1574, %dma_wait3A_1575] : memref<16x8x64xf32, #tpu.memory_space<vmem>> -> memref<1x8x64xf32, #tpu.memory_space<vmem>>
      %dma_wait3A_1577 = tpu.memref_squeeze %dma_wait3A_1576 : memref<1x8x64xf32, #tpu.memory_space<vmem>> -> memref<8x64xf32, #tpu.memory_space<vmem>>
      %dma_wait3A_1578 = arith.constant 0 : i32
      %dma_wait3A_1579 = tpu.memref_slice %arg5[%mul3A_1566, %dma_wait3A_1578] : memref<1000000x64xf32, #tpu.memory_space<hbm>> -> memref<8x64xf32, #tpu.memory_space<hbm>>
      tpu.wait_dma2 semaphore(%arg19 : memref<!tpu.dma_semaphore, #tpu.memory_space<semaphore_mem>>) src(%dma_wait3A_1579 : memref<8x64xf32, #tpu.memory_space<hbm>>) dst(%dma_wait3A_1577 : memref<8x64xf32, #tpu.memory_space<vmem>>)
      %slice3A_1580 = vector.extract_strided_slice %shift_right_logical3A_1335 {offsets = [7], sizes = [1], strides = [1]} : vector<16xi32> to vector<1xi32>
      %squeeze3A_1581 = vector.extract %slice3A_1580[0] : i32 from vector<1xi32>
      %mul3A_1582 = arith.constant 8 : i32
      %mul3A_1583 = arith.muli %squeeze3A_1581, %mul3A_1582 : i32
      %dma_wait3A_1584 = arith.constant 7 : i32
      %dma_wait3A_1585 = arith.constant 0 : i32
      %dma_wait3A_1586 = arith.constant 0 : i32
      %dma_wait3A_1587 = tpu.memref_slice %arg13[%dma_wait3A_1584, %dma_wait3A_1585, %dma_wait3A_1586] : memref<16x8x64xf32, #tpu.memory_space<vmem>> -> memref<1x8x64xf32, #tpu.memory_space<vmem>>
      %dma_wait3A_1588 = tpu.memref_squeeze %dma_wait3A_1587 : memref<1x8x64xf32, #tpu.memory_space<vmem>> -> memref<8x64xf32, #tpu.memory_space<vmem>>
      %dma_wait3A_1589 = arith.constant 0 : i32
      %dma_wait3A_1590 = tpu.memref_slice %arg4[%mul3A_1583, %dma_wait3A_1589] : memref<1000000x64xf32, #tpu.memory_space<hbm>> -> memref<8x64xf32, #tpu.memory_space<hbm>>
      %dma_wait3A_1591 = arith.constant 0 : i32
      %dma_wait3A_1592 = arith.constant 0 : i32
      %dma_wait3A_1593 = tpu.memref_slice %arg13[%dma_wait3A_1584, %dma_wait3A_1591, %dma_wait3A_1592] : memref<16x8x64xf32, #tpu.memory_space<vmem>> -> memref<1x8x64xf32, #tpu.memory_space<vmem>>
      %dma_wait3A_1594 = tpu.memref_squeeze %dma_wait3A_1593 : memref<1x8x64xf32, #tpu.memory_space<vmem>> -> memref<8x64xf32, #tpu.memory_space<vmem>>
      %dma_wait3A_1595 = arith.constant 0 : i32
      %dma_wait3A_1596 = tpu.memref_slice %arg4[%mul3A_1583, %dma_wait3A_1595] : memref<1000000x64xf32, #tpu.memory_space<hbm>> -> memref<8x64xf32, #tpu.memory_space<hbm>>
      tpu.wait_dma2 semaphore(%arg18 : memref<!tpu.dma_semaphore, #tpu.memory_space<semaphore_mem>>) src(%dma_wait3A_1596 : memref<8x64xf32, #tpu.memory_space<hbm>>) dst(%dma_wait3A_1594 : memref<8x64xf32, #tpu.memory_space<vmem>>)
      %slice3A_1597 = vector.extract_strided_slice %shift_right_logical3A_1342 {offsets = [7], sizes = [1], strides = [1]} : vector<16xi32> to vector<1xi32>
      %squeeze3A_1598 = vector.extract %slice3A_1597[0] : i32 from vector<1xi32>
      %mul3A_1599 = arith.constant 8 : i32
      %mul3A_1600 = arith.muli %squeeze3A_1598, %mul3A_1599 : i32
      %dma_wait3A_1601 = arith.constant 7 : i32
      %dma_wait3A_1602 = arith.constant 0 : i32
      %dma_wait3A_1603 = arith.constant 0 : i32
      %dma_wait3A_1604 = tpu.memref_slice %arg14[%dma_wait3A_1601, %dma_wait3A_1602, %dma_wait3A_1603] : memref<16x8x64xf32, #tpu.memory_space<vmem>> -> memref<1x8x64xf32, #tpu.memory_space<vmem>>
      %dma_wait3A_1605 = tpu.memref_squeeze %dma_wait3A_1604 : memref<1x8x64xf32, #tpu.memory_space<vmem>> -> memref<8x64xf32, #tpu.memory_space<vmem>>
      %dma_wait3A_1606 = arith.constant 0 : i32
      %dma_wait3A_1607 = tpu.memref_slice %arg5[%mul3A_1600, %dma_wait3A_1606] : memref<1000000x64xf32, #tpu.memory_space<hbm>> -> memref<8x64xf32, #tpu.memory_space<hbm>>
      %dma_wait3A_1608 = arith.constant 0 : i32
      %dma_wait3A_1609 = arith.constant 0 : i32
      %dma_wait3A_1610 = tpu.memref_slice %arg14[%dma_wait3A_1601, %dma_wait3A_1608, %dma_wait3A_1609] : memref<16x8x64xf32, #tpu.memory_space<vmem>> -> memref<1x8x64xf32, #tpu.memory_space<vmem>>
      %dma_wait3A_1611 = tpu.memref_squeeze %dma_wait3A_1610 : memref<1x8x64xf32, #tpu.memory_space<vmem>> -> memref<8x64xf32, #tpu.memory_space<vmem>>
      %dma_wait3A_1612 = arith.constant 0 : i32
      %dma_wait3A_1613 = tpu.memref_slice %arg5[%mul3A_1600, %dma_wait3A_1612] : memref<1000000x64xf32, #tpu.memory_space<hbm>> -> memref<8x64xf32, #tpu.memory_space<hbm>>
      tpu.wait_dma2 semaphore(%arg19 : memref<!tpu.dma_semaphore, #tpu.memory_space<semaphore_mem>>) src(%dma_wait3A_1613 : memref<8x64xf32, #tpu.memory_space<hbm>>) dst(%dma_wait3A_1611 : memref<8x64xf32, #tpu.memory_space<vmem>>)
      %slice3A_1614 = vector.extract_strided_slice %shift_right_logical3A_1335 {offsets = [8], sizes = [1], strides = [1]} : vector<16xi32> to vector<1xi32>
      %squeeze3A_1615 = vector.extract %slice3A_1614[0] : i32 from vector<1xi32>
      %mul3A_1616 = arith.constant 8 : i32
      %mul3A_1617 = arith.muli %squeeze3A_1615, %mul3A_1616 : i32
      %dma_wait3A_1618 = arith.constant 8 : i32
      %dma_wait3A_1619 = arith.constant 0 : i32
      %dma_wait3A_1620 = arith.constant 0 : i32
      %dma_wait3A_1621 = tpu.memref_slice %arg13[%dma_wait3A_1618, %dma_wait3A_1619, %dma_wait3A_1620] : memref<16x8x64xf32, #tpu.memory_space<vmem>> -> memref<1x8x64xf32, #tpu.memory_space<vmem>>
      %dma_wait3A_1622 = tpu.memref_squeeze %dma_wait3A_1621 : memref<1x8x64xf32, #tpu.memory_space<vmem>> -> memref<8x64xf32, #tpu.memory_space<vmem>>
      %dma_wait3A_1623 = arith.constant 0 : i32
      %dma_wait3A_1624 = tpu.memref_slice %arg4[%mul3A_1617, %dma_wait3A_1623] : memref<1000000x64xf32, #tpu.memory_space<hbm>> -> memref<8x64xf32, #tpu.memory_space<hbm>>
      %dma_wait3A_1625 = arith.constant 0 : i32
      %dma_wait3A_1626 = arith.constant 0 : i32
      %dma_wait3A_1627 = tpu.memref_slice %arg13[%dma_wait3A_1618, %dma_wait3A_1625, %dma_wait3A_1626] : memref<16x8x64xf32, #tpu.memory_space<vmem>> -> memref<1x8x64xf32, #tpu.memory_space<vmem>>
      %dma_wait3A_1628 = tpu.memref_squeeze %dma_wait3A_1627 : memref<1x8x64xf32, #tpu.memory_space<vmem>> -> memref<8x64xf32, #tpu.memory_space<vmem>>
      %dma_wait3A_1629 = arith.constant 0 : i32
      %dma_wait3A_1630 = tpu.memref_slice %arg4[%mul3A_1617, %dma_wait3A_1629] : memref<1000000x64xf32, #tpu.memory_space<hbm>> -> memref<8x64xf32, #tpu.memory_space<hbm>>
      tpu.wait_dma2 semaphore(%arg18 : memref<!tpu.dma_semaphore, #tpu.memory_space<semaphore_mem>>) src(%dma_wait3A_1630 : memref<8x64xf32, #tpu.memory_space<hbm>>) dst(%dma_wait3A_1628 : memref<8x64xf32, #tpu.memory_space<vmem>>)
      %slice3A_1631 = vector.extract_strided_slice %shift_right_logical3A_1342 {offsets = [8], sizes = [1], strides = [1]} : vector<16xi32> to vector<1xi32>
      %squeeze3A_1632 = vector.extract %slice3A_1631[0] : i32 from vector<1xi32>
      %mul3A_1633 = arith.constant 8 : i32
      %mul3A_1634 = arith.muli %squeeze3A_1632, %mul3A_1633 : i32
      %dma_wait3A_1635 = arith.constant 8 : i32
      %dma_wait3A_1636 = arith.constant 0 : i32
      %dma_wait3A_1637 = arith.constant 0 : i32
      %dma_wait3A_1638 = tpu.memref_slice %arg14[%dma_wait3A_1635, %dma_wait3A_1636, %dma_wait3A_1637] : memref<16x8x64xf32, #tpu.memory_space<vmem>> -> memref<1x8x64xf32, #tpu.memory_space<vmem>>
      %dma_wait3A_1639 = tpu.memref_squeeze %dma_wait3A_1638 : memref<1x8x64xf32, #tpu.memory_space<vmem>> -> memref<8x64xf32, #tpu.memory_space<vmem>>
      %dma_wait3A_1640 = arith.constant 0 : i32
      %dma_wait3A_1641 = tpu.memref_slice %arg5[%mul3A_1634, %dma_wait3A_1640] : memref<1000000x64xf32, #tpu.memory_space<hbm>> -> memref<8x64xf32, #tpu.memory_space<hbm>>
      %dma_wait3A_1642 = arith.constant 0 : i32
      %dma_wait3A_1643 = arith.constant 0 : i32
      %dma_wait3A_1644 = tpu.memref_slice %arg14[%dma_wait3A_1635, %dma_wait3A_1642, %dma_wait3A_1643] : memref<16x8x64xf32, #tpu.memory_space<vmem>> -> memref<1x8x64xf32, #tpu.memory_space<vmem>>
      %dma_wait3A_1645 = tpu.memref_squeeze %dma_wait3A_1644 : memref<1x8x64xf32, #tpu.memory_space<vmem>> -> memref<8x64xf32, #tpu.memory_space<vmem>>
      %dma_wait3A_1646 = arith.constant 0 : i32
      %dma_wait3A_1647 = tpu.memref_slice %arg5[%mul3A_1634, %dma_wait3A_1646] : memref<1000000x64xf32, #tpu.memory_space<hbm>> -> memref<8x64xf32, #tpu.memory_space<hbm>>
      tpu.wait_dma2 semaphore(%arg19 : memref<!tpu.dma_semaphore, #tpu.memory_space<semaphore_mem>>) src(%dma_wait3A_1647 : memref<8x64xf32, #tpu.memory_space<hbm>>) dst(%dma_wait3A_1645 : memref<8x64xf32, #tpu.memory_space<vmem>>)
      %slice3A_1648 = vector.extract_strided_slice %shift_right_logical3A_1335 {offsets = [9], sizes = [1], strides = [1]} : vector<16xi32> to vector<1xi32>
      %squeeze3A_1649 = vector.extract %slice3A_1648[0] : i32 from vector<1xi32>
      %mul3A_1650 = arith.constant 8 : i32
      %mul3A_1651 = arith.muli %squeeze3A_1649, %mul3A_1650 : i32
      %dma_wait3A_1652 = arith.constant 9 : i32
      %dma_wait3A_1653 = arith.constant 0 : i32
      %dma_wait3A_1654 = arith.constant 0 : i32
      %dma_wait3A_1655 = tpu.memref_slice %arg13[%dma_wait3A_1652, %dma_wait3A_1653, %dma_wait3A_1654] : memref<16x8x64xf32, #tpu.memory_space<vmem>> -> memref<1x8x64xf32, #tpu.memory_space<vmem>>
      %dma_wait3A_1656 = tpu.memref_squeeze %dma_wait3A_1655 : memref<1x8x64xf32, #tpu.memory_space<vmem>> -> memref<8x64xf32, #tpu.memory_space<vmem>>
      %dma_wait3A_1657 = arith.constant 0 : i32
      %dma_wait3A_1658 = tpu.memref_slice %arg4[%mul3A_1651, %dma_wait3A_1657] : memref<1000000x64xf32, #tpu.memory_space<hbm>> -> memref<8x64xf32, #tpu.memory_space<hbm>>
      %dma_wait3A_1659 = arith.constant 0 : i32
      %dma_wait3A_1660 = arith.constant 0 : i32
      %dma_wait3A_1661 = tpu.memref_slice %arg13[%dma_wait3A_1652, %dma_wait3A_1659, %dma_wait3A_1660] : memref<16x8x64xf32, #tpu.memory_space<vmem>> -> memref<1x8x64xf32, #tpu.memory_space<vmem>>
      %dma_wait3A_1662 = tpu.memref_squeeze %dma_wait3A_1661 : memref<1x8x64xf32, #tpu.memory_space<vmem>> -> memref<8x64xf32, #tpu.memory_space<vmem>>
      %dma_wait3A_1663 = arith.constant 0 : i32
      %dma_wait3A_1664 = tpu.memref_slice %arg4[%mul3A_1651, %dma_wait3A_1663] : memref<1000000x64xf32, #tpu.memory_space<hbm>> -> memref<8x64xf32, #tpu.memory_space<hbm>>
      tpu.wait_dma2 semaphore(%arg18 : memref<!tpu.dma_semaphore, #tpu.memory_space<semaphore_mem>>) src(%dma_wait3A_1664 : memref<8x64xf32, #tpu.memory_space<hbm>>) dst(%dma_wait3A_1662 : memref<8x64xf32, #tpu.memory_space<vmem>>)
      %slice3A_1665 = vector.extract_strided_slice %shift_right_logical3A_1342 {offsets = [9], sizes = [1], strides = [1]} : vector<16xi32> to vector<1xi32>
      %squeeze3A_1666 = vector.extract %slice3A_1665[0] : i32 from vector<1xi32>
      %mul3A_1667 = arith.constant 8 : i32
      %mul3A_1668 = arith.muli %squeeze3A_1666, %mul3A_1667 : i32
      %dma_wait3A_1669 = arith.constant 9 : i32
      %dma_wait3A_1670 = arith.constant 0 : i32
      %dma_wait3A_1671 = arith.constant 0 : i32
      %dma_wait3A_1672 = tpu.memref_slice %arg14[%dma_wait3A_1669, %dma_wait3A_1670, %dma_wait3A_1671] : memref<16x8x64xf32, #tpu.memory_space<vmem>> -> memref<1x8x64xf32, #tpu.memory_space<vmem>>
      %dma_wait3A_1673 = tpu.memref_squeeze %dma_wait3A_1672 : memref<1x8x64xf32, #tpu.memory_space<vmem>> -> memref<8x64xf32, #tpu.memory_space<vmem>>
      %dma_wait3A_1674 = arith.constant 0 : i32
      %dma_wait3A_1675 = tpu.memref_slice %arg5[%mul3A_1668, %dma_wait3A_1674] : memref<1000000x64xf32, #tpu.memory_space<hbm>> -> memref<8x64xf32, #tpu.memory_space<hbm>>
      %dma_wait3A_1676 = arith.constant 0 : i32
      %dma_wait3A_1677 = arith.constant 0 : i32
      %dma_wait3A_1678 = tpu.memref_slice %arg14[%dma_wait3A_1669, %dma_wait3A_1676, %dma_wait3A_1677] : memref<16x8x64xf32, #tpu.memory_space<vmem>> -> memref<1x8x64xf32, #tpu.memory_space<vmem>>
      %dma_wait3A_1679 = tpu.memref_squeeze %dma_wait3A_1678 : memref<1x8x64xf32, #tpu.memory_space<vmem>> -> memref<8x64xf32, #tpu.memory_space<vmem>>
      %dma_wait3A_1680 = arith.constant 0 : i32
      %dma_wait3A_1681 = tpu.memref_slice %arg5[%mul3A_1668, %dma_wait3A_1680] : memref<1000000x64xf32, #tpu.memory_space<hbm>> -> memref<8x64xf32, #tpu.memory_space<hbm>>
      tpu.wait_dma2 semaphore(%arg19 : memref<!tpu.dma_semaphore, #tpu.memory_space<semaphore_mem>>) src(%dma_wait3A_1681 : memref<8x64xf32, #tpu.memory_space<hbm>>) dst(%dma_wait3A_1679 : memref<8x64xf32, #tpu.memory_space<vmem>>)
      %slice3A_1682 = vector.extract_strided_slice %shift_right_logical3A_1335 {offsets = [10], sizes = [1], strides = [1]} : vector<16xi32> to vector<1xi32>
      %squeeze3A_1683 = vector.extract %slice3A_1682[0] : i32 from vector<1xi32>
      %mul3A_1684 = arith.constant 8 : i32
      %mul3A_1685 = arith.muli %squeeze3A_1683, %mul3A_1684 : i32
      %dma_wait3A_1686 = arith.constant 10 : i32
      %dma_wait3A_1687 = arith.constant 0 : i32
      %dma_wait3A_1688 = arith.constant 0 : i32
      %dma_wait3A_1689 = tpu.memref_slice %arg13[%dma_wait3A_1686, %dma_wait3A_1687, %dma_wait3A_1688] : memref<16x8x64xf32, #tpu.memory_space<vmem>> -> memref<1x8x64xf32, #tpu.memory_space<vmem>>
      %dma_wait3A_1690 = tpu.memref_squeeze %dma_wait3A_1689 : memref<1x8x64xf32, #tpu.memory_space<vmem>> -> memref<8x64xf32, #tpu.memory_space<vmem>>
      %dma_wait3A_1691 = arith.constant 0 : i32
      %dma_wait3A_1692 = tpu.memref_slice %arg4[%mul3A_1685, %dma_wait3A_1691] : memref<1000000x64xf32, #tpu.memory_space<hbm>> -> memref<8x64xf32, #tpu.memory_space<hbm>>
      %dma_wait3A_1693 = arith.constant 0 : i32
      %dma_wait3A_1694 = arith.constant 0 : i32
      %dma_wait3A_1695 = tpu.memref_slice %arg13[%dma_wait3A_1686, %dma_wait3A_1693, %dma_wait3A_1694] : memref<16x8x64xf32, #tpu.memory_space<vmem>> -> memref<1x8x64xf32, #tpu.memory_space<vmem>>
      %dma_wait3A_1696 = tpu.memref_squeeze %dma_wait3A_1695 : memref<1x8x64xf32, #tpu.memory_space<vmem>> -> memref<8x64xf32, #tpu.memory_space<vmem>>
      %dma_wait3A_1697 = arith.constant 0 : i32
      %dma_wait3A_1698 = tpu.memref_slice %arg4[%mul3A_1685, %dma_wait3A_1697] : memref<1000000x64xf32, #tpu.memory_space<hbm>> -> memref<8x64xf32, #tpu.memory_space<hbm>>
      tpu.wait_dma2 semaphore(%arg18 : memref<!tpu.dma_semaphore, #tpu.memory_space<semaphore_mem>>) src(%dma_wait3A_1698 : memref<8x64xf32, #tpu.memory_space<hbm>>) dst(%dma_wait3A_1696 : memref<8x64xf32, #tpu.memory_space<vmem>>)
      %slice3A_1699 = vector.extract_strided_slice %shift_right_logical3A_1342 {offsets = [10], sizes = [1], strides = [1]} : vector<16xi32> to vector<1xi32>
      %squeeze3A_1700 = vector.extract %slice3A_1699[0] : i32 from vector<1xi32>
      %mul3A_1701 = arith.constant 8 : i32
      %mul3A_1702 = arith.muli %squeeze3A_1700, %mul3A_1701 : i32
      %dma_wait3A_1703 = arith.constant 10 : i32
      %dma_wait3A_1704 = arith.constant 0 : i32
      %dma_wait3A_1705 = arith.constant 0 : i32
      %dma_wait3A_1706 = tpu.memref_slice %arg14[%dma_wait3A_1703, %dma_wait3A_1704, %dma_wait3A_1705] : memref<16x8x64xf32, #tpu.memory_space<vmem>> -> memref<1x8x64xf32, #tpu.memory_space<vmem>>
      %dma_wait3A_1707 = tpu.memref_squeeze %dma_wait3A_1706 : memref<1x8x64xf32, #tpu.memory_space<vmem>> -> memref<8x64xf32, #tpu.memory_space<vmem>>
      %dma_wait3A_1708 = arith.constant 0 : i32
      %dma_wait3A_1709 = tpu.memref_slice %arg5[%mul3A_1702, %dma_wait3A_1708] : memref<1000000x64xf32, #tpu.memory_space<hbm>> -> memref<8x64xf32, #tpu.memory_space<hbm>>
      %dma_wait3A_1710 = arith.constant 0 : i32
      %dma_wait3A_1711 = arith.constant 0 : i32
      %dma_wait3A_1712 = tpu.memref_slice %arg14[%dma_wait3A_1703, %dma_wait3A_1710, %dma_wait3A_1711] : memref<16x8x64xf32, #tpu.memory_space<vmem>> -> memref<1x8x64xf32, #tpu.memory_space<vmem>>
      %dma_wait3A_1713 = tpu.memref_squeeze %dma_wait3A_1712 : memref<1x8x64xf32, #tpu.memory_space<vmem>> -> memref<8x64xf32, #tpu.memory_space<vmem>>
      %dma_wait3A_1714 = arith.constant 0 : i32
      %dma_wait3A_1715 = tpu.memref_slice %arg5[%mul3A_1702, %dma_wait3A_1714] : memref<1000000x64xf32, #tpu.memory_space<hbm>> -> memref<8x64xf32, #tpu.memory_space<hbm>>
      tpu.wait_dma2 semaphore(%arg19 : memref<!tpu.dma_semaphore, #tpu.memory_space<semaphore_mem>>) src(%dma_wait3A_1715 : memref<8x64xf32, #tpu.memory_space<hbm>>) dst(%dma_wait3A_1713 : memref<8x64xf32, #tpu.memory_space<vmem>>)
      %slice3A_1716 = vector.extract_strided_slice %shift_right_logical3A_1335 {offsets = [11], sizes = [1], strides = [1]} : vector<16xi32> to vector<1xi32>
      %squeeze3A_1717 = vector.extract %slice3A_1716[0] : i32 from vector<1xi32>
      %mul3A_1718 = arith.constant 8 : i32
      %mul3A_1719 = arith.muli %squeeze3A_1717, %mul3A_1718 : i32
      %dma_wait3A_1720 = arith.constant 11 : i32
      %dma_wait3A_1721 = arith.constant 0 : i32
      %dma_wait3A_1722 = arith.constant 0 : i32
      %dma_wait3A_1723 = tpu.memref_slice %arg13[%dma_wait3A_1720, %dma_wait3A_1721, %dma_wait3A_1722] : memref<16x8x64xf32, #tpu.memory_space<vmem>> -> memref<1x8x64xf32, #tpu.memory_space<vmem>>
      %dma_wait3A_1724 = tpu.memref_squeeze %dma_wait3A_1723 : memref<1x8x64xf32, #tpu.memory_space<vmem>> -> memref<8x64xf32, #tpu.memory_space<vmem>>
      %dma_wait3A_1725 = arith.constant 0 : i32
      %dma_wait3A_1726 = tpu.memref_slice %arg4[%mul3A_1719, %dma_wait3A_1725] : memref<1000000x64xf32, #tpu.memory_space<hbm>> -> memref<8x64xf32, #tpu.memory_space<hbm>>
      %dma_wait3A_1727 = arith.constant 0 : i32
      %dma_wait3A_1728 = arith.constant 0 : i32
      %dma_wait3A_1729 = tpu.memref_slice %arg13[%dma_wait3A_1720, %dma_wait3A_1727, %dma_wait3A_1728] : memref<16x8x64xf32, #tpu.memory_space<vmem>> -> memref<1x8x64xf32, #tpu.memory_space<vmem>>
      %dma_wait3A_1730 = tpu.memref_squeeze %dma_wait3A_1729 : memref<1x8x64xf32, #tpu.memory_space<vmem>> -> memref<8x64xf32, #tpu.memory_space<vmem>>
      %dma_wait3A_1731 = arith.constant 0 : i32
      %dma_wait3A_1732 = tpu.memref_slice %arg4[%mul3A_1719, %dma_wait3A_1731] : memref<1000000x64xf32, #tpu.memory_space<hbm>> -> memref<8x64xf32, #tpu.memory_space<hbm>>
      tpu.wait_dma2 semaphore(%arg18 : memref<!tpu.dma_semaphore, #tpu.memory_space<semaphore_mem>>) src(%dma_wait3A_1732 : memref<8x64xf32, #tpu.memory_space<hbm>>) dst(%dma_wait3A_1730 : memref<8x64xf32, #tpu.memory_space<vmem>>)
      %slice3A_1733 = vector.extract_strided_slice %shift_right_logical3A_1342 {offsets = [11], sizes = [1], strides = [1]} : vector<16xi32> to vector<1xi32>
      %squeeze3A_1734 = vector.extract %slice3A_1733[0] : i32 from vector<1xi32>
      %mul3A_1735 = arith.constant 8 : i32
      %mul3A_1736 = arith.muli %squeeze3A_1734, %mul3A_1735 : i32
      %dma_wait3A_1737 = arith.constant 11 : i32
      %dma_wait3A_1738 = arith.constant 0 : i32
      %dma_wait3A_1739 = arith.constant 0 : i32
      %dma_wait3A_1740 = tpu.memref_slice %arg14[%dma_wait3A_1737, %dma_wait3A_1738, %dma_wait3A_1739] : memref<16x8x64xf32, #tpu.memory_space<vmem>> -> memref<1x8x64xf32, #tpu.memory_space<vmem>>
      %dma_wait3A_1741 = tpu.memref_squeeze %dma_wait3A_1740 : memref<1x8x64xf32, #tpu.memory_space<vmem>> -> memref<8x64xf32, #tpu.memory_space<vmem>>
      %dma_wait3A_1742 = arith.constant 0 : i32
      %dma_wait3A_1743 = tpu.memref_slice %arg5[%mul3A_1736, %dma_wait3A_1742] : memref<1000000x64xf32, #tpu.memory_space<hbm>> -> memref<8x64xf32, #tpu.memory_space<hbm>>
      %dma_wait3A_1744 = arith.constant 0 : i32
      %dma_wait3A_1745 = arith.constant 0 : i32
      %dma_wait3A_1746 = tpu.memref_slice %arg14[%dma_wait3A_1737, %dma_wait3A_1744, %dma_wait3A_1745] : memref<16x8x64xf32, #tpu.memory_space<vmem>> -> memref<1x8x64xf32, #tpu.memory_space<vmem>>
      %dma_wait3A_1747 = tpu.memref_squeeze %dma_wait3A_1746 : memref<1x8x64xf32, #tpu.memory_space<vmem>> -> memref<8x64xf32, #tpu.memory_space<vmem>>
      %dma_wait3A_1748 = arith.constant 0 : i32
      %dma_wait3A_1749 = tpu.memref_slice %arg5[%mul3A_1736, %dma_wait3A_1748] : memref<1000000x64xf32, #tpu.memory_space<hbm>> -> memref<8x64xf32, #tpu.memory_space<hbm>>
      tpu.wait_dma2 semaphore(%arg19 : memref<!tpu.dma_semaphore, #tpu.memory_space<semaphore_mem>>) src(%dma_wait3A_1749 : memref<8x64xf32, #tpu.memory_space<hbm>>) dst(%dma_wait3A_1747 : memref<8x64xf32, #tpu.memory_space<vmem>>)
      %slice3A_1750 = vector.extract_strided_slice %shift_right_logical3A_1335 {offsets = [12], sizes = [1], strides = [1]} : vector<16xi32> to vector<1xi32>
      %squeeze3A_1751 = vector.extract %slice3A_1750[0] : i32 from vector<1xi32>
      %mul3A_1752 = arith.constant 8 : i32
      %mul3A_1753 = arith.muli %squeeze3A_1751, %mul3A_1752 : i32
      %dma_wait3A_1754 = arith.constant 12 : i32
      %dma_wait3A_1755 = arith.constant 0 : i32
      %dma_wait3A_1756 = arith.constant 0 : i32
      %dma_wait3A_1757 = tpu.memref_slice %arg13[%dma_wait3A_1754, %dma_wait3A_1755, %dma_wait3A_1756] : memref<16x8x64xf32, #tpu.memory_space<vmem>> -> memref<1x8x64xf32, #tpu.memory_space<vmem>>
      %dma_wait3A_1758 = tpu.memref_squeeze %dma_wait3A_1757 : memref<1x8x64xf32, #tpu.memory_space<vmem>> -> memref<8x64xf32, #tpu.memory_space<vmem>>
      %dma_wait3A_1759 = arith.constant 0 : i32
      %dma_wait3A_1760 = tpu.memref_slice %arg4[%mul3A_1753, %dma_wait3A_1759] : memref<1000000x64xf32, #tpu.memory_space<hbm>> -> memref<8x64xf32, #tpu.memory_space<hbm>>
      %dma_wait3A_1761 = arith.constant 0 : i32
      %dma_wait3A_1762 = arith.constant 0 : i32
      %dma_wait3A_1763 = tpu.memref_slice %arg13[%dma_wait3A_1754, %dma_wait3A_1761, %dma_wait3A_1762] : memref<16x8x64xf32, #tpu.memory_space<vmem>> -> memref<1x8x64xf32, #tpu.memory_space<vmem>>
      %dma_wait3A_1764 = tpu.memref_squeeze %dma_wait3A_1763 : memref<1x8x64xf32, #tpu.memory_space<vmem>> -> memref<8x64xf32, #tpu.memory_space<vmem>>
      %dma_wait3A_1765 = arith.constant 0 : i32
      %dma_wait3A_1766 = tpu.memref_slice %arg4[%mul3A_1753, %dma_wait3A_1765] : memref<1000000x64xf32, #tpu.memory_space<hbm>> -> memref<8x64xf32, #tpu.memory_space<hbm>>
      tpu.wait_dma2 semaphore(%arg18 : memref<!tpu.dma_semaphore, #tpu.memory_space<semaphore_mem>>) src(%dma_wait3A_1766 : memref<8x64xf32, #tpu.memory_space<hbm>>) dst(%dma_wait3A_1764 : memref<8x64xf32, #tpu.memory_space<vmem>>)
      %slice3A_1767 = vector.extract_strided_slice %shift_right_logical3A_1342 {offsets = [12], sizes = [1], strides = [1]} : vector<16xi32> to vector<1xi32>
      %squeeze3A_1768 = vector.extract %slice3A_1767[0] : i32 from vector<1xi32>
      %mul3A_1769 = arith.constant 8 : i32
      %mul3A_1770 = arith.muli %squeeze3A_1768, %mul3A_1769 : i32
      %dma_wait3A_1771 = arith.constant 12 : i32
      %dma_wait3A_1772 = arith.constant 0 : i32
      %dma_wait3A_1773 = arith.constant 0 : i32
      %dma_wait3A_1774 = tpu.memref_slice %arg14[%dma_wait3A_1771, %dma_wait3A_1772, %dma_wait3A_1773] : memref<16x8x64xf32, #tpu.memory_space<vmem>> -> memref<1x8x64xf32, #tpu.memory_space<vmem>>
      %dma_wait3A_1775 = tpu.memref_squeeze %dma_wait3A_1774 : memref<1x8x64xf32, #tpu.memory_space<vmem>> -> memref<8x64xf32, #tpu.memory_space<vmem>>
      %dma_wait3A_1776 = arith.constant 0 : i32
      %dma_wait3A_1777 = tpu.memref_slice %arg5[%mul3A_1770, %dma_wait3A_1776] : memref<1000000x64xf32, #tpu.memory_space<hbm>> -> memref<8x64xf32, #tpu.memory_space<hbm>>
      %dma_wait3A_1778 = arith.constant 0 : i32
      %dma_wait3A_1779 = arith.constant 0 : i32
      %dma_wait3A_1780 = tpu.memref_slice %arg14[%dma_wait3A_1771, %dma_wait3A_1778, %dma_wait3A_1779] : memref<16x8x64xf32, #tpu.memory_space<vmem>> -> memref<1x8x64xf32, #tpu.memory_space<vmem>>
      %dma_wait3A_1781 = tpu.memref_squeeze %dma_wait3A_1780 : memref<1x8x64xf32, #tpu.memory_space<vmem>> -> memref<8x64xf32, #tpu.memory_space<vmem>>
      %dma_wait3A_1782 = arith.constant 0 : i32
      %dma_wait3A_1783 = tpu.memref_slice %arg5[%mul3A_1770, %dma_wait3A_1782] : memref<1000000x64xf32, #tpu.memory_space<hbm>> -> memref<8x64xf32, #tpu.memory_space<hbm>>
      tpu.wait_dma2 semaphore(%arg19 : memref<!tpu.dma_semaphore, #tpu.memory_space<semaphore_mem>>) src(%dma_wait3A_1783 : memref<8x64xf32, #tpu.memory_space<hbm>>) dst(%dma_wait3A_1781 : memref<8x64xf32, #tpu.memory_space<vmem>>)
      %slice3A_1784 = vector.extract_strided_slice %shift_right_logical3A_1335 {offsets = [13], sizes = [1], strides = [1]} : vector<16xi32> to vector<1xi32>
      %squeeze3A_1785 = vector.extract %slice3A_1784[0] : i32 from vector<1xi32>
      %mul3A_1786 = arith.constant 8 : i32
      %mul3A_1787 = arith.muli %squeeze3A_1785, %mul3A_1786 : i32
      %dma_wait3A_1788 = arith.constant 13 : i32
      %dma_wait3A_1789 = arith.constant 0 : i32
      %dma_wait3A_1790 = arith.constant 0 : i32
      %dma_wait3A_1791 = tpu.memref_slice %arg13[%dma_wait3A_1788, %dma_wait3A_1789, %dma_wait3A_1790] : memref<16x8x64xf32, #tpu.memory_space<vmem>> -> memref<1x8x64xf32, #tpu.memory_space<vmem>>
      %dma_wait3A_1792 = tpu.memref_squeeze %dma_wait3A_1791 : memref<1x8x64xf32, #tpu.memory_space<vmem>> -> memref<8x64xf32, #tpu.memory_space<vmem>>
      %dma_wait3A_1793 = arith.constant 0 : i32
      %dma_wait3A_1794 = tpu.memref_slice %arg4[%mul3A_1787, %dma_wait3A_1793] : memref<1000000x64xf32, #tpu.memory_space<hbm>> -> memref<8x64xf32, #tpu.memory_space<hbm>>
      %dma_wait3A_1795 = arith.constant 0 : i32
      %dma_wait3A_1796 = arith.constant 0 : i32
      %dma_wait3A_1797 = tpu.memref_slice %arg13[%dma_wait3A_1788, %dma_wait3A_1795, %dma_wait3A_1796] : memref<16x8x64xf32, #tpu.memory_space<vmem>> -> memref<1x8x64xf32, #tpu.memory_space<vmem>>
      %dma_wait3A_1798 = tpu.memref_squeeze %dma_wait3A_1797 : memref<1x8x64xf32, #tpu.memory_space<vmem>> -> memref<8x64xf32, #tpu.memory_space<vmem>>
      %dma_wait3A_1799 = arith.constant 0 : i32
      %dma_wait3A_1800 = tpu.memref_slice %arg4[%mul3A_1787, %dma_wait3A_1799] : memref<1000000x64xf32, #tpu.memory_space<hbm>> -> memref<8x64xf32, #tpu.memory_space<hbm>>
      tpu.wait_dma2 semaphore(%arg18 : memref<!tpu.dma_semaphore, #tpu.memory_space<semaphore_mem>>) src(%dma_wait3A_1800 : memref<8x64xf32, #tpu.memory_space<hbm>>) dst(%dma_wait3A_1798 : memref<8x64xf32, #tpu.memory_space<vmem>>)
      %slice3A_1801 = vector.extract_strided_slice %shift_right_logical3A_1342 {offsets = [13], sizes = [1], strides = [1]} : vector<16xi32> to vector<1xi32>
      %squeeze3A_1802 = vector.extract %slice3A_1801[0] : i32 from vector<1xi32>
      %mul3A_1803 = arith.constant 8 : i32
      %mul3A_1804 = arith.muli %squeeze3A_1802, %mul3A_1803 : i32
      %dma_wait3A_1805 = arith.constant 13 : i32
      %dma_wait3A_1806 = arith.constant 0 : i32
      %dma_wait3A_1807 = arith.constant 0 : i32
      %dma_wait3A_1808 = tpu.memref_slice %arg14[%dma_wait3A_1805, %dma_wait3A_1806, %dma_wait3A_1807] : memref<16x8x64xf32, #tpu.memory_space<vmem>> -> memref<1x8x64xf32, #tpu.memory_space<vmem>>
      %dma_wait3A_1809 = tpu.memref_squeeze %dma_wait3A_1808 : memref<1x8x64xf32, #tpu.memory_space<vmem>> -> memref<8x64xf32, #tpu.memory_space<vmem>>
      %dma_wait3A_1810 = arith.constant 0 : i32
      %dma_wait3A_1811 = tpu.memref_slice %arg5[%mul3A_1804, %dma_wait3A_1810] : memref<1000000x64xf32, #tpu.memory_space<hbm>> -> memref<8x64xf32, #tpu.memory_space<hbm>>
      %dma_wait3A_1812 = arith.constant 0 : i32
      %dma_wait3A_1813 = arith.constant 0 : i32
      %dma_wait3A_1814 = tpu.memref_slice %arg14[%dma_wait3A_1805, %dma_wait3A_1812, %dma_wait3A_1813] : memref<16x8x64xf32, #tpu.memory_space<vmem>> -> memref<1x8x64xf32, #tpu.memory_space<vmem>>
      %dma_wait3A_1815 = tpu.memref_squeeze %dma_wait3A_1814 : memref<1x8x64xf32, #tpu.memory_space<vmem>> -> memref<8x64xf32, #tpu.memory_space<vmem>>
      %dma_wait3A_1816 = arith.constant 0 : i32
      %dma_wait3A_1817 = tpu.memref_slice %arg5[%mul3A_1804, %dma_wait3A_1816] : memref<1000000x64xf32, #tpu.memory_space<hbm>> -> memref<8x64xf32, #tpu.memory_space<hbm>>
      tpu.wait_dma2 semaphore(%arg19 : memref<!tpu.dma_semaphore, #tpu.memory_space<semaphore_mem>>) src(%dma_wait3A_1817 : memref<8x64xf32, #tpu.memory_space<hbm>>) dst(%dma_wait3A_1815 : memref<8x64xf32, #tpu.memory_space<vmem>>)
      %slice3A_1818 = vector.extract_strided_slice %shift_right_logical3A_1335 {offsets = [14], sizes = [1], strides = [1]} : vector<16xi32> to vector<1xi32>
      %squeeze3A_1819 = vector.extract %slice3A_1818[0] : i32 from vector<1xi32>
      %mul3A_1820 = arith.constant 8 : i32
      %mul3A_1821 = arith.muli %squeeze3A_1819, %mul3A_1820 : i32
      %dma_wait3A_1822 = arith.constant 14 : i32
      %dma_wait3A_1823 = arith.constant 0 : i32
      %dma_wait3A_1824 = arith.constant 0 : i32
      %dma_wait3A_1825 = tpu.memref_slice %arg13[%dma_wait3A_1822, %dma_wait3A_1823, %dma_wait3A_1824] : memref<16x8x64xf32, #tpu.memory_space<vmem>> -> memref<1x8x64xf32, #tpu.memory_space<vmem>>
      %dma_wait3A_1826 = tpu.memref_squeeze %dma_wait3A_1825 : memref<1x8x64xf32, #tpu.memory_space<vmem>> -> memref<8x64xf32, #tpu.memory_space<vmem>>
      %dma_wait3A_1827 = arith.constant 0 : i32
      %dma_wait3A_1828 = tpu.memref_slice %arg4[%mul3A_1821, %dma_wait3A_1827] : memref<1000000x64xf32, #tpu.memory_space<hbm>> -> memref<8x64xf32, #tpu.memory_space<hbm>>
      %dma_wait3A_1829 = arith.constant 0 : i32
      %dma_wait3A_1830 = arith.constant 0 : i32
      %dma_wait3A_1831 = tpu.memref_slice %arg13[%dma_wait3A_1822, %dma_wait3A_1829, %dma_wait3A_1830] : memref<16x8x64xf32, #tpu.memory_space<vmem>> -> memref<1x8x64xf32, #tpu.memory_space<vmem>>
      %dma_wait3A_1832 = tpu.memref_squeeze %dma_wait3A_1831 : memref<1x8x64xf32, #tpu.memory_space<vmem>> -> memref<8x64xf32, #tpu.memory_space<vmem>>
      %dma_wait3A_1833 = arith.constant 0 : i32
      %dma_wait3A_1834 = tpu.memref_slice %arg4[%mul3A_1821, %dma_wait3A_1833] : memref<1000000x64xf32, #tpu.memory_space<hbm>> -> memref<8x64xf32, #tpu.memory_space<hbm>>
      tpu.wait_dma2 semaphore(%arg18 : memref<!tpu.dma_semaphore, #tpu.memory_space<semaphore_mem>>) src(%dma_wait3A_1834 : memref<8x64xf32, #tpu.memory_space<hbm>>) dst(%dma_wait3A_1832 : memref<8x64xf32, #tpu.memory_space<vmem>>)
      %slice3A_1835 = vector.extract_strided_slice %shift_right_logical3A_1342 {offsets = [14], sizes = [1], strides = [1]} : vector<16xi32> to vector<1xi32>
      %squeeze3A_1836 = vector.extract %slice3A_1835[0] : i32 from vector<1xi32>
      %mul3A_1837 = arith.constant 8 : i32
      %mul3A_1838 = arith.muli %squeeze3A_1836, %mul3A_1837 : i32
      %dma_wait3A_1839 = arith.constant 14 : i32
      %dma_wait3A_1840 = arith.constant 0 : i32
      %dma_wait3A_1841 = arith.constant 0 : i32
      %dma_wait3A_1842 = tpu.memref_slice %arg14[%dma_wait3A_1839, %dma_wait3A_1840, %dma_wait3A_1841] : memref<16x8x64xf32, #tpu.memory_space<vmem>> -> memref<1x8x64xf32, #tpu.memory_space<vmem>>
      %dma_wait3A_1843 = tpu.memref_squeeze %dma_wait3A_1842 : memref<1x8x64xf32, #tpu.memory_space<vmem>> -> memref<8x64xf32, #tpu.memory_space<vmem>>
      %dma_wait3A_1844 = arith.constant 0 : i32
      %dma_wait3A_1845 = tpu.memref_slice %arg5[%mul3A_1838, %dma_wait3A_1844] : memref<1000000x64xf32, #tpu.memory_space<hbm>> -> memref<8x64xf32, #tpu.memory_space<hbm>>
      %dma_wait3A_1846 = arith.constant 0 : i32
      %dma_wait3A_1847 = arith.constant 0 : i32
      %dma_wait3A_1848 = tpu.memref_slice %arg14[%dma_wait3A_1839, %dma_wait3A_1846, %dma_wait3A_1847] : memref<16x8x64xf32, #tpu.memory_space<vmem>> -> memref<1x8x64xf32, #tpu.memory_space<vmem>>
      %dma_wait3A_1849 = tpu.memref_squeeze %dma_wait3A_1848 : memref<1x8x64xf32, #tpu.memory_space<vmem>> -> memref<8x64xf32, #tpu.memory_space<vmem>>
      %dma_wait3A_1850 = arith.constant 0 : i32
      %dma_wait3A_1851 = tpu.memref_slice %arg5[%mul3A_1838, %dma_wait3A_1850] : memref<1000000x64xf32, #tpu.memory_space<hbm>> -> memref<8x64xf32, #tpu.memory_space<hbm>>
      tpu.wait_dma2 semaphore(%arg19 : memref<!tpu.dma_semaphore, #tpu.memory_space<semaphore_mem>>) src(%dma_wait3A_1851 : memref<8x64xf32, #tpu.memory_space<hbm>>) dst(%dma_wait3A_1849 : memref<8x64xf32, #tpu.memory_space<vmem>>)
      %slice3A_1852 = vector.extract_strided_slice %shift_right_logical3A_1335 {offsets = [15], sizes = [1], strides = [1]} : vector<16xi32> to vector<1xi32>
      %squeeze3A_1853 = vector.extract %slice3A_1852[0] : i32 from vector<1xi32>
      %mul3A_1854 = arith.constant 8 : i32
      %mul3A_1855 = arith.muli %squeeze3A_1853, %mul3A_1854 : i32
      %dma_wait3A_1856 = arith.constant 15 : i32
      %dma_wait3A_1857 = arith.constant 0 : i32
      %dma_wait3A_1858 = arith.constant 0 : i32
      %dma_wait3A_1859 = tpu.memref_slice %arg13[%dma_wait3A_1856, %dma_wait3A_1857, %dma_wait3A_1858] : memref<16x8x64xf32, #tpu.memory_space<vmem>> -> memref<1x8x64xf32, #tpu.memory_space<vmem>>
      %dma_wait3A_1860 = tpu.memref_squeeze %dma_wait3A_1859 : memref<1x8x64xf32, #tpu.memory_space<vmem>> -> memref<8x64xf32, #tpu.memory_space<vmem>>
      %dma_wait3A_1861 = arith.constant 0 : i32
      %dma_wait3A_1862 = tpu.memref_slice %arg4[%mul3A_1855, %dma_wait3A_1861] : memref<1000000x64xf32, #tpu.memory_space<hbm>> -> memref<8x64xf32, #tpu.memory_space<hbm>>
      %dma_wait3A_1863 = arith.constant 0 : i32
      %dma_wait3A_1864 = arith.constant 0 : i32
      %dma_wait3A_1865 = tpu.memref_slice %arg13[%dma_wait3A_1856, %dma_wait3A_1863, %dma_wait3A_1864] : memref<16x8x64xf32, #tpu.memory_space<vmem>> -> memref<1x8x64xf32, #tpu.memory_space<vmem>>
      %dma_wait3A_1866 = tpu.memref_squeeze %dma_wait3A_1865 : memref<1x8x64xf32, #tpu.memory_space<vmem>> -> memref<8x64xf32, #tpu.memory_space<vmem>>
      %dma_wait3A_1867 = arith.constant 0 : i32
      %dma_wait3A_1868 = tpu.memref_slice %arg4[%mul3A_1855, %dma_wait3A_1867] : memref<1000000x64xf32, #tpu.memory_space<hbm>> -> memref<8x64xf32, #tpu.memory_space<hbm>>
      tpu.wait_dma2 semaphore(%arg18 : memref<!tpu.dma_semaphore, #tpu.memory_space<semaphore_mem>>) src(%dma_wait3A_1868 : memref<8x64xf32, #tpu.memory_space<hbm>>) dst(%dma_wait3A_1866 : memref<8x64xf32, #tpu.memory_space<vmem>>)
      %slice3A_1869 = vector.extract_strided_slice %shift_right_logical3A_1342 {offsets = [15], sizes = [1], strides = [1]} : vector<16xi32> to vector<1xi32>
      %squeeze3A_1870 = vector.extract %slice3A_1869[0] : i32 from vector<1xi32>
      %mul3A_1871 = arith.constant 8 : i32
      %mul3A_1872 = arith.muli %squeeze3A_1870, %mul3A_1871 : i32
      %dma_wait3A_1873 = arith.constant 15 : i32
      %dma_wait3A_1874 = arith.constant 0 : i32
      %dma_wait3A_1875 = arith.constant 0 : i32
      %dma_wait3A_1876 = tpu.memref_slice %arg14[%dma_wait3A_1873, %dma_wait3A_1874, %dma_wait3A_1875] : memref<16x8x64xf32, #tpu.memory_space<vmem>> -> memref<1x8x64xf32, #tpu.memory_space<vmem>>
      %dma_wait3A_1877 = tpu.memref_squeeze %dma_wait3A_1876 : memref<1x8x64xf32, #tpu.memory_space<vmem>> -> memref<8x64xf32, #tpu.memory_space<vmem>>
      %dma_wait3A_1878 = arith.constant 0 : i32
      %dma_wait3A_1879 = tpu.memref_slice %arg5[%mul3A_1872, %dma_wait3A_1878] : memref<1000000x64xf32, #tpu.memory_space<hbm>> -> memref<8x64xf32, #tpu.memory_space<hbm>>
      %dma_wait3A_1880 = arith.constant 0 : i32
      %dma_wait3A_1881 = arith.constant 0 : i32
      %dma_wait3A_1882 = tpu.memref_slice %arg14[%dma_wait3A_1873, %dma_wait3A_1880, %dma_wait3A_1881] : memref<16x8x64xf32, #tpu.memory_space<vmem>> -> memref<1x8x64xf32, #tpu.memory_space<vmem>>
      %dma_wait3A_1883 = tpu.memref_squeeze %dma_wait3A_1882 : memref<1x8x64xf32, #tpu.memory_space<vmem>> -> memref<8x64xf32, #tpu.memory_space<vmem>>
      %dma_wait3A_1884 = arith.constant 0 : i32
      %dma_wait3A_1885 = tpu.memref_slice %arg5[%mul3A_1872, %dma_wait3A_1884] : memref<1000000x64xf32, #tpu.memory_space<hbm>> -> memref<8x64xf32, #tpu.memory_space<hbm>>
      tpu.wait_dma2 semaphore(%arg19 : memref<!tpu.dma_semaphore, #tpu.memory_space<semaphore_mem>>) src(%dma_wait3A_1885 : memref<8x64xf32, #tpu.memory_space<hbm>>) dst(%dma_wait3A_1883 : memref<8x64xf32, #tpu.memory_space<vmem>>)
      %add3A_1886 = arith.constant 0 : i32
      %add3A_1887 = arith.addi %mul3A_774, %add3A_1886 : i32
      %add3A_1888 = arith.constant 0 : i32
      %add3A_1889 = vector.broadcast %add3A_1888 : i32 to vector<16xi32>
      %add3A_1890 = arith.addi %iota3A, %add3A_1889 : vector<16xi32>
      %get3A_1891 = arith.index_cast %add3A_1887 : i32 to index
      %get3A_1892 = tpu.vector_load %arg11[%get3A_1891] {strides = array<i32>} : memref<512xi32, #tpu.memory_space<vmem>>, vector<16xi32>,
      %get3A_1893 = arith.index_cast %add3A_1887 : i32 to index
      %get3A_1894 = tpu.vector_load %arg12[%get3A_1893] {strides = array<i32>} : memref<512xi32, #tpu.memory_space<vmem>>, vector<16xi32>,
      %get3A_1895 = arith.index_cast %add3A_1887 : i32 to index
      %get3A_1896 = tpu.vector_load %arg15[%get3A_1895] {strides = array<i32>} : memref<512xf32, #tpu.memory_space<vmem>>, vector<16xf32>,
      %get3A_1897 = arith.index_cast %add3A_1887 : i32 to index
      %get3A_1898 = tpu.vector_load %arg16[%get3A_1897] {strides = array<i32>} : memref<512xf32, #tpu.memory_space<vmem>>, vector<16xf32>,
      %add3A_1899 = arith.addf %get3A_1896, %get3A_1898 : vector<16xf32>
      %add3A_1900 = arith.constant 0 : i32
      %add3A_1901 = vector.broadcast %add3A_1900 : i32 to vector<16xi32>
      %add3A_1902 = arith.addi %iota3A, %add3A_1901 : vector<16xi32>
      %and3A_1903 = arith.constant 63 : i32
      %and3A_1904 = vector.broadcast %and3A_1903 : i32 to vector<16xi32>
      %and3A_1905 = arith.andi %add3A_1902, %and3A_1904 : vector<16xi32>
      %gather3A = tpu.vector_load_idx %arg13[%add3A_1890, %get3A_1892, %and3A_1905] : memref<16x8x64xf32, #tpu.memory_space<vmem>>[vector<16xi32>, vector<16xi32>, vector<16xi32>], vector<16xf32>,
      %gather3A_1906 = tpu.vector_load_idx %arg14[%add3A_1890, %get3A_1894, %and3A_1905] : memref<16x8x64xf32, #tpu.memory_space<vmem>>[vector<16xi32>, vector<16xi32>, vector<16xi32>], vector<16xf32>,
      %mul3A_1907 = arith.mulf %gather3A, %gather3A_1906 : vector<16xf32>
      %add3A_1908 = arith.addf %add3A_1899, %mul3A_1907 : vector<16xf32>
      %add3A_1909 = arith.constant 1 : i32
      %add3A_1910 = vector.broadcast %add3A_1909 : i32 to vector<16xi32>
      %add3A_1911 = arith.addi %iota3A, %add3A_1910 : vector<16xi32>
      %and3A_1912 = arith.constant 63 : i32
      %and3A_1913 = vector.broadcast %and3A_1912 : i32 to vector<16xi32>
      %and3A_1914 = arith.andi %add3A_1911, %and3A_1913 : vector<16xi32>
      %gather3A_1915 = tpu.vector_load_idx %arg13[%add3A_1890, %get3A_1892, %and3A_1914] : memref<16x8x64xf32, #tpu.memory_space<vmem>>[vector<16xi32>, vector<16xi32>, vector<16xi32>], vector<16xf32>,
      %gather3A_1916 = tpu.vector_load_idx %arg14[%add3A_1890, %get3A_1894, %and3A_1914] : memref<16x8x64xf32, #tpu.memory_space<vmem>>[vector<16xi32>, vector<16xi32>, vector<16xi32>], vector<16xf32>,
      %mul3A_1917 = arith.mulf %gather3A_1915, %gather3A_1916 : vector<16xf32>
      %add3A_1918 = arith.addf %add3A_1908, %mul3A_1917 : vector<16xf32>
      %add3A_1919 = arith.constant 2 : i32
      %add3A_1920 = vector.broadcast %add3A_1919 : i32 to vector<16xi32>
      %add3A_1921 = arith.addi %iota3A, %add3A_1920 : vector<16xi32>
      %and3A_1922 = arith.constant 63 : i32
      %and3A_1923 = vector.broadcast %and3A_1922 : i32 to vector<16xi32>
      %and3A_1924 = arith.andi %add3A_1921, %and3A_1923 : vector<16xi32>
      %gather3A_1925 = tpu.vector_load_idx %arg13[%add3A_1890, %get3A_1892, %and3A_1924] : memref<16x8x64xf32, #tpu.memory_space<vmem>>[vector<16xi32>, vector<16xi32>, vector<16xi32>], vector<16xf32>,
      %gather3A_1926 = tpu.vector_load_idx %arg14[%add3A_1890, %get3A_1894, %and3A_1924] : memref<16x8x64xf32, #tpu.memory_space<vmem>>[vector<16xi32>, vector<16xi32>, vector<16xi32>], vector<16xf32>,
      %mul3A_1927 = arith.mulf %gather3A_1925, %gather3A_1926 : vector<16xf32>
      %add3A_1928 = arith.addf %add3A_1918, %mul3A_1927 : vector<16xf32>
      %add3A_1929 = arith.constant 3 : i32
      %add3A_1930 = vector.broadcast %add3A_1929 : i32 to vector<16xi32>
      %add3A_1931 = arith.addi %iota3A, %add3A_1930 : vector<16xi32>
      %and3A_1932 = arith.constant 63 : i32
      %and3A_1933 = vector.broadcast %and3A_1932 : i32 to vector<16xi32>
      %and3A_1934 = arith.andi %add3A_1931, %and3A_1933 : vector<16xi32>
      %gather3A_1935 = tpu.vector_load_idx %arg13[%add3A_1890, %get3A_1892, %and3A_1934] : memref<16x8x64xf32, #tpu.memory_space<vmem>>[vector<16xi32>, vector<16xi32>, vector<16xi32>], vector<16xf32>,
      %gather3A_1936 = tpu.vector_load_idx %arg14[%add3A_1890, %get3A_1894, %and3A_1934] : memref<16x8x64xf32, #tpu.memory_space<vmem>>[vector<16xi32>, vector<16xi32>, vector<16xi32>], vector<16xf32>,
      %mul3A_1937 = arith.mulf %gather3A_1935, %gather3A_1936 : vector<16xf32>
      %add3A_1938 = arith.addf %add3A_1928, %mul3A_1937 : vector<16xf32>
      %add3A_1939 = arith.constant 4 : i32
      %add3A_1940 = vector.broadcast %add3A_1939 : i32 to vector<16xi32>
      %add3A_1941 = arith.addi %iota3A, %add3A_1940 : vector<16xi32>
      %and3A_1942 = arith.constant 63 : i32
      %and3A_1943 = vector.broadcast %and3A_1942 : i32 to vector<16xi32>
      %and3A_1944 = arith.andi %add3A_1941, %and3A_1943 : vector<16xi32>
      %gather3A_1945 = tpu.vector_load_idx %arg13[%add3A_1890, %get3A_1892, %and3A_1944] : memref<16x8x64xf32, #tpu.memory_space<vmem>>[vector<16xi32>, vector<16xi32>, vector<16xi32>], vector<16xf32>,
      %gather3A_1946 = tpu.vector_load_idx %arg14[%add3A_1890, %get3A_1894, %and3A_1944] : memref<16x8x64xf32, #tpu.memory_space<vmem>>[vector<16xi32>, vector<16xi32>, vector<16xi32>], vector<16xf32>,
      %mul3A_1947 = arith.mulf %gather3A_1945, %gather3A_1946 : vector<16xf32>
      %add3A_1948 = arith.addf %add3A_1938, %mul3A_1947 : vector<16xf32>
      %add3A_1949 = arith.constant 5 : i32
      %add3A_1950 = vector.broadcast %add3A_1949 : i32 to vector<16xi32>
      %add3A_1951 = arith.addi %iota3A, %add3A_1950 : vector<16xi32>
      %and3A_1952 = arith.constant 63 : i32
      %and3A_1953 = vector.broadcast %and3A_1952 : i32 to vector<16xi32>
      %and3A_1954 = arith.andi %add3A_1951, %and3A_1953 : vector<16xi32>
      %gather3A_1955 = tpu.vector_load_idx %arg13[%add3A_1890, %get3A_1892, %and3A_1954] : memref<16x8x64xf32, #tpu.memory_space<vmem>>[vector<16xi32>, vector<16xi32>, vector<16xi32>], vector<16xf32>,
      %gather3A_1956 = tpu.vector_load_idx %arg14[%add3A_1890, %get3A_1894, %and3A_1954] : memref<16x8x64xf32, #tpu.memory_space<vmem>>[vector<16xi32>, vector<16xi32>, vector<16xi32>], vector<16xf32>,
      %mul3A_1957 = arith.mulf %gather3A_1955, %gather3A_1956 : vector<16xf32>
      %add3A_1958 = arith.addf %add3A_1948, %mul3A_1957 : vector<16xf32>
      %add3A_1959 = arith.constant 6 : i32
      %add3A_1960 = vector.broadcast %add3A_1959 : i32 to vector<16xi32>
      %add3A_1961 = arith.addi %iota3A, %add3A_1960 : vector<16xi32>
      %and3A_1962 = arith.constant 63 : i32
      %and3A_1963 = vector.broadcast %and3A_1962 : i32 to vector<16xi32>
      %and3A_1964 = arith.andi %add3A_1961, %and3A_1963 : vector<16xi32>
      %gather3A_1965 = tpu.vector_load_idx %arg13[%add3A_1890, %get3A_1892, %and3A_1964] : memref<16x8x64xf32, #tpu.memory_space<vmem>>[vector<16xi32>, vector<16xi32>, vector<16xi32>], vector<16xf32>,
      %gather3A_1966 = tpu.vector_load_idx %arg14[%add3A_1890, %get3A_1894, %and3A_1964] : memref<16x8x64xf32, #tpu.memory_space<vmem>>[vector<16xi32>, vector<16xi32>, vector<16xi32>], vector<16xf32>,
      %mul3A_1967 = arith.mulf %gather3A_1965, %gather3A_1966 : vector<16xf32>
      %add3A_1968 = arith.addf %add3A_1958, %mul3A_1967 : vector<16xf32>
      %add3A_1969 = arith.constant 7 : i32
      %add3A_1970 = vector.broadcast %add3A_1969 : i32 to vector<16xi32>
      %add3A_1971 = arith.addi %iota3A, %add3A_1970 : vector<16xi32>
      %and3A_1972 = arith.constant 63 : i32
      %and3A_1973 = vector.broadcast %and3A_1972 : i32 to vector<16xi32>
      %and3A_1974 = arith.andi %add3A_1971, %and3A_1973 : vector<16xi32>
      %gather3A_1975 = tpu.vector_load_idx %arg13[%add3A_1890, %get3A_1892, %and3A_1974] : memref<16x8x64xf32, #tpu.memory_space<vmem>>[vector<16xi32>, vector<16xi32>, vector<16xi32>], vector<16xf32>,
      %gather3A_1976 = tpu.vector_load_idx %arg14[%add3A_1890, %get3A_1894, %and3A_1974] : memref<16x8x64xf32, #tpu.memory_space<vmem>>[vector<16xi32>, vector<16xi32>, vector<16xi32>], vector<16xf32>,
      %mul3A_1977 = arith.mulf %gather3A_1975, %gather3A_1976 : vector<16xf32>
      %add3A_1978 = arith.addf %add3A_1968, %mul3A_1977 : vector<16xf32>
      %add3A_1979 = arith.constant 8 : i32
      %add3A_1980 = vector.broadcast %add3A_1979 : i32 to vector<16xi32>
      %add3A_1981 = arith.addi %iota3A, %add3A_1980 : vector<16xi32>
      %and3A_1982 = arith.constant 63 : i32
      %and3A_1983 = vector.broadcast %and3A_1982 : i32 to vector<16xi32>
      %and3A_1984 = arith.andi %add3A_1981, %and3A_1983 : vector<16xi32>
      %gather3A_1985 = tpu.vector_load_idx %arg13[%add3A_1890, %get3A_1892, %and3A_1984] : memref<16x8x64xf32, #tpu.memory_space<vmem>>[vector<16xi32>, vector<16xi32>, vector<16xi32>], vector<16xf32>,
      %gather3A_1986 = tpu.vector_load_idx %arg14[%add3A_1890, %get3A_1894, %and3A_1984] : memref<16x8x64xf32, #tpu.memory_space<vmem>>[vector<16xi32>, vector<16xi32>, vector<16xi32>], vector<16xf32>,
      %mul3A_1987 = arith.mulf %gather3A_1985, %gather3A_1986 : vector<16xf32>
      %add3A_1988 = arith.addf %add3A_1978, %mul3A_1987 : vector<16xf32>
      %add3A_1989 = arith.constant 9 : i32
      %add3A_1990 = vector.broadcast %add3A_1989 : i32 to vector<16xi32>
      %add3A_1991 = arith.addi %iota3A, %add3A_1990 : vector<16xi32>
      %and3A_1992 = arith.constant 63 : i32
      %and3A_1993 = vector.broadcast %and3A_1992 : i32 to vector<16xi32>
      %and3A_1994 = arith.andi %add3A_1991, %and3A_1993 : vector<16xi32>
      %gather3A_1995 = tpu.vector_load_idx %arg13[%add3A_1890, %get3A_1892, %and3A_1994] : memref<16x8x64xf32, #tpu.memory_space<vmem>>[vector<16xi32>, vector<16xi32>, vector<16xi32>], vector<16xf32>,
      %gather3A_1996 = tpu.vector_load_idx %arg14[%add3A_1890, %get3A_1894, %and3A_1994] : memref<16x8x64xf32, #tpu.memory_space<vmem>>[vector<16xi32>, vector<16xi32>, vector<16xi32>], vector<16xf32>,
      %mul3A_1997 = arith.mulf %gather3A_1995, %gather3A_1996 : vector<16xf32>
      %add3A_1998 = arith.addf %add3A_1988, %mul3A_1997 : vector<16xf32>
      %add3A_1999 = arith.constant 10 : i32
      %add3A_2000 = vector.broadcast %add3A_1999 : i32 to vector<16xi32>
      %add3A_2001 = arith.addi %iota3A, %add3A_2000 : vector<16xi32>
      %and3A_2002 = arith.constant 63 : i32
      %and3A_2003 = vector.broadcast %and3A_2002 : i32 to vector<16xi32>
      %and3A_2004 = arith.andi %add3A_2001, %and3A_2003 : vector<16xi32>
      %gather3A_2005 = tpu.vector_load_idx %arg13[%add3A_1890, %get3A_1892, %and3A_2004] : memref<16x8x64xf32, #tpu.memory_space<vmem>>[vector<16xi32>, vector<16xi32>, vector<16xi32>], vector<16xf32>,
      %gather3A_2006 = tpu.vector_load_idx %arg14[%add3A_1890, %get3A_1894, %and3A_2004] : memref<16x8x64xf32, #tpu.memory_space<vmem>>[vector<16xi32>, vector<16xi32>, vector<16xi32>], vector<16xf32>,
      %mul3A_2007 = arith.mulf %gather3A_2005, %gather3A_2006 : vector<16xf32>
      %add3A_2008 = arith.addf %add3A_1998, %mul3A_2007 : vector<16xf32>
      %add3A_2009 = arith.constant 11 : i32
      %add3A_2010 = vector.broadcast %add3A_2009 : i32 to vector<16xi32>
      %add3A_2011 = arith.addi %iota3A, %add3A_2010 : vector<16xi32>
      %and3A_2012 = arith.constant 63 : i32
      %and3A_2013 = vector.broadcast %and3A_2012 : i32 to vector<16xi32>
      %and3A_2014 = arith.andi %add3A_2011, %and3A_2013 : vector<16xi32>
      %gather3A_2015 = tpu.vector_load_idx %arg13[%add3A_1890, %get3A_1892, %and3A_2014] : memref<16x8x64xf32, #tpu.memory_space<vmem>>[vector<16xi32>, vector<16xi32>, vector<16xi32>], vector<16xf32>,
      %gather3A_2016 = tpu.vector_load_idx %arg14[%add3A_1890, %get3A_1894, %and3A_2014] : memref<16x8x64xf32, #tpu.memory_space<vmem>>[vector<16xi32>, vector<16xi32>, vector<16xi32>], vector<16xf32>,
      %mul3A_2017 = arith.mulf %gather3A_2015, %gather3A_2016 : vector<16xf32>
      %add3A_2018 = arith.addf %add3A_2008, %mul3A_2017 : vector<16xf32>
      %add3A_2019 = arith.constant 12 : i32
      %add3A_2020 = vector.broadcast %add3A_2019 : i32 to vector<16xi32>
      %add3A_2021 = arith.addi %iota3A, %add3A_2020 : vector<16xi32>
      %and3A_2022 = arith.constant 63 : i32
      %and3A_2023 = vector.broadcast %and3A_2022 : i32 to vector<16xi32>
      %and3A_2024 = arith.andi %add3A_2021, %and3A_2023 : vector<16xi32>
      %gather3A_2025 = tpu.vector_load_idx %arg13[%add3A_1890, %get3A_1892, %and3A_2024] : memref<16x8x64xf32, #tpu.memory_space<vmem>>[vector<16xi32>, vector<16xi32>, vector<16xi32>], vector<16xf32>,
      %gather3A_2026 = tpu.vector_load_idx %arg14[%add3A_1890, %get3A_1894, %and3A_2024] : memref<16x8x64xf32, #tpu.memory_space<vmem>>[vector<16xi32>, vector<16xi32>, vector<16xi32>], vector<16xf32>,
      %mul3A_2027 = arith.mulf %gather3A_2025, %gather3A_2026 : vector<16xf32>
      %add3A_2028 = arith.addf %add3A_2018, %mul3A_2027 : vector<16xf32>
      %add3A_2029 = arith.constant 13 : i32
      %add3A_2030 = vector.broadcast %add3A_2029 : i32 to vector<16xi32>
      %add3A_2031 = arith.addi %iota3A, %add3A_2030 : vector<16xi32>
      %and3A_2032 = arith.constant 63 : i32
      %and3A_2033 = vector.broadcast %and3A_2032 : i32 to vector<16xi32>
      %and3A_2034 = arith.andi %add3A_2031, %and3A_2033 : vector<16xi32>
      %gather3A_2035 = tpu.vector_load_idx %arg13[%add3A_1890, %get3A_1892, %and3A_2034] : memref<16x8x64xf32, #tpu.memory_space<vmem>>[vector<16xi32>, vector<16xi32>, vector<16xi32>], vector<16xf32>,
      %gather3A_2036 = tpu.vector_load_idx %arg14[%add3A_1890, %get3A_1894, %and3A_2034] : memref<16x8x64xf32, #tpu.memory_space<vmem>>[vector<16xi32>, vector<16xi32>, vector<16xi32>], vector<16xf32>,
      %mul3A_2037 = arith.mulf %gather3A_2035, %gather3A_2036 : vector<16xf32>
      %add3A_2038 = arith.addf %add3A_2028, %mul3A_2037 : vector<16xf32>
      %add3A_2039 = arith.constant 14 : i32
      %add3A_2040 = vector.broadcast %add3A_2039 : i32 to vector<16xi32>
      %add3A_2041 = arith.addi %iota3A, %add3A_2040 : vector<16xi32>
      %and3A_2042 = arith.constant 63 : i32
      %and3A_2043 = vector.broadcast %and3A_2042 : i32 to vector<16xi32>
      %and3A_2044 = arith.andi %add3A_2041, %and3A_2043 : vector<16xi32>
      %gather3A_2045 = tpu.vector_load_idx %arg13[%add3A_1890, %get3A_1892, %and3A_2044] : memref<16x8x64xf32, #tpu.memory_space<vmem>>[vector<16xi32>, vector<16xi32>, vector<16xi32>], vector<16xf32>,
      %gather3A_2046 = tpu.vector_load_idx %arg14[%add3A_1890, %get3A_1894, %and3A_2044] : memref<16x8x64xf32, #tpu.memory_space<vmem>>[vector<16xi32>, vector<16xi32>, vector<16xi32>], vector<16xf32>,
      %mul3A_2047 = arith.mulf %gather3A_2045, %gather3A_2046 : vector<16xf32>
      %add3A_2048 = arith.addf %add3A_2038, %mul3A_2047 : vector<16xf32>
      %add3A_2049 = arith.constant 15 : i32
      %add3A_2050 = vector.broadcast %add3A_2049 : i32 to vector<16xi32>
      %add3A_2051 = arith.addi %iota3A, %add3A_2050 : vector<16xi32>
      %and3A_2052 = arith.constant 63 : i32
      %and3A_2053 = vector.broadcast %and3A_2052 : i32 to vector<16xi32>
      %and3A_2054 = arith.andi %add3A_2051, %and3A_2053 : vector<16xi32>
      %gather3A_2055 = tpu.vector_load_idx %arg13[%add3A_1890, %get3A_1892, %and3A_2054] : memref<16x8x64xf32, #tpu.memory_space<vmem>>[vector<16xi32>, vector<16xi32>, vector<16xi32>], vector<16xf32>,
      %gather3A_2056 = tpu.vector_load_idx %arg14[%add3A_1890, %get3A_1894, %and3A_2054] : memref<16x8x64xf32, #tpu.memory_space<vmem>>[vector<16xi32>, vector<16xi32>, vector<16xi32>], vector<16xf32>,
      %mul3A_2057 = arith.mulf %gather3A_2055, %gather3A_2056 : vector<16xf32>
      %add3A_2058 = arith.addf %add3A_2048, %mul3A_2057 : vector<16xf32>
      %add3A_2059 = arith.constant 16 : i32
      %add3A_2060 = vector.broadcast %add3A_2059 : i32 to vector<16xi32>
      %add3A_2061 = arith.addi %iota3A, %add3A_2060 : vector<16xi32>
      %and3A_2062 = arith.constant 63 : i32
      %and3A_2063 = vector.broadcast %and3A_2062 : i32 to vector<16xi32>
      %and3A_2064 = arith.andi %add3A_2061, %and3A_2063 : vector<16xi32>
      %gather3A_2065 = tpu.vector_load_idx %arg13[%add3A_1890, %get3A_1892, %and3A_2064] : memref<16x8x64xf32, #tpu.memory_space<vmem>>[vector<16xi32>, vector<16xi32>, vector<16xi32>], vector<16xf32>,
      %gather3A_2066 = tpu.vector_load_idx %arg14[%add3A_1890, %get3A_1894, %and3A_2064] : memref<16x8x64xf32, #tpu.memory_space<vmem>>[vector<16xi32>, vector<16xi32>, vector<16xi32>], vector<16xf32>,
      %mul3A_2067 = arith.mulf %gather3A_2065, %gather3A_2066 : vector<16xf32>
      %add3A_2068 = arith.addf %add3A_2058, %mul3A_2067 : vector<16xf32>
      %add3A_2069 = arith.constant 17 : i32
      %add3A_2070 = vector.broadcast %add3A_2069 : i32 to vector<16xi32>
      %add3A_2071 = arith.addi %iota3A, %add3A_2070 : vector<16xi32>
      %and3A_2072 = arith.constant 63 : i32
      %and3A_2073 = vector.broadcast %and3A_2072 : i32 to vector<16xi32>
      %and3A_2074 = arith.andi %add3A_2071, %and3A_2073 : vector<16xi32>
      %gather3A_2075 = tpu.vector_load_idx %arg13[%add3A_1890, %get3A_1892, %and3A_2074] : memref<16x8x64xf32, #tpu.memory_space<vmem>>[vector<16xi32>, vector<16xi32>, vector<16xi32>], vector<16xf32>,
      %gather3A_2076 = tpu.vector_load_idx %arg14[%add3A_1890, %get3A_1894, %and3A_2074] : memref<16x8x64xf32, #tpu.memory_space<vmem>>[vector<16xi32>, vector<16xi32>, vector<16xi32>], vector<16xf32>,
      %mul3A_2077 = arith.mulf %gather3A_2075, %gather3A_2076 : vector<16xf32>
      %add3A_2078 = arith.addf %add3A_2068, %mul3A_2077 : vector<16xf32>
      %add3A_2079 = arith.constant 18 : i32
      %add3A_2080 = vector.broadcast %add3A_2079 : i32 to vector<16xi32>
      %add3A_2081 = arith.addi %iota3A, %add3A_2080 : vector<16xi32>
      %and3A_2082 = arith.constant 63 : i32
      %and3A_2083 = vector.broadcast %and3A_2082 : i32 to vector<16xi32>
      %and3A_2084 = arith.andi %add3A_2081, %and3A_2083 : vector<16xi32>
      %gather3A_2085 = tpu.vector_load_idx %arg13[%add3A_1890, %get3A_1892, %and3A_2084] : memref<16x8x64xf32, #tpu.memory_space<vmem>>[vector<16xi32>, vector<16xi32>, vector<16xi32>], vector<16xf32>,
      %gather3A_2086 = tpu.vector_load_idx %arg14[%add3A_1890, %get3A_1894, %and3A_2084] : memref<16x8x64xf32, #tpu.memory_space<vmem>>[vector<16xi32>, vector<16xi32>, vector<16xi32>], vector<16xf32>,
      %mul3A_2087 = arith.mulf %gather3A_2085, %gather3A_2086 : vector<16xf32>
      %add3A_2088 = arith.addf %add3A_2078, %mul3A_2087 : vector<16xf32>
      %add3A_2089 = arith.constant 19 : i32
      %add3A_2090 = vector.broadcast %add3A_2089 : i32 to vector<16xi32>
      %add3A_2091 = arith.addi %iota3A, %add3A_2090 : vector<16xi32>
      %and3A_2092 = arith.constant 63 : i32
      %and3A_2093 = vector.broadcast %and3A_2092 : i32 to vector<16xi32>
      %and3A_2094 = arith.andi %add3A_2091, %and3A_2093 : vector<16xi32>
      %gather3A_2095 = tpu.vector_load_idx %arg13[%add3A_1890, %get3A_1892, %and3A_2094] : memref<16x8x64xf32, #tpu.memory_space<vmem>>[vector<16xi32>, vector<16xi32>, vector<16xi32>], vector<16xf32>,
      %gather3A_2096 = tpu.vector_load_idx %arg14[%add3A_1890, %get3A_1894, %and3A_2094] : memref<16x8x64xf32, #tpu.memory_space<vmem>>[vector<16xi32>, vector<16xi32>, vector<16xi32>], vector<16xf32>,
      %mul3A_2097 = arith.mulf %gather3A_2095, %gather3A_2096 : vector<16xf32>
      %add3A_2098 = arith.addf %add3A_2088, %mul3A_2097 : vector<16xf32>
      %add3A_2099 = arith.constant 20 : i32
      %add3A_2100 = vector.broadcast %add3A_2099 : i32 to vector<16xi32>
      %add3A_2101 = arith.addi %iota3A, %add3A_2100 : vector<16xi32>
      %and3A_2102 = arith.constant 63 : i32
      %and3A_2103 = vector.broadcast %and3A_2102 : i32 to vector<16xi32>
      %and3A_2104 = arith.andi %add3A_2101, %and3A_2103 : vector<16xi32>
      %gather3A_2105 = tpu.vector_load_idx %arg13[%add3A_1890, %get3A_1892, %and3A_2104] : memref<16x8x64xf32, #tpu.memory_space<vmem>>[vector<16xi32>, vector<16xi32>, vector<16xi32>], vector<16xf32>,
      %gather3A_2106 = tpu.vector_load_idx %arg14[%add3A_1890, %get3A_1894, %and3A_2104] : memref<16x8x64xf32, #tpu.memory_space<vmem>>[vector<16xi32>, vector<16xi32>, vector<16xi32>], vector<16xf32>,
      %mul3A_2107 = arith.mulf %gather3A_2105, %gather3A_2106 : vector<16xf32>
      %add3A_2108 = arith.addf %add3A_2098, %mul3A_2107 : vector<16xf32>
      %add3A_2109 = arith.constant 21 : i32
      %add3A_2110 = vector.broadcast %add3A_2109 : i32 to vector<16xi32>
      %add3A_2111 = arith.addi %iota3A, %add3A_2110 : vector<16xi32>
      %and3A_2112 = arith.constant 63 : i32
      %and3A_2113 = vector.broadcast %and3A_2112 : i32 to vector<16xi32>
      %and3A_2114 = arith.andi %add3A_2111, %and3A_2113 : vector<16xi32>
      %gather3A_2115 = tpu.vector_load_idx %arg13[%add3A_1890, %get3A_1892, %and3A_2114] : memref<16x8x64xf32, #tpu.memory_space<vmem>>[vector<16xi32>, vector<16xi32>, vector<16xi32>], vector<16xf32>,
      %gather3A_2116 = tpu.vector_load_idx %arg14[%add3A_1890, %get3A_1894, %and3A_2114] : memref<16x8x64xf32, #tpu.memory_space<vmem>>[vector<16xi32>, vector<16xi32>, vector<16xi32>], vector<16xf32>,
      %mul3A_2117 = arith.mulf %gather3A_2115, %gather3A_2116 : vector<16xf32>
      %add3A_2118 = arith.addf %add3A_2108, %mul3A_2117 : vector<16xf32>
      %add3A_2119 = arith.constant 22 : i32
      %add3A_2120 = vector.broadcast %add3A_2119 : i32 to vector<16xi32>
      %add3A_2121 = arith.addi %iota3A, %add3A_2120 : vector<16xi32>
      %and3A_2122 = arith.constant 63 : i32
      %and3A_2123 = vector.broadcast %and3A_2122 : i32 to vector<16xi32>
      %and3A_2124 = arith.andi %add3A_2121, %and3A_2123 : vector<16xi32>
      %gather3A_2125 = tpu.vector_load_idx %arg13[%add3A_1890, %get3A_1892, %and3A_2124] : memref<16x8x64xf32, #tpu.memory_space<vmem>>[vector<16xi32>, vector<16xi32>, vector<16xi32>], vector<16xf32>,
      %gather3A_2126 = tpu.vector_load_idx %arg14[%add3A_1890, %get3A_1894, %and3A_2124] : memref<16x8x64xf32, #tpu.memory_space<vmem>>[vector<16xi32>, vector<16xi32>, vector<16xi32>], vector<16xf32>,
      %mul3A_2127 = arith.mulf %gather3A_2125, %gather3A_2126 : vector<16xf32>
      %add3A_2128 = arith.addf %add3A_2118, %mul3A_2127 : vector<16xf32>
      %add3A_2129 = arith.constant 23 : i32
      %add3A_2130 = vector.broadcast %add3A_2129 : i32 to vector<16xi32>
      %add3A_2131 = arith.addi %iota3A, %add3A_2130 : vector<16xi32>
      %and3A_2132 = arith.constant 63 : i32
      %and3A_2133 = vector.broadcast %and3A_2132 : i32 to vector<16xi32>
      %and3A_2134 = arith.andi %add3A_2131, %and3A_2133 : vector<16xi32>
      %gather3A_2135 = tpu.vector_load_idx %arg13[%add3A_1890, %get3A_1892, %and3A_2134] : memref<16x8x64xf32, #tpu.memory_space<vmem>>[vector<16xi32>, vector<16xi32>, vector<16xi32>], vector<16xf32>,
      %gather3A_2136 = tpu.vector_load_idx %arg14[%add3A_1890, %get3A_1894, %and3A_2134] : memref<16x8x64xf32, #tpu.memory_space<vmem>>[vector<16xi32>, vector<16xi32>, vector<16xi32>], vector<16xf32>,
      %mul3A_2137 = arith.mulf %gather3A_2135, %gather3A_2136 : vector<16xf32>
      %add3A_2138 = arith.addf %add3A_2128, %mul3A_2137 : vector<16xf32>
      %add3A_2139 = arith.constant 24 : i32
      %add3A_2140 = vector.broadcast %add3A_2139 : i32 to vector<16xi32>
      %add3A_2141 = arith.addi %iota3A, %add3A_2140 : vector<16xi32>
      %and3A_2142 = arith.constant 63 : i32
      %and3A_2143 = vector.broadcast %and3A_2142 : i32 to vector<16xi32>
      %and3A_2144 = arith.andi %add3A_2141, %and3A_2143 : vector<16xi32>
      %gather3A_2145 = tpu.vector_load_idx %arg13[%add3A_1890, %get3A_1892, %and3A_2144] : memref<16x8x64xf32, #tpu.memory_space<vmem>>[vector<16xi32>, vector<16xi32>, vector<16xi32>], vector<16xf32>,
      %gather3A_2146 = tpu.vector_load_idx %arg14[%add3A_1890, %get3A_1894, %and3A_2144] : memref<16x8x64xf32, #tpu.memory_space<vmem>>[vector<16xi32>, vector<16xi32>, vector<16xi32>], vector<16xf32>,
      %mul3A_2147 = arith.mulf %gather3A_2145, %gather3A_2146 : vector<16xf32>
      %add3A_2148 = arith.addf %add3A_2138, %mul3A_2147 : vector<16xf32>
      %add3A_2149 = arith.constant 25 : i32
      %add3A_2150 = vector.broadcast %add3A_2149 : i32 to vector<16xi32>
      %add3A_2151 = arith.addi %iota3A, %add3A_2150 : vector<16xi32>
      %and3A_2152 = arith.constant 63 : i32
      %and3A_2153 = vector.broadcast %and3A_2152 : i32 to vector<16xi32>
      %and3A_2154 = arith.andi %add3A_2151, %and3A_2153 : vector<16xi32>
      %gather3A_2155 = tpu.vector_load_idx %arg13[%add3A_1890, %get3A_1892, %and3A_2154] : memref<16x8x64xf32, #tpu.memory_space<vmem>>[vector<16xi32>, vector<16xi32>, vector<16xi32>], vector<16xf32>,
      %gather3A_2156 = tpu.vector_load_idx %arg14[%add3A_1890, %get3A_1894, %and3A_2154] : memref<16x8x64xf32, #tpu.memory_space<vmem>>[vector<16xi32>, vector<16xi32>, vector<16xi32>], vector<16xf32>,
      %mul3A_2157 = arith.mulf %gather3A_2155, %gather3A_2156 : vector<16xf32>
      %add3A_2158 = arith.addf %add3A_2148, %mul3A_2157 : vector<16xf32>
      %add3A_2159 = arith.constant 26 : i32
      %add3A_2160 = vector.broadcast %add3A_2159 : i32 to vector<16xi32>
      %add3A_2161 = arith.addi %iota3A, %add3A_2160 : vector<16xi32>
      %and3A_2162 = arith.constant 63 : i32
      %and3A_2163 = vector.broadcast %and3A_2162 : i32 to vector<16xi32>
      %and3A_2164 = arith.andi %add3A_2161, %and3A_2163 : vector<16xi32>
      %gather3A_2165 = tpu.vector_load_idx %arg13[%add3A_1890, %get3A_1892, %and3A_2164] : memref<16x8x64xf32, #tpu.memory_space<vmem>>[vector<16xi32>, vector<16xi32>, vector<16xi32>], vector<16xf32>,
      %gather3A_2166 = tpu.vector_load_idx %arg14[%add3A_1890, %get3A_1894, %and3A_2164] : memref<16x8x64xf32, #tpu.memory_space<vmem>>[vector<16xi32>, vector<16xi32>, vector<16xi32>], vector<16xf32>,
      %mul3A_2167 = arith.mulf %gather3A_2165, %gather3A_2166 : vector<16xf32>
      %add3A_2168 = arith.addf %add3A_2158, %mul3A_2167 : vector<16xf32>
      %add3A_2169 = arith.constant 27 : i32
      %add3A_2170 = vector.broadcast %add3A_2169 : i32 to vector<16xi32>
      %add3A_2171 = arith.addi %iota3A, %add3A_2170 : vector<16xi32>
      %and3A_2172 = arith.constant 63 : i32
      %and3A_2173 = vector.broadcast %and3A_2172 : i32 to vector<16xi32>
      %and3A_2174 = arith.andi %add3A_2171, %and3A_2173 : vector<16xi32>
      %gather3A_2175 = tpu.vector_load_idx %arg13[%add3A_1890, %get3A_1892, %and3A_2174] : memref<16x8x64xf32, #tpu.memory_space<vmem>>[vector<16xi32>, vector<16xi32>, vector<16xi32>], vector<16xf32>,
      %gather3A_2176 = tpu.vector_load_idx %arg14[%add3A_1890, %get3A_1894, %and3A_2174] : memref<16x8x64xf32, #tpu.memory_space<vmem>>[vector<16xi32>, vector<16xi32>, vector<16xi32>], vector<16xf32>,
      %mul3A_2177 = arith.mulf %gather3A_2175, %gather3A_2176 : vector<16xf32>
      %add3A_2178 = arith.addf %add3A_2168, %mul3A_2177 : vector<16xf32>
      %add3A_2179 = arith.constant 28 : i32
      %add3A_2180 = vector.broadcast %add3A_2179 : i32 to vector<16xi32>
      %add3A_2181 = arith.addi %iota3A, %add3A_2180 : vector<16xi32>
      %and3A_2182 = arith.constant 63 : i32
      %and3A_2183 = vector.broadcast %and3A_2182 : i32 to vector<16xi32>
      %and3A_2184 = arith.andi %add3A_2181, %and3A_2183 : vector<16xi32>
      %gather3A_2185 = tpu.vector_load_idx %arg13[%add3A_1890, %get3A_1892, %and3A_2184] : memref<16x8x64xf32, #tpu.memory_space<vmem>>[vector<16xi32>, vector<16xi32>, vector<16xi32>], vector<16xf32>,
      %gather3A_2186 = tpu.vector_load_idx %arg14[%add3A_1890, %get3A_1894, %and3A_2184] : memref<16x8x64xf32, #tpu.memory_space<vmem>>[vector<16xi32>, vector<16xi32>, vector<16xi32>], vector<16xf32>,
      %mul3A_2187 = arith.mulf %gather3A_2185, %gather3A_2186 : vector<16xf32>
      %add3A_2188 = arith.addf %add3A_2178, %mul3A_2187 : vector<16xf32>
      %add3A_2189 = arith.constant 29 : i32
      %add3A_2190 = vector.broadcast %add3A_2189 : i32 to vector<16xi32>
      %add3A_2191 = arith.addi %iota3A, %add3A_2190 : vector<16xi32>
      %and3A_2192 = arith.constant 63 : i32
      %and3A_2193 = vector.broadcast %and3A_2192 : i32 to vector<16xi32>
      %and3A_2194 = arith.andi %add3A_2191, %and3A_2193 : vector<16xi32>
      %gather3A_2195 = tpu.vector_load_idx %arg13[%add3A_1890, %get3A_1892, %and3A_2194] : memref<16x8x64xf32, #tpu.memory_space<vmem>>[vector<16xi32>, vector<16xi32>, vector<16xi32>], vector<16xf32>,
      %gather3A_2196 = tpu.vector_load_idx %arg14[%add3A_1890, %get3A_1894, %and3A_2194] : memref<16x8x64xf32, #tpu.memory_space<vmem>>[vector<16xi32>, vector<16xi32>, vector<16xi32>], vector<16xf32>,
      %mul3A_2197 = arith.mulf %gather3A_2195, %gather3A_2196 : vector<16xf32>
      %add3A_2198 = arith.addf %add3A_2188, %mul3A_2197 : vector<16xf32>
      %add3A_2199 = arith.constant 30 : i32
      %add3A_2200 = vector.broadcast %add3A_2199 : i32 to vector<16xi32>
      %add3A_2201 = arith.addi %iota3A, %add3A_2200 : vector<16xi32>
      %and3A_2202 = arith.constant 63 : i32
      %and3A_2203 = vector.broadcast %and3A_2202 : i32 to vector<16xi32>
      %and3A_2204 = arith.andi %add3A_2201, %and3A_2203 : vector<16xi32>
      %gather3A_2205 = tpu.vector_load_idx %arg13[%add3A_1890, %get3A_1892, %and3A_2204] : memref<16x8x64xf32, #tpu.memory_space<vmem>>[vector<16xi32>, vector<16xi32>, vector<16xi32>], vector<16xf32>,
      %gather3A_2206 = tpu.vector_load_idx %arg14[%add3A_1890, %get3A_1894, %and3A_2204] : memref<16x8x64xf32, #tpu.memory_space<vmem>>[vector<16xi32>, vector<16xi32>, vector<16xi32>], vector<16xf32>,
      %mul3A_2207 = arith.mulf %gather3A_2205, %gather3A_2206 : vector<16xf32>
      %add3A_2208 = arith.addf %add3A_2198, %mul3A_2207 : vector<16xf32>
      %add3A_2209 = arith.constant 31 : i32
      %add3A_2210 = vector.broadcast %add3A_2209 : i32 to vector<16xi32>
      %add3A_2211 = arith.addi %iota3A, %add3A_2210 : vector<16xi32>
      %and3A_2212 = arith.constant 63 : i32
      %and3A_2213 = vector.broadcast %and3A_2212 : i32 to vector<16xi32>
      %and3A_2214 = arith.andi %add3A_2211, %and3A_2213 : vector<16xi32>
      %gather3A_2215 = tpu.vector_load_idx %arg13[%add3A_1890, %get3A_1892, %and3A_2214] : memref<16x8x64xf32, #tpu.memory_space<vmem>>[vector<16xi32>, vector<16xi32>, vector<16xi32>], vector<16xf32>,
      %gather3A_2216 = tpu.vector_load_idx %arg14[%add3A_1890, %get3A_1894, %and3A_2214] : memref<16x8x64xf32, #tpu.memory_space<vmem>>[vector<16xi32>, vector<16xi32>, vector<16xi32>], vector<16xf32>,
      %mul3A_2217 = arith.mulf %gather3A_2215, %gather3A_2216 : vector<16xf32>
      %add3A_2218 = arith.addf %add3A_2208, %mul3A_2217 : vector<16xf32>
      %add3A_2219 = arith.constant 32 : i32
      %add3A_2220 = vector.broadcast %add3A_2219 : i32 to vector<16xi32>
      %add3A_2221 = arith.addi %iota3A, %add3A_2220 : vector<16xi32>
      %and3A_2222 = arith.constant 63 : i32
      %and3A_2223 = vector.broadcast %and3A_2222 : i32 to vector<16xi32>
      %and3A_2224 = arith.andi %add3A_2221, %and3A_2223 : vector<16xi32>
      %gather3A_2225 = tpu.vector_load_idx %arg13[%add3A_1890, %get3A_1892, %and3A_2224] : memref<16x8x64xf32, #tpu.memory_space<vmem>>[vector<16xi32>, vector<16xi32>, vector<16xi32>], vector<16xf32>,
      %gather3A_2226 = tpu.vector_load_idx %arg14[%add3A_1890, %get3A_1894, %and3A_2224] : memref<16x8x64xf32, #tpu.memory_space<vmem>>[vector<16xi32>, vector<16xi32>, vector<16xi32>], vector<16xf32>,
      %mul3A_2227 = arith.mulf %gather3A_2225, %gather3A_2226 : vector<16xf32>
      %add3A_2228 = arith.addf %add3A_2218, %mul3A_2227 : vector<16xf32>
      %add3A_2229 = arith.constant 33 : i32
      %add3A_2230 = vector.broadcast %add3A_2229 : i32 to vector<16xi32>
      %add3A_2231 = arith.addi %iota3A, %add3A_2230 : vector<16xi32>
      %and3A_2232 = arith.constant 63 : i32
      %and3A_2233 = vector.broadcast %and3A_2232 : i32 to vector<16xi32>
      %and3A_2234 = arith.andi %add3A_2231, %and3A_2233 : vector<16xi32>
      %gather3A_2235 = tpu.vector_load_idx %arg13[%add3A_1890, %get3A_1892, %and3A_2234] : memref<16x8x64xf32, #tpu.memory_space<vmem>>[vector<16xi32>, vector<16xi32>, vector<16xi32>], vector<16xf32>,
      %gather3A_2236 = tpu.vector_load_idx %arg14[%add3A_1890, %get3A_1894, %and3A_2234] : memref<16x8x64xf32, #tpu.memory_space<vmem>>[vector<16xi32>, vector<16xi32>, vector<16xi32>], vector<16xf32>,
      %mul3A_2237 = arith.mulf %gather3A_2235, %gather3A_2236 : vector<16xf32>
      %add3A_2238 = arith.addf %add3A_2228, %mul3A_2237 : vector<16xf32>
      %add3A_2239 = arith.constant 34 : i32
      %add3A_2240 = vector.broadcast %add3A_2239 : i32 to vector<16xi32>
      %add3A_2241 = arith.addi %iota3A, %add3A_2240 : vector<16xi32>
      %and3A_2242 = arith.constant 63 : i32
      %and3A_2243 = vector.broadcast %and3A_2242 : i32 to vector<16xi32>
      %and3A_2244 = arith.andi %add3A_2241, %and3A_2243 : vector<16xi32>
      %gather3A_2245 = tpu.vector_load_idx %arg13[%add3A_1890, %get3A_1892, %and3A_2244] : memref<16x8x64xf32, #tpu.memory_space<vmem>>[vector<16xi32>, vector<16xi32>, vector<16xi32>], vector<16xf32>,
      %gather3A_2246 = tpu.vector_load_idx %arg14[%add3A_1890, %get3A_1894, %and3A_2244] : memref<16x8x64xf32, #tpu.memory_space<vmem>>[vector<16xi32>, vector<16xi32>, vector<16xi32>], vector<16xf32>,
      %mul3A_2247 = arith.mulf %gather3A_2245, %gather3A_2246 : vector<16xf32>
      %add3A_2248 = arith.addf %add3A_2238, %mul3A_2247 : vector<16xf32>
      %add3A_2249 = arith.constant 35 : i32
      %add3A_2250 = vector.broadcast %add3A_2249 : i32 to vector<16xi32>
      %add3A_2251 = arith.addi %iota3A, %add3A_2250 : vector<16xi32>
      %and3A_2252 = arith.constant 63 : i32
      %and3A_2253 = vector.broadcast %and3A_2252 : i32 to vector<16xi32>
      %and3A_2254 = arith.andi %add3A_2251, %and3A_2253 : vector<16xi32>
      %gather3A_2255 = tpu.vector_load_idx %arg13[%add3A_1890, %get3A_1892, %and3A_2254] : memref<16x8x64xf32, #tpu.memory_space<vmem>>[vector<16xi32>, vector<16xi32>, vector<16xi32>], vector<16xf32>,
      %gather3A_2256 = tpu.vector_load_idx %arg14[%add3A_1890, %get3A_1894, %and3A_2254] : memref<16x8x64xf32, #tpu.memory_space<vmem>>[vector<16xi32>, vector<16xi32>, vector<16xi32>], vector<16xf32>,
      %mul3A_2257 = arith.mulf %gather3A_2255, %gather3A_2256 : vector<16xf32>
      %add3A_2258 = arith.addf %add3A_2248, %mul3A_2257 : vector<16xf32>
      %add3A_2259 = arith.constant 36 : i32
      %add3A_2260 = vector.broadcast %add3A_2259 : i32 to vector<16xi32>
      %add3A_2261 = arith.addi %iota3A, %add3A_2260 : vector<16xi32>
      %and3A_2262 = arith.constant 63 : i32
      %and3A_2263 = vector.broadcast %and3A_2262 : i32 to vector<16xi32>
      %and3A_2264 = arith.andi %add3A_2261, %and3A_2263 : vector<16xi32>
      %gather3A_2265 = tpu.vector_load_idx %arg13[%add3A_1890, %get3A_1892, %and3A_2264] : memref<16x8x64xf32, #tpu.memory_space<vmem>>[vector<16xi32>, vector<16xi32>, vector<16xi32>], vector<16xf32>,
      %gather3A_2266 = tpu.vector_load_idx %arg14[%add3A_1890, %get3A_1894, %and3A_2264] : memref<16x8x64xf32, #tpu.memory_space<vmem>>[vector<16xi32>, vector<16xi32>, vector<16xi32>], vector<16xf32>,
      %mul3A_2267 = arith.mulf %gather3A_2265, %gather3A_2266 : vector<16xf32>
      %add3A_2268 = arith.addf %add3A_2258, %mul3A_2267 : vector<16xf32>
      %add3A_2269 = arith.constant 37 : i32
      %add3A_2270 = vector.broadcast %add3A_2269 : i32 to vector<16xi32>
      %add3A_2271 = arith.addi %iota3A, %add3A_2270 : vector<16xi32>
      %and3A_2272 = arith.constant 63 : i32
      %and3A_2273 = vector.broadcast %and3A_2272 : i32 to vector<16xi32>
      %and3A_2274 = arith.andi %add3A_2271, %and3A_2273 : vector<16xi32>
      %gather3A_2275 = tpu.vector_load_idx %arg13[%add3A_1890, %get3A_1892, %and3A_2274] : memref<16x8x64xf32, #tpu.memory_space<vmem>>[vector<16xi32>, vector<16xi32>, vector<16xi32>], vector<16xf32>,
      %gather3A_2276 = tpu.vector_load_idx %arg14[%add3A_1890, %get3A_1894, %and3A_2274] : memref<16x8x64xf32, #tpu.memory_space<vmem>>[vector<16xi32>, vector<16xi32>, vector<16xi32>], vector<16xf32>,
      %mul3A_2277 = arith.mulf %gather3A_2275, %gather3A_2276 : vector<16xf32>
      %add3A_2278 = arith.addf %add3A_2268, %mul3A_2277 : vector<16xf32>
      %add3A_2279 = arith.constant 38 : i32
      %add3A_2280 = vector.broadcast %add3A_2279 : i32 to vector<16xi32>
      %add3A_2281 = arith.addi %iota3A, %add3A_2280 : vector<16xi32>
      %and3A_2282 = arith.constant 63 : i32
      %and3A_2283 = vector.broadcast %and3A_2282 : i32 to vector<16xi32>
      %and3A_2284 = arith.andi %add3A_2281, %and3A_2283 : vector<16xi32>
      %gather3A_2285 = tpu.vector_load_idx %arg13[%add3A_1890, %get3A_1892, %and3A_2284] : memref<16x8x64xf32, #tpu.memory_space<vmem>>[vector<16xi32>, vector<16xi32>, vector<16xi32>], vector<16xf32>,
      %gather3A_2286 = tpu.vector_load_idx %arg14[%add3A_1890, %get3A_1894, %and3A_2284] : memref<16x8x64xf32, #tpu.memory_space<vmem>>[vector<16xi32>, vector<16xi32>, vector<16xi32>], vector<16xf32>,
      %mul3A_2287 = arith.mulf %gather3A_2285, %gather3A_2286 : vector<16xf32>
      %add3A_2288 = arith.addf %add3A_2278, %mul3A_2287 : vector<16xf32>
      %add3A_2289 = arith.constant 39 : i32
      %add3A_2290 = vector.broadcast %add3A_2289 : i32 to vector<16xi32>
      %add3A_2291 = arith.addi %iota3A, %add3A_2290 : vector<16xi32>
      %and3A_2292 = arith.constant 63 : i32
      %and3A_2293 = vector.broadcast %and3A_2292 : i32 to vector<16xi32>
      %and3A_2294 = arith.andi %add3A_2291, %and3A_2293 : vector<16xi32>
      %gather3A_2295 = tpu.vector_load_idx %arg13[%add3A_1890, %get3A_1892, %and3A_2294] : memref<16x8x64xf32, #tpu.memory_space<vmem>>[vector<16xi32>, vector<16xi32>, vector<16xi32>], vector<16xf32>,
      %gather3A_2296 = tpu.vector_load_idx %arg14[%add3A_1890, %get3A_1894, %and3A_2294] : memref<16x8x64xf32, #tpu.memory_space<vmem>>[vector<16xi32>, vector<16xi32>, vector<16xi32>], vector<16xf32>,
      %mul3A_2297 = arith.mulf %gather3A_2295, %gather3A_2296 : vector<16xf32>
      %add3A_2298 = arith.addf %add3A_2288, %mul3A_2297 : vector<16xf32>
      %add3A_2299 = arith.constant 40 : i32
      %add3A_2300 = vector.broadcast %add3A_2299 : i32 to vector<16xi32>
      %add3A_2301 = arith.addi %iota3A, %add3A_2300 : vector<16xi32>
      %and3A_2302 = arith.constant 63 : i32
      %and3A_2303 = vector.broadcast %and3A_2302 : i32 to vector<16xi32>
      %and3A_2304 = arith.andi %add3A_2301, %and3A_2303 : vector<16xi32>
      %gather3A_2305 = tpu.vector_load_idx %arg13[%add3A_1890, %get3A_1892, %and3A_2304] : memref<16x8x64xf32, #tpu.memory_space<vmem>>[vector<16xi32>, vector<16xi32>, vector<16xi32>], vector<16xf32>,
      %gather3A_2306 = tpu.vector_load_idx %arg14[%add3A_1890, %get3A_1894, %and3A_2304] : memref<16x8x64xf32, #tpu.memory_space<vmem>>[vector<16xi32>, vector<16xi32>, vector<16xi32>], vector<16xf32>,
      %mul3A_2307 = arith.mulf %gather3A_2305, %gather3A_2306 : vector<16xf32>
      %add3A_2308 = arith.addf %add3A_2298, %mul3A_2307 : vector<16xf32>
      %add3A_2309 = arith.constant 41 : i32
      %add3A_2310 = vector.broadcast %add3A_2309 : i32 to vector<16xi32>
      %add3A_2311 = arith.addi %iota3A, %add3A_2310 : vector<16xi32>
      %and3A_2312 = arith.constant 63 : i32
      %and3A_2313 = vector.broadcast %and3A_2312 : i32 to vector<16xi32>
      %and3A_2314 = arith.andi %add3A_2311, %and3A_2313 : vector<16xi32>
      %gather3A_2315 = tpu.vector_load_idx %arg13[%add3A_1890, %get3A_1892, %and3A_2314] : memref<16x8x64xf32, #tpu.memory_space<vmem>>[vector<16xi32>, vector<16xi32>, vector<16xi32>], vector<16xf32>,
      %gather3A_2316 = tpu.vector_load_idx %arg14[%add3A_1890, %get3A_1894, %and3A_2314] : memref<16x8x64xf32, #tpu.memory_space<vmem>>[vector<16xi32>, vector<16xi32>, vector<16xi32>], vector<16xf32>,
      %mul3A_2317 = arith.mulf %gather3A_2315, %gather3A_2316 : vector<16xf32>
      %add3A_2318 = arith.addf %add3A_2308, %mul3A_2317 : vector<16xf32>
      %add3A_2319 = arith.constant 42 : i32
      %add3A_2320 = vector.broadcast %add3A_2319 : i32 to vector<16xi32>
      %add3A_2321 = arith.addi %iota3A, %add3A_2320 : vector<16xi32>
      %and3A_2322 = arith.constant 63 : i32
      %and3A_2323 = vector.broadcast %and3A_2322 : i32 to vector<16xi32>
      %and3A_2324 = arith.andi %add3A_2321, %and3A_2323 : vector<16xi32>
      %gather3A_2325 = tpu.vector_load_idx %arg13[%add3A_1890, %get3A_1892, %and3A_2324] : memref<16x8x64xf32, #tpu.memory_space<vmem>>[vector<16xi32>, vector<16xi32>, vector<16xi32>], vector<16xf32>,
      %gather3A_2326 = tpu.vector_load_idx %arg14[%add3A_1890, %get3A_1894, %and3A_2324] : memref<16x8x64xf32, #tpu.memory_space<vmem>>[vector<16xi32>, vector<16xi32>, vector<16xi32>], vector<16xf32>,
      %mul3A_2327 = arith.mulf %gather3A_2325, %gather3A_2326 : vector<16xf32>
      %add3A_2328 = arith.addf %add3A_2318, %mul3A_2327 : vector<16xf32>
      %add3A_2329 = arith.constant 43 : i32
      %add3A_2330 = vector.broadcast %add3A_2329 : i32 to vector<16xi32>
      %add3A_2331 = arith.addi %iota3A, %add3A_2330 : vector<16xi32>
      %and3A_2332 = arith.constant 63 : i32
      %and3A_2333 = vector.broadcast %and3A_2332 : i32 to vector<16xi32>
      %and3A_2334 = arith.andi %add3A_2331, %and3A_2333 : vector<16xi32>
      %gather3A_2335 = tpu.vector_load_idx %arg13[%add3A_1890, %get3A_1892, %and3A_2334] : memref<16x8x64xf32, #tpu.memory_space<vmem>>[vector<16xi32>, vector<16xi32>, vector<16xi32>], vector<16xf32>,
      %gather3A_2336 = tpu.vector_load_idx %arg14[%add3A_1890, %get3A_1894, %and3A_2334] : memref<16x8x64xf32, #tpu.memory_space<vmem>>[vector<16xi32>, vector<16xi32>, vector<16xi32>], vector<16xf32>,
      %mul3A_2337 = arith.mulf %gather3A_2335, %gather3A_2336 : vector<16xf32>
      %add3A_2338 = arith.addf %add3A_2328, %mul3A_2337 : vector<16xf32>
      %add3A_2339 = arith.constant 44 : i32
      %add3A_2340 = vector.broadcast %add3A_2339 : i32 to vector<16xi32>
      %add3A_2341 = arith.addi %iota3A, %add3A_2340 : vector<16xi32>
      %and3A_2342 = arith.constant 63 : i32
      %and3A_2343 = vector.broadcast %and3A_2342 : i32 to vector<16xi32>
      %and3A_2344 = arith.andi %add3A_2341, %and3A_2343 : vector<16xi32>
      %gather3A_2345 = tpu.vector_load_idx %arg13[%add3A_1890, %get3A_1892, %and3A_2344] : memref<16x8x64xf32, #tpu.memory_space<vmem>>[vector<16xi32>, vector<16xi32>, vector<16xi32>], vector<16xf32>,
      %gather3A_2346 = tpu.vector_load_idx %arg14[%add3A_1890, %get3A_1894, %and3A_2344] : memref<16x8x64xf32, #tpu.memory_space<vmem>>[vector<16xi32>, vector<16xi32>, vector<16xi32>], vector<16xf32>,
      %mul3A_2347 = arith.mulf %gather3A_2345, %gather3A_2346 : vector<16xf32>
      %add3A_2348 = arith.addf %add3A_2338, %mul3A_2347 : vector<16xf32>
      %add3A_2349 = arith.constant 45 : i32
      %add3A_2350 = vector.broadcast %add3A_2349 : i32 to vector<16xi32>
      %add3A_2351 = arith.addi %iota3A, %add3A_2350 : vector<16xi32>
      %and3A_2352 = arith.constant 63 : i32
      %and3A_2353 = vector.broadcast %and3A_2352 : i32 to vector<16xi32>
      %and3A_2354 = arith.andi %add3A_2351, %and3A_2353 : vector<16xi32>
      %gather3A_2355 = tpu.vector_load_idx %arg13[%add3A_1890, %get3A_1892, %and3A_2354] : memref<16x8x64xf32, #tpu.memory_space<vmem>>[vector<16xi32>, vector<16xi32>, vector<16xi32>], vector<16xf32>,
      %gather3A_2356 = tpu.vector_load_idx %arg14[%add3A_1890, %get3A_1894, %and3A_2354] : memref<16x8x64xf32, #tpu.memory_space<vmem>>[vector<16xi32>, vector<16xi32>, vector<16xi32>], vector<16xf32>,
      %mul3A_2357 = arith.mulf %gather3A_2355, %gather3A_2356 : vector<16xf32>
      %add3A_2358 = arith.addf %add3A_2348, %mul3A_2357 : vector<16xf32>
      %add3A_2359 = arith.constant 46 : i32
      %add3A_2360 = vector.broadcast %add3A_2359 : i32 to vector<16xi32>
      %add3A_2361 = arith.addi %iota3A, %add3A_2360 : vector<16xi32>
      %and3A_2362 = arith.constant 63 : i32
      %and3A_2363 = vector.broadcast %and3A_2362 : i32 to vector<16xi32>
      %and3A_2364 = arith.andi %add3A_2361, %and3A_2363 : vector<16xi32>
      %gather3A_2365 = tpu.vector_load_idx %arg13[%add3A_1890, %get3A_1892, %and3A_2364] : memref<16x8x64xf32, #tpu.memory_space<vmem>>[vector<16xi32>, vector<16xi32>, vector<16xi32>], vector<16xf32>,
      %gather3A_2366 = tpu.vector_load_idx %arg14[%add3A_1890, %get3A_1894, %and3A_2364] : memref<16x8x64xf32, #tpu.memory_space<vmem>>[vector<16xi32>, vector<16xi32>, vector<16xi32>], vector<16xf32>,
      %mul3A_2367 = arith.mulf %gather3A_2365, %gather3A_2366 : vector<16xf32>
      %add3A_2368 = arith.addf %add3A_2358, %mul3A_2367 : vector<16xf32>
      %add3A_2369 = arith.constant 47 : i32
      %add3A_2370 = vector.broadcast %add3A_2369 : i32 to vector<16xi32>
      %add3A_2371 = arith.addi %iota3A, %add3A_2370 : vector<16xi32>
      %and3A_2372 = arith.constant 63 : i32
      %and3A_2373 = vector.broadcast %and3A_2372 : i32 to vector<16xi32>
      %and3A_2374 = arith.andi %add3A_2371, %and3A_2373 : vector<16xi32>
      %gather3A_2375 = tpu.vector_load_idx %arg13[%add3A_1890, %get3A_1892, %and3A_2374] : memref<16x8x64xf32, #tpu.memory_space<vmem>>[vector<16xi32>, vector<16xi32>, vector<16xi32>], vector<16xf32>,
      %gather3A_2376 = tpu.vector_load_idx %arg14[%add3A_1890, %get3A_1894, %and3A_2374] : memref<16x8x64xf32, #tpu.memory_space<vmem>>[vector<16xi32>, vector<16xi32>, vector<16xi32>], vector<16xf32>,
      %mul3A_2377 = arith.mulf %gather3A_2375, %gather3A_2376 : vector<16xf32>
      %add3A_2378 = arith.addf %add3A_2368, %mul3A_2377 : vector<16xf32>
      %add3A_2379 = arith.constant 48 : i32
      %add3A_2380 = vector.broadcast %add3A_2379 : i32 to vector<16xi32>
      %add3A_2381 = arith.addi %iota3A, %add3A_2380 : vector<16xi32>
      %and3A_2382 = arith.constant 63 : i32
      %and3A_2383 = vector.broadcast %and3A_2382 : i32 to vector<16xi32>
      %and3A_2384 = arith.andi %add3A_2381, %and3A_2383 : vector<16xi32>
      %gather3A_2385 = tpu.vector_load_idx %arg13[%add3A_1890, %get3A_1892, %and3A_2384] : memref<16x8x64xf32, #tpu.memory_space<vmem>>[vector<16xi32>, vector<16xi32>, vector<16xi32>], vector<16xf32>,
      %gather3A_2386 = tpu.vector_load_idx %arg14[%add3A_1890, %get3A_1894, %and3A_2384] : memref<16x8x64xf32, #tpu.memory_space<vmem>>[vector<16xi32>, vector<16xi32>, vector<16xi32>], vector<16xf32>,
      %mul3A_2387 = arith.mulf %gather3A_2385, %gather3A_2386 : vector<16xf32>
      %add3A_2388 = arith.addf %add3A_2378, %mul3A_2387 : vector<16xf32>
      %add3A_2389 = arith.constant 49 : i32
      %add3A_2390 = vector.broadcast %add3A_2389 : i32 to vector<16xi32>
      %add3A_2391 = arith.addi %iota3A, %add3A_2390 : vector<16xi32>
      %and3A_2392 = arith.constant 63 : i32
      %and3A_2393 = vector.broadcast %and3A_2392 : i32 to vector<16xi32>
      %and3A_2394 = arith.andi %add3A_2391, %and3A_2393 : vector<16xi32>
      %gather3A_2395 = tpu.vector_load_idx %arg13[%add3A_1890, %get3A_1892, %and3A_2394] : memref<16x8x64xf32, #tpu.memory_space<vmem>>[vector<16xi32>, vector<16xi32>, vector<16xi32>], vector<16xf32>,
      %gather3A_2396 = tpu.vector_load_idx %arg14[%add3A_1890, %get3A_1894, %and3A_2394] : memref<16x8x64xf32, #tpu.memory_space<vmem>>[vector<16xi32>, vector<16xi32>, vector<16xi32>], vector<16xf32>,
      %mul3A_2397 = arith.mulf %gather3A_2395, %gather3A_2396 : vector<16xf32>
      %add3A_2398 = arith.addf %add3A_2388, %mul3A_2397 : vector<16xf32>
      %add3A_2399 = arith.constant 50 : i32
      %add3A_2400 = vector.broadcast %add3A_2399 : i32 to vector<16xi32>
      %add3A_2401 = arith.addi %iota3A, %add3A_2400 : vector<16xi32>
      %and3A_2402 = arith.constant 63 : i32
      %and3A_2403 = vector.broadcast %and3A_2402 : i32 to vector<16xi32>
      %and3A_2404 = arith.andi %add3A_2401, %and3A_2403 : vector<16xi32>
      %gather3A_2405 = tpu.vector_load_idx %arg13[%add3A_1890, %get3A_1892, %and3A_2404] : memref<16x8x64xf32, #tpu.memory_space<vmem>>[vector<16xi32>, vector<16xi32>, vector<16xi32>], vector<16xf32>,
      %gather3A_2406 = tpu.vector_load_idx %arg14[%add3A_1890, %get3A_1894, %and3A_2404] : memref<16x8x64xf32, #tpu.memory_space<vmem>>[vector<16xi32>, vector<16xi32>, vector<16xi32>], vector<16xf32>,
      %mul3A_2407 = arith.mulf %gather3A_2405, %gather3A_2406 : vector<16xf32>
      %add3A_2408 = arith.addf %add3A_2398, %mul3A_2407 : vector<16xf32>
      %add3A_2409 = arith.constant 51 : i32
      %add3A_2410 = vector.broadcast %add3A_2409 : i32 to vector<16xi32>
      %add3A_2411 = arith.addi %iota3A, %add3A_2410 : vector<16xi32>
      %and3A_2412 = arith.constant 63 : i32
      %and3A_2413 = vector.broadcast %and3A_2412 : i32 to vector<16xi32>
      %and3A_2414 = arith.andi %add3A_2411, %and3A_2413 : vector<16xi32>
      %gather3A_2415 = tpu.vector_load_idx %arg13[%add3A_1890, %get3A_1892, %and3A_2414] : memref<16x8x64xf32, #tpu.memory_space<vmem>>[vector<16xi32>, vector<16xi32>, vector<16xi32>], vector<16xf32>,
      %gather3A_2416 = tpu.vector_load_idx %arg14[%add3A_1890, %get3A_1894, %and3A_2414] : memref<16x8x64xf32, #tpu.memory_space<vmem>>[vector<16xi32>, vector<16xi32>, vector<16xi32>], vector<16xf32>,
      %mul3A_2417 = arith.mulf %gather3A_2415, %gather3A_2416 : vector<16xf32>
      %add3A_2418 = arith.addf %add3A_2408, %mul3A_2417 : vector<16xf32>
      %add3A_2419 = arith.constant 52 : i32
      %add3A_2420 = vector.broadcast %add3A_2419 : i32 to vector<16xi32>
      %add3A_2421 = arith.addi %iota3A, %add3A_2420 : vector<16xi32>
      %and3A_2422 = arith.constant 63 : i32
      %and3A_2423 = vector.broadcast %and3A_2422 : i32 to vector<16xi32>
      %and3A_2424 = arith.andi %add3A_2421, %and3A_2423 : vector<16xi32>
      %gather3A_2425 = tpu.vector_load_idx %arg13[%add3A_1890, %get3A_1892, %and3A_2424] : memref<16x8x64xf32, #tpu.memory_space<vmem>>[vector<16xi32>, vector<16xi32>, vector<16xi32>], vector<16xf32>,
      %gather3A_2426 = tpu.vector_load_idx %arg14[%add3A_1890, %get3A_1894, %and3A_2424] : memref<16x8x64xf32, #tpu.memory_space<vmem>>[vector<16xi32>, vector<16xi32>, vector<16xi32>], vector<16xf32>,
      %mul3A_2427 = arith.mulf %gather3A_2425, %gather3A_2426 : vector<16xf32>
      %add3A_2428 = arith.addf %add3A_2418, %mul3A_2427 : vector<16xf32>
      %add3A_2429 = arith.constant 53 : i32
      %add3A_2430 = vector.broadcast %add3A_2429 : i32 to vector<16xi32>
      %add3A_2431 = arith.addi %iota3A, %add3A_2430 : vector<16xi32>
      %and3A_2432 = arith.constant 63 : i32
      %and3A_2433 = vector.broadcast %and3A_2432 : i32 to vector<16xi32>
      %and3A_2434 = arith.andi %add3A_2431, %and3A_2433 : vector<16xi32>
      %gather3A_2435 = tpu.vector_load_idx %arg13[%add3A_1890, %get3A_1892, %and3A_2434] : memref<16x8x64xf32, #tpu.memory_space<vmem>>[vector<16xi32>, vector<16xi32>, vector<16xi32>], vector<16xf32>,
      %gather3A_2436 = tpu.vector_load_idx %arg14[%add3A_1890, %get3A_1894, %and3A_2434] : memref<16x8x64xf32, #tpu.memory_space<vmem>>[vector<16xi32>, vector<16xi32>, vector<16xi32>], vector<16xf32>,
      %mul3A_2437 = arith.mulf %gather3A_2435, %gather3A_2436 : vector<16xf32>
      %add3A_2438 = arith.addf %add3A_2428, %mul3A_2437 : vector<16xf32>
      %add3A_2439 = arith.constant 54 : i32
      %add3A_2440 = vector.broadcast %add3A_2439 : i32 to vector<16xi32>
      %add3A_2441 = arith.addi %iota3A, %add3A_2440 : vector<16xi32>
      %and3A_2442 = arith.constant 63 : i32
      %and3A_2443 = vector.broadcast %and3A_2442 : i32 to vector<16xi32>
      %and3A_2444 = arith.andi %add3A_2441, %and3A_2443 : vector<16xi32>
      %gather3A_2445 = tpu.vector_load_idx %arg13[%add3A_1890, %get3A_1892, %and3A_2444] : memref<16x8x64xf32, #tpu.memory_space<vmem>>[vector<16xi32>, vector<16xi32>, vector<16xi32>], vector<16xf32>,
      %gather3A_2446 = tpu.vector_load_idx %arg14[%add3A_1890, %get3A_1894, %and3A_2444] : memref<16x8x64xf32, #tpu.memory_space<vmem>>[vector<16xi32>, vector<16xi32>, vector<16xi32>], vector<16xf32>,
      %mul3A_2447 = arith.mulf %gather3A_2445, %gather3A_2446 : vector<16xf32>
      %add3A_2448 = arith.addf %add3A_2438, %mul3A_2447 : vector<16xf32>
      %add3A_2449 = arith.constant 55 : i32
      %add3A_2450 = vector.broadcast %add3A_2449 : i32 to vector<16xi32>
      %add3A_2451 = arith.addi %iota3A, %add3A_2450 : vector<16xi32>
      %and3A_2452 = arith.constant 63 : i32
      %and3A_2453 = vector.broadcast %and3A_2452 : i32 to vector<16xi32>
      %and3A_2454 = arith.andi %add3A_2451, %and3A_2453 : vector<16xi32>
      %gather3A_2455 = tpu.vector_load_idx %arg13[%add3A_1890, %get3A_1892, %and3A_2454] : memref<16x8x64xf32, #tpu.memory_space<vmem>>[vector<16xi32>, vector<16xi32>, vector<16xi32>], vector<16xf32>,
      %gather3A_2456 = tpu.vector_load_idx %arg14[%add3A_1890, %get3A_1894, %and3A_2454] : memref<16x8x64xf32, #tpu.memory_space<vmem>>[vector<16xi32>, vector<16xi32>, vector<16xi32>], vector<16xf32>,
      %mul3A_2457 = arith.mulf %gather3A_2455, %gather3A_2456 : vector<16xf32>
      %add3A_2458 = arith.addf %add3A_2448, %mul3A_2457 : vector<16xf32>
      %add3A_2459 = arith.constant 56 : i32
      %add3A_2460 = vector.broadcast %add3A_2459 : i32 to vector<16xi32>
      %add3A_2461 = arith.addi %iota3A, %add3A_2460 : vector<16xi32>
      %and3A_2462 = arith.constant 63 : i32
      %and3A_2463 = vector.broadcast %and3A_2462 : i32 to vector<16xi32>
      %and3A_2464 = arith.andi %add3A_2461, %and3A_2463 : vector<16xi32>
      %gather3A_2465 = tpu.vector_load_idx %arg13[%add3A_1890, %get3A_1892, %and3A_2464] : memref<16x8x64xf32, #tpu.memory_space<vmem>>[vector<16xi32>, vector<16xi32>, vector<16xi32>], vector<16xf32>,
      %gather3A_2466 = tpu.vector_load_idx %arg14[%add3A_1890, %get3A_1894, %and3A_2464] : memref<16x8x64xf32, #tpu.memory_space<vmem>>[vector<16xi32>, vector<16xi32>, vector<16xi32>], vector<16xf32>,
      %mul3A_2467 = arith.mulf %gather3A_2465, %gather3A_2466 : vector<16xf32>
      %add3A_2468 = arith.addf %add3A_2458, %mul3A_2467 : vector<16xf32>
      %add3A_2469 = arith.constant 57 : i32
      %add3A_2470 = vector.broadcast %add3A_2469 : i32 to vector<16xi32>
      %add3A_2471 = arith.addi %iota3A, %add3A_2470 : vector<16xi32>
      %and3A_2472 = arith.constant 63 : i32
      %and3A_2473 = vector.broadcast %and3A_2472 : i32 to vector<16xi32>
      %and3A_2474 = arith.andi %add3A_2471, %and3A_2473 : vector<16xi32>
      %gather3A_2475 = tpu.vector_load_idx %arg13[%add3A_1890, %get3A_1892, %and3A_2474] : memref<16x8x64xf32, #tpu.memory_space<vmem>>[vector<16xi32>, vector<16xi32>, vector<16xi32>], vector<16xf32>,
      %gather3A_2476 = tpu.vector_load_idx %arg14[%add3A_1890, %get3A_1894, %and3A_2474] : memref<16x8x64xf32, #tpu.memory_space<vmem>>[vector<16xi32>, vector<16xi32>, vector<16xi32>], vector<16xf32>,
      %mul3A_2477 = arith.mulf %gather3A_2475, %gather3A_2476 : vector<16xf32>
      %add3A_2478 = arith.addf %add3A_2468, %mul3A_2477 : vector<16xf32>
      %add3A_2479 = arith.constant 58 : i32
      %add3A_2480 = vector.broadcast %add3A_2479 : i32 to vector<16xi32>
      %add3A_2481 = arith.addi %iota3A, %add3A_2480 : vector<16xi32>
      %and3A_2482 = arith.constant 63 : i32
      %and3A_2483 = vector.broadcast %and3A_2482 : i32 to vector<16xi32>
      %and3A_2484 = arith.andi %add3A_2481, %and3A_2483 : vector<16xi32>
      %gather3A_2485 = tpu.vector_load_idx %arg13[%add3A_1890, %get3A_1892, %and3A_2484] : memref<16x8x64xf32, #tpu.memory_space<vmem>>[vector<16xi32>, vector<16xi32>, vector<16xi32>], vector<16xf32>,
      %gather3A_2486 = tpu.vector_load_idx %arg14[%add3A_1890, %get3A_1894, %and3A_2484] : memref<16x8x64xf32, #tpu.memory_space<vmem>>[vector<16xi32>, vector<16xi32>, vector<16xi32>], vector<16xf32>,
      %mul3A_2487 = arith.mulf %gather3A_2485, %gather3A_2486 : vector<16xf32>
      %add3A_2488 = arith.addf %add3A_2478, %mul3A_2487 : vector<16xf32>
      %add3A_2489 = arith.constant 59 : i32
      %add3A_2490 = vector.broadcast %add3A_2489 : i32 to vector<16xi32>
      %add3A_2491 = arith.addi %iota3A, %add3A_2490 : vector<16xi32>
      %and3A_2492 = arith.constant 63 : i32
      %and3A_2493 = vector.broadcast %and3A_2492 : i32 to vector<16xi32>
      %and3A_2494 = arith.andi %add3A_2491, %and3A_2493 : vector<16xi32>
      %gather3A_2495 = tpu.vector_load_idx %arg13[%add3A_1890, %get3A_1892, %and3A_2494] : memref<16x8x64xf32, #tpu.memory_space<vmem>>[vector<16xi32>, vector<16xi32>, vector<16xi32>], vector<16xf32>,
      %gather3A_2496 = tpu.vector_load_idx %arg14[%add3A_1890, %get3A_1894, %and3A_2494] : memref<16x8x64xf32, #tpu.memory_space<vmem>>[vector<16xi32>, vector<16xi32>, vector<16xi32>], vector<16xf32>,
      %mul3A_2497 = arith.mulf %gather3A_2495, %gather3A_2496 : vector<16xf32>
      %add3A_2498 = arith.addf %add3A_2488, %mul3A_2497 : vector<16xf32>
      %add3A_2499 = arith.constant 60 : i32
      %add3A_2500 = vector.broadcast %add3A_2499 : i32 to vector<16xi32>
      %add3A_2501 = arith.addi %iota3A, %add3A_2500 : vector<16xi32>
      %and3A_2502 = arith.constant 63 : i32
      %and3A_2503 = vector.broadcast %and3A_2502 : i32 to vector<16xi32>
      %and3A_2504 = arith.andi %add3A_2501, %and3A_2503 : vector<16xi32>
      %gather3A_2505 = tpu.vector_load_idx %arg13[%add3A_1890, %get3A_1892, %and3A_2504] : memref<16x8x64xf32, #tpu.memory_space<vmem>>[vector<16xi32>, vector<16xi32>, vector<16xi32>], vector<16xf32>,
      %gather3A_2506 = tpu.vector_load_idx %arg14[%add3A_1890, %get3A_1894, %and3A_2504] : memref<16x8x64xf32, #tpu.memory_space<vmem>>[vector<16xi32>, vector<16xi32>, vector<16xi32>], vector<16xf32>,
      %mul3A_2507 = arith.mulf %gather3A_2505, %gather3A_2506 : vector<16xf32>
      %add3A_2508 = arith.addf %add3A_2498, %mul3A_2507 : vector<16xf32>
      %add3A_2509 = arith.constant 61 : i32
      %add3A_2510 = vector.broadcast %add3A_2509 : i32 to vector<16xi32>
      %add3A_2511 = arith.addi %iota3A, %add3A_2510 : vector<16xi32>
      %and3A_2512 = arith.constant 63 : i32
      %and3A_2513 = vector.broadcast %and3A_2512 : i32 to vector<16xi32>
      %and3A_2514 = arith.andi %add3A_2511, %and3A_2513 : vector<16xi32>
      %gather3A_2515 = tpu.vector_load_idx %arg13[%add3A_1890, %get3A_1892, %and3A_2514] : memref<16x8x64xf32, #tpu.memory_space<vmem>>[vector<16xi32>, vector<16xi32>, vector<16xi32>], vector<16xf32>,
      %gather3A_2516 = tpu.vector_load_idx %arg14[%add3A_1890, %get3A_1894, %and3A_2514] : memref<16x8x64xf32, #tpu.memory_space<vmem>>[vector<16xi32>, vector<16xi32>, vector<16xi32>], vector<16xf32>,
      %mul3A_2517 = arith.mulf %gather3A_2515, %gather3A_2516 : vector<16xf32>
      %add3A_2518 = arith.addf %add3A_2508, %mul3A_2517 : vector<16xf32>
      %add3A_2519 = arith.constant 62 : i32
      %add3A_2520 = vector.broadcast %add3A_2519 : i32 to vector<16xi32>
      %add3A_2521 = arith.addi %iota3A, %add3A_2520 : vector<16xi32>
      %and3A_2522 = arith.constant 63 : i32
      %and3A_2523 = vector.broadcast %and3A_2522 : i32 to vector<16xi32>
      %and3A_2524 = arith.andi %add3A_2521, %and3A_2523 : vector<16xi32>
      %gather3A_2525 = tpu.vector_load_idx %arg13[%add3A_1890, %get3A_1892, %and3A_2524] : memref<16x8x64xf32, #tpu.memory_space<vmem>>[vector<16xi32>, vector<16xi32>, vector<16xi32>], vector<16xf32>,
      %gather3A_2526 = tpu.vector_load_idx %arg14[%add3A_1890, %get3A_1894, %and3A_2524] : memref<16x8x64xf32, #tpu.memory_space<vmem>>[vector<16xi32>, vector<16xi32>, vector<16xi32>], vector<16xf32>,
      %mul3A_2527 = arith.mulf %gather3A_2525, %gather3A_2526 : vector<16xf32>
      %add3A_2528 = arith.addf %add3A_2518, %mul3A_2527 : vector<16xf32>
      %add3A_2529 = arith.constant 63 : i32
      %add3A_2530 = vector.broadcast %add3A_2529 : i32 to vector<16xi32>
      %add3A_2531 = arith.addi %iota3A, %add3A_2530 : vector<16xi32>
      %and3A_2532 = arith.constant 63 : i32
      %and3A_2533 = vector.broadcast %and3A_2532 : i32 to vector<16xi32>
      %and3A_2534 = arith.andi %add3A_2531, %and3A_2533 : vector<16xi32>
      %gather3A_2535 = tpu.vector_load_idx %arg13[%add3A_1890, %get3A_1892, %and3A_2534] : memref<16x8x64xf32, #tpu.memory_space<vmem>>[vector<16xi32>, vector<16xi32>, vector<16xi32>], vector<16xf32>,
      %gather3A_2536 = tpu.vector_load_idx %arg14[%add3A_1890, %get3A_1894, %and3A_2534] : memref<16x8x64xf32, #tpu.memory_space<vmem>>[vector<16xi32>, vector<16xi32>, vector<16xi32>], vector<16xf32>,
      %mul3A_2537 = arith.mulf %gather3A_2535, %gather3A_2536 : vector<16xf32>
      %add3A_2538 = arith.addf %add3A_2528, %mul3A_2537 : vector<16xf32>
      %neg3A = arith.constant 0.000000e+00 : f32
      %neg3A_2539 = vector.broadcast %neg3A : f32 to vector<16xf32>
      %neg3A_2540 = arith.subf %neg3A_2539, %add3A_2538 : vector<16xf32>
      %exp3A = math.exp %neg3A_2540 : vector<16xf32>
      %add3A_2541 = arith.constant 1.000000e+00 : f32
      %add3A_2542 = vector.broadcast %add3A_2541 : f32 to vector<16xf32>
      %add3A_2543 = arith.addf %add3A_2542, %exp3A : vector<16xf32>
      %div3A = arith.constant 5.000000e+00 : f32
      %div3A_2544 = vector.broadcast %div3A : f32 to vector<16xf32>
      %div3A_2545 = arith.divf %div3A_2544, %add3A_2543 : vector<16xf32>
      %swap3A_2546 = arith.index_cast %add3A_1887 : i32 to index
      %swap3A_2547 = tpu.vector_load %arg17[%swap3A_2546] {strides = array<i32>} : memref<512xf32, #tpu.memory_space<vmem>>, vector<16xf32>,
      tpu.vector_store %arg17[%swap3A_2546], %div3A_2545 {strides = array<i32>} : memref<512xf32, #tpu.memory_space<vmem>>, vector<16xf32>,
    }
    %scan3A_771 = arith.constant 32 : i32
    "tpu.region"() ({
      %run_scoped3A = tpu.sem_alloc : memref<!tpu.dma_semaphore, #tpu.memory_space<semaphore_mem>>
      %dma_start3A = tpu.memref_slice %arg8[%mul3A_2] : memref<16384xf32, #tpu.memory_space<hbm>> -> memref<512xf32, #tpu.memory_space<hbm>>
      %dma_start3A_772 = tpu.memref_slice %arg8[%mul3A_2] : memref<16384xf32, #tpu.memory_space<hbm>> -> memref<512xf32, #tpu.memory_space<hbm>>
      tpu.enqueue_dma source(%arg17 : memref<512xf32, #tpu.memory_space<vmem>>) target(%dma_start3A_772 : memref<512xf32, #tpu.memory_space<hbm>>) target_semaphore(%run_scoped3A : memref<!tpu.dma_semaphore, #tpu.memory_space<semaphore_mem>>)
      %dma_wait3A = tpu.memref_slice %arg8[%mul3A_2] : memref<16384xf32, #tpu.memory_space<hbm>> -> memref<512xf32, #tpu.memory_space<hbm>>
      %dma_wait3A_773 = tpu.memref_slice %arg8[%mul3A_2] : memref<16384xf32, #tpu.memory_space<hbm>> -> memref<512xf32, #tpu.memory_space<hbm>>
      tpu.wait_dma2 semaphore(%run_scoped3A : memref<!tpu.dma_semaphore, #tpu.memory_space<semaphore_mem>>) src(%arg17 : memref<512xf32, #tpu.memory_space<vmem>>) dst(%dma_wait3A_773 : memref<512xf32, #tpu.memory_space<hbm>>)
      tpu.yield
    }) : () -> ()
    return
  }
}

</mosaic_0001>

<sc_bundles>
// kernel: gather_offload_async_start.1
scs
__scs_entry_jumppad:
0x0: {  	(pc) =	sbr.rel $0x88, $3  }
0x1: {  	(tag) =	ssettag $0x0;
	lr =	simm.s32 $0x1  }
0x2: {  	[smem:$0x3F9B] =	sst lr;
	_ =	strace $0xD0000000  }
0x3: {  	_ = 	snop  }
0x4: {  	_ = 	snop  }
0x5: {  	_ = 	snop  }
0x6: {  	_ = 	snop  }
0x7: {  	_ = 	snop  }
__scs_overlays_trampoline_lowered:
0x8: {  	[smem:$0x3FAA] =	sst s0  }
0x9: {  	[smem:$0x3FAB] =	sst s1  }
0xa: {  	[smem:$0x3FAC] =	sst s2  }
0xb: {  	[smem:$0x3FAD] =	sst s3  }
0xc: {  	[smem:$0x3FAE] =	sst s4  }
0xd: {  	[smem:$0x3FAF] =	sst s5  }
0xe: {  	[smem:$0x3FB0] =	sst s6  }
0xf: {  	[smem:$0x3FB1] =	sst s7  }
0x10: {  	[smem:$0x3FB2] =	sst s8  }
0x11: {  	[smem:$0x3FB3] =	sst s9;
	s0 =	simm.s32 @!p0 $0x0  }
0x12: {  	s1 =	sld [smem:$0x3F99];
	s0 =	simm.s32 @p0 $0x1  }
0x13: {  	[smem:$0x3FB4] =	sst s0;
	s0 =	simm.s32 @!p1 $0x0  }
0x14: {  	s2 =	sld [smem:$0x3F98];
	s0 =	simm.s32 @p1 $0x1  }
0x15: {  	[smem:$0x3FB5] =	sst s0;
	s0 =	simm.s32 @!p2 $0x0  }
0x16: {  	s3 =	sld [smem:$0x3FDB];
	s0 =	simm.s32 @p2 $0x1  }
0x17: {  	s4 =	simm.s32 $0x1BF5;
	[smem:$0x3FB7] =	sst s0  }
0x18: {  	s0 =	sld [smem:$0x3F9A];
	_ =	swait.ge [sflag:s4], $0x0  }
0x19: {  	s7 =	sld [smem:$0x3F9B]  }
0x1a: {  	s8 =	sadd.s32 $0xFFFFE003, lr  }
0x1b: {  	s9 =	sadd.s32 $0xFFFFFEF7, lr;
	s5 =	simm.s32 $0xFFFFFFFF;
	p2 =	slt.u32 s8, $0xFFFFF086  }
0x1c: {  	p1 =	slt.u32 s9, $0xF7A;
	s5 =	simm.s32 @!p2 $0x0  }
0x1d: {  	s5 =	simm.s32 @p1 $0x1;
	p0 =	seq.s32 s7, s2  }
0x1e: {  	s7 =	smul.u32 @!p0 $0xF7A, s2;
	p2 =	seq.s32 @!p0 s5, $0x0  }
0x1f: {  	s9 =	smul.u32 $0xF7A, s1;
	s8 =	simm.s32 @!p0 $0x1BF5;
	p2 =	por !p2, p0  }
0x20: {  	[sflag:s8] =	ssyncset.s32 @!p0 $0xFFFFF086;
	s6 =	sadd.s32 @!p0 s3, s7;
	s7 =	simm.s32 @!p0 $0x108  }
0x21: {  	s3 =	sadd.s32 s3, s9;
	s6 =	sadd.s32 @!p0 $0x88, s6;
	s7 =	simm.s32 @p2 $0x1082  }
0x22: {  	[simem:s7], [sflag:s8] =	dma.local @!p0 [hbm:s6], $0xF7A  }
0x23: {  	s9 =	sor.u32 $0xD0000000, s2;
	s6 =	simm.s32 $0x108;
	_ =	swait.ge @!p0 [sflag:s8], $0x0  }
0x24: {  	s3 =	sadd.s32 $0x88, s3;
	s6 =	simm.s32 @!p1 $0x1082;
	[sflag:s4] =	ssyncset.s32 $0xFFFFF086  }
0x25: {  	[simem:s6], [sflag:s4] =	dma.local [hbm:s3], $0xF7A  }
0x26: {  	[smem:$0x3F9B] =	sst s1;
	(tag) =	ssettag s2;
	_ =	strace s9  }
0x27: {  	s1 =	sld [smem:$0x3FAB]  }
0x28: {  	s2 =	sld [smem:$0x3FAC]  }
0x29: {  	s4 =	sld [smem:$0x3FAE]  }
0x2a: {  	p0 =	seq.s32 s5, $0x0;
	s5 =	sld [smem:$0x3FAF]  }
0x2b: {  	s6 =	sld [smem:$0x3FB0]  }
0x2c: {  	s7 =	sld [smem:$0x3FB1]  }
0x2d: {  	s3 =	simm.s32 $0x108;
	s8 =	sld [smem:$0x3FB2]  }
0x2e: {  	s3 =	simm.s32 @!p0 $0x1082;
	s9 =	sld [smem:$0x3FB3]  }
0x2f: {  	lr =	sadd.s32 s0, s3;
	s0 =	sld [smem:$0x3FAA]  }
0x30: {  	s3 =	sld [smem:$0x3FAD]  }
0x31: {  	[smem:$0x3FB6] =	sst s10  }
0x32: {  	s10 =	sld [smem:$0x3FB4];
	_ =	sdelay $0x3  }
0x33: {  	p0 =	seq.s32 s10, $0x1;
	s10 =	sld [smem:$0x3FB6];
	_ =	sdelay $0x3  }
0x34: {  	[smem:$0x3FB6] =	sst s10  }
0x35: {  	s10 =	sld [smem:$0x3FB5];
	_ =	sdelay $0x3  }
0x36: {  	p1 =	seq.s32 s10, $0x1;
	s10 =	sld [smem:$0x3FB6];
	_ =	sdelay $0x3  }
0x37: {  	[smem:$0x3FB6] =	sst s10  }
0x38: {  	s10 =	sld [smem:$0x3FB7]  }
0x39: {  	_ = 	snop;
	(pc) =	sbr.ind lr, $3  }
0x3a: {  	_ = 	snop  }
0x3b: {  	_ = 	snop  }
0x3c: {  	p2 =	seq.s32 s10, $0x1;
	s10 =	sld [smem:$0x3FB6]  }
0x3d: {  	_ =	shalt  }
0x3e: {  	_ =	shalt  }
0x3f: {  	_ =	shalt  }
0x40: {  	_ =	shalt  }
0x41: {  	_ =	shalt  }
0x42: {  	_ =	shalt  }
0x43: {  	_ =	shalt  }
0x44: {  	_ =	shalt  }
0x45: {  	_ =	shalt  }
0x46: {  	_ =	shalt  }
0x47: {  	_ =	shalt  }
0x48: {  	_ =	shalt  }
0x49: {  	_ =	shalt  }
0x4a: {  	_ =	shalt  }
0x4b: {  	_ =	shalt  }
0x4c: {  	_ =	shalt  }
0x4d: {  	_ =	shalt  }
0x4e: {  	_ =	shalt  }
0x4f: {  	_ =	shalt  }
0x50: {  	_ =	shalt  }
0x51: {  	_ =	shalt  }
0x52: {  	_ =	shalt  }
0x53: {  	_ =	shalt  }
0x54: {  	_ =	shalt  }
0x55: {  	_ =	shalt  }
0x56: {  	_ =	shalt  }
0x57: {  	_ =	shalt  }
0x58: {  	_ =	shalt  }
0x59: {  	_ =	shalt  }
0x5a: {  	_ =	shalt  }
0x5b: {  	_ =	shalt  }
0x5c: {  	_ =	shalt  }
0x5d: {  	_ =	shalt  }
0x5e: {  	_ =	shalt  }
0x5f: {  	_ =	shalt  }
0x60: {  	_ =	shalt  }
0x61: {  	_ =	shalt  }
0x62: {  	_ =	shalt  }
0x63: {  	_ =	shalt  }
0x64: {  	_ =	shalt  }
0x65: {  	_ =	shalt  }
0x66: {  	_ =	shalt  }
0x67: {  	_ =	shalt  }
0x68: {  	_ =	shalt  }
0x69: {  	_ =	shalt  }
0x6a: {  	_ =	shalt  }
0x6b: {  	_ =	shalt  }
0x6c: {  	_ =	shalt  }
0x6d: {  	_ =	shalt  }
0x6e: {  	_ =	shalt  }
0x6f: {  	_ =	shalt  }
0x70: {  	_ =	shalt  }
0x71: {  	_ =	shalt  }
0x72: {  	_ =	shalt  }
0x73: {  	_ =	shalt  }
0x74: {  	_ =	shalt  }
0x75: {  	_ =	shalt  }
0x76: {  	_ =	shalt  }
0x77: {  	_ =	shalt  }
0x78: {  	_ =	shalt  }
0x79: {  	_ =	shalt  }
0x7a: {  	_ =	shalt  }
0x7b: {  	_ =	shalt  }
0x7c: {  	_ =	shalt  }
0x7d: {  	_ =	shalt  }
0x7e: {  	_ =	shalt  }
0x7f: {  	_ =	shalt  }
0x80: {  	_ =	shalt  }
0x81: {  	_ =	shalt  }
0x82: {  	_ =	shalt  }
0x83: {  	_ =	shalt  }
0x84: {  	_ =	shalt  }
0x85: {  	_ =	shalt  }
0x86: {  	_ =	shalt  }
0x87: {  	_ =	shalt  }
.Lfunc_end0:
.L_simem_size_0:
called_computation.1_lowered:
.L_overlay_start_0:
0x88: {  	s2 =	sld [smem:$0x3FD9]  }
0x89: {  	s3 =	sld [smem:$0x3FFE];
	_ =	sdelay $0x1  }
0x8a: {  	s1 =	srdreg.scid  }
0x8b: {  	s0 =	sand.u32 $0x1, s1  }
0x8c: {  	s17 =	sshll.u32 s0, $0xA;
	s2 =	sadd.s32 s3, s2  }
0x8d: {  	s2 =	sadd.s32 s2, s17  }
0x8e: {  	[smem:$0x3FC2] =	sst s2  }
0x8f: {  	_ = 	snop  }
0x90: {  	s18 =	sld [smem:$0x3FD0];
	(tm) =	ssettm $0x1  }
0x91: {  	s19 =	sld [smem:$0x3FFB];
	_ =	sdelay $0x3  }
0x92: {  	_ =	strace s19  }
0x93: {  	s2 =	sld [smem:$0x3FFC];
	_ =	sdelay $0x3  }
0x94: {  	_ =	strace s2  }
0x95: {  	s2 =	sld [smem:$0x3FFD];
	_ =	sdelay $0x3  }
0x96: {  	_ =	strace s2  }
0x97: {  	_ =	strace $0x8FFFFFFF  }
0x98: {  	s20 =	sld [smem:$0x3FDB];
	_ =	sdelay $0x1  }
0x99: {  	s4 =	simm.s32 $_scs_section_size  }
0x9a: {  	s5 =	simm.s32 $_size__tile_overlayer_lowered;
	s6 =	simm.s32 $_tile_overlayer_lowered  }
0x9b: {  	s7 =	simm.s32 $0x1BFF;
	s21 =	sshll.u32 s6, $0x1;
	s4 =	sadd.s32 s4, s20  }
0x9c: {  	s22 =	simm.s32 $0x0;
	s5 =	sshll.u32 s5, $0x1;
	s6 =	sadd.s32 s21, s4  }
0x9d: {  	[timem:s22], [sflag:s7] =	dma.local [hbm:s6], s5  }
0x9e: {  	_ =	swait.ge [sflag:s7], s5  }
0x9f: {  	s5 =	ssub.s32 $0x0, s5;
	[sflag:s7] =	ssyncset.done $0x0  }
0xa0: {  	[sflag:s7] =	ssyncadd.s32 s5;
	_ =	sdelay $0x1  }
0xa1: {  	s23 =	simm.s32 $0x1B8B  }
0xa2: {  	_ =	swait.ge [sflag:s23], $0x1  }
0xa3: {  	[sflag:s23] =	ssyncset.done $0x0  }
0xa4: {  	[sflag:s23] =	ssyncadd.s32 $0xFFFFFFFF  }
0xa5: {  	s5 =	sld [smem:$0x0]  }
0xa6: {  	s6 =	sand.u32 $0xFFFFFFFE, s1  }
0xa7: {  	p0 =	sne.s32 s1, s6  }
0xa8: {  	s6 =	sshll.u32 @p0 s6, $0xE  }
0xa9: {  	s6 =	sadd.s32 @p0 $0x11B8D, s6;
	s7 =	sshll.u32 @p0 s5, $0x11  }
0xaa: {  	s6 =	sor.u32 @p0 s7, s6  }
0xab: {  	[sflag:s6] =	ssyncadd.remote.s32 @p0 $0x1;
	_ =	sdelay $0x1  }
0xac: {  	s6 =	simm.s32 @p0 $0x1B8D  }
0xad: {  	_ =	swait.eq @p0 [sflag:s6], $0x1  }
0xae: {  	[sflag:s6] =	ssyncadd.s32 @p0 $0xFFFFFFFF  }
0xaf: {  	s7 =	sshll.u32 @!p0 s1, $0xE  }
0xb0: {  	s7 =	sor.u32 @!p0 $0x4000, s7;
	s6 =	simm.s32 @!p0 $0x1B8D  }
0xb1: {  	s5 =	sshll.u32 @!p0 s5, $0x11;
	s7 =	sadd.s32 @!p0 $0x11B8D, s7;
	_ =	swait.eq @!p0 [sflag:s6], $0x1  }
0xb2: {  	s5 =	sor.u32 @!p0 s5, s7;
	[sflag:s6] =	ssyncadd.s32 @!p0 $0xFFFFFFFF  }
0xb3: {  	s25 =	simm.s32 $0x1B8E;
	s24 =	sld [smem:$0x3FFE];
	[sflag:s5] =	ssyncadd.remote.s32 @!p0 $0x1  }
0xb4: {  	s26 =	simm.s32 $execute0_lowered;
	[smem:$0x3FD2] =	sst s25  }
0xb5: {  	s6 =	sshll.u32 s26, $0x1;
	_ =	strace $0x80000049;
	[dreg:$0x1] =	wrdreg $0xFFFFFFFF  }
0xb6: {  	s28 =	simm.s32 $_size_execute0_lowered;
	s4 =	sadd.s32 s4, s6;
	[dreg:$0x0] =	wrdreg $0x0  }
0xb7: {  	s6 =	sshll.u32 s28, $0x1;
	[dreg:$0x2] =	wrdreg s4  }
0xb8: {  	[dreg:$0x3] =	wrdreg s6  }
0xb9: {  	[dreg:$0x4] =	wrdreg $0xC0  }
0xba: {  	_ =	task [dreg:s22], $0x5FFFF  }
0xbb: {  	[dreg:$0x1] =	wrdreg $0xFFFFFFFF  }
0xbc: {  	[dreg:$0x0] =	wrdreg $0x60  }
0xbd: {  	[dreg:$0x2] =	wrdreg s24  }
0xbe: {  	[dreg:$0x3] =	wrdreg s18  }
0xbf: {  	[dreg:$0x4] =	wrdreg $0xA  }
0xc0: {  	_ =	task.clear_ibuf [dreg:s22], $0x5FFFF;
	_ =	strace $0x90000049  }
0xc1: {  	s29 =	simm.s32 $0xA;
	_ =	strace $0x8000004B  }
0xc2: {  	_ =	swait.ge [sflag:s29], $0x1  }
0xc3: {  	[sflag:s29] =	ssyncadd.s32 $0xFFFFFFFF  }
0xc4: {  	_ =	strace $0x9000004B  }
0xc5: {  	_ =	sfence  }
0xc6: {  	s30 =	sld [smem:$0x0];
	_ =	sdelay $0x2  }
0xc7: {  	s31 =	sshll.u32 s1, $0xD;
	s1 =	sshrl.u32 s1, $0x2  }
0xc8: {  	s4 =	sand.u32 $0x4000, s31;
	s1 =	sadd.s32 s1, s30  }
0xc9: {  	s0 =	sor.u32 s4, s0;
	s1 =	sshll.u32 s1, $0x11  }
0xca: {  	s0 =	sor.u32 s1, s0  }
0xcb: {  	s0 =	sadd.s32 $0x8F2B, s0  }
0xcc: {  	[sflag:s0] =	ssyncadd.remote.s32 $0x1  }
0xcd: {  	_ =	sfence.sel $0xFFFF  }
0xce: {  	[dreg:$0x0] =	wrdreg $0xFFFFFFFF;
	(pc) =	sbr.abs _section_cstart, $3  }
0xcf: {  	[dreg:$0x1] =	wrdreg $0xFFFFFFFF  }
0xd0: {  	_ =	task.clear_ibuf [dreg:s22], $0x2FFFF;
	_ =	strace $0x9FFFFFFF  }
0xd1: {  	(tm) =	ssettm $0x7FFFFFFF  }
tec
execute0_lowered:
.L_overlay_start_1:
0x0: {  	(tag) =	ssettag $0x1  }
0x1: {  	s1 =	srdreg.scid;
	s5 =	rddreg [dreg:$0x0]  }
0x2: {  	s0 =	stileid.u32;
	s2 =	rddreg [dreg:$0x1];
	s6 =	simm.s32 $0x1  }
0x3: {  	s9 =	simm.s32 $0x1;
	s10 =	simm.s32 $0x3;
	s1 =	sshll.u32 s1, $0x8  }
0x4: {  	s13 =	simm.s32 $0x0;
	s3 =	sshll.u32 s0, $0x9;
	s4 =	sand.u32 $0x100, s1  }
0x5: {  	s12 =	simm.s32 $0x0;
	s1 =	rddreg [dreg:$0x2];
	s3 =	sor.u32 s3, s4  }
0x6: {  	_ =	strace $0x8000004A;
	s4 =	sadd.s32 $0x1FC00, s5;
	s8 =	ssub.s32 $0x4000, s3  }
.Ltmp0:
0x7: {  	s5 =	sadd.s32 $0x1EC3600, s5;
	s7 =	sand.u32 $0x1F00, s8;
	(pc) =	sbr.rel .LBB2_1-.Ltmp0, $4  }
0x8: {  	[sflag:s6] =	ssyncpa.u1 $0x0;
	s11 =	smov.u32 s3;
	p0 =	sne.s32 s7, $0x0  }
0x9: {  	s8 =	sshrl.u32 s8, $0xD;
	s7 =	simm.s32 $0x2;
	s9 =	simm.s32 @!p0 $0x0  }
0xa: {  	[sflag:s7] =	ssyncpa.u1 $0x0;
	p0 =	por $0x0, $0x0;
	s8 =	sadd.s32 s9, s8  }
0xb: {  	vm0 =	vmmov $0xffff;
	[sflag:s10] =	ssyncpa.u1 $0x0;
	s10 =	simm.s32 $0x0;
	s9 =	sadd.s32 $0x1, s8  }
.LBB2_4:
0xc: {  	v2 =	vnsel vm1, $0x0, v2  }
0xd: {  	vm1 =	vgt.s32 v0, $0x0;
	v2 =	vmin.u32 v2, $0xF423F  }
0xe: {  	v0 =	vnsel vm1, $0x0, v0  }
0xf: {  	v0 =	vmin.u32 v0, $0xF423F  }
0x10: {  	[tilespmem:s15], [sflag:$0x1] =	stream.indirect_vreg.gather [hbm4b:s4+s10], $0x1, v1, vm0, $0x4038;
	[tilespmem:$0x400] =	vst v63  }
0x11: {  	(ifvalue) =	ssetifvalue $0x7FFFFFFF  }
0x12: {  	[tilespmem:s16], [sflag:$0x1] =	stream.indirect_vreg.gather [hbm4b:s4+s10], $0x1, v2, vm0, $0x4038;
	[tilespmem:$0x400] =	vst v63  }
0x13: {  	s29 =	sadd.s32 $0x10, s16;
	(ifvalue) =	ssetifvalue $0x7FFFFFFF  }
0x14: {  	[tilespmem:s29], [sflag:$0x1] =	stream.indirect_vreg.gather [hbm4b:s4+s10], $0x1, v0, vm0, $0x4038;
	[tilespmem:$0x400] =	vst v63  }
0x15: {  	_ =	swait.ge [sflag:s6], $0x100  }
0x16: {  	s30 =	sshrl.u32 s13, $0x3;
	[sflag:s6] =	ssyncset.done $0x0  }
0x17: {  	s31 =	sand.u32 $0x7, s13;
	s15 =	sadd.s32 s5, s30;
	[sflag:s6] =	ssyncadd.s32 $0xFFFFFF00  }
0x18: {  	[hbm4b:s15+s31] =	stream.linear.scatter [tilespmem:s14], [sflag:$0x3], $0x100, $0x38;
	[tilespmem:$0x400] =	vst v63  }
.LBB2_5:
0x19: {  	s15 =	sadd.s32 $0x2000, s11  }
0x1a: {  	p2 =	sgt.s32 s15, $0x3FFF  }
0x1b: {  	s15 =	smov.u32 @p2 s3;
	p2 =	sne.s32 s12, s9  }
.Ltmp1:
0x1c: {  	p1 =	slt.u32 s12, $0x2;
	(pc) =	sbr.rel @!p2 .LBB2_6-.Ltmp1, $4  }
0x1d: {  	s14 =	simm.s32 @!p1 $0x3  }
0x1e: {  	s16 =	sadd.s32 $0x1, s12;
	_ =	swait.ge @!p1 [sflag:s14], $0x100  }
0x1f: {  	s13 =	smov.u32 s11;
	p0 =	por !p0, !p0;
	[sflag:s14] =	ssyncset.done @!p1 $0x0  }
0x20: {  	s12 =	smov.u32 s16;
	s11 =	smov.u32 s15;
	[sflag:s14] =	ssyncadd.s32 @!p1 $0xFFFFFF00  }
.LBB2_1:
0x21: {  	p1 =	sge.u32 s12, s8  }
0x22: {  	s14 =	sxor.u32 @!p1 $0xFFFFFFFF, s12  }
0x23: {  	s31 =	sadd.s32 $0xFFFFFFFF, s12;
	s15 =	sshrl.u32 @!p1 s11, $0x3;
	s14 =	sshll.u32 @!p1 s14, $0x8  }
0x24: {  	s16 =	sand.u32 @!p1 $0x7, s11;
	s15 =	sadd.s32 @!p1 s2, s15;
	s14 =	sand.u32 @!p1 $0x100, s14  }
0x25: {  	[tilespmem:s14], [sflag:$0x2] =	stream.linear.gather @!p1 [hbm4b:s15+s16], $0x100, $0x38;
	[tilespmem:$0x400] =	vst v63  }
0x26: {  	p1 =	sge.u32 s31, s8  }
.Ltmp2:
0x27: {  	_ = 	snop;
	(pc) =	sbr.rel @p1 .LBB2_5-.Ltmp2, $1  }
0x28: {  	_ =	sdelay $0x3  }
0x29: {  	s14 =	simm.s32 $0x1  }
0x2a: {  	_ =	swait.ge [sflag:s7], $0x100;
	s14 =	simm.s32 @!p0 $0x0  }
0x2b: {  	[sflag:s7] =	ssyncset.done $0x0;
	s14 =	sshll.u32 s14, $0x8  }
0x2c: {  	[sflag:s7] =	ssyncadd.s32 $0xFFFFFF00;
	(ifvalue) =	ssetifvalue $0x7FFFFFFF;
	v0 =	vld.msk [tilespmem:s14+$0x0 ss:$0x1], $0xffff;
	_ =	sdelay $0x4  }
0x2d: {  	s15 =	sadd.s32 $0x10, s14;
	vm1 =	vgt.s32 v0, $0x0  }
0x2e: {  	v2 =	vld.msk [tilespmem:s15+$0x0 ss:$0x1], $0xffff;
	v1 =	vnsel vm1, $0x0, v0  }
0x2f: {  	v1 =	vmin.u32 v1, $0xF423F;
	_ =	sdelay $0x1  }
0x30: {  	s16 =	sshll.u32 s12, $0x8;
	s18 =	simm.s32 $0x20  }
0x31: {  	s16 =	sand.u32 $0x100, s16;
	s17 =	sadd.s32 $0x10, s15;
	s15 =	sor.u32 $0x200, s14  }
0x32: {  	s14 =	sor.u32 $0x200, s16;
	s16 =	sadd.s32 $0x10, s15;
	v0 =	vld.msk [tilespmem:s17+$0x0 ss:$0x1], $0xffff;
	vm1 =	vgt.s32 v2, $0x0;
	(ifvalue) =	ssetifvalue $0x7FFFFFFF  }
.LBB2_3:
0x33: {  	[tilespmem:s15], [sflag:$0x1] =	stream.indirect_vreg.gather [hbm4b:s4+s10], $0x1, v1, vm0, $0x4038;
	[tilespmem:$0x400] =	vst v63  }
0x34: {  	s18 =	sadd.s32 $0x10, s18  }
0x35: {  	v2 =	vnsel vm1, $0x0, v2;
	p1 =	slt.u32 s18, $0xF0  }
.Ltmp3:
0x36: {  	s15 =	smov.u32 s16;
	v1 =	vmin.u32 v2, $0xF423F;
	(pc) =	sbr.rel @p1 .LBB2_3-.Ltmp3, $3  }
0x37: {  	_ =	sdelay $0x1  }
0x38: {  	s17 =	sadd.s32 $0x10, s17  }
0x39: {  	vm1 =	vgt.s32 v0, $0x0;
	s16 =	sadd.s32 $0x10, s16;
	v2 =	vmov v0;
	(ifvalue) =	ssetifvalue $0x7FFFFFFF;
	v0 =	vld.msk [tilespmem:s17+$0x0 ss:$0x1], $0xffff  }
.Ltmp4:
0x3a: {  	_ = 	snop;
	(pc) =	sbr.rel .LBB2_4-.Ltmp4, $1  }
0x3b: {  	_ =	sdelay $0x3  }
.LBB2_6:
0x3c: {  	_ =	sfence.sel $0x180000  }
0x3d: {  	s2 =	simm.s32 $0x2;
	[bflag:$0x0] =	sbarrier.arrive $0xFFFF  }
0x3e: {  	s30 =	simm.s32 $0x3;
	[sflag:s2] =	ssyncpa.u1 $0x1  }
0x3f: {  	s31 =	simm.s32 $0x1;
	[sflag:s30] =	ssyncpa.u1 $0x1  }
0x40: {  	[sflag:s31] =	ssyncpa.u1 $0x1  }
0x41: {  	p0 =	sne.s32 s0, $0x0;
	_ =	strace $0x9000004A  }
0x42: {  	s0 =	sadd.s32 @!p0 $0x100000, s1;
	[bflag:$0x2] =	sbarrier.arrive $0xFFFF  }
0x43: {  	[sflag:s0] =	ssyncadd.tile.s32 @!p0 $0x1;
	_ =	shalt  }
.Lfunc_end2:
_tile_overlayer_lowered:
.L_overlay_start_2:
0x44: {  	(tag) =	ssettag $0x2  }
0x45: {  	s0 =	rddreg [dreg:$0x0];
	s2 =	stileid.u32  }
0x46: {  	s1 =	rddreg [dreg:$0x1];
	p0 =	sne.s32 s2, $0x0  }
0x47: {  	s3 =	rddreg [dreg:$0x2];
	[bflag:$0x3] =	sbarrier.arrive $0xFFFF;
	s2 =	simm.s32 @!p0 $0x1C01  }
0x48: {  	[timem:s3], [sflag:s2] =	dma.local @!p0 [hbm:s0], s1  }
0x49: {  	s0 =	simm.s32 @!p0 $0x1  }
0x4a: {  	_ =	swait.ge @!p0 [sflag:s0], s1  }
0x4b: {  	s1 =	ssub.s32 @!p0 $0x0, s1;
	[sflag:s0] =	ssyncset.done @!p0 $0x0  }
0x4c: {  	[sflag:s0] =	ssyncadd.s32 @!p0 s1  }
0x4d: {  	[bflag:$0x3] =	sbarrier.arrive $0xFFFF  }
0x4e: {  	_ =	shalt  }

// kernel: gather_offload_async_start
scs
__scs_entry_jumppad:
0x0: {  	(pc) =	sbr.rel $0x88, $3  }
0x1: {  	(tag) =	ssettag $0x0;
	lr =	simm.s32 $0x1  }
0x2: {  	[smem:$0x3F9B] =	sst lr;
	_ =	strace $0xD0000000  }
0x3: {  	_ = 	snop  }
0x4: {  	_ = 	snop  }
0x5: {  	_ = 	snop  }
0x6: {  	_ = 	snop  }
0x7: {  	_ = 	snop  }
__scs_overlays_trampoline_lowered:
0x8: {  	[smem:$0x3FAA] =	sst s0  }
0x9: {  	[smem:$0x3FAB] =	sst s1  }
0xa: {  	[smem:$0x3FAC] =	sst s2  }
0xb: {  	[smem:$0x3FAD] =	sst s3  }
0xc: {  	[smem:$0x3FAE] =	sst s4  }
0xd: {  	[smem:$0x3FAF] =	sst s5  }
0xe: {  	[smem:$0x3FB0] =	sst s6  }
0xf: {  	[smem:$0x3FB1] =	sst s7  }
0x10: {  	[smem:$0x3FB2] =	sst s8  }
0x11: {  	[smem:$0x3FB3] =	sst s9;
	s0 =	simm.s32 @!p0 $0x0  }
0x12: {  	s1 =	sld [smem:$0x3F99];
	s0 =	simm.s32 @p0 $0x1  }
0x13: {  	[smem:$0x3FB4] =	sst s0;
	s0 =	simm.s32 @!p1 $0x0  }
0x14: {  	s2 =	sld [smem:$0x3F98];
	s0 =	simm.s32 @p1 $0x1  }
0x15: {  	[smem:$0x3FB5] =	sst s0;
	s0 =	simm.s32 @!p2 $0x0  }
0x16: {  	s3 =	sld [smem:$0x3FDB];
	s0 =	simm.s32 @p2 $0x1  }
0x17: {  	s4 =	simm.s32 $0x1BF5;
	[smem:$0x3FB7] =	sst s0  }
0x18: {  	s0 =	sld [smem:$0x3F9A];
	_ =	swait.ge [sflag:s4], $0x0  }
0x19: {  	s7 =	sld [smem:$0x3F9B]  }
0x1a: {  	s8 =	sadd.s32 $0xFFFFE003, lr  }
0x1b: {  	s9 =	sadd.s32 $0xFFFFFEF7, lr;
	s5 =	simm.s32 $0xFFFFFFFF;
	p2 =	slt.u32 s8, $0xFFFFF086  }
0x1c: {  	p1 =	slt.u32 s9, $0xF7A;
	s5 =	simm.s32 @!p2 $0x0  }
0x1d: {  	s5 =	simm.s32 @p1 $0x1;
	p0 =	seq.s32 s7, s2  }
0x1e: {  	s7 =	smul.u32 @!p0 $0xF7A, s2;
	p2 =	seq.s32 @!p0 s5, $0x0  }
0x1f: {  	s9 =	smul.u32 $0xF7A, s1;
	s8 =	simm.s32 @!p0 $0x1BF5;
	p2 =	por !p2, p0  }
0x20: {  	[sflag:s8] =	ssyncset.s32 @!p0 $0xFFFFF086;
	s6 =	sadd.s32 @!p0 s3, s7;
	s7 =	simm.s32 @!p0 $0x108  }
0x21: {  	s3 =	sadd.s32 s3, s9;
	s6 =	sadd.s32 @!p0 $0x88, s6;
	s7 =	simm.s32 @p2 $0x1082  }
0x22: {  	[simem:s7], [sflag:s8] =	dma.local @!p0 [hbm:s6], $0xF7A  }
0x23: {  	s9 =	sor.u32 $0xD0000000, s2;
	s6 =	simm.s32 $0x108;
	_ =	swait.ge @!p0 [sflag:s8], $0x0  }
0x24: {  	s3 =	sadd.s32 $0x88, s3;
	s6 =	simm.s32 @!p1 $0x1082;
	[sflag:s4] =	ssyncset.s32 $0xFFFFF086  }
0x25: {  	[simem:s6], [sflag:s4] =	dma.local [hbm:s3], $0xF7A  }
0x26: {  	[smem:$0x3F9B] =	sst s1;
	(tag) =	ssettag s2;
	_ =	strace s9  }
0x27: {  	s1 =	sld [smem:$0x3FAB]  }
0x28: {  	s2 =	sld [smem:$0x3FAC]  }
0x29: {  	s4 =	sld [smem:$0x3FAE]  }
0x2a: {  	p0 =	seq.s32 s5, $0x0;
	s5 =	sld [smem:$0x3FAF]  }
0x2b: {  	s6 =	sld [smem:$0x3FB0]  }
0x2c: {  	s7 =	sld [smem:$0x3FB1]  }
0x2d: {  	s3 =	simm.s32 $0x108;
	s8 =	sld [smem:$0x3FB2]  }
0x2e: {  	s3 =	simm.s32 @!p0 $0x1082;
	s9 =	sld [smem:$0x3FB3]  }
0x2f: {  	lr =	sadd.s32 s0, s3;
	s0 =	sld [smem:$0x3FAA]  }
0x30: {  	s3 =	sld [smem:$0x3FAD]  }
0x31: {  	[smem:$0x3FB6] =	sst s10  }
0x32: {  	s10 =	sld [smem:$0x3FB4];
	_ =	sdelay $0x3  }
0x33: {  	p0 =	seq.s32 s10, $0x1;
	s10 =	sld [smem:$0x3FB6];
	_ =	sdelay $0x3  }
0x34: {  	[smem:$0x3FB6] =	sst s10  }
0x35: {  	s10 =	sld [smem:$0x3FB5];
	_ =	sdelay $0x3  }
0x36: {  	p1 =	seq.s32 s10, $0x1;
	s10 =	sld [smem:$0x3FB6];
	_ =	sdelay $0x3  }
0x37: {  	[smem:$0x3FB6] =	sst s10  }
0x38: {  	s10 =	sld [smem:$0x3FB7]  }
0x39: {  	_ = 	snop;
	(pc) =	sbr.ind lr, $3  }
0x3a: {  	_ = 	snop  }
0x3b: {  	_ = 	snop  }
0x3c: {  	p2 =	seq.s32 s10, $0x1;
	s10 =	sld [smem:$0x3FB6]  }
0x3d: {  	_ =	shalt  }
0x3e: {  	_ =	shalt  }
0x3f: {  	_ =	shalt  }
0x40: {  	_ =	shalt  }
0x41: {  	_ =	shalt  }
0x42: {  	_ =	shalt  }
0x43: {  	_ =	shalt  }
0x44: {  	_ =	shalt  }
0x45: {  	_ =	shalt  }
0x46: {  	_ =	shalt  }
0x47: {  	_ =	shalt  }
0x48: {  	_ =	shalt  }
0x49: {  	_ =	shalt  }
0x4a: {  	_ =	shalt  }
0x4b: {  	_ =	shalt  }
0x4c: {  	_ =	shalt  }
0x4d: {  	_ =	shalt  }
0x4e: {  	_ =	shalt  }
0x4f: {  	_ =	shalt  }
0x50: {  	_ =	shalt  }
0x51: {  	_ =	shalt  }
0x52: {  	_ =	shalt  }
0x53: {  	_ =	shalt  }
0x54: {  	_ =	shalt  }
0x55: {  	_ =	shalt  }
0x56: {  	_ =	shalt  }
0x57: {  	_ =	shalt  }
0x58: {  	_ =	shalt  }
0x59: {  	_ =	shalt  }
0x5a: {  	_ =	shalt  }
0x5b: {  	_ =	shalt  }
0x5c: {  	_ =	shalt  }
0x5d: {  	_ =	shalt  }
0x5e: {  	_ =	shalt  }
0x5f: {  	_ =	shalt  }
0x60: {  	_ =	shalt  }
0x61: {  	_ =	shalt  }
0x62: {  	_ =	shalt  }
0x63: {  	_ =	shalt  }
0x64: {  	_ =	shalt  }
0x65: {  	_ =	shalt  }
0x66: {  	_ =	shalt  }
0x67: {  	_ =	shalt  }
0x68: {  	_ =	shalt  }
0x69: {  	_ =	shalt  }
0x6a: {  	_ =	shalt  }
0x6b: {  	_ =	shalt  }
0x6c: {  	_ =	shalt  }
0x6d: {  	_ =	shalt  }
0x6e: {  	_ =	shalt  }
0x6f: {  	_ =	shalt  }
0x70: {  	_ =	shalt  }
0x71: {  	_ =	shalt  }
0x72: {  	_ =	shalt  }
0x73: {  	_ =	shalt  }
0x74: {  	_ =	shalt  }
0x75: {  	_ =	shalt  }
0x76: {  	_ =	shalt  }
0x77: {  	_ =	shalt  }
0x78: {  	_ =	shalt  }
0x79: {  	_ =	shalt  }
0x7a: {  	_ =	shalt  }
0x7b: {  	_ =	shalt  }
0x7c: {  	_ =	shalt  }
0x7d: {  	_ =	shalt  }
0x7e: {  	_ =	shalt  }
0x7f: {  	_ =	shalt  }
0x80: {  	_ =	shalt  }
0x81: {  	_ =	shalt  }
0x82: {  	_ =	shalt  }
0x83: {  	_ =	shalt  }
0x84: {  	_ =	shalt  }
0x85: {  	_ =	shalt  }
0x86: {  	_ =	shalt  }
0x87: {  	_ =	shalt  }
.Lfunc_end0:
.L_simem_size_0:
called_computation_lowered:
.L_overlay_start_0:
0x88: {  	s2 =	sld [smem:$0x3FD9]  }
0x89: {  	s3 =	sld [smem:$0x3FFE];
	_ =	sdelay $0x1  }
0x8a: {  	s1 =	srdreg.scid  }
0x8b: {  	s0 =	sand.u32 $0x1, s1  }
0x8c: {  	s16 =	sshll.u32 s0, $0xA;
	s2 =	sadd.s32 s3, s2  }
0x8d: {  	s2 =	sadd.s32 s2, s16  }
0x8e: {  	[smem:$0x3FC2] =	sst s2  }
0x8f: {  	_ = 	snop  }
0x90: {  	(tm) =	ssettm $0x1  }
0x91: {  	s17 =	sld [smem:$0x3FFB];
	_ =	sdelay $0x3  }
0x92: {  	_ =	strace s17  }
0x93: {  	s2 =	sld [smem:$0x3FFC];
	_ =	sdelay $0x3  }
0x94: {  	_ =	strace s2  }
0x95: {  	s2 =	sld [smem:$0x3FFD];
	_ =	sdelay $0x3  }
0x96: {  	_ =	strace s2  }
0x97: {  	_ =	strace $0x8FFFFFFF  }
0x98: {  	s18 =	sld [smem:$0x3FDB];
	_ =	sdelay $0x1  }
0x99: {  	s19 =	simm.s32 $_scs_section_size  }
0x9a: {  	s4 =	simm.s32 $_size__tile_overlayer_lowered;
	s5 =	simm.s32 $_tile_overlayer_lowered  }
0x9b: {  	s22 =	simm.s32 $0x1BFF;
	s21 =	sshll.u32 s5, $0x1;
	s2 =	sadd.s32 s19, s18  }
0x9c: {  	s6 =	simm.s32 $0x0;
	s20 =	sshll.u32 s4, $0x1;
	s4 =	sadd.s32 s21, s2  }
0x9d: {  	[timem:s6], [sflag:s22] =	dma.local [hbm:s4], s20  }
0x9e: {  	_ =	swait.ge [sflag:s22], s20  }
0x9f: {  	s3 =	ssub.s32 $0x0, s20;
	[sflag:s22] =	ssyncset.done $0x0  }
0xa0: {  	[sflag:s22] =	ssyncadd.s32 s3;
	_ =	sdelay $0x1  }
0xa1: {  	s23 =	simm.s32 $0x1B8B  }
0xa2: {  	_ =	swait.ge [sflag:s23], $0x1  }
0xa3: {  	[sflag:s23] =	ssyncset.done $0x0  }
0xa4: {  	s25 =	simm.s32 $0x1B8E;
	s24 =	sld [smem:$0x3FFE];
	[sflag:s23] =	ssyncadd.s32 $0xFFFFFFFF  }
0xa5: {  	s26 =	simm.s32 $execute0_lowered;
	[smem:$0x3FD2] =	sst s25  }
0xa6: {  	s4 =	sshll.u32 s26, $0x1;
	_ =	strace $0x80000046;
	[dreg:$0x1] =	wrdreg $0xFFFFFFFF  }
0xa7: {  	s28 =	simm.s32 $_size_execute0_lowered;
	s2 =	sadd.s32 s2, s4;
	[dreg:$0x0] =	wrdreg $0x0  }
0xa8: {  	s4 =	sshll.u32 s28, $0x1;
	[dreg:$0x2] =	wrdreg s2  }
0xa9: {  	[dreg:$0x3] =	wrdreg s4  }
0xaa: {  	[dreg:$0x4] =	wrdreg $0xC0  }
0xab: {  	_ =	task [dreg:s6], $0x5FFFF  }
0xac: {  	[dreg:$0x1] =	wrdreg $0xFFFFFFFF  }
0xad: {  	[dreg:$0x0] =	wrdreg $0x60  }
0xae: {  	[dreg:$0x2] =	wrdreg s24  }
0xaf: {  	[dreg:$0x3] =	wrdreg $0x9  }
0xb0: {  	_ =	task.clear_ibuf [dreg:s6], $0x4FFFF;
	_ =	strace $0x90000046  }
0xb1: {  	s29 =	simm.s32 $0x9;
	_ =	strace $0x80000048  }
0xb2: {  	_ =	swait.ge [sflag:s29], $0x1  }
0xb3: {  	[sflag:s29] =	ssyncadd.s32 $0xFFFFFFFF  }
0xb4: {  	_ =	strace $0x90000048  }
0xb5: {  	_ =	sfence  }
0xb6: {  	s30 =	sld [smem:$0x0];
	_ =	sdelay $0x2  }
0xb7: {  	s31 =	sshll.u32 s1, $0xD;
	s1 =	sshrl.u32 s1, $0x2  }
0xb8: {  	s3 =	sand.u32 $0x4000, s31;
	s1 =	sadd.s32 s1, s30  }
0xb9: {  	s0 =	sor.u32 s3, s0;
	s1 =	sshll.u32 s1, $0x11  }
0xba: {  	s0 =	sor.u32 s1, s0  }
0xbb: {  	s0 =	sadd.s32 $0x8F2B, s0  }
0xbc: {  	[sflag:s0] =	ssyncadd.remote.s32 $0x1  }
0xbd: {  	_ =	sfence.sel $0xFFFF  }
0xbe: {  	[dreg:$0x0] =	wrdreg $0xFFFFFFFF;
	(pc) =	sbr.abs _section_cstart, $3  }
0xbf: {  	[dreg:$0x1] =	wrdreg $0xFFFFFFFF  }
0xc0: {  	_ =	task.clear_ibuf [dreg:s6], $0x2FFFF;
	_ =	strace $0x9FFFFFFF  }
0xc1: {  	(tm) =	ssettm $0x7FFFFFFF  }
tec
execute0_lowered:
.L_overlay_start_1:
0x0: {  	(tag) =	ssettag $0x1  }
0x1: {  	s0 =	srdreg.scid;
	s5 =	rddreg [dreg:$0x0]  }
0x2: {  	s1 =	stileid.u32;
	s6 =	simm.s32 $0x1;
	s9 =	simm.s32 $0x1  }
0x3: {  	s10 =	simm.s32 $0x3;
	s13 =	simm.s32 $0x0;
	s2 =	sshll.u32 s0, $0x8  }
0x4: {  	s12 =	simm.s32 $0x0;
	s3 =	sshll.u32 s1, $0x9;
	s2 =	sand.u32 $0x100, s2  }
0x5: {  	s0 =	rddreg [dreg:$0x1];
	_ =	strace $0x80000047;
	s2 =	sor.u32 s3, s2  }
0x6: {  	s4 =	sadd.s32 $0xA00, s5;
	[sflag:s6] =	ssyncpa.u1 $0x0;
	s8 =	ssub.s32 $0x4000, s2  }
.Ltmp0:
0x7: {  	s3 =	sadd.s32 $0x1200, s5;
	s7 =	sand.u32 $0x1F00, s8;
	(pc) =	sbr.rel .LBB2_1-.Ltmp0, $4  }
0x8: {  	s5 =	sadd.s32 $0xF80A00, s5;
	s11 =	smov.u32 s2;
	p0 =	sne.s32 s7, $0x0  }
0x9: {  	s8 =	sshrl.u32 s8, $0xD;
	s7 =	simm.s32 $0x2;
	s9 =	simm.s32 @!p0 $0x0  }
0xa: {  	[sflag:s7] =	ssyncpa.u1 $0x0;
	p0 =	por $0x0, $0x0;
	s8 =	sadd.s32 s9, s8  }
0xb: {  	vm0 =	vmmov $0xffff;
	[sflag:s10] =	ssyncpa.u1 $0x0;
	s10 =	simm.s32 $0x0;
	s9 =	sadd.s32 $0x1, s8  }
.LBB2_4:
0xc: {  	v2 =	vnsel vm1, $0x0, v2  }
0xd: {  	vm1 =	vgt.s32 v0, $0x0;
	v2 =	vmin.u32 v2, $0xF423F  }
0xe: {  	v0 =	vnsel vm1, $0x0, v0  }
0xf: {  	v0 =	vmin.u32 v0, $0xF423F  }
0x10: {  	[tilespmem:s15], [sflag:$0x1] =	stream.indirect_vreg.gather [hbm4b:s3+s10], $0x1, v1, vm0, $0x4038;
	[tilespmem:$0x400] =	vst v63  }
0x11: {  	(ifvalue) =	ssetifvalue $0x7FFFFFFF  }
0x12: {  	[tilespmem:s16], [sflag:$0x1] =	stream.indirect_vreg.gather [hbm4b:s3+s10], $0x1, v2, vm0, $0x4038;
	[tilespmem:$0x400] =	vst v63  }
0x13: {  	s29 =	sadd.s32 $0x10, s16;
	(ifvalue) =	ssetifvalue $0x7FFFFFFF  }
0x14: {  	[tilespmem:s29], [sflag:$0x1] =	stream.indirect_vreg.gather [hbm4b:s3+s10], $0x1, v0, vm0, $0x4038;
	[tilespmem:$0x400] =	vst v63  }
0x15: {  	_ =	swait.ge [sflag:s6], $0x100  }
0x16: {  	s30 =	sshrl.u32 s13, $0x3;
	[sflag:s6] =	ssyncset.done $0x0  }
0x17: {  	s31 =	sand.u32 $0x7, s13;
	s15 =	sadd.s32 s5, s30;
	[sflag:s6] =	ssyncadd.s32 $0xFFFFFF00  }
0x18: {  	[hbm4b:s15+s31] =	stream.linear.scatter [tilespmem:s14], [sflag:$0x3], $0x100, $0x38;
	[tilespmem:$0x400] =	vst v63  }
.LBB2_5:
0x19: {  	s15 =	sadd.s32 $0x2000, s11  }
0x1a: {  	p2 =	sgt.s32 s15, $0x3FFF  }
0x1b: {  	s15 =	smov.u32 @p2 s2;
	p2 =	sne.s32 s12, s9  }
.Ltmp1:
0x1c: {  	p1 =	slt.u32 s12, $0x2;
	(pc) =	sbr.rel @!p2 .LBB2_6-.Ltmp1, $4  }
0x1d: {  	s14 =	simm.s32 @!p1 $0x3  }
0x1e: {  	s16 =	sadd.s32 $0x1, s12;
	_ =	swait.ge @!p1 [sflag:s14], $0x100  }
0x1f: {  	s13 =	smov.u32 s11;
	p0 =	por !p0, !p0;
	[sflag:s14] =	ssyncset.done @!p1 $0x0  }
0x20: {  	s12 =	smov.u32 s16;
	s11 =	smov.u32 s15;
	[sflag:s14] =	ssyncadd.s32 @!p1 $0xFFFFFF00  }
.LBB2_1:
0x21: {  	p1 =	sge.u32 s12, s8  }
0x22: {  	s14 =	sxor.u32 @!p1 $0xFFFFFFFF, s12  }
0x23: {  	s31 =	sadd.s32 $0xFFFFFFFF, s12;
	s15 =	sshrl.u32 @!p1 s11, $0x3;
	s14 =	sshll.u32 @!p1 s14, $0x8  }
0x24: {  	s16 =	sand.u32 @!p1 $0x7, s11;
	s15 =	sadd.s32 @!p1 s4, s15;
	s14 =	sand.u32 @!p1 $0x100, s14  }
0x25: {  	[tilespmem:s14], [sflag:$0x2] =	stream.linear.gather @!p1 [hbm4b:s15+s16], $0x100, $0x38;
	[tilespmem:$0x400] =	vst v63  }
0x26: {  	p1 =	sge.u32 s31, s8  }
.Ltmp2:
0x27: {  	_ = 	snop;
	(pc) =	sbr.rel @p1 .LBB2_5-.Ltmp2, $1  }
0x28: {  	_ =	sdelay $0x3  }
0x29: {  	s14 =	simm.s32 $0x1  }
0x2a: {  	_ =	swait.ge [sflag:s7], $0x100;
	s14 =	simm.s32 @!p0 $0x0  }
0x2b: {  	[sflag:s7] =	ssyncset.done $0x0;
	s14 =	sshll.u32 s14, $0x8  }
0x2c: {  	[sflag:s7] =	ssyncadd.s32 $0xFFFFFF00;
	(ifvalue) =	ssetifvalue $0x7FFFFFFF;
	v0 =	vld.msk [tilespmem:s14+$0x0 ss:$0x1], $0xffff;
	_ =	sdelay $0x4  }
0x2d: {  	s15 =	sadd.s32 $0x10, s14;
	vm1 =	vgt.s32 v0, $0x0  }
0x2e: {  	v2 =	vld.msk [tilespmem:s15+$0x0 ss:$0x1], $0xffff;
	v1 =	vnsel vm1, $0x0, v0  }
0x2f: {  	v1 =	vmin.u32 v1, $0xF423F;
	_ =	sdelay $0x1  }
0x30: {  	s16 =	sshll.u32 s12, $0x8;
	s18 =	simm.s32 $0x20  }
0x31: {  	s16 =	sand.u32 $0x100, s16;
	s17 =	sadd.s32 $0x10, s15;
	s15 =	sor.u32 $0x200, s14  }
0x32: {  	s14 =	sor.u32 $0x200, s16;
	s16 =	sadd.s32 $0x10, s15;
	v0 =	vld.msk [tilespmem:s17+$0x0 ss:$0x1], $0xffff;
	vm1 =	vgt.s32 v2, $0x0;
	(ifvalue) =	ssetifvalue $0x7FFFFFFF  }
.LBB2_3:
0x33: {  	[tilespmem:s15], [sflag:$0x1] =	stream.indirect_vreg.gather [hbm4b:s3+s10], $0x1, v1, vm0, $0x4038;
	[tilespmem:$0x400] =	vst v63  }
0x34: {  	s18 =	sadd.s32 $0x10, s18  }
0x35: {  	v2 =	vnsel vm1, $0x0, v2;
	p1 =	slt.u32 s18, $0xF0  }
.Ltmp3:
0x36: {  	s15 =	smov.u32 s16;
	v1 =	vmin.u32 v2, $0xF423F;
	(pc) =	sbr.rel @p1 .LBB2_3-.Ltmp3, $3  }
0x37: {  	_ =	sdelay $0x1  }
0x38: {  	s17 =	sadd.s32 $0x10, s17  }
0x39: {  	vm1 =	vgt.s32 v0, $0x0;
	s16 =	sadd.s32 $0x10, s16;
	v2 =	vmov v0;
	(ifvalue) =	ssetifvalue $0x7FFFFFFF;
	v0 =	vld.msk [tilespmem:s17+$0x0 ss:$0x1], $0xffff  }
.Ltmp4:
0x3a: {  	_ = 	snop;
	(pc) =	sbr.rel .LBB2_4-.Ltmp4, $1  }
0x3b: {  	_ =	sdelay $0x3  }
.LBB2_6:
0x3c: {  	_ =	sfence.sel $0x180000  }
0x3d: {  	s2 =	simm.s32 $0x2;
	[bflag:$0x0] =	sbarrier.arrive $0xFFFF  }
0x3e: {  	s30 =	simm.s32 $0x3;
	[sflag:s2] =	ssyncpa.u1 $0x1  }
0x3f: {  	s31 =	simm.s32 $0x1;
	[sflag:s30] =	ssyncpa.u1 $0x1  }
0x40: {  	[sflag:s31] =	ssyncpa.u1 $0x1  }
0x41: {  	p0 =	sne.s32 s1, $0x0;
	_ =	strace $0x90000047  }
0x42: {  	s0 =	sadd.s32 @!p0 $0x100000, s0;
	[bflag:$0x2] =	sbarrier.arrive $0xFFFF  }
0x43: {  	[sflag:s0] =	ssyncadd.tile.s32 @!p0 $0x1;
	_ =	shalt  }
.Lfunc_end2:
_tile_overlayer_lowered:
.L_overlay_start_2:
0x44: {  	(tag) =	ssettag $0x2  }
0x45: {  	s0 =	rddreg [dreg:$0x0];
	s2 =	stileid.u32  }
0x46: {  	s1 =	rddreg [dreg:$0x1];
	p0 =	sne.s32 s2, $0x0  }
0x47: {  	s3 =	rddreg [dreg:$0x2];
	[bflag:$0x3] =	sbarrier.arrive $0xFFFF;
	s2 =	simm.s32 @!p0 $0x1C01  }
0x48: {  	[timem:s3], [sflag:s2] =	dma.local @!p0 [hbm:s0], s1  }
0x49: {  	s0 =	simm.s32 @!p0 $0x1  }
0x4a: {  	_ =	swait.ge @!p0 [sflag:s0], s1  }
0x4b: {  	s1 =	ssub.s32 @!p0 $0x0, s1;
	[sflag:s0] =	ssyncset.done @!p0 $0x0  }
0x4c: {  	[sflag:s0] =	ssyncadd.s32 @!p0 s1  }
0x4d: {  	[bflag:$0x3] =	sbarrier.arrive $0xFFFF  }
0x4e: {  	_ =	shalt  }

// kernel: kernel.3.cloned.1.call-start
scs
__scs_entry_jumppad:
0x0: {  	(pc) =	sbr.rel $0x88, $3  }
0x1: {  	(tag) =	ssettag $0x0;
	lr =	simm.s32 $0x1  }
0x2: {  	[smem:$0x3F9B] =	sst lr;
	_ =	strace $0xD0000000  }
0x3: {  	_ = 	snop  }
0x4: {  	_ = 	snop  }
0x5: {  	_ = 	snop  }
0x6: {  	_ = 	snop  }
0x7: {  	_ = 	snop  }
__scs_overlays_trampoline_lowered:
0x8: {  	[smem:$0x3FAA] =	sst s0  }
0x9: {  	[smem:$0x3FAB] =	sst s1  }
0xa: {  	[smem:$0x3FAC] =	sst s2  }
0xb: {  	[smem:$0x3FAD] =	sst s3  }
0xc: {  	[smem:$0x3FAE] =	sst s4  }
0xd: {  	[smem:$0x3FAF] =	sst s5  }
0xe: {  	[smem:$0x3FB0] =	sst s6  }
0xf: {  	[smem:$0x3FB1] =	sst s7  }
0x10: {  	[smem:$0x3FB2] =	sst s8  }
0x11: {  	[smem:$0x3FB3] =	sst s9;
	s0 =	simm.s32 @!p0 $0x0  }
0x12: {  	s1 =	sld [smem:$0x3F99];
	s0 =	simm.s32 @p0 $0x1  }
0x13: {  	[smem:$0x3FB4] =	sst s0;
	s0 =	simm.s32 @!p1 $0x0  }
0x14: {  	s2 =	sld [smem:$0x3F98];
	s0 =	simm.s32 @p1 $0x1  }
0x15: {  	[smem:$0x3FB5] =	sst s0;
	s0 =	simm.s32 @!p2 $0x0  }
0x16: {  	s3 =	sld [smem:$0x3FDB];
	s0 =	simm.s32 @p2 $0x1  }
0x17: {  	s4 =	simm.s32 $0x1BF5;
	[smem:$0x3FB7] =	sst s0  }
0x18: {  	s0 =	sld [smem:$0x3F9A];
	_ =	swait.ge [sflag:s4], $0x0  }
0x19: {  	s7 =	sld [smem:$0x3F9B]  }
0x1a: {  	s8 =	sadd.s32 $0xFFFFE003, lr  }
0x1b: {  	s9 =	sadd.s32 $0xFFFFFEF7, lr;
	s5 =	simm.s32 $0xFFFFFFFF;
	p2 =	slt.u32 s8, $0xFFFFF086  }
0x1c: {  	p1 =	slt.u32 s9, $0xF7A;
	s5 =	simm.s32 @!p2 $0x0  }
0x1d: {  	s5 =	simm.s32 @p1 $0x1;
	p0 =	seq.s32 s7, s2  }
0x1e: {  	s7 =	smul.u32 @!p0 $0xF7A, s2;
	p2 =	seq.s32 @!p0 s5, $0x0  }
0x1f: {  	s9 =	smul.u32 $0xF7A, s1;
	s8 =	simm.s32 @!p0 $0x1BF5;
	p2 =	por !p2, p0  }
0x20: {  	[sflag:s8] =	ssyncset.s32 @!p0 $0xFFFFF086;
	s6 =	sadd.s32 @!p0 s3, s7;
	s7 =	simm.s32 @!p0 $0x108  }
0x21: {  	s3 =	sadd.s32 s3, s9;
	s6 =	sadd.s32 @!p0 $0x88, s6;
	s7 =	simm.s32 @p2 $0x1082  }
0x22: {  	[simem:s7], [sflag:s8] =	dma.local @!p0 [hbm:s6], $0xF7A  }
0x23: {  	s9 =	sor.u32 $0xD0000000, s2;
	s6 =	simm.s32 $0x108;
	_ =	swait.ge @!p0 [sflag:s8], $0x0  }
0x24: {  	s3 =	sadd.s32 $0x88, s3;
	s6 =	simm.s32 @!p1 $0x1082;
	[sflag:s4] =	ssyncset.s32 $0xFFFFF086  }
0x25: {  	[simem:s6], [sflag:s4] =	dma.local [hbm:s3], $0xF7A  }
0x26: {  	[smem:$0x3F9B] =	sst s1;
	(tag) =	ssettag s2;
	_ =	strace s9  }
0x27: {  	s1 =	sld [smem:$0x3FAB]  }
0x28: {  	s2 =	sld [smem:$0x3FAC]  }
0x29: {  	s4 =	sld [smem:$0x3FAE]  }
0x2a: {  	p0 =	seq.s32 s5, $0x0;
	s5 =	sld [smem:$0x3FAF]  }
0x2b: {  	s6 =	sld [smem:$0x3FB0]  }
0x2c: {  	s7 =	sld [smem:$0x3FB1]  }
0x2d: {  	s3 =	simm.s32 $0x108;
	s8 =	sld [smem:$0x3FB2]  }
0x2e: {  	s3 =	simm.s32 @!p0 $0x1082;
	s9 =	sld [smem:$0x3FB3]  }
0x2f: {  	lr =	sadd.s32 s0, s3;
	s0 =	sld [smem:$0x3FAA]  }
0x30: {  	s3 =	sld [smem:$0x3FAD]  }
0x31: {  	[smem:$0x3FB6] =	sst s10  }
0x32: {  	s10 =	sld [smem:$0x3FB4];
	_ =	sdelay $0x3  }
0x33: {  	p0 =	seq.s32 s10, $0x1;
	s10 =	sld [smem:$0x3FB6];
	_ =	sdelay $0x3  }
0x34: {  	[smem:$0x3FB6] =	sst s10  }
0x35: {  	s10 =	sld [smem:$0x3FB5];
	_ =	sdelay $0x3  }
0x36: {  	p1 =	seq.s32 s10, $0x1;
	s10 =	sld [smem:$0x3FB6];
	_ =	sdelay $0x3  }
0x37: {  	[smem:$0x3FB6] =	sst s10  }
0x38: {  	s10 =	sld [smem:$0x3FB7]  }
0x39: {  	_ = 	snop;
	(pc) =	sbr.ind lr, $3  }
0x3a: {  	_ = 	snop  }
0x3b: {  	_ = 	snop  }
0x3c: {  	p2 =	seq.s32 s10, $0x1;
	s10 =	sld [smem:$0x3FB6]  }
0x3d: {  	_ =	shalt  }
0x3e: {  	_ =	shalt  }
0x3f: {  	_ =	shalt  }
0x40: {  	_ =	shalt  }
0x41: {  	_ =	shalt  }
0x42: {  	_ =	shalt  }
0x43: {  	_ =	shalt  }
0x44: {  	_ =	shalt  }
0x45: {  	_ =	shalt  }
0x46: {  	_ =	shalt  }
0x47: {  	_ =	shalt  }
0x48: {  	_ =	shalt  }
0x49: {  	_ =	shalt  }
0x4a: {  	_ =	shalt  }
0x4b: {  	_ =	shalt  }
0x4c: {  	_ =	shalt  }
0x4d: {  	_ =	shalt  }
0x4e: {  	_ =	shalt  }
0x4f: {  	_ =	shalt  }
0x50: {  	_ =	shalt  }
0x51: {  	_ =	shalt  }
0x52: {  	_ =	shalt  }
0x53: {  	_ =	shalt  }
0x54: {  	_ =	shalt  }
0x55: {  	_ =	shalt  }
0x56: {  	_ =	shalt  }
0x57: {  	_ =	shalt  }
0x58: {  	_ =	shalt  }
0x59: {  	_ =	shalt  }
0x5a: {  	_ =	shalt  }
0x5b: {  	_ =	shalt  }
0x5c: {  	_ =	shalt  }
0x5d: {  	_ =	shalt  }
0x5e: {  	_ =	shalt  }
0x5f: {  	_ =	shalt  }
0x60: {  	_ =	shalt  }
0x61: {  	_ =	shalt  }
0x62: {  	_ =	shalt  }
0x63: {  	_ =	shalt  }
0x64: {  	_ =	shalt  }
0x65: {  	_ =	shalt  }
0x66: {  	_ =	shalt  }
0x67: {  	_ =	shalt  }
0x68: {  	_ =	shalt  }
0x69: {  	_ =	shalt  }
0x6a: {  	_ =	shalt  }
0x6b: {  	_ =	shalt  }
0x6c: {  	_ =	shalt  }
0x6d: {  	_ =	shalt  }
0x6e: {  	_ =	shalt  }
0x6f: {  	_ =	shalt  }
0x70: {  	_ =	shalt  }
0x71: {  	_ =	shalt  }
0x72: {  	_ =	shalt  }
0x73: {  	_ =	shalt  }
0x74: {  	_ =	shalt  }
0x75: {  	_ =	shalt  }
0x76: {  	_ =	shalt  }
0x77: {  	_ =	shalt  }
0x78: {  	_ =	shalt  }
0x79: {  	_ =	shalt  }
0x7a: {  	_ =	shalt  }
0x7b: {  	_ =	shalt  }
0x7c: {  	_ =	shalt  }
0x7d: {  	_ =	shalt  }
0x7e: {  	_ =	shalt  }
0x7f: {  	_ =	shalt  }
0x80: {  	_ =	shalt  }
0x81: {  	_ =	shalt  }
0x82: {  	_ =	shalt  }
0x83: {  	_ =	shalt  }
0x84: {  	_ =	shalt  }
0x85: {  	_ =	shalt  }
0x86: {  	_ =	shalt  }
0x87: {  	_ =	shalt  }
.Lfunc_end0:
.L_simem_size_0:
called_computation.2_lowered:
.L_overlay_start_0:
0x88: {  	s2 =	sld [smem:$0x3FD9]  }
0x89: {  	s3 =	sld [smem:$0x3FFE];
	_ =	sdelay $0x1  }
0x8a: {  	s1 =	srdreg.scid  }
0x8b: {  	s0 =	sand.u32 $0x1, s1  }
0x8c: {  	s17 =	sshll.u32 s0, $0xA;
	s2 =	sadd.s32 s3, s2  }
0x8d: {  	s2 =	sadd.s32 s2, s17  }
0x8e: {  	[smem:$0x3FC2] =	sst s2  }
0x8f: {  	_ = 	snop  }
0x90: {  	s2 =	sld [smem:$0x3FC9]  }
0x91: {  	s18 =	sld [smem:$0x3FC8]  }
0x92: {  	s4 =	sld [smem:$0x3FD0];
	(tm) =	ssettm $0x1  }
0x93: {  	s5 =	sld [smem:$0x3FFB];
	_ =	sdelay $0x3  }
0x94: {  	_ =	strace s5  }
0x95: {  	s5 =	sld [smem:$0x3FFC];
	_ =	sdelay $0x3  }
0x96: {  	_ =	strace s5  }
0x97: {  	s5 =	sld [smem:$0x3FFD];
	_ =	sdelay $0x3  }
0x98: {  	_ =	strace s5  }
0x99: {  	_ =	strace $0x8FFFFFFF  }
0x9a: {  	s19 =	sld [smem:$0x3FDB];
	_ =	sdelay $0x1  }
0x9b: {  	s6 =	simm.s32 $_scs_section_size  }
0x9c: {  	s7 =	simm.s32 $_size__tile_overlayer_lowered;
	s8 =	simm.s32 $_tile_overlayer_lowered  }
0x9d: {  	s22 =	simm.s32 $0x1BFF;
	s21 =	sshll.u32 s8, $0x1;
	s5 =	sadd.s32 s6, s19  }
0x9e: {  	s9 =	simm.s32 $0x0;
	s20 =	sshll.u32 s7, $0x1;
	s7 =	sadd.s32 s21, s5  }
0x9f: {  	[timem:s9], [sflag:s22] =	dma.local [hbm:s7], s20  }
0xa0: {  	_ =	swait.ge [sflag:s22], s20  }
0xa1: {  	s6 =	ssub.s32 $0x0, s20;
	[sflag:s22] =	ssyncset.done $0x0  }
0xa2: {  	[sflag:s22] =	ssyncadd.s32 s6;
	_ =	sdelay $0x1  }
0xa3: {  	s23 =	simm.s32 $0x1B8B  }
0xa4: {  	_ =	swait.ge [sflag:s23], $0x1  }
0xa5: {  	[sflag:s23] =	ssyncset.done $0x0  }
0xa6: {  	s25 =	simm.s32 $0x1B8E;
	s24 =	sld [smem:$0x3FFE];
	[sflag:s23] =	ssyncadd.s32 $0xFFFFFFFF  }
0xa7: {  	s26 =	simm.s32 $execute0_lowered;
	[smem:$0x3FD2] =	sst s25  }
0xa8: {  	s7 =	sshll.u32 s26, $0x1;
	_ =	strace $0x8000004C;
	[dreg:$0x1] =	wrdreg $0xFFFFFFFF  }
0xa9: {  	s28 =	simm.s32 $_size_execute0_lowered;
	s5 =	sadd.s32 s5, s7;
	[dreg:$0x0] =	wrdreg $0x0  }
0xaa: {  	s7 =	sshll.u32 s28, $0x1;
	[dreg:$0x2] =	wrdreg s5  }
0xab: {  	[dreg:$0x3] =	wrdreg s7  }
0xac: {  	[dreg:$0x4] =	wrdreg $0xC0  }
0xad: {  	_ =	task [dreg:s9], $0x5FFFF  }
0xae: {  	[dreg:$0x1] =	wrdreg $0xFFFFFFFF  }
0xaf: {  	[dreg:$0x0] =	wrdreg $0x60  }
0xb0: {  	[dreg:$0x2] =	wrdreg s2  }
0xb1: {  	[dreg:$0x3] =	wrdreg s18  }
0xb2: {  	[dreg:$0x4] =	wrdreg s24  }
0xb3: {  	[dreg:$0x5] =	wrdreg s4  }
0xb4: {  	[dreg:$0x6] =	wrdreg $0x9  }
0xb5: {  	_ =	task.clear_ibuf [dreg:s9], $0x7FFFF;
	_ =	strace $0x9000004C  }
0xb6: {  	s29 =	simm.s32 $0x9;
	_ =	strace $0x8000004E  }
0xb7: {  	_ =	swait.ge [sflag:s29], $0x1  }
0xb8: {  	[sflag:s29] =	ssyncadd.s32 $0xFFFFFFFF  }
0xb9: {  	_ =	strace $0x9000004E  }
0xba: {  	_ =	sfence  }
0xbb: {  	s30 =	sld [smem:$0x0];
	_ =	sdelay $0x2  }
0xbc: {  	s31 =	sshll.u32 s1, $0xD;
	s1 =	sshrl.u32 s1, $0x2  }
0xbd: {  	s3 =	sand.u32 $0x4000, s31;
	s1 =	sadd.s32 s1, s30  }
0xbe: {  	s0 =	sor.u32 s3, s0;
	s1 =	sshll.u32 s1, $0x11  }
0xbf: {  	s0 =	sor.u32 s1, s0  }
0xc0: {  	s0 =	sadd.s32 $0x8F2B, s0  }
0xc1: {  	[sflag:s0] =	ssyncadd.remote.s32 $0x1  }
0xc2: {  	_ =	sfence.sel $0xFFFF  }
0xc3: {  	[dreg:$0x0] =	wrdreg $0xFFFFFFFF;
	(pc) =	sbr.abs _section_cstart, $3  }
0xc4: {  	[dreg:$0x1] =	wrdreg $0xFFFFFFFF  }
0xc5: {  	_ =	task.clear_ibuf [dreg:s9], $0x2FFFF;
	_ =	strace $0x9FFFFFFF  }
0xc6: {  	(tm) =	ssettm $0x7FFFFFFF  }
0xc7: {  	_ =	shalt  }
tec
execute0_lowered:
.L_overlay_start_1:
0x0: {  	(tag) =	ssettag $0x1  }
0x1: {  	v0 =	vimm.s32 $0x3C00;
	vm14 =	vcmask $0x300  }
0x2: {  	vm13 =	vcmask $0x704;
	vm12 =	vcmask $0xB08;
	vm11 =	vcmask $0xF0C  }
0x3: {  	vm10 =	vcmask $0x1310;
	vm9 =	vcmask $0x1714;
	v1 =	vlaneseq.u32  }
0x4: {  	vm8 =	vcmask $0x1B18;
	vm0 =	vcmask $0x1F1C;
	v41 =	vimm.s32 $0x3C01  }
0x5: {  	v2 =	vimm.s32 $0x3C02;
	vm1 =	vcmask $0x2320;
	vm2 =	vcmask $0x2724  }
0x6: {  	vm3 =	vcmask $0x2B28;
	vm4 =	vcmask $0x2F2C;
	vm5 =	vcmask $0x3330  }
0x7: {  	vm6 =	vcmask $0x3734;
	vm7 =	vcmask $0x3B38;
	v44 =	vimm.s32 $0x3C03  }
0x8: {  	v45 =	vimm.s32 $0x3C04;
	v46 =	vimm.s32 $0x3C05;
	v49 =	vimm.s32 $0x3C06  }
0x9: {  	v50 =	vimm.s32 $0x3C07;
	v0 =	vsel vm14, $0x31, v0;
	v1 =	vmul.u32 $0x401, v1  }
0xa: {  	v51 =	vimm.s32 $0x3C08;
	v2 =	vsel vm14, $0x33, v2;
	v0 =	vsel vm13, $0x432, v0  }
0xb: {  	v2 =	vsel vm13, $0x434, v2;
	v0 =	vsel vm12, $0x833, v0;
	[tilespmem:$0x1FF00] =	vst v1;
	v1 =	vsel vm14, $0x32, v41  }
0xc: {  	v2 =	vsel vm12, $0x835, v2;
	v0 =	vsel vm11, $0xC34, v0;
	v1 =	vsel vm13, $0x433, v1  }
0xd: {  	v2 =	vsel vm11, $0xC36, v2;
	v0 =	vsel vm10, $0x1035, v0;
	v1 =	vsel vm12, $0x834, v1  }
0xe: {  	v2 =	vsel vm10, $0x1037, v2;
	v0 =	vsel vm9, $0x1436, v0;
	v1 =	vsel vm11, $0xC35, v1  }
0xf: {  	v2 =	vsel vm9, $0x1438, v2;
	v0 =	vsel vm8, $0x1837, v0;
	v1 =	vsel vm10, $0x1036, v1  }
0x10: {  	v2 =	vsel vm8, $0x1839, v2;
	v0 =	vsel vm0, $0x1C38, v0;
	v1 =	vsel vm9, $0x1437, v1  }
0x11: {  	v2 =	vsel vm0, $0x1C3A, v2;
	v0 =	vsel vm1, $0x2039, v0;
	v1 =	vsel vm8, $0x1838, v1  }
0x12: {  	v2 =	vsel vm1, $0x203B, v2;
	v0 =	vsel vm2, $0x243A, v0;
	v1 =	vsel vm0, $0x1C39, v1  }
0x13: {  	v2 =	vsel vm2, $0x243C, v2;
	v0 =	vsel vm3, $0x283B, v0;
	v1 =	vsel vm1, $0x203A, v1  }
0x14: {  	v2 =	vsel vm3, $0x283D, v2;
	v0 =	vsel vm4, $0x2C3C, v0;
	v1 =	vsel vm2, $0x243B, v1  }
0x15: {  	v2 =	vsel vm4, $0x2C3E, v2;
	v0 =	vsel vm5, $0x303D, v0;
	v1 =	vsel vm3, $0x283C, v1  }
0x16: {  	v2 =	vsel vm5, $0x303F, v2;
	v1 =	vsel vm4, $0x2C3D, v1;
	v0 =	vsel vm6, $0x343E, v0  }
0x17: {  	v2 =	vsel vm6, $0x3400, v2;
	v1 =	vsel vm5, $0x303E, v1;
	v0 =	vsel vm7, $0x383F, v0  }
0x18: {  	v43 =	vsel vm7, $0x3801, v2;
	v2 =	vsel vm14, $0x36, v46;
	v1 =	vsel vm6, $0x343F, v1  }
0x19: {  	[tilespmem:$0x1FF10] =	vst v0;
	v0 =	vsel vm14, $0x34, v44;
	v2 =	vsel vm13, $0x437, v2;
	v42 =	vsel vm7, $0x3800, v1  }
0x1a: {  	v1 =	vsel vm14, $0x35, v45;
	v0 =	vsel vm13, $0x435, v0;
	v2 =	vsel vm12, $0x838, v2  }
0x1b: {  	v1 =	vsel vm13, $0x436, v1;
	v0 =	vsel vm12, $0x836, v0;
	v2 =	vsel vm11, $0xC39, v2  }
0x1c: {  	v1 =	vsel vm12, $0x837, v1;
	v0 =	vsel vm11, $0xC37, v0;
	v2 =	vsel vm10, $0x103A, v2  }
0x1d: {  	v1 =	vsel vm11, $0xC38, v1;
	v0 =	vsel vm10, $0x1038, v0;
	v2 =	vsel vm9, $0x143B, v2  }
0x1e: {  	v1 =	vsel vm10, $0x1039, v1;
	v0 =	vsel vm9, $0x1439, v0;
	v2 =	vsel vm8, $0x183C, v2  }
0x1f: {  	v1 =	vsel vm9, $0x143A, v1;
	v0 =	vsel vm8, $0x183A, v0;
	v2 =	vsel vm0, $0x1C3D, v2  }
0x20: {  	v1 =	vsel vm8, $0x183B, v1;
	v0 =	vsel vm0, $0x1C3B, v0;
	v2 =	vsel vm1, $0x203E, v2  }
0x21: {  	v1 =	vsel vm0, $0x1C3C, v1;
	v0 =	vsel vm1, $0x203C, v0;
	v2 =	vsel vm2, $0x243F, v2  }
0x22: {  	v1 =	vsel vm1, $0x203D, v1;
	v0 =	vsel vm2, $0x243D, v0;
	v2 =	vsel vm3, $0x2800, v2  }
0x23: {  	v1 =	vsel vm2, $0x243E, v1;
	v0 =	vsel vm3, $0x283E, v0;
	v2 =	vsel vm4, $0x2C01, v2  }
0x24: {  	v1 =	vsel vm3, $0x283F, v1;
	v0 =	vsel vm4, $0x2C3F, v0;
	v2 =	vsel vm5, $0x3002, v2  }
0x25: {  	v1 =	vsel vm4, $0x2C00, v1;
	v0 =	vsel vm5, $0x3000, v0;
	v2 =	vsel vm6, $0x3403, v2  }
0x26: {  	v1 =	vsel vm5, $0x3001, v1;
	v0 =	vsel vm6, $0x3401, v0;
	v48 =	vsel vm7, $0x3804, v2  }
0x27: {  	v2 =	vsel vm14, $0x39, v51;
	v1 =	vsel vm6, $0x3402, v1;
	v0 =	vsel vm7, $0x3802, v0  }
0x28: {  	v2 =	vsel vm13, $0x43A, v2;
	[tilespmem:$0x1FF40] =	vst v0;
	v47 =	vsel vm7, $0x3803, v1;
	v0 =	vsel vm14, $0x37, v49  }
0x29: {  	v1 =	vsel vm14, $0x38, v50;
	v2 =	vsel vm12, $0x83B, v2;
	v0 =	vsel vm13, $0x438, v0  }
0x2a: {  	v1 =	vsel vm13, $0x439, v1;
	v2 =	vsel vm11, $0xC3C, v2;
	v0 =	vsel vm12, $0x839, v0  }
0x2b: {  	v1 =	vsel vm12, $0x83A, v1;
	v2 =	vsel vm10, $0x103D, v2;
	v0 =	vsel vm11, $0xC3A, v0  }
0x2c: {  	v1 =	vsel vm11, $0xC3B, v1;
	v2 =	vsel vm9, $0x143E, v2;
	v0 =	vsel vm10, $0x103B, v0  }
0x2d: {  	v1 =	vsel vm10, $0x103C, v1;
	v2 =	vsel vm8, $0x183F, v2;
	v0 =	vsel vm9, $0x143C, v0  }
0x2e: {  	v1 =	vsel vm9, $0x143D, v1;
	v2 =	vsel vm0, $0x1C00, v2;
	v0 =	vsel vm8, $0x183D, v0  }
0x2f: {  	v1 =	vsel vm8, $0x183E, v1;
	v2 =	vsel vm1, $0x2001, v2;
	v0 =	vsel vm0, $0x1C3E, v0  }
0x30: {  	v1 =	vsel vm0, $0x1C3F, v1;
	v2 =	vsel vm2, $0x2402, v2;
	v0 =	vsel vm1, $0x203F, v0  }
0x31: {  	v1 =	vsel vm1, $0x2000, v1;
	v2 =	vsel vm3, $0x2803, v2;
	v0 =	vsel vm2, $0x2400, v0  }
0x32: {  	[tilespmem:$0x1FF30] =	vst v43;
	v1 =	vsel vm2, $0x2401, v1;
	v2 =	vsel vm4, $0x2C04, v2;
	v0 =	vsel vm3, $0x2801, v0  }
0x33: {  	[tilespmem:$0x1FF20] =	vst v42;
	v1 =	vsel vm3, $0x2802, v1;
	v2 =	vsel vm5, $0x3005, v2;
	v0 =	vsel vm4, $0x2C02, v0  }
0x34: {  	s4 =	rddreg [dreg:$0x0];
	[tilespmem:$0x1FF60] =	vst v48;
	v1 =	vsel vm4, $0x2C03, v1;
	v2 =	vsel vm6, $0x3406, v2;
	v0 =	vsel vm5, $0x3003, v0  }
0x35: {  	s1 =	rddreg [dreg:$0x1];
	[tilespmem:$0x1FF50] =	vst v47;
	v1 =	vsel vm5, $0x3004, v1;
	v53 =	vsel vm7, $0x3807, v2;
	v0 =	vsel vm6, $0x3404, v0  }
0x36: {  	s2 =	rddreg [dreg:$0x2];
	v1 =	vsel vm6, $0x3405, v1;
	[tilespmem:$0x1FF90] =	vst v53;
	v0 =	vsel vm7, $0x3805, v0  }
0x37: {  	s0 =	rddreg [dreg:$0x3];
	s3 =	simm.s32 $0x0;
	v52 =	vsel vm7, $0x3806, v1;
	[tilespmem:$0x1FF70] =	vst v0  }
0x38: {  	s20 =	simm.s32 $0xC00;
	[smem:$0x7FF] =	sst s3;
	[tilespmem:$0x1FF80] =	vst v52  }
0x39: {  	s21 =	simm.s32 $0x4C00;
	_ =	strace $0x8000004D;
	[dreg:$0x5] =	wrdreg s20  }
0x3a: {  	s22 =	simm.s32 $0x1000;
	[dreg:$0x6] =	wrdreg s21  }
0x3b: {  	s23 =	simm.s32 $0x5000;
	[dreg:$0x7] =	wrdreg s22  }
0x3c: {  	s24 =	simm.s32 $0x1400;
	[dreg:$0x8] =	wrdreg s23  }
0x3d: {  	v54 =	vimm.s32 $0x3C09;
	v55 =	vimm.s32 $0x3C0A;
	v56 =	vimm.s32 $0x3C0B;
	s25 =	simm.s32 $0x5400;
	[dreg:$0x9] =	wrdreg s24  }
0x3e: {  	v59 =	vimm.s32 $0x3C0C;
	v60 =	vimm.s32 $0x3C0D;
	s5 =	sadd.s32 $0x3E600, s2;
	v2 =	vsel vm14, $0x3C, v56;
	[dreg:$0xa] =	wrdreg s25  }
0x3f: {  	s26 =	simm.s32 $0x1800;
	v61 =	vimm.s32 $0x3C0E;
	v2 =	vsel vm13, $0x43D, v2;
	v1 =	vsel vm14, $0x3B, v55;
	[smem:$0x7F3] =	sst s5  }
0x40: {  	s29 =	sadd.s32 $0xF81200, s2;
	v2 =	vsel vm12, $0x83E, v2;
	v0 =	vsel vm14, $0x3A, v54;
	v1 =	vsel vm13, $0x43C, v1;
	[dreg:$0xb] =	wrdreg s26  }
0x41: {  	s28 =	simm.s32 $0x5800;
	v2 =	vsel vm11, $0xC3F, v2;
	v0 =	vsel vm13, $0x43B, v0;
	v1 =	vsel vm12, $0x83D, v1;
	[smem:$0x7F4] =	sst s29  }
0x42: {  	s30 =	simm.s32 $0x1C00;
	v2 =	vsel vm10, $0x1000, v2;
	[dreg:$0xc] =	wrdreg s28;
	v0 =	vsel vm12, $0x83C, v0;
	v1 =	vsel vm11, $0xC3E, v1  }
0x43: {  	s7 =	simm.s32 $0x5C00;
	[dreg:$0xd] =	wrdreg s30;
	v2 =	vsel vm9, $0x1401, v2;
	v0 =	vsel vm11, $0xC3D, v0;
	v1 =	vsel vm10, $0x103F, v1  }
0x44: {  	s8 =	simm.s32 $0x2000;
	[dreg:$0xe] =	wrdreg s7;
	v2 =	vsel vm8, $0x1802, v2;
	v0 =	vsel vm10, $0x103E, v0;
	v1 =	vsel vm9, $0x1400, v1  }
0x45: {  	s9 =	simm.s32 $0x6000;
	[dreg:$0xf] =	wrdreg s8;
	v2 =	vsel vm0, $0x1C03, v2;
	v0 =	vsel vm9, $0x143F, v0;
	v1 =	vsel vm8, $0x1801, v1  }
0x46: {  	s10 =	simm.s32 $0x2400;
	[dreg:$0x10] =	wrdreg s9;
	v2 =	vsel vm1, $0x2004, v2;
	v0 =	vsel vm8, $0x1800, v0;
	v1 =	vsel vm0, $0x1C02, v1  }
0x47: {  	s11 =	simm.s32 $0x6400;
	[dreg:$0x11] =	wrdreg s10;
	v2 =	vsel vm2, $0x2405, v2;
	v0 =	vsel vm0, $0x1C01, v0;
	v1 =	vsel vm1, $0x2003, v1  }
0x48: {  	s12 =	simm.s32 $0x2800;
	[dreg:$0x12] =	wrdreg s11;
	v2 =	vsel vm3, $0x2806, v2;
	v0 =	vsel vm1, $0x2002, v0;
	v1 =	vsel vm2, $0x2404, v1  }
0x49: {  	s13 =	simm.s32 $0x6800;
	[dreg:$0x13] =	wrdreg s12;
	v2 =	vsel vm4, $0x2C07, v2;
	v0 =	vsel vm2, $0x2403, v0;
	v1 =	vsel vm3, $0x2805, v1  }
0x4a: {  	s14 =	simm.s32 $0x2C00;
	[dreg:$0x14] =	wrdreg s13;
	v2 =	vsel vm5, $0x3008, v2;
	v0 =	vsel vm3, $0x2804, v0;
	v1 =	vsel vm4, $0x2C06, v1  }
0x4b: {  	s16 =	simm.s32 $0x6C00;
	[dreg:$0x15] =	wrdreg s14;
	v2 =	vsel vm6, $0x3409, v2;
	v0 =	vsel vm4, $0x2C05, v0;
	v1 =	vsel vm5, $0x3007, v1  }
0x4c: {  	s17 =	simm.s32 $0x3000;
	[dreg:$0x16] =	wrdreg s16;
	v58 =	vsel vm7, $0x380A, v2;
	v2 =	vsel vm14, $0x3F, v61;
	v0 =	vsel vm5, $0x3006, v0  }
0x4d: {  	s18 =	simm.s32 $0x7000;
	[dreg:$0x17] =	wrdreg s17;
	v1 =	vsel vm6, $0x3408, v1;
	v2 =	vsel vm13, $0x400, v2;
	v0 =	vsel vm6, $0x3407, v0  }
0x4e: {  	s19 =	simm.s32 $0x3400;
	[dreg:$0x18] =	wrdreg s18;
	v57 =	vsel vm7, $0x3809, v1;
	v1 =	vsel vm14, $0x3E, v60;
	v0 =	vsel vm7, $0x3808, v0  }
0x4f: {  	[dreg:$0x19] =	wrdreg s19;
	s21 =	simm.s32 $0x7400;
	v2 =	vsel vm12, $0x801, v2;
	v1 =	vsel vm13, $0x43F, v1;
	[tilespmem:$0x1FFA0] =	vst v0;
	v0 =	vsel vm14, $0x3D, v59  }
0x50: {  	s22 =	simm.s32 $0x3800;
	[dreg:$0x1a] =	wrdreg s21;
	v2 =	vsel vm11, $0xC02, v2;
	v1 =	vsel vm12, $0x800, v1;
	v0 =	vsel vm13, $0x43E, v0  }
0x51: {  	s23 =	simm.s32 $0x7800;
	[dreg:$0x1b] =	wrdreg s22;
	v2 =	vsel vm10, $0x1003, v2;
	v1 =	vsel vm11, $0xC01, v1;
	v0 =	vsel vm12, $0x83F, v0  }
0x52: {  	s31 =	srdreg.scid;
	s25 =	simm.s32 $0x3C00;
	[dreg:$0x1c] =	wrdreg s23;
	v2 =	vsel vm9, $0x1404, v2;
	v1 =	vsel vm10, $0x1002, v1;
	v0 =	vsel vm11, $0xC00, v0  }
0x53: {  	s6 =	stileid.u32;
	s26 =	simm.s32 $0x7C00;
	[dreg:$0x1d] =	wrdreg s25;
	v2 =	vsel vm8, $0x1805, v2;
	v1 =	vsel vm9, $0x1403, v1;
	v0 =	vsel vm10, $0x1001, v0  }
0x54: {  	s6 =	sshll.u32 s6, $0x7;
	s28 =	simm.s32 $0x4000;
	[dreg:$0x1e] =	wrdreg s26;
	v2 =	vsel vm0, $0x1C06, v2;
	v1 =	vsel vm8, $0x1804, v1;
	v0 =	vsel vm9, $0x1402, v0  }
0x55: {  	s5 =	sand.u32 $0x1, s31;
	s29 =	simm.s32 $0x8000;
	[dreg:$0x1f] =	wrdreg s28;
	v2 =	vsel vm1, $0x2007, v2;
	v1 =	vsel vm0, $0x1C05, v1;
	v0 =	vsel vm8, $0x1803, v0  }
0x56: {  	s30 =	simm.s32 $0x4400;
	s7 =	sshll.u32 s5, $0x6;
	[smem:$0x7FB] =	sst s29;
	v2 =	vsel vm2, $0x2408, v2;
	v1 =	vsel vm1, $0x2006, v1;
	v0 =	vsel vm0, $0x1C04, v0  }
0x57: {  	s31 =	simm.s32 $0x8400;
	[smem:$0x7FC] =	sst s30;
	s6 =	sor.u32 s7, s6;
	v2 =	vsel vm3, $0x2809, v2;
	v1 =	vsel vm2, $0x2407, v1;
	v0 =	vsel vm1, $0x2005, v0  }
0x58: {  	s16 =	simm.s32 $0x4800;
	[smem:$0x7FD] =	sst s31;
	s4 =	sadd.s32 s4, s6;
	v2 =	vsel vm4, $0x2C0A, v2;
	v1 =	vsel vm3, $0x2808, v1;
	v0 =	vsel vm2, $0x2406, v0  }
0x59: {  	s5 =	ssub.s32 $0x2, s5;
	s1 =	sadd.s32 s1, s6;
	[smem:$0x7F5] =	sst s4;
	v2 =	vsel vm5, $0x300B, v2;
	v1 =	vsel vm4, $0x2C09, v1;
	v0 =	vsel vm3, $0x2807, v0  }
0x5a: {  	s2 =	sadd.s32 s6, s2;
	s0 =	sadd.s32 s0, s6;
	[smem:$0x7F6] =	sst s1;
	[tilespmem:$0x1FFC0] =	vst v58;
	v2 =	vsel vm6, $0x340C, v2;
	v1 =	vsel vm5, $0x300A, v1;
	v0 =	vsel vm4, $0x2C08, v0  }
0x5b: {  	s15 =	sshrl.u32 s5, $0x1;
	s20 =	sadd.s32 $0x1200, s2;
	[smem:$0x7F9] =	sst s0;
	[tilespmem:$0x1FFB0] =	vst v57;
	v63 =	vsel vm7, $0x380D, v2;
	v1 =	vsel vm6, $0x340B, v1;
	v0 =	vsel vm5, $0x3009, v0  }
0x5c: {  	s5 =	ssub.s32 s5, s15;
	s2 =	sadd.s32 $0xA00, s2;
	[smem:$0x7F7] =	sst s20;
	[tilespmem:$0x1FFF0] =	vst v63;
	v62 =	vsel vm7, $0x380C, v1;
	v0 =	vsel vm6, $0x340A, v0  }
0x5d: {  	s15 =	simm.s32 $0x800;
	s24 =	smax.u32 s5, $0x1;
	[smem:$0x7F8] =	sst s2;
	[tilespmem:$0x1FFE0] =	vst v62;
	v0 =	vsel vm7, $0x380B, v0  }
0x5e: {  	s1 =	simm.s32 $0x3;
	[smem:$0x7FA] =	sst s24;
	s2 =	simm.s32 $0x0;
	[tilespmem:$0x1FFD0] =	vst v0  }
.LBB2_1:
0x5f: {  	s0 =	sld [smem:$0x7F5];
	_ =	sdelay $0x1  }
0x60: {  	[smem:$0x7F1] =	sst s2;
	s17 =	simm.s32 $0x0  }
0x61: {  	[tilespmem:s17], [sflag:$0x3] =	stream.linear.gather [hbm4b:s0+s17], $0x200, $0x38;
	[tilespmem:$0x8E00] =	vst v63  }
0x62: {  	_ =	swait.ge [sflag:s1], $0x200  }
0x63: {  	s14 =	sld [smem:$0x7F6]  }
0x64: {  	[sflag:s1] =	ssyncset.done $0x0  }
0x65: {  	s18 =	simm.s32 $0x200;
	[sflag:s1] =	ssyncadd.s32 $0xFFFFFE00  }
0x66: {  	[tilespmem:s18], [sflag:$0x3] =	stream.linear.gather [hbm4b:s14+s17], $0x200, $0x38;
	[tilespmem:$0x8E00] =	vst v63  }
0x67: {  	_ =	swait.ge [sflag:s1], $0x200  }
0x68: {  	[sflag:s1] =	ssyncset.done $0x0  }
0x69: {  	[sflag:s1] =	ssyncadd.s32 $0xFFFFFE00  }
0x6a: {  	v0 =	vld [tilespmem:$0x0]  }
0x6b: {  	v1 =	vld [tilespmem:$0x200];
	_ =	sdelay $0x1  }
0x6c: {  	v2 =	vld [tilespmem:$0x10]  }
0x6d: {  	v3 =	vld [tilespmem:$0x210]  }
0x6e: {  	v0 =	vadd.s32 $0xFFFFFFFF, v0  }
0x6f: {  	v1 =	vadd.s32 $0xFFFFFFFF, v1;
	[tilespmem:$0x0] =	vst v0  }
0x70: {  	[tilespmem:$0x200] =	vst v1;
	v0 =	vand.u32 $0x7, v0  }
0x71: {  	[tilespmem:$0x400] =	vst v0;
	v0 =	vand.u32 $0x7, v1;
	v1 =	vld [tilespmem:$0x20]  }
0x72: {  	v3 =	vadd.s32 $0xFFFFFFFF, v3;
	[tilespmem:$0x600] =	vst v0;
	v0 =	vadd.s32 $0xFFFFFFFF, v2;
	v2 =	vld [tilespmem:$0x220]  }
0x73: {  	[tilespmem:$0x210] =	vst v3  }
0x74: {  	[tilespmem:$0x10] =	vst v0;
	v0 =	vand.u32 $0x7, v0  }
0x75: {  	[tilespmem:$0x410] =	vst v0;
	v0 =	vand.u32 $0x7, v3;
	v3 =	vld [tilespmem:$0x30]  }
0x76: {  	[tilespmem:$0x610] =	vst v0;
	v0 =	vadd.s32 $0xFFFFFFFF, v1  }
0x77: {  	v1 =	vld [tilespmem:$0x230];
	v2 =	vadd.s32 $0xFFFFFFFF, v2;
	[tilespmem:$0x20] =	vst v0  }
0x78: {  	v0 =	vand.u32 $0x7, v0;
	[tilespmem:$0x220] =	vst v2  }
0x79: {  	[tilespmem:$0x420] =	vst v0;
	v0 =	vand.u32 $0x7, v2;
	v2 =	vld [tilespmem:$0x40]  }
0x7a: {  	[tilespmem:$0x620] =	vst v0;
	v0 =	vadd.s32 $0xFFFFFFFF, v3;
	v3 =	vld [tilespmem:$0x240]  }
0x7b: {  	[tilespmem:$0x30] =	vst v0;
	v0 =	vand.u32 $0x7, v0  }
0x7c: {  	v1 =	vadd.s32 $0xFFFFFFFF, v1;
	[tilespmem:$0x430] =	vst v0  }
0x7d: {  	[tilespmem:$0x230] =	vst v1;
	v0 =	vand.u32 $0x7, v1;
	v1 =	vld [tilespmem:$0x50]  }
0x7e: {  	[tilespmem:$0x630] =	vst v0;
	v0 =	vadd.s32 $0xFFFFFFFF, v2;
	v2 =	vld [tilespmem:$0x250]  }
0x7f: {  	v3 =	vadd.s32 $0xFFFFFFFF, v3;
	[tilespmem:$0x40] =	vst v0  }
0x80: {  	v0 =	vand.u32 $0x7, v0;
	[tilespmem:$0x240] =	vst v3  }
0x81: {  	[tilespmem:$0x440] =	vst v0;
	v0 =	vand.u32 $0x7, v3;
	v3 =	vld [tilespmem:$0x60]  }
0x82: {  	[tilespmem:$0x640] =	vst v0;
	v0 =	vadd.s32 $0xFFFFFFFF, v1  }
0x83: {  	v1 =	vld [tilespmem:$0x260];
	v2 =	vadd.s32 $0xFFFFFFFF, v2;
	[tilespmem:$0x50] =	vst v0  }
0x84: {  	v0 =	vand.u32 $0x7, v0;
	[tilespmem:$0x250] =	vst v2  }
0x85: {  	[tilespmem:$0x450] =	vst v0;
	v0 =	vand.u32 $0x7, v2;
	v2 =	vld [tilespmem:$0x70]  }
0x86: {  	[tilespmem:$0x650] =	vst v0;
	v0 =	vadd.s32 $0xFFFFFFFF, v3;
	v3 =	vld [tilespmem:$0x270]  }
0x87: {  	[tilespmem:$0x60] =	vst v0;
	v0 =	vand.u32 $0x7, v0  }
0x88: {  	v1 =	vadd.s32 $0xFFFFFFFF, v1;
	[tilespmem:$0x460] =	vst v0  }
0x89: {  	[tilespmem:$0x260] =	vst v1;
	v0 =	vand.u32 $0x7, v1  }
0x8a: {  	v1 =	vld [tilespmem:$0x80];
	[tilespmem:$0x660] =	vst v0;
	v0 =	vadd.s32 $0xFFFFFFFF, v2  }
0x8b: {  	v2 =	vld [tilespmem:$0x280];
	v3 =	vadd.s32 $0xFFFFFFFF, v3;
	[tilespmem:$0x70] =	vst v0  }
0x8c: {  	v0 =	vand.u32 $0x7, v0;
	[tilespmem:$0x270] =	vst v3  }
0x8d: {  	[tilespmem:$0x470] =	vst v0;
	v0 =	vand.u32 $0x7, v3;
	v3 =	vld [tilespmem:$0x90];
	_ =	sdelay $0x1  }
0x8e: {  	[tilespmem:$0x670] =	vst v0;
	v0 =	vadd.s32 $0xFFFFFFFF, v1;
	v1 =	vld [tilespmem:$0x290]  }
0x8f: {  	v2 =	vadd.s32 $0xFFFFFFFF, v2;
	[tilespmem:$0x80] =	vst v0;
	v0 =	vand.u32 $0x7, v0  }
0x90: {  	[tilespmem:$0x480] =	vst v0;
	v0 =	vand.u32 $0x7, v2  }
0x91: {  	[tilespmem:$0x680] =	vst v0;
	v0 =	vadd.s32 $0xFFFFFFFF, v3  }
0x92: {  	[tilespmem:$0x90] =	vst v0;
	v0 =	vand.u32 $0x7, v0  }
0x93: {  	v1 =	vadd.s32 $0xFFFFFFFF, v1;
	[tilespmem:$0x490] =	vst v0  }
0x94: {  	[tilespmem:$0x290] =	vst v1;
	v0 =	vand.u32 $0x7, v1;
	v1 =	vld [tilespmem:$0x2A0]  }
0x95: {  	[tilespmem:$0x690] =	vst v0;
	v0 =	vld [tilespmem:$0xA0];
	_ =	sdelay $0x1  }
0x96: {  	[tilespmem:$0x280] =	vst v2;
	v2 =	vld [tilespmem:$0xB0]  }
0x97: {  	v3 =	vld [tilespmem:$0x2B0]  }
0x98: {  	v1 =	vadd.s32 $0xFFFFFFFF, v1  }
0x99: {  	v0 =	vadd.s32 $0xFFFFFFFF, v0;
	[tilespmem:$0x2A0] =	vst v1  }
0x9a: {  	[tilespmem:$0xA0] =	vst v0;
	v0 =	vand.u32 $0x7, v0  }
0x9b: {  	[tilespmem:$0x4A0] =	vst v0;
	v0 =	vand.u32 $0x7, v1;
	v1 =	vld [tilespmem:$0xC0]  }
0x9c: {  	v3 =	vadd.s32 $0xFFFFFFFF, v3;
	[tilespmem:$0x6A0] =	vst v0;
	v0 =	vadd.s32 $0xFFFFFFFF, v2;
	v2 =	vld [tilespmem:$0x2C0]  }
0x9d: {  	[tilespmem:$0x2B0] =	vst v3  }
0x9e: {  	[tilespmem:$0xB0] =	vst v0;
	v0 =	vand.u32 $0x7, v0  }
0x9f: {  	[tilespmem:$0x4B0] =	vst v0;
	v0 =	vand.u32 $0x7, v3;
	v3 =	vld [tilespmem:$0xD0]  }
0xa0: {  	[tilespmem:$0x6B0] =	vst v0;
	v0 =	vadd.s32 $0xFFFFFFFF, v1  }
0xa1: {  	v1 =	vld [tilespmem:$0x2D0];
	v2 =	vadd.s32 $0xFFFFFFFF, v2;
	[tilespmem:$0xC0] =	vst v0  }
0xa2: {  	v0 =	vand.u32 $0x7, v0;
	[tilespmem:$0x2C0] =	vst v2  }
0xa3: {  	[tilespmem:$0x4C0] =	vst v0;
	v0 =	vand.u32 $0x7, v2;
	v2 =	vld [tilespmem:$0xE0]  }
0xa4: {  	[tilespmem:$0x6C0] =	vst v0;
	v0 =	vadd.s32 $0xFFFFFFFF, v3;
	v3 =	vld [tilespmem:$0x2E0]  }
0xa5: {  	[tilespmem:$0xD0] =	vst v0;
	v0 =	vand.u32 $0x7, v0  }
0xa6: {  	v1 =	vadd.s32 $0xFFFFFFFF, v1;
	[tilespmem:$0x4D0] =	vst v0  }
0xa7: {  	[tilespmem:$0x2D0] =	vst v1;
	v0 =	vand.u32 $0x7, v1;
	v1 =	vld [tilespmem:$0xF0]  }
0xa8: {  	[tilespmem:$0x6D0] =	vst v0;
	v0 =	vadd.s32 $0xFFFFFFFF, v2;
	v2 =	vld [tilespmem:$0x2F0]  }
0xa9: {  	v3 =	vadd.s32 $0xFFFFFFFF, v3;
	[tilespmem:$0xE0] =	vst v0  }
0xaa: {  	v0 =	vand.u32 $0x7, v0;
	[tilespmem:$0x2E0] =	vst v3  }
0xab: {  	[tilespmem:$0x4E0] =	vst v0;
	v0 =	vand.u32 $0x7, v3;
	v3 =	vld [tilespmem:$0x100]  }
0xac: {  	[tilespmem:$0x6E0] =	vst v0;
	v0 =	vadd.s32 $0xFFFFFFFF, v1  }
0xad: {  	v1 =	vld [tilespmem:$0x300];
	v2 =	vadd.s32 $0xFFFFFFFF, v2;
	[tilespmem:$0xF0] =	vst v0  }
0xae: {  	v0 =	vand.u32 $0x7, v0;
	[tilespmem:$0x2F0] =	vst v2  }
0xaf: {  	[tilespmem:$0x4F0] =	vst v0;
	v0 =	vand.u32 $0x7, v2;
	v2 =	vld [tilespmem:$0x110]  }
0xb0: {  	[tilespmem:$0x6F0] =	vst v0;
	v0 =	vadd.s32 $0xFFFFFFFF, v3;
	v3 =	vld [tilespmem:$0x310]  }
0xb1: {  	[tilespmem:$0x100] =	vst v0;
	v0 =	vand.u32 $0x7, v0  }
0xb2: {  	v1 =	vadd.s32 $0xFFFFFFFF, v1;
	[tilespmem:$0x500] =	vst v0  }
0xb3: {  	[tilespmem:$0x300] =	vst v1;
	v0 =	vand.u32 $0x7, v1;
	v1 =	vld [tilespmem:$0x120]  }
0xb4: {  	[tilespmem:$0x700] =	vst v0;
	v0 =	vadd.s32 $0xFFFFFFFF, v2;
	v2 =	vld [tilespmem:$0x320]  }
0xb5: {  	v3 =	vadd.s32 $0xFFFFFFFF, v3;
	[tilespmem:$0x110] =	vst v0  }
0xb6: {  	v0 =	vand.u32 $0x7, v0;
	[tilespmem:$0x310] =	vst v3  }
0xb7: {  	[tilespmem:$0x510] =	vst v0;
	v0 =	vand.u32 $0x7, v3;
	v3 =	vld [tilespmem:$0x130]  }
0xb8: {  	[tilespmem:$0x710] =	vst v0;
	v0 =	vadd.s32 $0xFFFFFFFF, v1  }
0xb9: {  	v1 =	vld [tilespmem:$0x330];
	v2 =	vadd.s32 $0xFFFFFFFF, v2;
	[tilespmem:$0x120] =	vst v0  }
0xba: {  	v0 =	vand.u32 $0x7, v0;
	[tilespmem:$0x320] =	vst v2  }
0xbb: {  	[tilespmem:$0x520] =	vst v0;
	v0 =	vand.u32 $0x7, v2;
	v2 =	vld [tilespmem:$0x140]  }
0xbc: {  	[tilespmem:$0x720] =	vst v0;
	v0 =	vadd.s32 $0xFFFFFFFF, v3;
	v3 =	vld [tilespmem:$0x340]  }
0xbd: {  	[tilespmem:$0x130] =	vst v0;
	v0 =	vand.u32 $0x7, v0  }
0xbe: {  	v1 =	vadd.s32 $0xFFFFFFFF, v1;
	[tilespmem:$0x530] =	vst v0  }
0xbf: {  	[tilespmem:$0x330] =	vst v1;
	v0 =	vand.u32 $0x7, v1;
	v1 =	vld [tilespmem:$0x150]  }
0xc0: {  	[tilespmem:$0x730] =	vst v0;
	v0 =	vadd.s32 $0xFFFFFFFF, v2;
	v2 =	vld [tilespmem:$0x350]  }
0xc1: {  	v3 =	vadd.s32 $0xFFFFFFFF, v3;
	[tilespmem:$0x140] =	vst v0  }
0xc2: {  	v0 =	vand.u32 $0x7, v0;
	[tilespmem:$0x340] =	vst v3  }
0xc3: {  	[tilespmem:$0x540] =	vst v0;
	v0 =	vand.u32 $0x7, v3;
	v3 =	vld [tilespmem:$0x160]  }
0xc4: {  	[tilespmem:$0x740] =	vst v0;
	v0 =	vadd.s32 $0xFFFFFFFF, v1  }
0xc5: {  	v1 =	vld [tilespmem:$0x360];
	v2 =	vadd.s32 $0xFFFFFFFF, v2;
	[tilespmem:$0x150] =	vst v0  }
0xc6: {  	v0 =	vand.u32 $0x7, v0;
	[tilespmem:$0x350] =	vst v2  }
0xc7: {  	[tilespmem:$0x550] =	vst v0;
	v0 =	vand.u32 $0x7, v2;
	v2 =	vld [tilespmem:$0x170]  }
0xc8: {  	[tilespmem:$0x750] =	vst v0;
	v0 =	vadd.s32 $0xFFFFFFFF, v3;
	v3 =	vld [tilespmem:$0x370]  }
0xc9: {  	[tilespmem:$0x160] =	vst v0;
	v0 =	vand.u32 $0x7, v0  }
0xca: {  	v1 =	vadd.s32 $0xFFFFFFFF, v1;
	[tilespmem:$0x560] =	vst v0  }
0xcb: {  	[tilespmem:$0x360] =	vst v1;
	v0 =	vand.u32 $0x7, v1;
	v1 =	vld [tilespmem:$0x180]  }
0xcc: {  	[tilespmem:$0x760] =	vst v0;
	v0 =	vadd.s32 $0xFFFFFFFF, v2;
	v2 =	vld [tilespmem:$0x380]  }
0xcd: {  	v3 =	vadd.s32 $0xFFFFFFFF, v3;
	[tilespmem:$0x170] =	vst v0  }
0xce: {  	v0 =	vand.u32 $0x7, v0;
	[tilespmem:$0x370] =	vst v3  }
0xcf: {  	[tilespmem:$0x570] =	vst v0;
	v0 =	vand.u32 $0x7, v3;
	v3 =	vld [tilespmem:$0x190]  }
0xd0: {  	[tilespmem:$0x770] =	vst v0;
	v0 =	vadd.s32 $0xFFFFFFFF, v1  }
0xd1: {  	v1 =	vld [tilespmem:$0x390];
	v2 =	vadd.s32 $0xFFFFFFFF, v2;
	[tilespmem:$0x180] =	vst v0  }
0xd2: {  	v0 =	vand.u32 $0x7, v0;
	[tilespmem:$0x380] =	vst v2  }
0xd3: {  	[tilespmem:$0x580] =	vst v0;
	v0 =	vand.u32 $0x7, v2;
	v2 =	vld [tilespmem:$0x1A0]  }
0xd4: {  	[tilespmem:$0x780] =	vst v0;
	v0 =	vadd.s32 $0xFFFFFFFF, v3;
	v3 =	vld [tilespmem:$0x3A0]  }
0xd5: {  	[tilespmem:$0x190] =	vst v0;
	v0 =	vand.u32 $0x7, v0  }
0xd6: {  	v1 =	vadd.s32 $0xFFFFFFFF, v1;
	[tilespmem:$0x590] =	vst v0  }
0xd7: {  	[tilespmem:$0x390] =	vst v1;
	v0 =	vand.u32 $0x7, v1;
	v1 =	vld [tilespmem:$0x1B0]  }
0xd8: {  	[tilespmem:$0x790] =	vst v0;
	v0 =	vadd.s32 $0xFFFFFFFF, v2;
	v2 =	vld [tilespmem:$0x3B0]  }
0xd9: {  	v3 =	vadd.s32 $0xFFFFFFFF, v3;
	[tilespmem:$0x1A0] =	vst v0  }
0xda: {  	v0 =	vand.u32 $0x7, v0;
	[tilespmem:$0x3A0] =	vst v3  }
0xdb: {  	[tilespmem:$0x5A0] =	vst v0;
	v0 =	vand.u32 $0x7, v3;
	v3 =	vld [tilespmem:$0x1C0]  }
0xdc: {  	[tilespmem:$0x7A0] =	vst v0;
	v0 =	vadd.s32 $0xFFFFFFFF, v1  }
0xdd: {  	v1 =	vld [tilespmem:$0x3C0];
	v2 =	vadd.s32 $0xFFFFFFFF, v2;
	[tilespmem:$0x1B0] =	vst v0  }
0xde: {  	v0 =	vand.u32 $0x7, v0;
	[tilespmem:$0x3B0] =	vst v2  }
0xdf: {  	[tilespmem:$0x5B0] =	vst v0;
	v0 =	vand.u32 $0x7, v2;
	v2 =	vld [tilespmem:$0x1D0]  }
0xe0: {  	[tilespmem:$0x7B0] =	vst v0;
	v0 =	vadd.s32 $0xFFFFFFFF, v3;
	v3 =	vld [tilespmem:$0x3D0]  }
0xe1: {  	[tilespmem:$0x1C0] =	vst v0;
	v0 =	vand.u32 $0x7, v0  }
0xe2: {  	v1 =	vadd.s32 $0xFFFFFFFF, v1;
	[tilespmem:$0x5C0] =	vst v0  }
0xe3: {  	[tilespmem:$0x3C0] =	vst v1;
	v0 =	vand.u32 $0x7, v1;
	v1 =	vld [tilespmem:$0x1E0]  }
0xe4: {  	[tilespmem:$0x7C0] =	vst v0;
	v0 =	vadd.s32 $0xFFFFFFFF, v2;
	v2 =	vld [tilespmem:$0x3E0]  }
0xe5: {  	v3 =	vadd.s32 $0xFFFFFFFF, v3;
	[tilespmem:$0x1D0] =	vst v0  }
0xe6: {  	v0 =	vand.u32 $0x7, v0;
	[tilespmem:$0x3D0] =	vst v3  }
0xe7: {  	[tilespmem:$0x5D0] =	vst v0;
	v0 =	vand.u32 $0x7, v3;
	v3 =	vld [tilespmem:$0x1F0]  }
0xe8: {  	[tilespmem:$0x7D0] =	vst v0;
	v0 =	vadd.s32 $0xFFFFFFFF, v1  }
0xe9: {  	v1 =	vld [tilespmem:$0x3F0];
	v2 =	vadd.s32 $0xFFFFFFFF, v2;
	[tilespmem:$0x1E0] =	vst v0  }
0xea: {  	v0 =	vand.u32 $0x7, v0;
	[tilespmem:$0x3E0] =	vst v2  }
0xeb: {  	[tilespmem:$0x5E0] =	vst v0;
	v0 =	vand.u32 $0x7, v2  }
0xec: {  	[tilespmem:$0x7E0] =	vst v0;
	v0 =	vadd.s32 $0xFFFFFFFF, v3  }
0xed: {  	[tilespmem:$0x1F0] =	vst v0;
	v0 =	vand.u32 $0x7, v0  }
0xee: {  	s19 =	sld [smem:$0x7F7];
	v1 =	vadd.s32 $0xFFFFFFFF, v1;
	[tilespmem:$0x5F0] =	vst v0  }
0xef: {  	[tilespmem:$0x3F0] =	vst v1;
	v0 =	vand.u32 $0x7, v1  }
0xf0: {  	s20 =	simm.s32 $0x8800;
	[tilespmem:$0x7F0] =	vst v0  }
0xf1: {  	[tilespmem:s20], [sflag:$0x3] =	stream.linear.gather [hbm4b:s19+s17], $0x200, $0x38;
	[tilespmem:$0x8E00] =	vst v63  }
0xf2: {  	_ =	swait.ge [sflag:s1], $0x200  }
0xf3: {  	s21 =	sld [smem:$0x7F8]  }
0xf4: {  	[sflag:s1] =	ssyncset.done $0x0  }
0xf5: {  	s22 =	simm.s32 $0x8A00;
	[sflag:s1] =	ssyncadd.s32 $0xFFFFFE00  }
0xf6: {  	[tilespmem:s22], [sflag:$0x3] =	stream.linear.gather [hbm4b:s21+s17], $0x200, $0x38;
	[tilespmem:$0x8E00] =	vst v63  }
0xf7: {  	_ =	swait.ge [sflag:s1], $0x200  }
0xf8: {  	[sflag:s1] =	ssyncset.done $0x0  }
0xf9: {  	s23 =	simm.s32 $0x0;
	[sflag:s1] =	ssyncadd.s32 $0xFFFFFE00  }
0xfa: {  	v0 =	vld [tilespmem:s23+$0x0];
	_ =	sdelay $0x1  }
0xfb: {  	v1 =	vld [tilespmem:s23+$0x200];
	_ =	sdelay $0x2  }
0xfc: {  	v0 =	vshrl.u32 v0, $0x3  }
0xfd: {  	v0 =	vshll.u32 v0, $0x7  }
0xfe: {  	s0 =	sld [smem:$0x7FC];
	v1 =	vshrl.u32 v1, $0x3;
	(v2sf) =	vpush v0, $0x0  }
0xff: {  	s4 =	sld [smem:$0x7FB];
	v1 =	vshll.u32 v1, $0x7;
	(v2sf) =	vpush v0, $0x1  }
0x100: {  	s5 =	rddreg [dreg:$0x1f];
	(v2sf) =	vpush v1, $0x0  }
0x101: {  	s6 =	rddreg [dreg:$0x1e]  }
0x102: {  	s7 =	rddreg [dreg:$0x1d]  }
0x103: {  	s8 =	rddreg [dreg:$0x1c]  }
0x104: {  	s9 =	rddreg [dreg:$0x1b]  }
0x105: {  	s10 =	rddreg [dreg:$0x1a];
	(v2sf) =	vpush v1, $0x1  }
0x106: {  	s11 =	rddreg [dreg:$0x19]  }
0x107: {  	s12 =	rddreg [dreg:$0x17];
	(v2sf) =	vpush v0, $0x2  }
0x108: {  	s13 =	rddreg [dreg:$0x16]  }
0x109: {  	s2 =	rddreg [dreg:$0x15]  }
0x10a: {  	s14 =	rddreg [dreg:$0x14];
	(v2sf) =	vpush v1, $0x2  }
0x10b: {  	s19 =	rddreg [dreg:$0x13]  }
0x10c: {  	s20 =	rddreg [dreg:$0x12];
	(v2sf) =	vpush v0, $0x3  }
0x10d: {  	s18 =	sld [smem:$0x7F3];
	s3 =	spop (v2sf)  }
0x10e: {  	s21 =	rddreg [dreg:$0x11];
	s25 =	spop (v2sf)  }
0x10f: {  	s30 =	sld [smem:$0x7F4];
	(v2sf) =	vpush v1, $0x3;
	s3 =	sand.u32 $0x1FFFFF80, s3;
	s26 =	spop (v2sf)  }
0x110: {  	s22 =	rddreg [dreg:$0x10];
	s3 =	sadd.s32 s18, s3;
	s26 =	sand.u32 $0x1FFFFF80, s26  }
0x111: {  	(v2sf) =	vpush v0, $0x4;
	[tilespmem:s15], [sflag:$0x1] =	stream.linear.gather [hbm4b:s3+s17], $0x400, $0x38;
	[tilespmem:$0x8E00] =	vst v63  }
0x112: {  	s24 =	rddreg [dreg:$0xe];
	s25 =	sand.u32 $0x1FFFFF80, s25;
	s26 =	sadd.s32 s30, s26  }
0x113: {  	[tilespmem:s16], [sflag:$0x2] =	stream.linear.gather [hbm4b:s26+s17], $0x400, $0x38;
	[tilespmem:$0x8E00] =	vst v63  }
0x114: {  	(v2sf) =	vpush v1, $0x4;
	s3 =	rddreg [dreg:$0x5];
	s25 =	sadd.s32 s18, s25;
	s26 =	spop (v2sf)  }
0x115: {  	[tilespmem:s3], [sflag:$0x1] =	stream.linear.gather [hbm4b:s25+s17], $0x400, $0x38;
	[tilespmem:$0x8E00] =	vst v63  }
0x116: {  	s28 =	rddreg [dreg:$0x6];
	(v2sf) =	vpush v0, $0x5;
	s25 =	sand.u32 $0x1FFFFF80, s26;
	s26 =	spop (v2sf)  }
0x117: {  	s1 =	rddreg [dreg:$0x18];
	(v2sf) =	vpush v1, $0x5;
	s25 =	sadd.s32 s30, s25;
	s26 =	sand.u32 $0x1FFFFF80, s26  }
0x118: {  	[tilespmem:s28], [sflag:$0x2] =	stream.linear.gather [hbm4b:s25+s17], $0x400, $0x38;
	[tilespmem:$0x8E00] =	vst v63  }
0x119: {  	s3 =	rddreg [dreg:$0x7];
	(v2sf) =	vpush v0, $0x6;
	s29 =	spop (v2sf);
	s26 =	sadd.s32 s18, s26  }
0x11a: {  	[tilespmem:s3], [sflag:$0x1] =	stream.linear.gather [hbm4b:s26+s17], $0x400, $0x38;
	[tilespmem:$0x8E00] =	vst v63  }
0x11b: {  	s23 =	rddreg [dreg:$0xf];
	(v2sf) =	vpush v1, $0x6;
	s28 =	sand.u32 $0x1FFFFF80, s29;
	s26 =	spop (v2sf)  }
0x11c: {  	s25 =	rddreg [dreg:$0x8];
	s28 =	sadd.s32 s30, s28;
	s26 =	sand.u32 $0x1FFFFF80, s26  }
0x11d: {  	(v2sf) =	vpush v0, $0x7;
	[tilespmem:s25], [sflag:$0x2] =	stream.linear.gather [hbm4b:s28+s17], $0x400, $0x38;
	[tilespmem:$0x8E00] =	vst v63  }
0x11e: {  	s3 =	rddreg [dreg:$0x9];
	s26 =	sadd.s32 s18, s26;
	s28 =	spop (v2sf)  }
0x11f: {  	(v2sf) =	vpush v1, $0x7;
	[tilespmem:s3], [sflag:$0x1] =	stream.linear.gather [hbm4b:s26+s17], $0x400, $0x38;
	[tilespmem:$0x8E00] =	vst v63  }
0x120: {  	s25 =	rddreg [dreg:$0xa];
	s28 =	sand.u32 $0x1FFFFF80, s28;
	s29 =	spop (v2sf)  }
0x121: {  	s3 =	rddreg [dreg:$0xb];
	(v2sf) =	vpush v0, $0x8;
	s26 =	sadd.s32 s30, s28;
	s28 =	sand.u32 $0x1FFFFF80, s29  }
0x122: {  	[tilespmem:s25], [sflag:$0x2] =	stream.linear.gather [hbm4b:s26+s17], $0x400, $0x38;
	[tilespmem:$0x8E00] =	vst v63  }
0x123: {  	s25 =	rddreg [dreg:$0xc];
	s26 =	spop (v2sf);
	(v2sf) =	vpush v1, $0x8;
	s28 =	sadd.s32 s18, s28  }
0x124: {  	[tilespmem:s3], [sflag:$0x1] =	stream.linear.gather [hbm4b:s28+s17], $0x400, $0x38;
	[tilespmem:$0x8E00] =	vst v63  }
0x125: {  	s26 =	sand.u32 $0x1FFFFF80, s26;
	s3 =	rddreg [dreg:$0xd];
	s28 =	spop (v2sf);
	(v2sf) =	vpush v0, $0x9  }
0x126: {  	s26 =	sadd.s32 s30, s26;
	s28 =	sand.u32 $0x1FFFFF80, s28;
	s29 =	spop (v2sf)  }
0x127: {  	(v2sf) =	vpush v1, $0x9;
	[tilespmem:s25], [sflag:$0x2] =	stream.linear.gather [hbm4b:s26+s17], $0x400, $0x38;
	[tilespmem:$0x8E00] =	vst v63  }
0x128: {  	s25 =	sadd.s32 s18, s28;
	s26 =	sand.u32 $0x1FFFFF80, s29;
	s28 =	spop (v2sf)  }
0x129: {  	(v2sf) =	vpush v0, $0xA;
	[tilespmem:s3], [sflag:$0x1] =	stream.linear.gather [hbm4b:s25+s17], $0x400, $0x38;
	[tilespmem:$0x8E00] =	vst v63  }
0x12a: {  	s3 =	sadd.s32 s30, s26;
	s25 =	sand.u32 $0x1FFFFF80, s28;
	s26 =	spop (v2sf)  }
0x12b: {  	(v2sf) =	vpush v1, $0xA;
	[tilespmem:s24], [sflag:$0x2] =	stream.linear.gather [hbm4b:s3+s17], $0x400, $0x38;
	[tilespmem:$0x8E00] =	vst v63  }
0x12c: {  	s24 =	sadd.s32 s18, s25;
	s25 =	sand.u32 $0x1FFFFF80, s26;
	s26 =	spop (v2sf)  }
0x12d: {  	(v2sf) =	vpush v0, $0xB;
	[tilespmem:s23], [sflag:$0x1] =	stream.linear.gather [hbm4b:s24+s17], $0x400, $0x38;
	[tilespmem:$0x8E00] =	vst v63  }
0x12e: {  	s24 =	sadd.s32 s30, s25;
	s25 =	sand.u32 $0x1FFFFF80, s26;
	s26 =	spop (v2sf)  }
0x12f: {  	[tilespmem:s22], [sflag:$0x2] =	stream.linear.gather [hbm4b:s24+s17], $0x400, $0x38;
	(v2sf) =	vpush v1, $0xB;
	[tilespmem:$0x8E00] =	vst v63  }
0x130: {  	s23 =	sadd.s32 s18, s25;
	s25 =	sand.u32 $0x1FFFFF80, s26;
	s26 =	spop (v2sf)  }
0x131: {  	(v2sf) =	vpush v0, $0xC;
	[tilespmem:s21], [sflag:$0x1] =	stream.linear.gather [hbm4b:s23+s17], $0x400, $0x38;
	[tilespmem:$0x8E00] =	vst v63  }
0x132: {  	s24 =	sadd.s32 s30, s25;
	s25 =	sand.u32 $0x1FFFFF80, s26;
	s26 =	spop (v2sf)  }
0x133: {  	(v2sf) =	vpush v1, $0xC;
	[tilespmem:s20], [sflag:$0x2] =	stream.linear.gather [hbm4b:s24+s17], $0x400, $0x38;
	[tilespmem:$0x8E00] =	vst v63  }
0x134: {  	s21 =	sadd.s32 s18, s25;
	s22 =	sand.u32 $0x1FFFFF80, s26;
	s23 =	spop (v2sf)  }
0x135: {  	(v2sf) =	vpush v0, $0xD;
	[tilespmem:s19], [sflag:$0x1] =	stream.linear.gather [hbm4b:s21+s17], $0x400, $0x38;
	[tilespmem:$0x8E00] =	vst v63  }
0x136: {  	s24 =	sadd.s32 s30, s22;
	s25 =	sand.u32 $0x1FFFFF80, s23;
	s26 =	spop (v2sf)  }
0x137: {  	(v2sf) =	vpush v1, $0xD;
	[tilespmem:s14], [sflag:$0x2] =	stream.linear.gather [hbm4b:s24+s17], $0x400, $0x38;
	[tilespmem:$0x8E00] =	vst v63  }
0x138: {  	s21 =	sadd.s32 s18, s25;
	s22 =	sand.u32 $0x1FFFFF80, s26;
	s23 =	spop (v2sf)  }
0x139: {  	(v2sf) =	vpush v0, $0xE;
	[tilespmem:s2], [sflag:$0x1] =	stream.linear.gather [hbm4b:s21+s17], $0x400, $0x38;
	[tilespmem:$0x8E00] =	vst v63  }
0x13a: {  	s24 =	sadd.s32 s30, s22;
	s25 =	sand.u32 $0x1FFFFF80, s23;
	s26 =	spop (v2sf)  }
0x13b: {  	(v2sf) =	vpush v1, $0xE;
	[tilespmem:s13], [sflag:$0x2] =	stream.linear.gather [hbm4b:s24+s17], $0x400, $0x38;
	[tilespmem:$0x8E00] =	vst v63  }
0x13c: {  	s19 =	sand.u32 $0x1FFFFF80, s26;
	s20 =	spop (v2sf);
	s13 =	sadd.s32 s18, s25  }
0x13d: {  	(v2sf) =	vpush v0, $0xF;
	[tilespmem:s12], [sflag:$0x1] =	stream.linear.gather [hbm4b:s13+s17], $0x400, $0x38;
	[tilespmem:$0x8E00] =	vst v63  }
0x13e: {  	s21 =	sadd.s32 s30, s19;
	s22 =	sand.u32 $0x1FFFFF80, s20;
	s23 =	spop (v2sf)  }
0x13f: {  	(v2sf) =	vpush v1, $0xF;
	[tilespmem:s1], [sflag:$0x2] =	stream.linear.gather [hbm4b:s21+s17], $0x400, $0x38;
	[tilespmem:$0x8E00] =	vst v63  }
0x140: {  	s24 =	sadd.s32 s18, s22;
	s25 =	sand.u32 $0x1FFFFF80, s23;
	s26 =	spop (v2sf)  }
0x141: {  	[tilespmem:s11], [sflag:$0x1] =	stream.linear.gather [hbm4b:s24+s17], $0x400, $0x38;
	[tilespmem:$0x8E00] =	vst v63  }
0x142: {  	s12 =	sand.u32 $0x1FFFFF80, s26;
	s11 =	sadd.s32 s30, s25;
	s13 =	spop (v2sf)  }
0x143: {  	[tilespmem:s10], [sflag:$0x2] =	stream.linear.gather [hbm4b:s11+s17], $0x400, $0x38;
	[tilespmem:$0x8E00] =	vst v63  }
0x144: {  	s14 =	sadd.s32 s18, s12;
	s19 =	sand.u32 $0x1FFFFF80, s13;
	s20 =	spop (v2sf)  }
0x145: {  	[tilespmem:s9], [sflag:$0x1] =	stream.linear.gather [hbm4b:s14+s17], $0x400, $0x38;
	[tilespmem:$0x8E00] =	vst v63  }
0x146: {  	s21 =	sadd.s32 s30, s19;
	s22 =	sand.u32 $0x1FFFFF80, s20;
	s23 =	spop (v2sf)  }
0x147: {  	[tilespmem:s8], [sflag:$0x2] =	stream.linear.gather [hbm4b:s21+s17], $0x400, $0x38;
	[tilespmem:$0x8E00] =	vst v63  }
0x148: {  	s24 =	sadd.s32 s18, s22;
	s25 =	sand.u32 $0x1FFFFF80, s23;
	s26 =	spop (v2sf)  }
0x149: {  	[tilespmem:s7], [sflag:$0x1] =	stream.linear.gather [hbm4b:s24+s17], $0x400, $0x38;
	[tilespmem:$0x8E00] =	vst v63  }
0x14a: {  	s2 =	sadd.s32 s30, s25;
	s8 =	spop (v2sf);
	s7 =	sand.u32 $0x1FFFFF80, s26  }
0x14b: {  	[tilespmem:s6], [sflag:$0x2] =	stream.linear.gather [hbm4b:s2+s17], $0x400, $0x38;
	[tilespmem:$0x8E00] =	vst v63  }
0x14c: {  	s10 =	sand.u32 $0x1FFFFF80, s8;
	s11 =	spop (v2sf);
	s9 =	sadd.s32 s18, s7  }
0x14d: {  	[tilespmem:s5], [sflag:$0x1] =	stream.linear.gather [hbm4b:s9+s17], $0x400, $0x38;
	[tilespmem:$0x8E00] =	vst v63  }
0x14e: {  	s12 =	sadd.s32 s30, s10;
	s13 =	sand.u32 $0x1FFFFF80, s11;
	s14 =	spop (v2sf)  }
0x14f: {  	[tilespmem:s4], [sflag:$0x2] =	stream.linear.gather [hbm4b:s12+s17], $0x400, $0x38;
	[tilespmem:$0x8E00] =	vst v63  }
0x150: {  	s20 =	sld [smem:$0x7FD];
	s18 =	sadd.s32 s18, s13;
	s19 =	sand.u32 $0x1FFFFF80, s14  }
0x151: {  	[tilespmem:s0], [sflag:$0x1] =	stream.linear.gather [hbm4b:s18+s17], $0x400, $0x38;
	[tilespmem:$0x8E00] =	vst v63  }
0x152: {  	s22 =	simm.s32 $0x1;
	s21 =	sadd.s32 s30, s19  }
0x153: {  	[tilespmem:s20], [sflag:$0x2] =	stream.linear.gather [hbm4b:s21+s17], $0x400, $0x38;
	[tilespmem:$0x8E00] =	vst v63  }
0x154: {  	_ =	swait.ge [sflag:s22], $0x400  }
0x155: {  	[sflag:s22] =	ssyncset.done $0x0  }
0x156: {  	s23 =	simm.s32 $0x2;
	[sflag:s22] =	ssyncadd.s32 $0xFFFFFC00  }
0x157: {  	_ =	swait.ge [sflag:s23], $0x400  }
0x158: {  	[sflag:s23] =	ssyncset.done $0x0  }
0x159: {  	[sflag:s23] =	ssyncadd.s32 $0xFFFFFC00  }
0x15a: {  	_ =	swait.ge [sflag:s22], $0x400  }
0x15b: {  	[sflag:s22] =	ssyncset.done $0x0  }
0x15c: {  	[sflag:s22] =	ssyncadd.s32 $0xFFFFFC00  }
0x15d: {  	_ =	swait.ge [sflag:s23], $0x400  }
0x15e: {  	[sflag:s23] =	ssyncset.done $0x0  }
0x15f: {  	[sflag:s23] =	ssyncadd.s32 $0xFFFFFC00  }
0x160: {  	_ =	swait.ge [sflag:s22], $0x400  }
0x161: {  	[sflag:s22] =	ssyncset.done $0x0  }
0x162: {  	[sflag:s22] =	ssyncadd.s32 $0xFFFFFC00  }
0x163: {  	_ =	swait.ge [sflag:s23], $0x400  }
0x164: {  	[sflag:s23] =	ssyncset.done $0x0  }
0x165: {  	[sflag:s23] =	ssyncadd.s32 $0xFFFFFC00  }
0x166: {  	_ =	swait.ge [sflag:s22], $0x400  }
0x167: {  	[sflag:s22] =	ssyncset.done $0x0  }
0x168: {  	[sflag:s22] =	ssyncadd.s32 $0xFFFFFC00  }
0x169: {  	_ =	swait.ge [sflag:s23], $0x400  }
0x16a: {  	[sflag:s23] =	ssyncset.done $0x0  }
0x16b: {  	[sflag:s23] =	ssyncadd.s32 $0xFFFFFC00  }
0x16c: {  	_ =	swait.ge [sflag:s22], $0x400  }
0x16d: {  	[sflag:s22] =	ssyncset.done $0x0  }
0x16e: {  	[sflag:s22] =	ssyncadd.s32 $0xFFFFFC00  }
0x16f: {  	_ =	swait.ge [sflag:s23], $0x400  }
0x170: {  	[sflag:s23] =	ssyncset.done $0x0  }
0x171: {  	[sflag:s23] =	ssyncadd.s32 $0xFFFFFC00  }
0x172: {  	_ =	swait.ge [sflag:s22], $0x400  }
0x173: {  	[sflag:s22] =	ssyncset.done $0x0  }
0x174: {  	[sflag:s22] =	ssyncadd.s32 $0xFFFFFC00  }
0x175: {  	_ =	swait.ge [sflag:s23], $0x400  }
0x176: {  	[sflag:s23] =	ssyncset.done $0x0  }
0x177: {  	[sflag:s23] =	ssyncadd.s32 $0xFFFFFC00  }
0x178: {  	_ =	swait.ge [sflag:s22], $0x400  }
0x179: {  	[sflag:s22] =	ssyncset.done $0x0  }
0x17a: {  	[sflag:s22] =	ssyncadd.s32 $0xFFFFFC00  }
0x17b: {  	_ =	swait.ge [sflag:s23], $0x400  }
0x17c: {  	[sflag:s23] =	ssyncset.done $0x0  }
0x17d: {  	[sflag:s23] =	ssyncadd.s32 $0xFFFFFC00  }
0x17e: {  	_ =	swait.ge [sflag:s22], $0x400  }
0x17f: {  	[sflag:s22] =	ssyncset.done $0x0  }
0x180: {  	[sflag:s22] =	ssyncadd.s32 $0xFFFFFC00  }
0x181: {  	_ =	swait.ge [sflag:s23], $0x400  }
0x182: {  	[sflag:s23] =	ssyncset.done $0x0  }
0x183: {  	[sflag:s23] =	ssyncadd.s32 $0xFFFFFC00  }
0x184: {  	_ =	swait.ge [sflag:s22], $0x400  }
0x185: {  	[sflag:s22] =	ssyncset.done $0x0  }
0x186: {  	[sflag:s22] =	ssyncadd.s32 $0xFFFFFC00  }
0x187: {  	_ =	swait.ge [sflag:s23], $0x400  }
0x188: {  	[sflag:s23] =	ssyncset.done $0x0  }
0x189: {  	[sflag:s23] =	ssyncadd.s32 $0xFFFFFC00  }
0x18a: {  	_ =	swait.ge [sflag:s22], $0x400  }
0x18b: {  	[sflag:s22] =	ssyncset.done $0x0  }
0x18c: {  	[sflag:s22] =	ssyncadd.s32 $0xFFFFFC00  }
0x18d: {  	_ =	swait.ge [sflag:s23], $0x400  }
0x18e: {  	[sflag:s23] =	ssyncset.done $0x0  }
0x18f: {  	[sflag:s23] =	ssyncadd.s32 $0xFFFFFC00  }
0x190: {  	_ =	swait.ge [sflag:s22], $0x400  }
0x191: {  	[sflag:s22] =	ssyncset.done $0x0  }
0x192: {  	[sflag:s22] =	ssyncadd.s32 $0xFFFFFC00  }
0x193: {  	_ =	swait.ge [sflag:s23], $0x400  }
0x194: {  	[sflag:s23] =	ssyncset.done $0x0  }
0x195: {  	[sflag:s23] =	ssyncadd.s32 $0xFFFFFC00  }
0x196: {  	_ =	swait.ge [sflag:s22], $0x400  }
0x197: {  	[sflag:s22] =	ssyncset.done $0x0  }
0x198: {  	[sflag:s22] =	ssyncadd.s32 $0xFFFFFC00  }
0x199: {  	_ =	swait.ge [sflag:s23], $0x400  }
0x19a: {  	[sflag:s23] =	ssyncset.done $0x0  }
0x19b: {  	[sflag:s23] =	ssyncadd.s32 $0xFFFFFC00  }
0x19c: {  	_ =	swait.ge [sflag:s22], $0x400  }
0x19d: {  	[sflag:s22] =	ssyncset.done $0x0  }
0x19e: {  	[sflag:s22] =	ssyncadd.s32 $0xFFFFFC00  }
0x19f: {  	_ =	swait.ge [sflag:s23], $0x400  }
0x1a0: {  	[sflag:s23] =	ssyncset.done $0x0  }
0x1a1: {  	[sflag:s23] =	ssyncadd.s32 $0xFFFFFC00  }
0x1a2: {  	_ =	swait.ge [sflag:s22], $0x400  }
0x1a3: {  	[sflag:s22] =	ssyncset.done $0x0  }
0x1a4: {  	[sflag:s22] =	ssyncadd.s32 $0xFFFFFC00  }
0x1a5: {  	_ =	swait.ge [sflag:s23], $0x400  }
0x1a6: {  	[sflag:s23] =	ssyncset.done $0x0  }
0x1a7: {  	[sflag:s23] =	ssyncadd.s32 $0xFFFFFC00  }
0x1a8: {  	_ =	swait.ge [sflag:s22], $0x400  }
0x1a9: {  	[sflag:s22] =	ssyncset.done $0x0  }
0x1aa: {  	[sflag:s22] =	ssyncadd.s32 $0xFFFFFC00  }
0x1ab: {  	_ =	swait.ge [sflag:s23], $0x400  }
0x1ac: {  	[sflag:s23] =	ssyncset.done $0x0  }
0x1ad: {  	[sflag:s23] =	ssyncadd.s32 $0xFFFFFC00  }
0x1ae: {  	_ =	swait.ge [sflag:s22], $0x400  }
0x1af: {  	[sflag:s22] =	ssyncset.done $0x0  }
0x1b0: {  	[sflag:s22] =	ssyncadd.s32 $0xFFFFFC00  }
0x1b1: {  	_ =	swait.ge [sflag:s23], $0x400  }
0x1b2: {  	[sflag:s23] =	ssyncset.done $0x0  }
0x1b3: {  	s4 =	simm.s32 $0x0;
	v14 =	vld [tilespmem:$0x1FF00];
	[sflag:s23] =	ssyncadd.s32 $0xFFFFFC00  }
0x1b4: {  	v0 =	vld [tilespmem:s4+$0x400]  }
0x1b5: {  	v1 =	vld [tilespmem:s4+$0x600];
	_ =	sdelay $0x3  }
0x1b6: {  	v17 =	vshll.u32 v0, $0x7  }
0x1b7: {  	v18 =	vshll.u32 v1, $0x7;
	v0 =	vadd.s32 v14, v17  }
0x1b8: {  	v4 =	vadd.s32 $0x1, v14;
	v1 =	vadd.s32 v14, v18  }
0x1b9: {  	v2 =	vadd.s32 v4, v18  }
0x1ba: {  	v3 =	vld [tilespmem:s4+$0x8800];
	v7 =	vadd.s32 $0x2, v14;
	[tilespmem:$0x1FC00] =	vst v4;
	v4 =	vadd.s32 v4, v17  }
0x1bb: {  	v5 =	vld [tilespmem:s4+$0x8A00];
	v6 =	vadd.s32 v7, v18  }
0x1bc: {  	v9 =	vadd.s32 $0x3, v14;
	[tilespmem:$0x1FC10] =	vst v7;
	v7 =	vadd.s32 v7, v17;
	v0 =	vld.idx.msk [tilespmem:v0+s15+$0x0], $0xffff  }
0x1bd: {  	v8 =	vadd.s32 v9, v18;
	v1 =	vld.idx.msk [tilespmem:v1+s16+$0x0], $0xffff  }
0x1be: {  	v11 =	vadd.s32 $0x4, v14;
	[tilespmem:$0x1FC20] =	vst v9;
	v9 =	vadd.s32 v9, v17;
	v2 =	vld.idx.msk [tilespmem:v2+s16+$0x0], $0xffff  }
0x1bf: {  	v10 =	vadd.s32 v11, v18;
	v4 =	vld.idx.msk [tilespmem:v4+s15+$0x0], $0xffff  }
0x1c0: {  	v15 =	vadd.s32 $0x5, v14;
	[tilespmem:$0x1FC30] =	vst v11;
	v11 =	vadd.s32 v11, v17;
	v6 =	vld.idx.msk [tilespmem:v6+s16+$0x0], $0xffff  }
0x1c1: {  	v12 =	vadd.s32 v15, v18;
	v7 =	vld.idx.msk [tilespmem:v7+s15+$0x0], $0xffff  }
0x1c2: {  	v56 =	vadd.s32 $0x7, v14;
	v55 =	vadd.s32 v15, v17;
	v8 =	vld.idx.msk [tilespmem:v8+s16+$0x0], $0xffff  }
0x1c3: {  	v59 =	vadd.s32 $0x9, v14;
	v58 =	vadd.s32 v56, v17;
	v9 =	vld.idx.msk [tilespmem:v9+s15+$0x0], $0xffff  }
0x1c4: {  	v61 =	vadd.s32 $0xA, v14;
	v20 =	vadd.s32 v59, v17;
	v10 =	vld.idx.msk [tilespmem:v10+s16+$0x0], $0xffff  }
0x1c5: {  	v21 =	vadd.s32 $0xB, v14;
	v24 =	vadd.s32 v61, v17;
	v57 =	vld.idx.msk [tilespmem:v11+s15+$0x0], $0xffff  }
0x1c6: {  	v25 =	vadd.s32 $0xC, v14;
	v27 =	vadd.s32 v21, v17;
	v12 =	vld.idx.msk [tilespmem:v12+s16+$0x0], $0xffff  }
0x1c7: {  	v28 =	vadd.s32 $0xD, v14;
	v3 =	vadd.f32 v5, v3;
	v31 =	vadd.s32 v25, v17;
	v5 =	vld.idx.msk [tilespmem:v55+s15+$0x0], $0xffff  }
0x1c8: {  	v32 =	vadd.s32 $0xE, v14;
	v34 =	vadd.s32 v28, v17;
	v23 =	vld.idx.msk [tilespmem:v58+s15+$0x0], $0xffff  }
0x1c9: {  	v35 =	vadd.s32 $0xF, v14;
	v37 =	vadd.s32 v32, v17;
	v30 =	vld.idx.msk [tilespmem:v20+s15+$0x0], $0xffff  }
0x1ca: {  	v38 =	vadd.s32 $0x10, v14;
	v40 =	vadd.s32 v35, v17;
	v33 =	vld.idx.msk [tilespmem:v24+s15+$0x0], $0xffff  }
0x1cb: {  	v41 =	vadd.s32 $0x11, v14;
	v44 =	vadd.s32 v38, v17;
	v36 =	vld.idx.msk [tilespmem:v27+s15+$0x0], $0xffff  }
0x1cc: {  	v45 =	vadd.s32 $0x12, v14;
	v48 =	vadd.s32 v41, v17;
	v39 =	vld.idx.msk [tilespmem:v31+s15+$0x0], $0xffff  }
0x1cd: {  	v13 =	vadd.s32 $0x6, v14;
	v53 =	vadd.s32 $0x14, v14;
	v52 =	vadd.s32 v45, v17;
	v43 =	vld.idx.msk [tilespmem:v34+s15+$0x0], $0xffff  }
0x1ce: {  	v16 =	vadd.s32 $0x8, v14;
	[tilespmem:$0x1FC80] =	vst v59;
	v62 =	vadd.s32 v59, v18;
	v59 =	vadd.s32 v53, v17;
	v47 =	vld.idx.msk [tilespmem:v37+s15+$0x0], $0xffff  }
0x1cf: {  	[tilespmem:$0x1FC50] =	vst v13;
	v60 =	vadd.s32 v16, v17;
	v51 =	vld.idx.msk [tilespmem:v40+s15+$0x0], $0xffff;
	v34 =	vadd.s32 $0x1B, v14  }
0x1d0: {  	[tilespmem:$0x1FC60] =	vst v56;
	v55 =	vld.idx.msk [tilespmem:v44+s15+$0x0], $0xffff;
	v40 =	vadd.s32 v34, v17;
	v0 =	vmul.f32 v1, v0  }
0x1d1: {  	v49 =	vadd.s32 $0x13, v14;
	[tilespmem:$0x1FC90] =	vst v61;
	v22 =	vadd.s32 v61, v18;
	v58 =	vld.idx.msk [tilespmem:v48+s15+$0x0], $0xffff;
	v1 =	vadd.s32 v13, v18  }
0x1d2: {  	v61 =	vld.idx.msk [tilespmem:v52+s15+$0x0], $0xffff;
	v13 =	vadd.s32 v13, v17;
	v2 =	vmul.f32 v2, v4;
	v0 =	vadd.f32 v0, v3  }
0x1d3: {  	[tilespmem:$0x1FD20] =	vst v49;
	v24 =	vld.idx.msk [tilespmem:v59+s15+$0x0], $0xffff  }
0x1d4: {  	v6 =	vmul.f32 v6, v7;
	v7 =	vld.idx.msk [tilespmem:v60+s15+$0x0], $0xffff;
	v3 =	vadd.s32 v56, v18;
	v0 =	vadd.f32 v2, v0  }
0x1d5: {  	v54 =	vadd.s32 v49, v18;
	v56 =	vadd.s32 v49, v17;
	v49 =	vld.idx.msk [tilespmem:v40+s15+$0x0], $0xffff;
	v2 =	vadd.s32 v16, v18  }
0x1d6: {  	v8 =	vmul.f32 v8, v9;
	v1 =	vld.idx.msk [tilespmem:v1+s16+$0x0], $0xffff;
	v0 =	vadd.f32 v6, v0  }
0x1d7: {  	v63 =	vld.idx.msk [tilespmem:v13+s15+$0x0], $0xffff  }
0x1d8: {  	v26 =	vadd.s32 v21, v18;
	v4 =	vmul.f32 v10, v57;
	v6 =	vld.idx.msk [tilespmem:v62+s16+$0x0], $0xffff;
	v0 =	vadd.f32 v8, v0  }
0x1d9: {  	v29 =	vadd.s32 v25, v18;
	v46 =	vadd.s32 v41, v18;
	v5 =	vmul.f32 v12, v5;
	v3 =	vld.idx.msk [tilespmem:v3+s16+$0x0], $0xffff  }
0x1da: {  	v57 =	vadd.s32 $0x15, v14;
	v60 =	vadd.s32 $0x16, v14;
	v2 =	vld.idx.msk [tilespmem:v2+s16+$0x0], $0xffff;
	v0 =	vadd.f32 v4, v0  }
0x1db: {  	[tilespmem:$0x1FCA0] =	vst v21;
	v21 =	vadd.s32 v60, v17;
	v62 =	vadd.s32 v57, v17;
	v20 =	vld.idx.msk [tilespmem:v56+s15+$0x0], $0xffff  }
0x1dc: {  	v8 =	vld.idx.msk [tilespmem:v22+s16+$0x0], $0xffff;
	v1 =	vmul.f32 v1, v63;
	v63 =	vadd.s32 $0x17, v14;
	v0 =	vadd.f32 v5, v0  }
0x1dd: {  	[tilespmem:$0x1FCB0] =	vst v25;
	v22 =	vadd.s32 $0x18, v14;
	v4 =	vld.idx.msk [tilespmem:v26+s16+$0x0], $0xffff;
	v25 =	vadd.s32 v63, v17  }
0x1de: {  	v3 =	vmul.f32 v3, v23;
	v5 =	vld.idx.msk [tilespmem:v29+s16+$0x0], $0xffff;
	v0 =	vadd.f32 v1, v0;
	v1 =	vadd.s32 v28, v18  }
0x1df: {  	v29 =	vadd.s32 v22, v17;
	v2 =	vmul.f32 v2, v7;
	v7 =	vld.idx.msk [tilespmem:v46+s16+$0x0], $0xffff  }
0x1e0: {  	[tilespmem:$0x1FCC0] =	vst v28;
	v42 =	vadd.s32 v38, v18;
	v28 =	vld.idx.msk [tilespmem:v62+s15+$0x0], $0xffff;
	v0 =	vadd.f32 v3, v0  }
0x1e1: {  	[tilespmem:$0x1FCD0] =	vst v32;
	v6 =	vmul.f32 v6, v30;
	v30 =	vadd.s32 $0x1A, v14;
	v3 =	vadd.s32 v32, v18;
	v32 =	vld.idx.msk [tilespmem:v21+s15+$0x0], $0xffff  }
0x1e2: {  	v37 =	vadd.s32 v30, v17;
	v4 =	vmul.f32 v4, v36;
	v36 =	vld.idx.msk [tilespmem:v25+s15+$0x0], $0xffff;
	v0 =	vadd.f32 v2, v0  }
0x1e3: {  	[tilespmem:$0x1FCE0] =	vst v35;
	v50 =	vadd.s32 v45, v18;
	v26 =	vadd.s32 $0x19, v14;
	v2 =	vadd.s32 v35, v18;
	v1 =	vld.idx.msk [tilespmem:v1+s16+$0x0], $0xffff  }
0x1e4: {  	v8 =	vmul.f32 v8, v33;
	v5 =	vmul.f32 v5, v39;
	v39 =	vld.idx.msk [tilespmem:v29+s15+$0x0], $0xffff;
	v0 =	vadd.f32 v6, v0  }
0x1e5: {  	[tilespmem:$0x1FCF0] =	vst v38;
	v59 =	vadd.s32 $0x22, v14;
	v33 =	vadd.s32 v26, v17;
	v6 =	vld.idx.msk [tilespmem:v42+s16+$0x0], $0xffff  }
0x1e6: {  	[tilespmem:$0x1FD00] =	vst v41;
	v21 =	vadd.s32 v59, v17;
	v3 =	vld.idx.msk [tilespmem:v3+s16+$0x0], $0xffff;
	v0 =	vadd.f32 v8, v0  }
0x1e7: {  	[tilespmem:$0x1FD10] =	vst v45;
	v38 =	vadd.s32 $0x1C, v14;
	v41 =	vadd.s32 $0x1D, v14;
	v44 =	vadd.s32 $0x1E, v14;
	v45 =	vld.idx.msk [tilespmem:v37+s15+$0x0], $0xffff  }
0x1e8: {  	v2 =	vld.idx.msk [tilespmem:v2+s16+$0x0], $0xffff;
	v0 =	vadd.f32 v4, v0;
	v1 =	vmul.f32 v1, v43;
	v43 =	vadd.s32 v38, v17  }
0x1e9: {  	v46 =	vadd.s32 v41, v17;
	v35 =	vadd.s32 v30, v18;
	v4 =	vld.idx.msk [tilespmem:v50+s16+$0x0], $0xffff;
	v50 =	vadd.s32 v44, v17  }
0x1ea: {  	v42 =	vld.idx.msk [tilespmem:v33+s15+$0x0], $0xffff;
	v6 =	vmul.f32 v6, v55;
	v55 =	vadd.s32 $0x21, v14;
	v0 =	vadd.f32 v5, v0  }
0x1eb: {  	[tilespmem:$0x1FD90] =	vst v30;
	v30 =	vld.idx.msk [tilespmem:v21+s15+$0x0], $0xffff;
	v3 =	vmul.f32 v3, v47;
	v47 =	vadd.s32 $0x1F, v14;
	v62 =	vadd.s32 v55, v17  }
0x1ec: {  	[tilespmem:$0x1FD30] =	vst v53;
	v23 =	vadd.s32 v63, v18;
	v5 =	vld.idx.msk [tilespmem:v54+s16+$0x0], $0xffff;
	v54 =	vadd.s32 v47, v17  }
0x1ed: {  	v7 =	vmul.f32 v7, v58;
	v0 =	vadd.f32 v1, v0;
	v1 =	vadd.s32 v53, v18;
	v53 =	vld.idx.msk [tilespmem:v43+s15+$0x0], $0xffff  }
0x1ee: {  	[tilespmem:$0x1FD40] =	vst v57;
	v2 =	vmul.f32 v2, v51;
	v51 =	vadd.s32 $0x20, v14;
	v4 =	vmul.f32 v4, v61;
	v61 =	vld.idx.msk [tilespmem:v50+s15+$0x0], $0xffff  }
0x1ef: {  	v58 =	vadd.s32 v51, v17;
	v0 =	vadd.f32 v3, v0;
	v3 =	vadd.s32 v57, v18;
	v57 =	vld.idx.msk [tilespmem:v46+s15+$0x0], $0xffff  }
0x1f0: {  	v40 =	vadd.s32 $0x29, v14;
	v31 =	vadd.s32 v26, v18;
	[tilespmem:$0x1FD80] =	vst v26;
	v26 =	vld.idx.msk [tilespmem:v62+s15+$0x0], $0xffff  }
0x1f1: {  	v46 =	vadd.s32 v40, v17;
	v5 =	vmul.f32 v5, v20;
	v0 =	vadd.f32 v2, v0;
	v20 =	vld.idx.msk [tilespmem:v54+s15+$0x0], $0xffff  }
0x1f2: {  	v2 =	vadd.s32 v60, v18;
	v1 =	vld.idx.msk [tilespmem:v1+s16+$0x0], $0xffff  }
0x1f3: {  	v0 =	vadd.f32 v6, v0;
	v6 =	vld.idx.msk [tilespmem:v23+s16+$0x0], $0xffff  }
0x1f4: {  	[tilespmem:$0x1FD50] =	vst v60;
	v27 =	vadd.s32 v22, v18;
	v23 =	vld.idx.msk [tilespmem:v58+s15+$0x0], $0xffff  }
0x1f5: {  	[tilespmem:$0x1FD60] =	vst v63;
	v3 =	vld.idx.msk [tilespmem:v3+s16+$0x0], $0xffff;
	v0 =	vadd.f32 v7, v0  }
0x1f6: {  	v63 =	vadd.s32 $0x23, v14;
	v25 =	vadd.s32 $0x25, v14;
	[tilespmem:$0x1FE00] =	vst v55;
	v60 =	vadd.s32 v55, v18;
	v55 =	vld.idx.msk [tilespmem:v46+s15+$0x0], $0xffff  }
0x1f7: {  	v2 =	vld.idx.msk [tilespmem:v2+s16+$0x0], $0xffff;
	v0 =	vadd.f32 v4, v0;
	v1 =	vmul.f32 v1, v24;
	v24 =	vadd.s32 v63, v17  }
0x1f8: {  	v4 =	vld.idx.msk [tilespmem:v31+s16+$0x0], $0xffff;
	v31 =	vadd.s32 v25, v17  }
0x1f9: {  	[tilespmem:$0x1FD70] =	vst v22;
	v22 =	vadd.s32 $0x24, v14;
	v7 =	vld.idx.msk [tilespmem:v27+s16+$0x0], $0xffff;
	v0 =	vadd.f32 v5, v0  }
0x1fa: {  	v29 =	vadd.s32 v25, v18;
	[tilespmem:$0x1FE40] =	vst v25;
	v27 =	vadd.s32 v22, v17;
	v25 =	vld [tilespmem:$0x1FF10];
	v6 =	vmul.f32 v6, v36  }
0x1fb: {  	[tilespmem:$0x1FDA0] =	vst v34;
	v36 =	vadd.s32 $0x28, v14;
	v3 =	vmul.f32 v3, v28;
	v5 =	vld.idx.msk [tilespmem:v35+s16+$0x0], $0xffff;
	v0 =	vadd.f32 v1, v0  }
0x1fc: {  	v43 =	vadd.s32 v36, v17;
	v1 =	vadd.s32 v34, v18;
	v2 =	vmul.f32 v2, v32;
	v34 =	vld.idx.msk [tilespmem:v24+s15+$0x0], $0xffff  }
0x1fd: {  	v32 =	vadd.s32 $0x27, v14;
	v4 =	vmul.f32 v4, v42;
	v42 =	vld.idx.msk [tilespmem:v31+s15+$0x0], $0xffff;
	v0 =	vadd.f32 v3, v0  }
0x1fe: {  	v7 =	vmul.f32 v7, v39;
	v37 =	vadd.s32 v32, v18;
	[tilespmem:$0x1FE60] =	vst v32;
	v39 =	vadd.s32 v32, v17;
	v32 =	vld [tilespmem:$0x1FF40]  }
0x1ff: {  	[tilespmem:$0x1FDB0] =	vst v38;
	v28 =	vadd.s32 $0x26, v14;
	v3 =	vadd.s32 v38, v18;
	v38 =	vld.idx.msk [tilespmem:v27+s15+$0x0], $0xffff;
	v0 =	vadd.f32 v2, v0  }
0x200: {  	v56 =	vadd.s32 v51, v18;
	v35 =	vadd.s32 v28, v17;
	v27 =	vld [tilespmem:$0x1FF20]  }
0x201: {  	[tilespmem:$0x1FDF0] =	vst v51;
	v51 =	vld.idx.msk [tilespmem:v43+s15+$0x0], $0xffff;
	v2 =	vadd.s32 v41, v18;
	v0 =	vadd.f32 v6, v0  }
0x202: {  	v48 =	vadd.s32 v44, v18;
	v1 =	vld.idx.msk [tilespmem:v1+s16+$0x0], $0xffff  }
0x203: {  	v43 =	vld [tilespmem:$0x1FF80];
	v0 =	vadd.f32 v7, v0  }
0x204: {  	v52 =	vadd.s32 v47, v18;
	v3 =	vld.idx.msk [tilespmem:v3+s16+$0x0], $0xffff  }
0x205: {  	v5 =	vmul.f32 v5, v45;
	v45 =	vld.idx.msk [tilespmem:v35+s15+$0x0], $0xffff;
	v0 =	vadd.f32 v4, v0  }
0x206: {  	v2 =	vld.idx.msk [tilespmem:v2+s16+$0x0], $0xffff  }
0x207: {  	v6 =	vld.idx.msk [tilespmem:v48+s16+$0x0], $0xffff;
	v1 =	vmul.f32 v1, v49;
	v0 =	vadd.f32 v5, v0  }
0x208: {  	v50 =	vadd.s32 $0x2C, v14;
	v33 =	vadd.s32 v28, v18;
	[tilespmem:$0x1FE50] =	vst v28;
	v35 =	vld [tilespmem:$0x1FF50]  }
0x209: {  	v28 =	vadd.s32 v27, v17;
	v7 =	vld.idx.msk [tilespmem:v52+s16+$0x0], $0xffff;
	v3 =	vmul.f32 v3, v53;
	v0 =	vadd.f32 v1, v0  }
0x20a: {  	[tilespmem:$0x1FDD0] =	vst v44;
	v44 =	vadd.s32 $0x2A, v14;
	v54 =	vadd.s32 v50, v18;
	v48 =	vld.idx.msk [tilespmem:v39+s15+$0x0], $0xffff  }
0x20b: {  	v4 =	vld.idx.msk [tilespmem:v56+s16+$0x0], $0xffff;
	v1 =	vadd.s32 v59, v18;
	v2 =	vmul.f32 v2, v57;
	v0 =	vadd.f32 v3, v0  }
0x20c: {  	[tilespmem:$0x1FEB0] =	vst v50;
	v49 =	vadd.s32 v44, v17;
	v56 =	vadd.s32 v50, v17;
	v50 =	vld [tilespmem:$0x1FFB0];
	v6 =	vmul.f32 v6, v61  }
0x20d: {  	v5 =	vld.idx.msk [tilespmem:v60+s16+$0x0], $0xffff;
	v53 =	vadd.s32 $0x2D, v14;
	v3 =	vadd.s32 v63, v18;
	v0 =	vadd.f32 v2, v0  }
0x20e: {  	v12 =	vld.idx.msk [tilespmem:v28+s15+$0x0], $0xffff;
	v7 =	vmul.f32 v7, v20;
	v58 =	vadd.s32 v53, v18  }
0x20f: {  	[tilespmem:$0x1FEC0] =	vst v53;
	v60 =	vadd.s32 v53, v17;
	v53 =	vld [tilespmem:$0x1FFC0];
	v2 =	vadd.s32 v22, v18;
	v0 =	vadd.f32 v6, v0  }
0x210: {  	[tilespmem:$0x1FE10] =	vst v59;
	v1 =	vld.idx.msk [tilespmem:v1+s16+$0x0], $0xffff  }
0x211: {  	[tilespmem:$0x1FDE0] =	vst v47;
	v47 =	vadd.s32 $0x2B, v14;
	v4 =	vmul.f32 v4, v23;
	v59 =	vld.idx.msk [tilespmem:v49+s15+$0x0], $0xffff;
	v0 =	vadd.f32 v7, v0  }
0x212: {  	v52 =	vadd.s32 v47, v17;
	v3 =	vld.idx.msk [tilespmem:v3+s16+$0x0], $0xffff  }
0x213: {  	v21 =	vld.idx.msk [tilespmem:v56+s15+$0x0], $0xffff;
	v5 =	vmul.f32 v5, v26;
	v0 =	vadd.f32 v4, v0  }
0x214: {  	v2 =	vld.idx.msk [tilespmem:v2+s16+$0x0], $0xffff  }
0x215: {  	v56 =	vld [tilespmem:$0x1FFD0];
	v1 =	vmul.f32 v1, v30;
	v0 =	vadd.f32 v5, v0  }
0x216: {  	[tilespmem:$0x1FDC0] =	vst v41;
	v41 =	vadd.s32 v36, v18;
	v6 =	vld.idx.msk [tilespmem:v29+s16+$0x0], $0xffff  }
0x217: {  	[tilespmem:$0x1FE20] =	vst v63;
	v57 =	vadd.s32 $0x2E, v14;
	v63 =	vld.idx.msk [tilespmem:v52+s15+$0x0], $0xffff;
	v3 =	vmul.f32 v3, v34;
	v0 =	vadd.f32 v1, v0  }
0x218: {  	v19 =	vadd.s32 v57, v17;
	v7 =	vld.idx.msk [tilespmem:v33+s16+$0x0], $0xffff  }
0x219: {  	v23 =	vld.idx.msk [tilespmem:v60+s15+$0x0], $0xffff;
	v1 =	vadd.s32 v40, v18;
	v2 =	vmul.f32 v2, v38;
	v0 =	vadd.f32 v3, v0  }
0x21a: {  	v61 =	vadd.s32 $0x2F, v14;
	v14 =	vadd.s32 $0x30, v14;
	v4 =	vld.idx.msk [tilespmem:v37+s16+$0x0], $0xffff  }
0x21b: {  	v60 =	vld [tilespmem:$0x1FFF0];
	v6 =	vmul.f32 v6, v42;
	v3 =	vadd.s32 v44, v18;
	v0 =	vadd.f32 v2, v0  }
0x21c: {  	v24 =	vadd.s32 v14, v17;
	v5 =	vld.idx.msk [tilespmem:v41+s16+$0x0], $0xffff  }
0x21d: {  	v11 =	vld.idx.msk [tilespmem:v19+s15+$0x0], $0xffff;
	v7 =	vmul.f32 v7, v45;
	v2 =	vadd.s32 v47, v18;
	v0 =	vadd.f32 v6, v0  }
0x21e: {  	v26 =	vadd.s32 v25, v17;
	v1 =	vld.idx.msk [tilespmem:v1+s16+$0x0], $0xffff  }
0x21f: {  	v29 =	vld [tilespmem:$0x1FF30];
	v4 =	vmul.f32 v4, v48;
	v0 =	vadd.f32 v7, v0  }
0x220: {  	[tilespmem:$0x1FE30] =	vst v22;
	v22 =	vadd.s32 v61, v17;
	v3 =	vld.idx.msk [tilespmem:v3+s16+$0x0], $0xffff  }
0x221: {  	v10 =	vld.idx.msk [tilespmem:v24+s15+$0x0], $0xffff;
	v5 =	vmul.f32 v5, v51;
	v0 =	vadd.f32 v4, v0  }
0x222: {  	v2 =	vld.idx.msk [tilespmem:v2+s16+$0x0], $0xffff  }
0x223: {  	v62 =	vadd.s32 v57, v18;
	v8 =	vld.idx.msk [tilespmem:v26+s15+$0x0], $0xffff;
	v1 =	vmul.f32 v1, v55;
	v0 =	vadd.f32 v5, v0  }
0x224: {  	v6 =	vld.idx.msk [tilespmem:v54+s16+$0x0], $0xffff  }
0x225: {  	v20 =	vadd.s32 v61, v18;
	v9 =	vld.idx.msk [tilespmem:v22+s15+$0x0], $0xffff;
	v3 =	vmul.f32 v3, v59;
	v0 =	vadd.f32 v1, v0  }
0x226: {  	v7 =	vld.idx.msk [tilespmem:v58+s16+$0x0], $0xffff  }
0x227: {  	v41 =	vld [tilespmem:$0x1FF70];
	v1 =	vadd.s32 v14, v18;
	v2 =	vmul.f32 v2, v63;
	v0 =	vadd.f32 v3, v0  }
0x228: {  	v4 =	vld.idx.msk [tilespmem:v62+s16+$0x0], $0xffff  }
0x229: {  	v45 =	vld [tilespmem:$0x1FF90];
	v6 =	vmul.f32 v6, v21;
	v3 =	vadd.s32 v25, v18;
	v0 =	vadd.f32 v2, v0  }
0x22a: {  	v5 =	vld.idx.msk [tilespmem:v20+s16+$0x0], $0xffff  }
0x22b: {  	v38 =	vld [tilespmem:$0x1FF60];
	v7 =	vmul.f32 v7, v23;
	v2 =	vadd.s32 v27, v18;
	v0 =	vadd.f32 v6, v0  }
0x22c: {  	v31 =	vadd.s32 v29, v17;
	v1 =	vld.idx.msk [tilespmem:v1+s16+$0x0], $0xffff  }
0x22d: {  	[tilespmem:$0x1FEA0] =	vst v47;
	v30 =	vadd.s32 v29, v18;
	v47 =	vld [tilespmem:$0x1FFA0];
	v4 =	vmul.f32 v4, v11;
	v0 =	vadd.f32 v7, v0  }
0x22e: {  	v34 =	vadd.s32 v32, v17;
	v3 =	vld.idx.msk [tilespmem:v3+s16+$0x0], $0xffff  }
0x22f: {  	v33 =	vadd.s32 v32, v18;
	v59 =	vld [tilespmem:$0x1FFE0];
	v5 =	vmul.f32 v5, v9;
	v0 =	vadd.f32 v4, v0  }
0x230: {  	[tilespmem:$0x1FE70] =	vst v36;
	v36 =	vadd.s32 v35, v18;
	v2 =	vld.idx.msk [tilespmem:v2+s16+$0x0], $0xffff  }
0x231: {  	v37 =	vadd.s32 v35, v17;
	v11 =	vld.idx.msk [tilespmem:v31+s15+$0x0], $0xffff;
	v1 =	vmul.f32 v1, v10;
	v0 =	vadd.f32 v5, v0  }
0x232: {  	[tilespmem:$0x1FE80] =	vst v40;
	v39 =	vadd.s32 v38, v18;
	v6 =	vld.idx.msk [tilespmem:v30+s16+$0x0], $0xffff  }
0x233: {  	v40 =	vadd.s32 v38, v17;
	v9 =	vld.idx.msk [tilespmem:v34+s15+$0x0], $0xffff;
	v3 =	vmul.f32 v3, v8;
	v0 =	vadd.f32 v1, v0  }
0x234: {  	v42 =	vadd.s32 v41, v17;
	v7 =	vld.idx.msk [tilespmem:v33+s16+$0x0], $0xffff  }
0x235: {  	v4 =	vld.idx.msk [tilespmem:v36+s16+$0x0], $0xffff;
	v1 =	vadd.s32 v41, v18;
	v2 =	vmul.f32 v2, v12;
	v0 =	vadd.f32 v3, v0  }
0x236: {  	[tilespmem:$0x1FE90] =	vst v44;
	v44 =	vadd.s32 v43, v17;
	v10 =	vld.idx.msk [tilespmem:v37+s15+$0x0], $0xffff  }
0x237: {  	v6 =	vmul.f32 v6, v11;
	v5 =	vld.idx.msk [tilespmem:v39+s16+$0x0], $0xffff;
	v3 =	vadd.s32 v43, v18;
	v0 =	vadd.f32 v2, v0  }
0x238: {  	v46 =	vadd.s32 v45, v17;
	v8 =	vld.idx.msk [tilespmem:v40+s15+$0x0], $0xffff  }
0x239: {  	v7 =	vmul.f32 v7, v9;
	v12 =	vld.idx.msk [tilespmem:v42+s15+$0x0], $0xffff;
	v2 =	vadd.s32 v45, v18;
	v0 =	vadd.f32 v6, v0  }
0x23a: {  	v49 =	vadd.s32 v47, v17;
	v1 =	vld.idx.msk [tilespmem:v1+s16+$0x0], $0xffff  }
0x23b: {  	v48 =	vadd.s32 v47, v18;
	v11 =	vld.idx.msk [tilespmem:v44+s15+$0x0], $0xffff;
	v4 =	vmul.f32 v4, v10;
	v0 =	vadd.f32 v7, v0  }
0x23c: {  	v52 =	vadd.s32 v50, v17;
	v3 =	vld.idx.msk [tilespmem:v3+s16+$0x0], $0xffff  }
0x23d: {  	v51 =	vadd.s32 v50, v18;
	v9 =	vld.idx.msk [tilespmem:v46+s15+$0x0], $0xffff;
	v5 =	vmul.f32 v5, v8;
	v0 =	vadd.f32 v4, v0  }
0x23e: {  	v54 =	vadd.s32 v53, v18;
	v2 =	vld.idx.msk [tilespmem:v2+s16+$0x0], $0xffff  }
0x23f: {  	v55 =	vadd.s32 v53, v17;
	v10 =	vld.idx.msk [tilespmem:v49+s15+$0x0], $0xffff;
	v1 =	vmul.f32 v1, v12;
	v0 =	vadd.f32 v5, v0  }
0x240: {  	[tilespmem:$0x1FED0] =	vst v57;
	v58 =	vadd.s32 v56, v17;
	v6 =	vld.idx.msk [tilespmem:v48+s16+$0x0], $0xffff  }
0x241: {  	v57 =	vadd.s32 v56, v18;
	v8 =	vld.idx.msk [tilespmem:v52+s15+$0x0], $0xffff;
	v3 =	vmul.f32 v3, v11;
	v0 =	vadd.f32 v1, v0  }
0x242: {  	v7 =	vld.idx.msk [tilespmem:v51+s16+$0x0], $0xffff;
	v1 =	vadd.s32 v59, v18  }
0x243: {  	v4 =	vld.idx.msk [tilespmem:v54+s16+$0x0], $0xffff;
	v2 =	vmul.f32 v2, v9;
	v0 =	vadd.f32 v3, v0;
	v3 =	vadd.s32 v59, v17  }
0x244: {  	[tilespmem:$0x1FEE0] =	vst v61;
	v61 =	vadd.s32 v60, v18;
	v12 =	vld.idx.msk [tilespmem:v55+s15+$0x0], $0xffff  }
0x245: {  	v62 =	vld.idx.msk [tilespmem:v58+s15+$0x0], $0xffff;
	v6 =	vmul.f32 v6, v10;
	v0 =	vadd.f32 v2, v0;
	v2 =	vadd.s32 v60, v17  }
0x246: {  	v5 =	vld.idx.msk [tilespmem:v57+s16+$0x0], $0xffff  }
0x247: {  	v7 =	vmul.f32 v7, v8;
	v1 =	vld.idx.msk [tilespmem:v1+s16+$0x0], $0xffff;
	v0 =	vadd.f32 v6, v0  }
0x248: {  	v3 =	vld.idx.msk [tilespmem:v3+s15+$0x0], $0xffff  }
0x249: {  	v63 =	vld.idx.msk [tilespmem:v61+s16+$0x0], $0xffff;
	v4 =	vmul.f32 v4, v12;
	v0 =	vadd.f32 v7, v0  }
0x24a: {  	v2 =	vld.idx.msk [tilespmem:v2+s15+$0x0], $0xffff  }
0x24b: {  	s25 =	sld [smem:$0x7FC];
	v5 =	vmul.f32 v5, v62;
	v0 =	vadd.f32 v4, v0  }
0x24c: {  	s26 =	sld [smem:$0x7FB]  }
0x24d: {  	s28 =	rddreg [dreg:$0x1f];
	v1 =	vmul.f32 v1, v3;
	v0 =	vadd.f32 v5, v0  }
0x24e: {  	s29 =	rddreg [dreg:$0x1e]  }
0x24f: {  	s30 =	rddreg [dreg:$0x1d];
	v2 =	vmul.f32 v63, v2;
	v0 =	vadd.f32 v1, v0  }
0x250: {  	s12 =	rddreg [dreg:$0x1c]  }
0x251: {  	s31 =	rddreg [dreg:$0x1b];
	v0 =	vadd.f32 v2, v0  }
0x252: {  	s0 =	rddreg [dreg:$0x1a]  }
0x253: {  	s24 =	rddreg [dreg:$0x19];
	v0 =	vsub.f32 $0.0e+00, v0  }
0x254: {  	s13 =	rddreg [dreg:$0x18];
	s23 =	simm.s32 $0x10  }
0x255: {  	s14 =	rddreg [dreg:$0x17];
	v1 =	vld [tilespmem:s23+$0x0];
	v0 =	vmul.f32 $1.442695020e+00, v0  }
0x256: {  	s19 =	rddreg [dreg:$0x16]  }
0x257: {  	s5 =	rddreg [dreg:$0x15];
	(erf) = vpow2.f32 v0;
	v0 =	vld [tilespmem:s23+$0x200]  }
0x258: {  	s6 =	rddreg [dreg:$0x14]  }
0x259: {  	s7 =	rddreg [dreg:$0x13]  }
0x25a: {  	s8 =	rddreg [dreg:$0x12];
	v1 =	vshrl.u32 v1, $0x3  }
0x25b: {  	s9 =	rddreg [dreg:$0x11];
	v1 =	vshll.u32 v1, $0x7  }
0x25c: {  	s20 =	rddreg [dreg:$0x10];
	(v2sf) =	vpush v1, $0x0;
	v0 =	vshrl.u32 v0, $0x3  }
0x25d: {  	s11 =	rddreg [dreg:$0xf];
	(v2sf) =	vpush v1, $0x1;
	v2 =	vshll.u32 v0, $0x7  }
0x25e: {  	s10 =	rddreg [dreg:$0xe];
	(v2sf) =	vpush v2, $0x0  }
0x25f: {  	s21 =	rddreg [dreg:$0xc];
	(v2sf) =	vpush v2, $0x1  }
0x260: {  	s1 =	rddreg [dreg:$0xb];
	v0 =	vpop (erf);
	(v2sf) =	vpush v1, $0x2  }
0x261: {  	s2 =	rddreg [dreg:$0xa];
	[tilespmem:$0x1FC40] =	vst v15;
	v0 =	vadd.f32 $1.000000000e+00, v0;
	(v2sf) =	vpush v2, $0x2  }
0x262: {  	[smem:$0x7F2] =	sst s24;
	[tilespmem:$0x1FC70] =	vst v16;
	(v2sf) =	vpush v1, $0x3  }
0x263: {  	s22 =	simm.s32 $0x80;
	s24 =	rddreg [dreg:$0xd];
	[tilespmem:$0x1FEF0] =	vst v14;
	(erf) = vrcp.f32 v0;
	(v2sf) =	vpush v2, $0x3  }
.LBB2_2:
0x264: {  	[smem:$0x7E8] =	sst s31  }
0x265: {  	[smem:$0x7E9] =	sst s30  }
0x266: {  	[smem:$0x7EA] =	sst s29  }
0x267: {  	[smem:$0x7EB] =	sst s28  }
0x268: {  	[smem:$0x7EE] =	sst s23  }
0x269: {  	s3 =	rddreg [dreg:$0x9]  }
0x26a: {  	s31 =	sld [smem:$0x7F3]  }
0x26b: {  	s28 =	rddreg [dreg:$0x7]  }
0x26c: {  	[smem:$0x7EC] =	sst s26  }
0x26d: {  	[smem:$0x7ED] =	sst s25;
	s17 =	smov.u32 s22  }
0x26e: {  	s26 =	sadd.s32 $0x40, s22;
	[smem:$0x7EF] =	sst s17  }
0x26f: {  	[smem:$0x7F0] =	sst s26;
	v0 =	vpop (erf)  }
0x270: {  	s17 =	rddreg [dreg:$0x5];
	s25 =	spop (v2sf);
	(v2sf) =	vpush v1, $0x4;
	v0 =	vmul.f32 $5.000000000e+00, v0  }
0x271: {  	s23 =	sand.u32 $0x1FFFFF80, s25;
	s25 =	rddreg [dreg:$0x8];
	s26 =	spop (v2sf)  }
0x272: {  	s30 =	simm.s32 $0x0;
	s29 =	spop (v2sf);
	(v2sf) =	vpush v2, $0x4;
	[tilespmem:s4+$0x8C00] =	vst v0;
	s4 =	sld [smem:$0x7F4]  }
0x273: {  	s23 =	sadd.s32 s31, s23;
	s29 =	sand.u32 $0x1FFFFF80, s29;
	s18 =	spop (v2sf);
	(v2sf) =	vpush v1, $0x5  }
0x274: {  	[tilespmem:s15], [sflag:$0x1] =	stream.linear.gather [hbm4b:s23+s30], $0x400, $0x38;
	[tilespmem:$0x8E00] =	vst v63  }
0x275: {  	s26 =	sand.u32 $0x1FFFFF80, s26;
	s18 =	sand.u32 $0x1FFFFF80, s18;
	(v2sf) =	vpush v2, $0x5;
	s23 =	sadd.s32 s4, s29  }
0x276: {  	[tilespmem:s16], [sflag:$0x2] =	stream.linear.gather [hbm4b:s23+s30], $0x400, $0x38;
	[tilespmem:$0x8E00] =	vst v63  }
0x277: {  	s29 =	spop (v2sf);
	(v2sf) =	vpush v1, $0x6;
	s23 =	sadd.s32 s31, s26;
	s26 =	rddreg [dreg:$0x6]  }
0x278: {  	[tilespmem:s17], [sflag:$0x1] =	stream.linear.gather [hbm4b:s23+s30], $0x400, $0x38;
	[tilespmem:$0x8E00] =	vst v63  }
0x279: {  	s17 =	sadd.s32 s4, s18;
	s18 =	sand.u32 $0x1FFFFF80, s29;
	s23 =	spop (v2sf);
	(v2sf) =	vpush v2, $0x6  }
0x27a: {  	[tilespmem:s26], [sflag:$0x2] =	stream.linear.gather [hbm4b:s17+s30], $0x400, $0x38;
	[tilespmem:$0x8E00] =	vst v63  }
0x27b: {  	s18 =	sadd.s32 s31, s18;
	s23 =	sand.u32 $0x1FFFFF80, s23;
	s26 =	spop (v2sf);
	(v2sf) =	vpush v1, $0x7  }
0x27c: {  	[tilespmem:s28], [sflag:$0x1] =	stream.linear.gather [hbm4b:s18+s30], $0x400, $0x38;
	[tilespmem:$0x8E00] =	vst v63  }
0x27d: {  	s18 =	sadd.s32 s4, s23;
	s23 =	sand.u32 $0x1FFFFF80, s26;
	s26 =	spop (v2sf);
	(v2sf) =	vpush v2, $0x7  }
0x27e: {  	[tilespmem:s25], [sflag:$0x2] =	stream.linear.gather [hbm4b:s18+s30], $0x400, $0x38;
	[tilespmem:$0x8E00] =	vst v63  }
0x27f: {  	s18 =	sadd.s32 s31, s23;
	s25 =	sand.u32 $0x1FFFFF80, s26;
	s26 =	spop (v2sf);
	(v2sf) =	vpush v1, $0x8  }
0x280: {  	[tilespmem:s3], [sflag:$0x1] =	stream.linear.gather [hbm4b:s18+s30], $0x400, $0x38;
	[tilespmem:$0x8E00] =	vst v63  }
0x281: {  	s18 =	sadd.s32 s4, s25;
	s25 =	sand.u32 $0x1FFFFF80, s26;
	s26 =	spop (v2sf);
	(v2sf) =	vpush v2, $0x8  }
0x282: {  	s23 =	sadd.s32 s31, s25;
	s25 =	sand.u32 $0x1FFFFF80, s26;
	s26 =	spop (v2sf)  }
0x283: {  	(v2sf) =	vpush v1, $0x9;
	[tilespmem:s2], [sflag:$0x2] =	stream.linear.gather [hbm4b:s18+s30], $0x400, $0x38;
	[tilespmem:$0x8E00] =	vst v63  }
0x284: {  	s18 =	spop (v2sf)  }
0x285: {  	(v2sf) =	vpush v2, $0x9;
	[tilespmem:s1], [sflag:$0x1] =	stream.linear.gather [hbm4b:s23+s30], $0x400, $0x38;
	[tilespmem:$0x8E00] =	vst v63  }
0x286: {  	s3 =	sadd.s32 s4, s25;
	s17 =	sand.u32 $0x1FFFFF80, s26;
	s26 =	spop (v2sf)  }
0x287: {  	(v2sf) =	vpush v1, $0xA;
	[tilespmem:s21], [sflag:$0x2] =	stream.linear.gather [hbm4b:s3+s30], $0x400, $0x38;
	[tilespmem:$0x8E00] =	vst v63  }
0x288: {  	s25 =	sand.u32 $0x1FFFFF80, s18;
	s23 =	sadd.s32 s31, s17;
	s17 =	spop (v2sf)  }
0x289: {  	[tilespmem:s24], [sflag:$0x1] =	stream.linear.gather [hbm4b:s23+s30], $0x400, $0x38;
	[tilespmem:$0x8E00] =	vst v63  }
0x28a: {  	s2 =	sadd.s32 s4, s25;
	s3 =	sand.u32 $0x1FFFFF80, s26;
	(v2sf) =	vpush v2, $0xA;
	s23 =	spop (v2sf)  }
0x28b: {  	[tilespmem:s10], [sflag:$0x2] =	stream.linear.gather [hbm4b:s2+s30], $0x400, $0x38;
	[tilespmem:$0x8E00] =	vst v63  }
0x28c: {  	s18 =	sadd.s32 s31, s3;
	s21 =	sand.u32 $0x1FFFFF80, s17;
	(v2sf) =	vpush v1, $0xB;
	s26 =	spop (v2sf)  }
0x28d: {  	[tilespmem:s11], [sflag:$0x1] =	stream.linear.gather [hbm4b:s18+s30], $0x400, $0x38;
	[tilespmem:$0x8E00] =	vst v63  }
0x28e: {  	s24 =	sadd.s32 s4, s21;
	s25 =	sand.u32 $0x1FFFFF80, s23;
	(v2sf) =	vpush v2, $0xB;
	s10 =	spop (v2sf)  }
0x28f: {  	[tilespmem:s20], [sflag:$0x2] =	stream.linear.gather [hbm4b:s24+s30], $0x400, $0x38;
	[tilespmem:$0x8E00] =	vst v63  }
0x290: {  	s2 =	sadd.s32 s31, s25;
	s3 =	sand.u32 $0x1FFFFF80, s26;
	(v2sf) =	vpush v1, $0xC;
	s18 =	spop (v2sf)  }
0x291: {  	[tilespmem:s9], [sflag:$0x1] =	stream.linear.gather [hbm4b:s2+s30], $0x400, $0x38;
	[tilespmem:$0x8E00] =	vst v63  }
0x292: {  	s11 =	sadd.s32 s4, s3;
	s17 =	sand.u32 $0x1FFFFF80, s10;
	(v2sf) =	vpush v2, $0xC;
	s23 =	spop (v2sf)  }
0x293: {  	[tilespmem:s8], [sflag:$0x2] =	stream.linear.gather [hbm4b:s11+s30], $0x400, $0x38;
	[tilespmem:$0x8E00] =	vst v63  }
0x294: {  	s20 =	sadd.s32 s31, s17;
	s21 =	sand.u32 $0x1FFFFF80, s18;
	s26 =	spop (v2sf)  }
0x295: {  	(v2sf) =	vpush v1, $0xD;
	[tilespmem:s7], [sflag:$0x1] =	stream.linear.gather [hbm4b:s20+s30], $0x400, $0x38;
	[tilespmem:$0x8E00] =	vst v63  }
0x296: {  	s24 =	sadd.s32 s4, s21;
	s25 =	sand.u32 $0x1FFFFF80, s23;
	s7 =	spop (v2sf)  }
0x297: {  	(v2sf) =	vpush v2, $0xD;
	[tilespmem:s6], [sflag:$0x2] =	stream.linear.gather [hbm4b:s24+s30], $0x400, $0x38;
	[tilespmem:$0x8E00] =	vst v63  }
0x298: {  	s2 =	sadd.s32 s31, s25;
	s9 =	sand.u32 $0x1FFFFF80, s7;
	s6 =	sand.u32 $0x1FFFFF80, s26  }
0x299: {  	(v2sf) =	vpush v1, $0xE;
	s10 =	spop (v2sf);
	s11 =	sadd.s32 s31, s9;
	s26 =	sld [smem:$0x7F2]  }
0x29a: {  	[tilespmem:s5], [sflag:$0x1] =	stream.linear.gather [hbm4b:s2+s30], $0x400, $0x38;
	[tilespmem:$0x8E00] =	vst v63  }
0x29b: {  	(v2sf) =	vpush v2, $0xE;
	s8 =	sadd.s32 s4, s6;
	s17 =	sand.u32 $0x1FFFFF80, s10;
	s18 =	spop (v2sf)  }
0x29c: {  	[tilespmem:s19], [sflag:$0x2] =	stream.linear.gather [hbm4b:s8+s30], $0x400, $0x38;
	[tilespmem:$0x8E00] =	vst v63  }
0x29d: {  	s20 =	sand.u32 $0x1FFFFF80, s18;
	s19 =	sadd.s32 s4, s17;
	s21 =	spop (v2sf)  }
0x29e: {  	[tilespmem:s14], [sflag:$0x1] =	stream.linear.gather [hbm4b:s11+s30], $0x400, $0x38;
	[tilespmem:$0x8E00] =	vst v63  }
0x29f: {  	(v2sf) =	vpush v1, $0xF;
	s23 =	sadd.s32 s31, s20;
	s24 =	sand.u32 $0x1FFFFF80, s21;
	s25 =	spop (v2sf)  }
0x2a0: {  	[tilespmem:s13], [sflag:$0x2] =	stream.linear.gather [hbm4b:s19+s30], $0x400, $0x38;
	[tilespmem:$0x8E00] =	vst v63  }
0x2a1: {  	(v2sf) =	vpush v2, $0xF;
	s21 =	sld [smem:$0x7E9];
	s5 =	sadd.s32 s4, s24;
	s7 =	spop (v2sf)  }
0x2a2: {  	s11 =	sld [smem:$0x7E8];
	s6 =	sand.u32 $0x1FFFFF80, s25;
	s9 =	sand.u32 $0x1FFFFF80, s7  }
0x2a3: {  	[tilespmem:s26], [sflag:$0x1] =	stream.linear.gather [hbm4b:s23+s30], $0x400, $0x38;
	[tilespmem:$0x8E00] =	vst v63  }
0x2a4: {  	s8 =	sadd.s32 s31, s6;
	s10 =	spop (v2sf);
	s13 =	sadd.s32 s4, s9  }
0x2a5: {  	[tilespmem:s0], [sflag:$0x2] =	stream.linear.gather [hbm4b:s5+s30], $0x400, $0x38;
	[tilespmem:$0x8E00] =	vst v63  }
0x2a6: {  	s14 =	sand.u32 $0x1FFFFF80, s10;
	s17 =	spop (v2sf);
	s26 =	sld [smem:$0x7EA]  }
0x2a7: {  	[tilespmem:s11], [sflag:$0x1] =	stream.linear.gather [hbm4b:s8+s30], $0x400, $0x38;
	[tilespmem:$0x8E00] =	vst v63  }
0x2a8: {  	s18 =	sadd.s32 s31, s14;
	s19 =	sand.u32 $0x1FFFFF80, s17;
	s20 =	spop (v2sf)  }
0x2a9: {  	[tilespmem:s12], [sflag:$0x2] =	stream.linear.gather [hbm4b:s13+s30], $0x400, $0x38;
	[tilespmem:$0x8E00] =	vst v63  }
0x2aa: {  	s23 =	sadd.s32 s4, s19;
	s24 =	sand.u32 $0x1FFFFF80, s20;
	s25 =	spop (v2sf)  }
0x2ab: {  	[tilespmem:s21], [sflag:$0x1] =	stream.linear.gather [hbm4b:s18+s30], $0x400, $0x38;
	[tilespmem:$0x8E00] =	vst v63  }
0x2ac: {  	s8 =	sld [smem:$0x7EB];
	s5 =	sadd.s32 s31, s24;
	s6 =	sand.u32 $0x1FFFFF80, s25  }
0x2ad: {  	[tilespmem:s26], [sflag:$0x2] =	stream.linear.gather [hbm4b:s23+s30], $0x400, $0x38;
	[tilespmem:$0x8E00] =	vst v63  }
0x2ae: {  	s12 =	sld [smem:$0x7EC];
	s7 =	spop (v2sf);
	s9 =	sadd.s32 s4, s6  }
0x2af: {  	[tilespmem:s8], [sflag:$0x1] =	stream.linear.gather [hbm4b:s5+s30], $0x400, $0x38;
	[tilespmem:$0x8E00] =	vst v63  }
0x2b0: {  	s10 =	sand.u32 $0x1FFFFF80, s7;
	s18 =	sld [smem:$0x7ED];
	s11 =	spop (v2sf)  }
0x2b1: {  	[tilespmem:s12], [sflag:$0x2] =	stream.linear.gather [hbm4b:s9+s30], $0x400, $0x38;
	[tilespmem:$0x8E00] =	vst v63  }
0x2b2: {  	s17 =	sld [smem:$0x7FD];
	s13 =	sadd.s32 s31, s10;
	s14 =	sand.u32 $0x1FFFFF80, s11  }
0x2b3: {  	[tilespmem:s18], [sflag:$0x1] =	stream.linear.gather [hbm4b:s13+s30], $0x400, $0x38;
	[tilespmem:$0x8E00] =	vst v63  }
0x2b4: {  	s21 =	simm.s32 $0x1;
	s19 =	sadd.s32 s4, s14  }
0x2b5: {  	[tilespmem:s17], [sflag:$0x2] =	stream.linear.gather [hbm4b:s19+s30], $0x400, $0x38;
	[tilespmem:$0x8E00] =	vst v63  }
0x2b6: {  	s20 =	sld [smem:$0x7EE];
	_ =	swait.ge [sflag:s21], $0x400  }
0x2b7: {  	[sflag:s21] =	ssyncset.done $0x0  }
0x2b8: {  	p0 =	sne.s32 s22, $0x7C0;
	s22 =	simm.s32 $0x2;
	[sflag:s21] =	ssyncadd.s32 $0xFFFFFC00  }
0x2b9: {  	_ =	swait.ge [sflag:s22], $0x400  }
0x2ba: {  	[sflag:s22] =	ssyncset.done $0x0  }
0x2bb: {  	[sflag:s22] =	ssyncadd.s32 $0xFFFFFC00  }
0x2bc: {  	_ =	swait.ge [sflag:s21], $0x400  }
0x2bd: {  	[sflag:s21] =	ssyncset.done $0x0  }
0x2be: {  	[sflag:s21] =	ssyncadd.s32 $0xFFFFFC00  }
0x2bf: {  	_ =	swait.ge [sflag:s22], $0x400  }
0x2c0: {  	[sflag:s22] =	ssyncset.done $0x0  }
0x2c1: {  	[sflag:s22] =	ssyncadd.s32 $0xFFFFFC00  }
0x2c2: {  	_ =	swait.ge [sflag:s21], $0x400  }
0x2c3: {  	[sflag:s21] =	ssyncset.done $0x0  }
0x2c4: {  	[sflag:s21] =	ssyncadd.s32 $0xFFFFFC00  }
0x2c5: {  	_ =	swait.ge [sflag:s22], $0x400  }
0x2c6: {  	[sflag:s22] =	ssyncset.done $0x0  }
0x2c7: {  	[sflag:s22] =	ssyncadd.s32 $0xFFFFFC00  }
0x2c8: {  	_ =	swait.ge [sflag:s21], $0x400  }
0x2c9: {  	[sflag:s21] =	ssyncset.done $0x0  }
0x2ca: {  	[sflag:s21] =	ssyncadd.s32 $0xFFFFFC00  }
0x2cb: {  	_ =	swait.ge [sflag:s22], $0x400  }
0x2cc: {  	[sflag:s22] =	ssyncset.done $0x0  }
0x2cd: {  	[sflag:s22] =	ssyncadd.s32 $0xFFFFFC00  }
0x2ce: {  	_ =	swait.ge [sflag:s21], $0x400  }
0x2cf: {  	[sflag:s21] =	ssyncset.done $0x0  }
0x2d0: {  	[sflag:s21] =	ssyncadd.s32 $0xFFFFFC00  }
0x2d1: {  	_ =	swait.ge [sflag:s22], $0x400  }
0x2d2: {  	[sflag:s22] =	ssyncset.done $0x0  }
0x2d3: {  	[sflag:s22] =	ssyncadd.s32 $0xFFFFFC00  }
0x2d4: {  	_ =	swait.ge [sflag:s21], $0x400  }
0x2d5: {  	[sflag:s21] =	ssyncset.done $0x0  }
0x2d6: {  	[sflag:s21] =	ssyncadd.s32 $0xFFFFFC00  }
0x2d7: {  	_ =	swait.ge [sflag:s22], $0x400  }
0x2d8: {  	[sflag:s22] =	ssyncset.done $0x0  }
0x2d9: {  	[sflag:s22] =	ssyncadd.s32 $0xFFFFFC00  }
0x2da: {  	_ =	swait.ge [sflag:s21], $0x400  }
0x2db: {  	[sflag:s21] =	ssyncset.done $0x0  }
0x2dc: {  	[sflag:s21] =	ssyncadd.s32 $0xFFFFFC00  }
0x2dd: {  	_ =	swait.ge [sflag:s22], $0x400  }
0x2de: {  	[sflag:s22] =	ssyncset.done $0x0  }
0x2df: {  	[sflag:s22] =	ssyncadd.s32 $0xFFFFFC00  }
0x2e0: {  	_ =	swait.ge [sflag:s21], $0x400  }
0x2e1: {  	[sflag:s21] =	ssyncset.done $0x0  }
0x2e2: {  	[sflag:s21] =	ssyncadd.s32 $0xFFFFFC00  }
0x2e3: {  	_ =	swait.ge [sflag:s22], $0x400  }
0x2e4: {  	[sflag:s22] =	ssyncset.done $0x0  }
0x2e5: {  	[sflag:s22] =	ssyncadd.s32 $0xFFFFFC00  }
0x2e6: {  	_ =	swait.ge [sflag:s21], $0x400  }
0x2e7: {  	[sflag:s21] =	ssyncset.done $0x0  }
0x2e8: {  	[sflag:s21] =	ssyncadd.s32 $0xFFFFFC00  }
0x2e9: {  	_ =	swait.ge [sflag:s22], $0x400  }
0x2ea: {  	[sflag:s22] =	ssyncset.done $0x0  }
0x2eb: {  	[sflag:s22] =	ssyncadd.s32 $0xFFFFFC00  }
0x2ec: {  	_ =	swait.ge [sflag:s21], $0x400  }
0x2ed: {  	[sflag:s21] =	ssyncset.done $0x0  }
0x2ee: {  	[sflag:s21] =	ssyncadd.s32 $0xFFFFFC00  }
0x2ef: {  	_ =	swait.ge [sflag:s22], $0x400  }
0x2f0: {  	[sflag:s22] =	ssyncset.done $0x0  }
0x2f1: {  	[sflag:s22] =	ssyncadd.s32 $0xFFFFFC00  }
0x2f2: {  	_ =	swait.ge [sflag:s21], $0x400  }
0x2f3: {  	[sflag:s21] =	ssyncset.done $0x0  }
0x2f4: {  	[sflag:s21] =	ssyncadd.s32 $0xFFFFFC00  }
0x2f5: {  	_ =	swait.ge [sflag:s22], $0x400  }
0x2f6: {  	[sflag:s22] =	ssyncset.done $0x0  }
0x2f7: {  	[sflag:s22] =	ssyncadd.s32 $0xFFFFFC00  }
0x2f8: {  	_ =	swait.ge [sflag:s21], $0x400  }
0x2f9: {  	[sflag:s21] =	ssyncset.done $0x0  }
0x2fa: {  	[sflag:s21] =	ssyncadd.s32 $0xFFFFFC00  }
0x2fb: {  	_ =	swait.ge [sflag:s22], $0x400  }
0x2fc: {  	[sflag:s22] =	ssyncset.done $0x0  }
0x2fd: {  	[sflag:s22] =	ssyncadd.s32 $0xFFFFFC00  }
0x2fe: {  	_ =	swait.ge [sflag:s21], $0x400  }
0x2ff: {  	[sflag:s21] =	ssyncset.done $0x0  }
0x300: {  	[sflag:s21] =	ssyncadd.s32 $0xFFFFFC00  }
0x301: {  	_ =	swait.ge [sflag:s22], $0x400  }
0x302: {  	[sflag:s22] =	ssyncset.done $0x0  }
0x303: {  	[sflag:s22] =	ssyncadd.s32 $0xFFFFFC00  }
0x304: {  	_ =	swait.ge [sflag:s21], $0x400  }
0x305: {  	[sflag:s21] =	ssyncset.done $0x0  }
0x306: {  	[sflag:s21] =	ssyncadd.s32 $0xFFFFFC00  }
0x307: {  	_ =	swait.ge [sflag:s22], $0x400  }
0x308: {  	[sflag:s22] =	ssyncset.done $0x0  }
0x309: {  	[sflag:s22] =	ssyncadd.s32 $0xFFFFFC00  }
0x30a: {  	_ =	swait.ge [sflag:s21], $0x400  }
0x30b: {  	[sflag:s21] =	ssyncset.done $0x0  }
0x30c: {  	[sflag:s21] =	ssyncadd.s32 $0xFFFFFC00  }
0x30d: {  	_ =	swait.ge [sflag:s22], $0x400  }
0x30e: {  	[sflag:s22] =	ssyncset.done $0x0  }
0x30f: {  	[sflag:s22] =	ssyncadd.s32 $0xFFFFFC00  }
0x310: {  	_ =	swait.ge [sflag:s21], $0x400  }
0x311: {  	[sflag:s21] =	ssyncset.done $0x0  }
0x312: {  	[sflag:s21] =	ssyncadd.s32 $0xFFFFFC00  }
0x313: {  	_ =	swait.ge [sflag:s22], $0x400  }
0x314: {  	[sflag:s22] =	ssyncset.done $0x0  }
0x315: {  	s4 =	smov.u32 s20;
	v6 =	vld [tilespmem:$0x1FF00];
	[sflag:s22] =	ssyncadd.s32 $0xFFFFFC00  }
0x316: {  	v0 =	vld [tilespmem:s4+$0x400]  }
0x317: {  	v2 =	vld [tilespmem:s4+$0x600];
	_ =	sdelay $0x3  }
0x318: {  	v1 =	vshll.u32 v0, $0x7  }
0x319: {  	v2 =	vshll.u32 v2, $0x7;
	v0 =	vadd.s32 v6, v1  }
0x31a: {  	v6 =	vadd.s32 v6, v2;
	_ =	sdelay $0x1  }
0x31b: {  	v3 =	vld [tilespmem:s4+$0x8800]  }
0x31c: {  	v4 =	vld [tilespmem:s4+$0x8A00]  }
0x31d: {  	v0 =	vld.idx.msk [tilespmem:v0+s15+$0x0], $0xffff  }
0x31e: {  	v6 =	vld.idx.msk [tilespmem:v6+s16+$0x0], $0xffff  }
0x31f: {  	v7 =	vld [tilespmem:$0x1FC00]  }
0x320: {  	v9 =	vld [tilespmem:$0x1FC10]  }
0x321: {  	v11 =	vld [tilespmem:$0x1FC20]  }
0x322: {  	v13 =	vld [tilespmem:$0x1FC30]  }
0x323: {  	v15 =	vld [tilespmem:$0x1FC40];
	v3 =	vadd.f32 v4, v3;
	v0 =	vmul.f32 v6, v0  }
0x324: {  	v54 =	vld [tilespmem:$0x1FCA0]  }
0x325: {  	v63 =	vadd.f32 v0, v3;
	v0 =	vld [tilespmem:$0x1FD40]  }
0x326: {  	v16 =	vld [tilespmem:$0x1FC50];
	v5 =	vadd.s32 v7, v1;
	v7 =	vadd.s32 v7, v2  }
0x327: {  	v55 =	vld [tilespmem:$0x1FCB0]  }
0x328: {  	v56 =	vld [tilespmem:$0x1FCC0];
	v10 =	vadd.s32 v11, v1;
	v11 =	vadd.s32 v11, v2  }
0x329: {  	v57 =	vld [tilespmem:$0x1FCD0];
	v36 =	vadd.s32 v54, v1  }
0x32a: {  	v37 =	vadd.s32 v54, v2;
	v24 =	vadd.s32 v0, v2;
	v54 =	vadd.s32 v0, v1;
	v0 =	vld [tilespmem:$0x1FD50]  }
0x32b: {  	v7 =	vld.idx.msk [tilespmem:v7+s16+$0x0], $0xffff  }
0x32c: {  	v5 =	vld.idx.msk [tilespmem:v5+s15+$0x0], $0xffff  }
0x32d: {  	v8 =	vadd.s32 v9, v2;
	v11 =	vld.idx.msk [tilespmem:v11+s16+$0x0], $0xffff  }
0x32e: {  	v38 =	vadd.s32 v55, v2;
	v39 =	vadd.s32 v55, v1;
	v40 =	vadd.s32 v56, v1;
	v10 =	vld.idx.msk [tilespmem:v10+s15+$0x0], $0xffff  }
0x32f: {  	v41 =	vadd.s32 v56, v2;
	v55 =	vadd.s32 v0, v2;
	v56 =	vadd.s32 v0, v1;
	v0 =	vld [tilespmem:$0x1FD60]  }
0x330: {  	v22 =	vld [tilespmem:$0x1FC80];
	v9 =	vadd.s32 v9, v1  }
0x331: {  	v58 =	vld [tilespmem:$0x1FCE0];
	v12 =	vadd.s32 v13, v1;
	v13 =	vadd.s32 v13, v2  }
0x332: {  	v59 =	vld [tilespmem:$0x1FCF0];
	v51 =	vadd.s32 v16, v2;
	v16 =	vadd.s32 v16, v1  }
0x333: {  	v42 =	vadd.s32 v57, v1;
	v43 =	vadd.s32 v57, v2;
	v8 =	vld.idx.msk [tilespmem:v8+s16+$0x0], $0xffff;
	v5 =	vmul.f32 v7, v5  }
0x334: {  	v7 =	vmul.f32 v11, v10;
	v57 =	vadd.s32 v0, v2;
	v11 =	vadd.s32 v0, v1;
	v0 =	vld [tilespmem:$0x1FD70]  }
0x335: {  	v9 =	vld.idx.msk [tilespmem:v9+s15+$0x0], $0xffff  }
0x336: {  	v13 =	vld.idx.msk [tilespmem:v13+s16+$0x0], $0xffff  }
0x337: {  	v12 =	vld.idx.msk [tilespmem:v12+s15+$0x0], $0xffff  }
0x338: {  	v44 =	vadd.s32 v58, v2;
	v49 =	vld.idx.msk [tilespmem:v16+s15+$0x0], $0xffff  }
0x339: {  	v46 =	vadd.s32 v58, v1;
	v16 =	vadd.s32 v0, v2;
	v58 =	vadd.s32 v0, v1;
	v0 =	vld [tilespmem:$0x1FD80];
	_ =	sdelay $0x2  }
0x33a: {  	v18 =	vld [tilespmem:$0x1FC60];
	v14 =	vadd.s32 v15, v2;
	v21 =	vadd.s32 v22, v2;
	v33 =	vadd.s32 v22, v1  }
0x33b: {  	v20 =	vld [tilespmem:$0x1FC70];
	v31 =	vadd.s32 v59, v1;
	v22 =	vadd.s32 v59, v2;
	v8 =	vmul.f32 v8, v9  }
0x33c: {  	v9 =	vmul.f32 v13, v12;
	v59 =	vadd.s32 v0, v2;
	v12 =	vadd.s32 v0, v1;
	v0 =	vld [tilespmem:$0x1FD90];
	_ =	sdelay $0x2  }
0x33d: {  	v17 =	vadd.s32 v18, v1  }
0x33e: {  	v19 =	vadd.s32 v20, v1;
	v20 =	vadd.s32 v20, v2;
	v45 =	vld.idx.msk [tilespmem:v14+s16+$0x0], $0xffff  }
0x33f: {  	v13 =	vadd.s32 v0, v2;
	v14 =	vadd.s32 v0, v1;
	v0 =	vld [tilespmem:$0x1FDA0]  }
0x340: {  	v60 =	vld [tilespmem:$0x1FD10]  }
0x341: {  	v48 =	vld.idx.msk [tilespmem:v51+s16+$0x0], $0xffff  }
0x342: {  	v51 =	vld.idx.msk [tilespmem:v17+s15+$0x0], $0xffff  }
0x343: {  	v52 =	vld.idx.msk [tilespmem:v20+s16+$0x0], $0xffff;
	v6 =	vadd.f32 v5, v63  }
0x344: {  	v20 =	vadd.s32 v0, v2;
	v17 =	vadd.s32 v0, v1;
	v0 =	vld [tilespmem:$0x1FDB0]  }
0x345: {  	v8 =	vadd.f32 v8, v6  }
0x346: {  	v50 =	vadd.s32 v15, v1  }
0x347: {  	v18 =	vadd.s32 v18, v2;
	v15 =	vadd.f32 v7, v8  }
0x348: {  	v53 =	vld [tilespmem:$0x1FC90];
	v29 =	vadd.s32 v60, v2;
	v28 =	vadd.s32 v60, v1  }
0x349: {  	v6 =	vadd.f32 v9, v15;
	v60 =	vadd.s32 v0, v2;
	v15 =	vadd.s32 v0, v1;
	v0 =	vld [tilespmem:$0x1FDC0]  }
0x34a: {  	v61 =	vld [tilespmem:$0x1FD20]  }
0x34b: {  	v47 =	vld.idx.msk [tilespmem:v50+s15+$0x0], $0xffff  }
0x34c: {  	v50 =	vld.idx.msk [tilespmem:v18+s16+$0x0], $0xffff  }
0x34d: {  	v34 =	vadd.s32 v53, v1;
	v35 =	vadd.s32 v53, v2;
	v53 =	vld.idx.msk [tilespmem:v21+s16+$0x0], $0xffff  }
0x34e: {  	v21 =	vadd.s32 v0, v2;
	v18 =	vadd.s32 v0, v1;
	v0 =	vld [tilespmem:$0x1FDD0];
	_ =	sdelay $0x3  }
0x34f: {  	v27 =	vadd.s32 v61, v2;
	v10 =	vld.idx.msk [tilespmem:v19+s15+$0x0], $0xffff  }
0x350: {  	v25 =	vadd.s32 v61, v1;
	v61 =	vadd.s32 v0, v2;
	v19 =	vadd.s32 v0, v1;
	v0 =	vld [tilespmem:$0x1FDE0];
	_ =	sdelay $0x4  }
0x351: {  	v9 =	vmul.f32 v50, v51;
	v63 =	vadd.s32 v0, v2;
	v50 =	vadd.s32 v0, v1;
	v0 =	vld [tilespmem:$0x1FDF0];
	_ =	sdelay $0x1  }
0x352: {  	v23 =	vld [tilespmem:$0x1FD00]  }
0x353: {  	v62 =	vld [tilespmem:$0x1FD30]  }
0x354: {  	v7 =	vld.idx.msk [tilespmem:v33+s15+$0x0], $0xffff  }
0x355: {  	v51 =	vadd.s32 v0, v2;
	v33 =	vadd.s32 v0, v1;
	v0 =	vld [tilespmem:$0x1FE00];
	_ =	sdelay $0x3  }
0x356: {  	v30 =	vadd.s32 v23, v1;
	v32 =	vadd.s32 v23, v2;
	v23 =	vadd.s32 v62, v2  }
0x357: {  	v26 =	vadd.s32 v62, v1;
	v3 =	vadd.s32 v0, v2;
	v62 =	vadd.s32 v0, v1;
	v0 =	vld [tilespmem:$0x1FE10];
	_ =	sdelay $0x3  }
0x358: {  	v45 =	vmul.f32 v45, v47  }
0x359: {  	v47 =	vmul.f32 v52, v10;
	[tilespmem:$0x1FAA0] =	vst v3;
	v3 =	vadd.s32 v0, v2;
	v52 =	vadd.s32 v0, v1;
	v0 =	vld [tilespmem:$0x1FE20];
	_ =	sdelay $0x3  }
0x35a: {  	v48 =	vmul.f32 v48, v49;
	v8 =	vadd.f32 v45, v6  }
0x35b: {  	[tilespmem:$0x1FAB0] =	vst v3;
	v3 =	vadd.s32 v0, v2;
	v49 =	vadd.s32 v0, v1;
	v0 =	vld [tilespmem:$0x1FE30]  }
0x35c: {  	v48 =	vadd.f32 v48, v8;
	_ =	sdelay $0x1  }
0x35d: {  	v35 =	vld.idx.msk [tilespmem:v35+s16+$0x0], $0xffff;
	v45 =	vadd.f32 v9, v48  }
0x35e: {  	v34 =	vld.idx.msk [tilespmem:v34+s15+$0x0], $0xffff;
	v10 =	vmul.f32 v53, v7  }
0x35f: {  	v45 =	vadd.f32 v47, v45;
	v53 =	vadd.s32 v0, v2;
	v47 =	vadd.s32 v0, v1;
	v0 =	vld [tilespmem:$0x1FE40];
	_ =	sdelay $0x4  }
0x360: {  	v35 =	vmul.f32 v35, v34;
	[tilespmem:$0x1FAC0] =	vst v3;
	v3 =	vadd.s32 v0, v2;
	v34 =	vadd.s32 v0, v1;
	v0 =	vld [tilespmem:$0x1FE50];
	_ =	sdelay $0x3  }
0x361: {  	v37 =	vld.idx.msk [tilespmem:v37+s16+$0x0], $0xffff  }
0x362: {  	v36 =	vld.idx.msk [tilespmem:v36+s15+$0x0], $0xffff;
	[tilespmem:$0x1FAD0] =	vst v3;
	v3 =	vadd.s32 v0, v2  }
0x363: {  	[tilespmem:$0x1FAE0] =	vst v3;
	v3 =	vld.idx.msk [tilespmem:v43+s16+$0x0], $0xffff  }
0x364: {  	v43 =	vadd.s32 v0, v1;
	v0 =	vld [tilespmem:$0x1FE60];
	_ =	sdelay $0x3  }
0x365: {  	v37 =	vmul.f32 v37, v36  }
0x366: {  	v8 =	vadd.f32 v10, v45;
	v45 =	vadd.s32 v0, v2;
	v36 =	vadd.s32 v0, v1;
	v0 =	vld [tilespmem:$0x1FE70]  }
0x367: {  	v38 =	vld.idx.msk [tilespmem:v38+s16+$0x0], $0xffff  }
0x368: {  	v39 =	vld.idx.msk [tilespmem:v39+s15+$0x0], $0xffff  }
0x369: {  	v40 =	vld.idx.msk [tilespmem:v40+s15+$0x0], $0xffff  }
0x36a: {  	v10 =	vld [tilespmem:$0x1FE90]  }
0x36b: {  	v9 =	vadd.s32 v0, v2;
	v48 =	vadd.s32 v0, v1;
	v0 =	vld [tilespmem:$0x1FE80]  }
0x36c: {  	v4 =	vld.idx.msk [tilespmem:v42+s15+$0x0], $0xffff  }
0x36d: {  	v7 =	vld.idx.msk [tilespmem:v41+s16+$0x0], $0xffff  }
0x36e: {  	v38 =	vmul.f32 v38, v39;
	v6 =	vld.idx.msk [tilespmem:v46+s15+$0x0], $0xffff;
	v42 =	vadd.f32 v35, v8  }
0x36f: {  	v41 =	vadd.s32 v10, v2;
	[tilespmem:$0x1FAF0] =	vst v9;
	v9 =	vld.idx.msk [tilespmem:v44+s16+$0x0], $0xffff;
	v44 =	vadd.s32 v10, v1  }
0x370: {  	v10 =	vld [tilespmem:$0x1FED0];
	v35 =	vadd.s32 v0, v2;
	v46 =	vadd.s32 v0, v1;
	v0 =	vadd.f32 v37, v42;
	_ =	sdelay $0x1  }
0x371: {  	v7 =	vmul.f32 v7, v40;
	v0 =	vadd.f32 v38, v0  }
0x372: {  	v8 =	vld.idx.msk [tilespmem:v30+s15+$0x0], $0xffff  }
0x373: {  	v0 =	vadd.f32 v7, v0;
	v7 =	vld.idx.msk [tilespmem:v29+s16+$0x0], $0xffff  }
0x374: {  	v30 =	vadd.s32 v10, v2;
	v29 =	vadd.s32 v10, v1;
	v10 =	vld [tilespmem:$0x1FEE0];
	_ =	sdelay $0x3  }
0x375: {  	v22 =	vld.idx.msk [tilespmem:v22+s16+$0x0], $0xffff  }
0x376: {  	v5 =	vld.idx.msk [tilespmem:v31+s15+$0x0], $0xffff;
	v3 =	vmul.f32 v3, v4;
	v4 =	vadd.s32 v10, v2  }
0x377: {  	[tilespmem:$0x1FB00] =	vst v4;
	v4 =	vmul.f32 v9, v6;
	v9 =	vld.idx.msk [tilespmem:v28+s15+$0x0], $0xffff  }
0x378: {  	v28 =	vadd.s32 v10, v1;
	v10 =	vld [tilespmem:$0x1FEF0];
	_ =	sdelay $0x1  }
0x379: {  	v3 =	vadd.f32 v3, v0;
	v0 =	vld [tilespmem:$0x1FF10];
	_ =	sdelay $0x2  }
0x37a: {  	v22 =	vmul.f32 v22, v5;
	v5 =	vld.idx.msk [tilespmem:v25+s15+$0x0], $0xffff;
	v6 =	vadd.s32 v10, v2  }
0x37b: {  	[tilespmem:$0x1FB10] =	vst v6;
	v6 =	vld.idx.msk [tilespmem:v27+s16+$0x0], $0xffff  }
0x37c: {  	v25 =	vadd.s32 v0, v1;
	v27 =	vadd.s32 v10, v1;
	v10 =	vadd.s32 v0, v2;
	v0 =	vld [tilespmem:$0x1FF20];
	_ =	sdelay $0x4  }
0x37d: {  	v32 =	vld.idx.msk [tilespmem:v32+s16+$0x0], $0xffff;
	[tilespmem:$0x1FB20] =	vst v10;
	v10 =	vadd.s32 v0, v2  }
0x37e: {  	[tilespmem:$0x1FB30] =	vst v10;
	v10 =	vld.idx.msk [tilespmem:v23+s16+$0x0], $0xffff  }
0x37f: {  	v23 =	vadd.s32 v0, v1;
	v0 =	vld [tilespmem:$0x1FF30];
	_ =	sdelay $0x3  }
0x380: {  	v8 =	vmul.f32 v32, v8;
	v32 =	vld.idx.msk [tilespmem:v26+s15+$0x0], $0xffff  }
0x381: {  	v4 =	vadd.f32 v4, v3;
	v3 =	vadd.s32 v0, v2;
	v26 =	vadd.s32 v0, v1;
	v0 =	vld [tilespmem:$0x1FF40];
	_ =	sdelay $0x3  }
0x382: {  	v22 =	vadd.f32 v22, v4;
	v4 =	vld.idx.msk [tilespmem:v24+s16+$0x0], $0xffff  }
0x383: {  	[tilespmem:$0x1FB40] =	vst v3;
	v3 =	vadd.s32 v0, v2;
	v24 =	vadd.s32 v0, v1;
	v0 =	vld [tilespmem:$0x1FF50];
	_ =	sdelay $0x4  }
0x384: {  	v9 =	vmul.f32 v7, v9;
	[tilespmem:$0x1FB50] =	vst v3;
	v3 =	vadd.s32 v0, v2;
	v7 =	vadd.s32 v0, v1;
	v0 =	vld [tilespmem:$0x1FF60];
	_ =	sdelay $0x4  }
0x385: {  	[tilespmem:$0x1FB60] =	vst v3;
	v3 =	vadd.s32 v0, v2;
	v0 =	vadd.s32 v0, v1  }
0x386: {  	[tilespmem:$0x1FB80] =	vst v0;
	v0 =	vld [tilespmem:$0x1FF70]  }
0x387: {  	v54 =	vld.idx.msk [tilespmem:v54+s15+$0x0], $0xffff  }
0x388: {  	v40 =	vld [tilespmem:$0x1FEB0];
	v8 =	vadd.f32 v8, v22  }
0x389: {  	v12 =	vld.idx.msk [tilespmem:v12+s15+$0x0], $0xffff  }
0x38a: {  	v22 =	vld.idx.msk [tilespmem:v55+s16+$0x0], $0xffff;
	v8 =	vadd.f32 v9, v8  }
0x38b: {  	v9 =	vld.idx.msk [tilespmem:v57+s16+$0x0], $0xffff;
	[tilespmem:$0x1FB70] =	vst v3;
	v3 =	vadd.s32 v0, v2;
	v0 =	vadd.s32 v0, v1  }
0x38c: {  	[tilespmem:$0x1FBA0] =	vst v0;
	v0 =	vld [tilespmem:$0x1FF80]  }
0x38d: {  	v57 =	vld [tilespmem:$0x1FF90]  }
0x38e: {  	v55 =	vld [tilespmem:$0x1FFA0];
	[tilespmem:$0x1FB90] =	vst v3;
	v3 =	vmul.f32 v6, v5  }
0x38f: {  	v6 =	vld.idx.msk [tilespmem:v56+s15+$0x0], $0xffff  }
0x390: {  	v3 =	vadd.f32 v3, v8;
	v8 =	vld.idx.msk [tilespmem:v16+s16+$0x0], $0xffff  }
0x391: {  	v16 =	vld [tilespmem:$0x1FFB0];
	v56 =	vadd.s32 v0, v2;
	v0 =	vadd.s32 v0, v1  }
0x392: {  	v42 =	vld [tilespmem:$0x1FEA0];
	[tilespmem:$0x1FBC0] =	vst v0;
	v0 =	vadd.s32 v57, v2  }
0x393: {  	[tilespmem:$0x1FBD0] =	vst v0;
	v0 =	vmul.f32 v10, v32;
	v10 =	vld.idx.msk [tilespmem:v11+s15+$0x0], $0xffff  }
0x394: {  	v5 =	vadd.s32 v57, v1;
	v11 =	vld.idx.msk [tilespmem:v58+s15+$0x0], $0xffff  }
0x395: {  	[tilespmem:$0x1FBE0] =	vst v5;
	v5 =	vadd.s32 v55, v1;
	v32 =	vld [tilespmem:$0x1FFC0]  }
0x396: {  	v57 =	vadd.s32 v55, v2;
	v55 =	vadd.s32 v16, v2;
	v58 =	vadd.s32 v16, v1;
	v16 =	vld [tilespmem:$0x1FFD0]  }
0x397: {  	v0 =	vadd.f32 v0, v3;
	v3 =	vld.idx.msk [tilespmem:v59+s16+$0x0], $0xffff  }
0x398: {  	v59 =	vld [tilespmem:$0x1FFE0]  }
0x399: {  	v38 =	vld [tilespmem:$0x1FEC0];
	v4 =	vmul.f32 v4, v54  }
0x39a: {  	v7 =	vld.idx.msk [tilespmem:v7+s15+$0x0], $0xffff;
	v6 =	vmul.f32 v22, v6;
	[tilespmem:$0x1FBB0] =	vst v56  }
0x39b: {  	v0 =	vadd.f32 v4, v0;
	v4 =	vld.idx.msk [tilespmem:v13+s16+$0x0], $0xffff;
	v54 =	vadd.s32 v32, v2;
	v56 =	vadd.s32 v32, v1  }
0x39c: {  	v32 =	vadd.s32 v16, v2;
	v22 =	vadd.s32 v16, v1;
	v9 =	vmul.f32 v9, v10;
	v10 =	vld.idx.msk [tilespmem:v14+s15+$0x0], $0xffff  }
0x39d: {  	v0 =	vadd.f32 v6, v0;
	v16 =	vadd.s32 v59, v2;
	v13 =	vadd.s32 v59, v1;
	v59 =	vld [tilespmem:$0x1FFF0]  }
0x39e: {  	v8 =	vmul.f32 v8, v11;
	v11 =	vld.idx.msk [tilespmem:v17+s15+$0x0], $0xffff  }
0x39f: {  	v37 =	vadd.s32 v40, v2;
	v17 =	vld.idx.msk [tilespmem:v18+s15+$0x0], $0xffff;
	v0 =	vadd.f32 v9, v0  }
0x3a0: {  	v40 =	vadd.s32 v40, v1;
	v39 =	vadd.s32 v42, v2;
	v42 =	vadd.s32 v42, v1;
	v6 =	vld.idx.msk [tilespmem:v20+s16+$0x0], $0xffff  }
0x3a1: {  	v31 =	vadd.s32 v38, v2;
	v20 =	vld.idx.msk [tilespmem:v60+s16+$0x0], $0xffff;
	v3 =	vmul.f32 v3, v12;
	v0 =	vadd.f32 v8, v0  }
0x3a2: {  	v38 =	vadd.s32 v38, v1;
	v2 =	vadd.s32 v59, v2;
	v1 =	vadd.s32 v59, v1;
	v59 =	vld.idx.msk [tilespmem:v15+s15+$0x0], $0xffff  }
0x3a3: {  	v18 =	vld.idx.msk [tilespmem:v19+s15+$0x0], $0xffff;
	v4 =	vmul.f32 v4, v10;
	v0 =	vadd.f32 v3, v0  }
0x3a4: {  	v60 =	vld.idx.msk [tilespmem:v21+s16+$0x0], $0xffff  }
0x3a5: {  	v19 =	vld.idx.msk [tilespmem:v63+s16+$0x0], $0xffff;
	v6 =	vmul.f32 v6, v11;
	v0 =	vadd.f32 v4, v0  }
0x3a6: {  	v3 =	vld.idx.msk [tilespmem:v61+s16+$0x0], $0xffff  }
0x3a7: {  	v63 =	vld.idx.msk [tilespmem:v52+s15+$0x0], $0xffff;
	v0 =	vadd.f32 v6, v0;
	v9 =	vmul.f32 v20, v59  }
0x3a8: {  	v21 =	vld.idx.msk [tilespmem:v51+s16+$0x0], $0xffff  }
0x3a9: {  	v51 =	vld [tilespmem:$0x1FAA0];
	v8 =	vmul.f32 v60, v17;
	v0 =	vadd.f32 v9, v0  }
0x3aa: {  	v52 =	vld.idx.msk [tilespmem:v48+s15+$0x0], $0xffff  }
0x3ab: {  	v61 =	vld [tilespmem:$0x1FAB0];
	v3 =	vmul.f32 v3, v18;
	v0 =	vadd.f32 v8, v0  }
0x3ac: {  	v20 =	vld.idx.msk [tilespmem:v50+s15+$0x0], $0xffff  }
0x3ad: {  	v0 =	vadd.f32 v3, v0;
	v3 =	vld [tilespmem:$0x1FAC0]  }
0x3ae: {  	v48 =	vld [tilespmem:$0x1FBB0]  }
0x3af: {  	v50 =	vld.idx.msk [tilespmem:v33+s15+$0x0], $0xffff  }
0x3b0: {  	v60 =	vld.idx.msk [tilespmem:v62+s15+$0x0], $0xffff  }
0x3b1: {  	v59 =	vld.idx.msk [tilespmem:v51+s16+$0x0], $0xffff  }
0x3b2: {  	v17 =	vld.idx.msk [tilespmem:v49+s15+$0x0], $0xffff;
	v4 =	vmul.f32 v19, v20  }
0x3b3: {  	v62 =	vld.idx.msk [tilespmem:v61+s16+$0x0], $0xffff  }
0x3b4: {  	v49 =	vld.idx.msk [tilespmem:v43+s15+$0x0], $0xffff;
	v6 =	vmul.f32 v21, v50;
	v0 =	vadd.f32 v4, v0  }
0x3b5: {  	v3 =	vld.idx.msk [tilespmem:v3+s16+$0x0], $0xffff  }
0x3b6: {  	v9 =	vmul.f32 v59, v60;
	v20 =	vld [tilespmem:$0x1FAD0];
	v0 =	vadd.f32 v6, v0  }
0x3b7: {  	v33 =	vld.idx.msk [tilespmem:v34+s15+$0x0], $0xffff  }
0x3b8: {  	v34 =	vld [tilespmem:$0x1FAE0];
	v8 =	vmul.f32 v62, v63;
	v0 =	vadd.f32 v9, v0  }
0x3b9: {  	v43 =	vld.idx.msk [tilespmem:v24+s15+$0x0], $0xffff  }
0x3ba: {  	v18 =	vld.idx.msk [tilespmem:v53+s16+$0x0], $0xffff;
	v0 =	vadd.f32 v8, v0;
	v3 =	vmul.f32 v3, v17  }
0x3bb: {  	v19 =	vld.idx.msk [tilespmem:v47+s15+$0x0], $0xffff  }
0x3bc: {  	v0 =	vadd.f32 v3, v0;
	v3 =	vld [tilespmem:$0x1FAF0]  }
0x3bd: {  	v51 =	vld.idx.msk [tilespmem:v36+s15+$0x0], $0xffff  }
0x3be: {  	v21 =	vld.idx.msk [tilespmem:v20+s16+$0x0], $0xffff  }
0x3bf: {  	v53 =	vld.idx.msk [tilespmem:v35+s16+$0x0], $0xffff  }
0x3c0: {  	v47 =	vld.idx.msk [tilespmem:v34+s16+$0x0], $0xffff  }
0x3c1: {  	v35 =	vld.idx.msk [tilespmem:v27+s15+$0x0], $0xffff;
	v4 =	vmul.f32 v18, v19  }
0x3c2: {  	v50 =	vld.idx.msk [tilespmem:v45+s16+$0x0], $0xffff  }
0x3c3: {  	v61 =	vld.idx.msk [tilespmem:v44+s15+$0x0], $0xffff;
	v6 =	vmul.f32 v21, v33;
	v0 =	vadd.f32 v4, v0  }
0x3c4: {  	v3 =	vld.idx.msk [tilespmem:v3+s16+$0x0], $0xffff  }
0x3c5: {  	v59 =	vld.idx.msk [tilespmem:v46+s15+$0x0], $0xffff;
	v9 =	vmul.f32 v47, v49;
	v0 =	vadd.f32 v6, v0  }
0x3c6: {  	v60 =	vld.idx.msk [tilespmem:v41+s16+$0x0], $0xffff  }
0x3c7: {  	v62 =	vld.idx.msk [tilespmem:v39+s16+$0x0], $0xffff;
	v8 =	vmul.f32 v50, v51;
	v0 =	vadd.f32 v9, v0  }
0x3c8: {  	v63 =	vld.idx.msk [tilespmem:v42+s15+$0x0], $0xffff  }
0x3c9: {  	v18 =	vld.idx.msk [tilespmem:v40+s15+$0x0], $0xffff;
	v0 =	vadd.f32 v8, v0;
	v3 =	vmul.f32 v3, v52  }
0x3ca: {  	v19 =	vld.idx.msk [tilespmem:v38+s15+$0x0], $0xffff  }
0x3cb: {  	v21 =	vld.idx.msk [tilespmem:v29+s15+$0x0], $0xffff;
	v4 =	vmul.f32 v53, v59;
	v0 =	vadd.f32 v3, v0  }
0x3cc: {  	v17 =	vld.idx.msk [tilespmem:v37+s16+$0x0], $0xffff  }
0x3cd: {  	v29 =	vld [tilespmem:$0x1FB00];
	v6 =	vmul.f32 v60, v61;
	v0 =	vadd.f32 v4, v0  }
0x3ce: {  	v3 =	vld.idx.msk [tilespmem:v31+s16+$0x0], $0xffff  }
0x3cf: {  	v36 =	vld [tilespmem:$0x1FB20];
	v9 =	vmul.f32 v62, v63;
	v0 =	vadd.f32 v6, v0  }
0x3d0: {  	v44 =	vld [tilespmem:$0x1FB60]  }
0x3d1: {  	v33 =	vld [tilespmem:$0x1FB10];
	v8 =	vmul.f32 v17, v18;
	v0 =	vadd.f32 v9, v0  }
0x3d2: {  	v41 =	vld.idx.msk [tilespmem:v26+s15+$0x0], $0xffff  }
0x3d3: {  	v46 =	vld [tilespmem:$0x1FB80];
	v3 =	vmul.f32 v3, v19;
	v0 =	vadd.f32 v8, v0  }
0x3d4: {  	v20 =	vld.idx.msk [tilespmem:v30+s16+$0x0], $0xffff  }
0x3d5: {  	v0 =	vadd.f32 v3, v0;
	v3 =	vld [tilespmem:$0x1FB30]  }
0x3d6: {  	v30 =	vld.idx.msk [tilespmem:v29+s16+$0x0], $0xffff  }
0x3d7: {  	v31 =	vld.idx.msk [tilespmem:v28+s15+$0x0], $0xffff  }
0x3d8: {  	v38 =	vld.idx.msk [tilespmem:v25+s15+$0x0], $0xffff  }
0x3d9: {  	v34 =	vld.idx.msk [tilespmem:v33+s16+$0x0], $0xffff  }
0x3da: {  	v40 =	vld [tilespmem:$0x1FB40];
	v4 =	vmul.f32 v20, v21  }
0x3db: {  	v37 =	vld.idx.msk [tilespmem:v36+s16+$0x0], $0xffff  }
0x3dc: {  	v39 =	vld.idx.msk [tilespmem:v23+s15+$0x0], $0xffff;
	v6 =	vmul.f32 v30, v31;
	v0 =	vadd.f32 v4, v0  }
0x3dd: {  	v3 =	vld.idx.msk [tilespmem:v3+s16+$0x0], $0xffff  }
0x3de: {  	v42 =	vld [tilespmem:$0x1FB50];
	v9 =	vmul.f32 v34, v35;
	v0 =	vadd.f32 v6, v0  }
0x3df: {  	v45 =	vld [tilespmem:$0x1FB70]  }
0x3e0: {  	[tilespmem:$0x1FBF0] =	vst v5;
	v10 =	vld.idx.msk [tilespmem:v46+s15+$0x0], $0xffff;
	v5 =	vmul.f32 v37, v38;
	v0 =	vadd.f32 v9, v0  }
0x3e1: {  	v47 =	vld [tilespmem:$0x1FBA0]  }
0x3e2: {  	v49 =	vld [tilespmem:$0x1FBC0];
	v0 =	vadd.f32 v5, v0;
	v3 =	vmul.f32 v3, v39  }
0x3e3: {  	v4 =	vld.idx.msk [tilespmem:v40+s16+$0x0], $0xffff  }
0x3e4: {  	v0 =	vadd.f32 v3, v0;
	v3 =	vld [tilespmem:$0x1FB90]  }
0x3e5: {  	v50 =	vld [tilespmem:$0x1FBD0]  }
0x3e6: {  	v6 =	vld.idx.msk [tilespmem:v42+s16+$0x0], $0xffff  }
0x3e7: {  	v51 =	vld [tilespmem:$0x1FBE0]  }
0x3e8: {  	v9 =	vld.idx.msk [tilespmem:v44+s16+$0x0], $0xffff  }
0x3e9: {  	v53 =	vld [tilespmem:$0x1FBF0];
	v4 =	vmul.f32 v4, v41  }
0x3ea: {  	v5 =	vld.idx.msk [tilespmem:v45+s16+$0x0], $0xffff  }
0x3eb: {  	v8 =	vld.idx.msk [tilespmem:v47+s15+$0x0], $0xffff;
	v6 =	vmul.f32 v6, v43;
	v0 =	vadd.f32 v4, v0  }
0x3ec: {  	v3 =	vld.idx.msk [tilespmem:v3+s16+$0x0], $0xffff  }
0x3ed: {  	v7 =	vmul.f32 v9, v7;
	v9 =	vld.idx.msk [tilespmem:v49+s15+$0x0], $0xffff;
	v0 =	vadd.f32 v6, v0  }
0x3ee: {  	v4 =	vld.idx.msk [tilespmem:v48+s16+$0x0], $0xffff  }
0x3ef: {  	v5 =	vmul.f32 v5, v10;
	v10 =	vld.idx.msk [tilespmem:v51+s15+$0x0], $0xffff;
	v0 =	vadd.f32 v7, v0  }
0x3f0: {  	v6 =	vld.idx.msk [tilespmem:v50+s16+$0x0], $0xffff  }
0x3f1: {  	v52 =	vld.idx.msk [tilespmem:v57+s16+$0x0], $0xffff;
	v0 =	vadd.f32 v5, v0;
	v3 =	vmul.f32 v3, v8  }
0x3f2: {  	v8 =	vld.idx.msk [tilespmem:v53+s15+$0x0], $0xffff  }
0x3f3: {  	v58 =	vld.idx.msk [tilespmem:v58+s15+$0x0], $0xffff;
	v4 =	vmul.f32 v4, v9;
	v0 =	vadd.f32 v3, v0  }
0x3f4: {  	v57 =	vld.idx.msk [tilespmem:v55+s16+$0x0], $0xffff  }
0x3f5: {  	v59 =	vld.idx.msk [tilespmem:v56+s15+$0x0], $0xffff;
	v6 =	vmul.f32 v6, v10;
	v0 =	vadd.f32 v4, v0  }
0x3f6: {  	v3 =	vld.idx.msk [tilespmem:v54+s16+$0x0], $0xffff  }
0x3f7: {  	v60 =	vld.idx.msk [tilespmem:v32+s16+$0x0], $0xffff;
	v7 =	vmul.f32 v52, v8;
	v0 =	vadd.f32 v6, v0  }
0x3f8: {  	v61 =	vld.idx.msk [tilespmem:v22+s15+$0x0], $0xffff  }
0x3f9: {  	v62 =	vld.idx.msk [tilespmem:v16+s16+$0x0], $0xffff;
	v5 =	vmul.f32 v57, v58;
	v0 =	vadd.f32 v7, v0  }
0x3fa: {  	v63 =	vld.idx.msk [tilespmem:v13+s15+$0x0], $0xffff  }
0x3fb: {  	s25 =	sld [smem:$0x7FC];
	v2 =	vld.idx.msk [tilespmem:v2+s16+$0x0], $0xffff;
	v3 =	vmul.f32 v3, v59;
	v0 =	vadd.f32 v5, v0  }
0x3fc: {  	s23 =	sld [smem:$0x7EF];
	v1 =	vld.idx.msk [tilespmem:v1+s15+$0x0], $0xffff  }
0x3fd: {  	s26 =	sld [smem:$0x7FB];
	v4 =	vmul.f32 v60, v61;
	v0 =	vadd.f32 v3, v0  }
0x3fe: {  	s28 =	rddreg [dreg:$0x1f]  }
0x3ff: {  	s29 =	rddreg [dreg:$0x1e];
	v3 =	vmul.f32 v62, v63;
	v0 =	vadd.f32 v4, v0  }
0x400: {  	s30 =	rddreg [dreg:$0x1d]  }
0x401: {  	s12 =	rddreg [dreg:$0x1c];
	v1 =	vmul.f32 v2, v1;
	v0 =	vadd.f32 v3, v0  }
0x402: {  	s31 =	rddreg [dreg:$0x1b]  }
0x403: {  	s0 =	rddreg [dreg:$0x1a];
	v0 =	vadd.f32 v1, v0  }
0x404: {  	s24 =	rddreg [dreg:$0x19]  }
0x405: {  	s13 =	rddreg [dreg:$0x18];
	v0 =	vsub.f32 $0.0e+00, v0  }
0x406: {  	s14 =	rddreg [dreg:$0x17];
	s23 =	sshra.s32 s23, $0x2  }
0x407: {  	s19 =	rddreg [dreg:$0x16];
	v1 =	vld [tilespmem:s23+$0x0];
	v0 =	vmul.f32 $1.442695020e+00, v0  }
0x408: {  	s5 =	rddreg [dreg:$0x15]  }
0x409: {  	s6 =	rddreg [dreg:$0x14];
	(erf) = vpow2.f32 v0;
	v0 =	vld [tilespmem:s23+$0x200]  }
0x40a: {  	s7 =	rddreg [dreg:$0x13]  }
0x40b: {  	s8 =	rddreg [dreg:$0x12]  }
0x40c: {  	s9 =	rddreg [dreg:$0x11];
	v1 =	vshrl.u32 v1, $0x3  }
0x40d: {  	s20 =	rddreg [dreg:$0x10];
	v1 =	vshll.u32 v1, $0x7  }
0x40e: {  	s11 =	rddreg [dreg:$0xf];
	(v2sf) =	vpush v1, $0x0;
	v0 =	vshrl.u32 v0, $0x3  }
0x40f: {  	s10 =	rddreg [dreg:$0xe];
	(v2sf) =	vpush v1, $0x1;
	v2 =	vshll.u32 v0, $0x7  }
0x410: {  	s21 =	rddreg [dreg:$0xc];
	(v2sf) =	vpush v2, $0x0  }
.Ltmp0:
0x411: {  	s1 =	rddreg [dreg:$0xb];
	(v2sf) =	vpush v2, $0x1;
	(pc) =	sbr.rel @p0 .LBB2_2-.Ltmp0, $4  }
0x412: {  	s2 =	rddreg [dreg:$0xa];
	v0 =	vpop (erf);
	(v2sf) =	vpush v1, $0x2  }
0x413: {  	[smem:$0x7F2] =	sst s24;
	v0 =	vadd.f32 $1.000000000e+00, v0;
	(v2sf) =	vpush v2, $0x2  }
0x414: {  	s24 =	rddreg [dreg:$0xd];
	(v2sf) =	vpush v1, $0x3  }
0x415: {  	s22 =	sld [smem:$0x7F0];
	(erf) = vrcp.f32 v0;
	(v2sf) =	vpush v2, $0x3  }
0x416: {  	_ =	sdelay $0x7  }
0x417: {  	s22 =	sld [smem:$0x7F3];
	v0 =	vpop (erf)  }
0x418: {  	s3 =	spop (v2sf);
	v0 =	vmul.f32 $5.000000000e+00, v0  }
0x419: {  	s3 =	sand.u32 $0x1FFFFF80, s3  }
0x41a: {  	s18 =	simm.s32 $0x0;
	s3 =	sadd.s32 s22, s3;
	[tilespmem:s4+$0x8C00] =	vst v0  }
0x41b: {  	[tilespmem:s15], [sflag:$0x1] =	stream.linear.gather [hbm4b:s3+s18], $0x400, $0x38;
	[tilespmem:$0x8E00] =	vst v63  }
0x41c: {  	s4 =	sld [smem:$0x7F4];
	s3 =	spop (v2sf)  }
0x41d: {  	s17 =	spop (v2sf)  }
0x41e: {  	s17 =	sand.u32 $0x1FFFFF80, s17  }
0x41f: {  	s3 =	sand.u32 $0x1FFFFF80, s3;
	s17 =	sadd.s32 s4, s17  }
0x420: {  	[tilespmem:s16], [sflag:$0x2] =	stream.linear.gather [hbm4b:s17+s18], $0x400, $0x38;
	[tilespmem:$0x8E00] =	vst v63  }
0x421: {  	s3 =	sadd.s32 s22, s3;
	s17 =	rddreg [dreg:$0x5]  }
0x422: {  	[tilespmem:s17], [sflag:$0x1] =	stream.linear.gather [hbm4b:s3+s18], $0x400, $0x38;
	[tilespmem:$0x8E00] =	vst v63  }
0x423: {  	s3 =	spop (v2sf)  }
0x424: {  	s3 =	sand.u32 $0x1FFFFF80, s3  }
0x425: {  	s17 =	rddreg [dreg:$0x6];
	s3 =	sadd.s32 s4, s3  }
0x426: {  	[tilespmem:s17], [sflag:$0x2] =	stream.linear.gather [hbm4b:s3+s18], $0x400, $0x38;
	[tilespmem:$0x8E00] =	vst v63  }
0x427: {  	s17 =	spop (v2sf)  }
0x428: {  	(v2sf) =	vpush v1, $0x4;
	s17 =	sand.u32 $0x1FFFFF80, s17  }
0x429: {  	s3 =	rddreg [dreg:$0x7];
	s17 =	sadd.s32 s22, s17  }
0x42a: {  	[tilespmem:s3], [sflag:$0x1] =	stream.linear.gather [hbm4b:s17+s18], $0x400, $0x38;
	[tilespmem:$0x8E00] =	vst v63  }
0x42b: {  	s17 =	spop (v2sf)  }
0x42c: {  	(v2sf) =	vpush v2, $0x4;
	s17 =	sand.u32 $0x1FFFFF80, s17  }
0x42d: {  	s3 =	rddreg [dreg:$0x8];
	s17 =	sadd.s32 s4, s17  }
0x42e: {  	[tilespmem:s3], [sflag:$0x2] =	stream.linear.gather [hbm4b:s17+s18], $0x400, $0x38;
	[tilespmem:$0x8E00] =	vst v63  }
0x42f: {  	s17 =	spop (v2sf)  }
0x430: {  	(v2sf) =	vpush v1, $0x5;
	s17 =	sand.u32 $0x1FFFFF80, s17  }
0x431: {  	s3 =	rddreg [dreg:$0x9];
	s17 =	sadd.s32 s22, s17  }
0x432: {  	[tilespmem:s3], [sflag:$0x1] =	stream.linear.gather [hbm4b:s17+s18], $0x400, $0x38;
	[tilespmem:$0x8E00] =	vst v63  }
0x433: {  	s17 =	spop (v2sf)  }
0x434: {  	(v2sf) =	vpush v2, $0x5;
	s3 =	sand.u32 $0x1FFFFF80, s17  }
0x435: {  	s3 =	sadd.s32 s4, s3  }
0x436: {  	[tilespmem:s2], [sflag:$0x2] =	stream.linear.gather [hbm4b:s3+s18], $0x400, $0x38;
	[tilespmem:$0x8E00] =	vst v63  }
0x437: {  	s3 =	spop (v2sf)  }
0x438: {  	(v2sf) =	vpush v1, $0x6;
	s2 =	sand.u32 $0x1FFFFF80, s3  }
0x439: {  	s2 =	sadd.s32 s22, s2  }
0x43a: {  	[tilespmem:s1], [sflag:$0x1] =	stream.linear.gather [hbm4b:s2+s18], $0x400, $0x38;
	[tilespmem:$0x8E00] =	vst v63  }
0x43b: {  	s17 =	spop (v2sf)  }
0x43c: {  	(v2sf) =	vpush v2, $0x6;
	s1 =	sand.u32 $0x1FFFFF80, s17  }
0x43d: {  	s1 =	sadd.s32 s4, s1  }
0x43e: {  	[tilespmem:s21], [sflag:$0x2] =	stream.linear.gather [hbm4b:s1+s18], $0x400, $0x38;
	[tilespmem:$0x8E00] =	vst v63  }
0x43f: {  	s2 =	spop (v2sf)  }
0x440: {  	(v2sf) =	vpush v1, $0x7;
	s1 =	sand.u32 $0x1FFFFF80, s2  }
0x441: {  	s1 =	sadd.s32 s22, s1  }
0x442: {  	[tilespmem:s24], [sflag:$0x1] =	stream.linear.gather [hbm4b:s1+s18], $0x400, $0x38;
	[tilespmem:$0x8E00] =	vst v63  }
0x443: {  	s3 =	spop (v2sf)  }
0x444: {  	(v2sf) =	vpush v2, $0x7;
	s1 =	sand.u32 $0x1FFFFF80, s3  }
0x445: {  	s1 =	sadd.s32 s4, s1  }
0x446: {  	[tilespmem:s10], [sflag:$0x2] =	stream.linear.gather [hbm4b:s1+s18], $0x400, $0x38;
	[tilespmem:$0x8E00] =	vst v63  }
0x447: {  	s10 =	spop (v2sf)  }
0x448: {  	(v2sf) =	vpush v1, $0x8;
	s1 =	sand.u32 $0x1FFFFF80, s10  }
0x449: {  	s1 =	sadd.s32 s22, s1  }
0x44a: {  	[tilespmem:s11], [sflag:$0x1] =	stream.linear.gather [hbm4b:s1+s18], $0x400, $0x38;
	[tilespmem:$0x8E00] =	vst v63  }
0x44b: {  	s17 =	spop (v2sf)  }
0x44c: {  	(v2sf) =	vpush v2, $0x8;
	s1 =	sand.u32 $0x1FFFFF80, s17  }
0x44d: {  	s1 =	sadd.s32 s4, s1  }
0x44e: {  	[tilespmem:s20], [sflag:$0x2] =	stream.linear.gather [hbm4b:s1+s18], $0x400, $0x38;
	[tilespmem:$0x8E00] =	vst v63  }
0x44f: {  	s20 =	spop (v2sf)  }
0x450: {  	(v2sf) =	vpush v1, $0x9;
	s1 =	sand.u32 $0x1FFFFF80, s20  }
0x451: {  	s1 =	sadd.s32 s22, s1  }
0x452: {  	[tilespmem:s9], [sflag:$0x1] =	stream.linear.gather [hbm4b:s1+s18], $0x400, $0x38;
	[tilespmem:$0x8E00] =	vst v63  }
0x453: {  	s21 =	spop (v2sf)  }
0x454: {  	(v2sf) =	vpush v2, $0x9;
	s1 =	sand.u32 $0x1FFFFF80, s21  }
0x455: {  	s1 =	sadd.s32 s4, s1  }
0x456: {  	[tilespmem:s8], [sflag:$0x2] =	stream.linear.gather [hbm4b:s1+s18], $0x400, $0x38;
	[tilespmem:$0x8E00] =	vst v63  }
0x457: {  	s24 =	spop (v2sf)  }
0x458: {  	(v2sf) =	vpush v1, $0xA;
	s1 =	sand.u32 $0x1FFFFF80, s24  }
0x459: {  	s1 =	sadd.s32 s22, s1  }
0x45a: {  	[tilespmem:s7], [sflag:$0x1] =	stream.linear.gather [hbm4b:s1+s18], $0x400, $0x38;
	[tilespmem:$0x8E00] =	vst v63  }
0x45b: {  	s2 =	spop (v2sf)  }
0x45c: {  	(v2sf) =	vpush v2, $0xA;
	s1 =	sand.u32 $0x1FFFFF80, s2  }
0x45d: {  	s1 =	sadd.s32 s4, s1  }
0x45e: {  	[tilespmem:s6], [sflag:$0x2] =	stream.linear.gather [hbm4b:s1+s18], $0x400, $0x38;
	[tilespmem:$0x8E00] =	vst v63  }
0x45f: {  	s3 =	spop (v2sf)  }
0x460: {  	(v2sf) =	vpush v1, $0xB;
	s1 =	sand.u32 $0x1FFFFF80, s3  }
0x461: {  	s1 =	sadd.s32 s22, s1  }
0x462: {  	[tilespmem:s5], [sflag:$0x1] =	stream.linear.gather [hbm4b:s1+s18], $0x400, $0x38;
	[tilespmem:$0x8E00] =	vst v63  }
0x463: {  	s5 =	spop (v2sf)  }
0x464: {  	(v2sf) =	vpush v2, $0xB;
	s1 =	sand.u32 $0x1FFFFF80, s5  }
0x465: {  	s1 =	sadd.s32 s4, s1  }
0x466: {  	[tilespmem:s19], [sflag:$0x2] =	stream.linear.gather [hbm4b:s1+s18], $0x400, $0x38;
	[tilespmem:$0x8E00] =	vst v63  }
0x467: {  	s6 =	spop (v2sf)  }
0x468: {  	(v2sf) =	vpush v1, $0xC;
	s1 =	sand.u32 $0x1FFFFF80, s6  }
0x469: {  	s1 =	sadd.s32 s22, s1  }
0x46a: {  	[tilespmem:s14], [sflag:$0x1] =	stream.linear.gather [hbm4b:s1+s18], $0x400, $0x38;
	[tilespmem:$0x8E00] =	vst v63  }
0x46b: {  	s7 =	spop (v2sf)  }
0x46c: {  	(v2sf) =	vpush v2, $0xC;
	s1 =	sand.u32 $0x1FFFFF80, s7  }
0x46d: {  	s1 =	sadd.s32 s4, s1  }
0x46e: {  	[tilespmem:s13], [sflag:$0x2] =	stream.linear.gather [hbm4b:s1+s18], $0x400, $0x38;
	[tilespmem:$0x8E00] =	vst v63  }
0x46f: {  	s9 =	sld [smem:$0x7F2];
	s8 =	spop (v2sf)  }
0x470: {  	(v2sf) =	vpush v1, $0xD;
	s1 =	sand.u32 $0x1FFFFF80, s8  }
0x471: {  	s1 =	sadd.s32 s22, s1  }
0x472: {  	[tilespmem:s9], [sflag:$0x1] =	stream.linear.gather [hbm4b:s1+s18], $0x400, $0x38;
	[tilespmem:$0x8E00] =	vst v63  }
0x473: {  	s10 =	spop (v2sf)  }
0x474: {  	(v2sf) =	vpush v2, $0xD;
	s1 =	sand.u32 $0x1FFFFF80, s10  }
0x475: {  	s1 =	sadd.s32 s4, s1  }
0x476: {  	[tilespmem:s0], [sflag:$0x2] =	stream.linear.gather [hbm4b:s1+s18], $0x400, $0x38;
	[tilespmem:$0x8E00] =	vst v63  }
0x477: {  	s11 =	spop (v2sf)  }
0x478: {  	(v2sf) =	vpush v1, $0xE;
	s1 =	sand.u32 $0x1FFFFF80, s11  }
0x479: {  	s1 =	sadd.s32 s22, s1  }
0x47a: {  	[tilespmem:s31], [sflag:$0x1] =	stream.linear.gather [hbm4b:s1+s18], $0x400, $0x38;
	[tilespmem:$0x8E00] =	vst v63  }
0x47b: {  	s13 =	spop (v2sf)  }
0x47c: {  	(v2sf) =	vpush v2, $0xE;
	s0 =	sand.u32 $0x1FFFFF80, s13  }
0x47d: {  	s0 =	sadd.s32 s4, s0  }
0x47e: {  	[tilespmem:s12], [sflag:$0x2] =	stream.linear.gather [hbm4b:s0+s18], $0x400, $0x38;
	[tilespmem:$0x8E00] =	vst v63  }
0x47f: {  	s14 =	spop (v2sf)  }
0x480: {  	(v2sf) =	vpush v1, $0xF;
	s0 =	sand.u32 $0x1FFFFF80, s14  }
0x481: {  	s0 =	sadd.s32 s22, s0  }
0x482: {  	[tilespmem:s30], [sflag:$0x1] =	stream.linear.gather [hbm4b:s0+s18], $0x400, $0x38;
	[tilespmem:$0x8E00] =	vst v63  }
0x483: {  	s17 =	spop (v2sf)  }
0x484: {  	(v2sf) =	vpush v2, $0xF;
	s0 =	sand.u32 $0x1FFFFF80, s17  }
0x485: {  	s0 =	sadd.s32 s4, s0  }
0x486: {  	[tilespmem:s29], [sflag:$0x2] =	stream.linear.gather [hbm4b:s0+s18], $0x400, $0x38;
	[tilespmem:$0x8E00] =	vst v63  }
0x487: {  	s19 =	spop (v2sf)  }
0x488: {  	s0 =	sand.u32 $0x1FFFFF80, s19  }
0x489: {  	s0 =	sadd.s32 s22, s0  }
0x48a: {  	[tilespmem:s28], [sflag:$0x1] =	stream.linear.gather [hbm4b:s0+s18], $0x400, $0x38;
	[tilespmem:$0x8E00] =	vst v63  }
0x48b: {  	s20 =	spop (v2sf)  }
0x48c: {  	s0 =	sand.u32 $0x1FFFFF80, s20  }
0x48d: {  	s0 =	sadd.s32 s4, s0  }
0x48e: {  	[tilespmem:s26], [sflag:$0x2] =	stream.linear.gather [hbm4b:s0+s18], $0x400, $0x38;
	[tilespmem:$0x8E00] =	vst v63  }
0x48f: {  	s21 =	spop (v2sf)  }
0x490: {  	s0 =	sand.u32 $0x1FFFFF80, s21  }
0x491: {  	s0 =	sadd.s32 s22, s0  }
0x492: {  	[tilespmem:s25], [sflag:$0x1] =	stream.linear.gather [hbm4b:s0+s18], $0x400, $0x38;
	[tilespmem:$0x8E00] =	vst v63  }
0x493: {  	s24 =	sld [smem:$0x7FD];
	s22 =	spop (v2sf)  }
0x494: {  	s0 =	sand.u32 $0x1FFFFF80, s22  }
0x495: {  	s25 =	simm.s32 $0x1;
	s0 =	sadd.s32 s4, s0  }
0x496: {  	[tilespmem:s24], [sflag:$0x2] =	stream.linear.gather [hbm4b:s0+s18], $0x400, $0x38;
	[tilespmem:$0x8E00] =	vst v63  }
0x497: {  	_ =	swait.ge [sflag:s25], $0x400  }
0x498: {  	[sflag:s25] =	ssyncset.done $0x0  }
0x499: {  	s26 =	simm.s32 $0x2;
	[sflag:s25] =	ssyncadd.s32 $0xFFFFFC00  }
0x49a: {  	_ =	swait.ge [sflag:s26], $0x400  }
0x49b: {  	[sflag:s26] =	ssyncset.done $0x0  }
0x49c: {  	[sflag:s26] =	ssyncadd.s32 $0xFFFFFC00  }
0x49d: {  	_ =	swait.ge [sflag:s25], $0x400  }
0x49e: {  	[sflag:s25] =	ssyncset.done $0x0  }
0x49f: {  	[sflag:s25] =	ssyncadd.s32 $0xFFFFFC00  }
0x4a0: {  	_ =	swait.ge [sflag:s26], $0x400  }
0x4a1: {  	[sflag:s26] =	ssyncset.done $0x0  }
0x4a2: {  	[sflag:s26] =	ssyncadd.s32 $0xFFFFFC00  }
0x4a3: {  	_ =	swait.ge [sflag:s25], $0x400  }
0x4a4: {  	[sflag:s25] =	ssyncset.done $0x0  }
0x4a5: {  	[sflag:s25] =	ssyncadd.s32 $0xFFFFFC00  }
0x4a6: {  	_ =	swait.ge [sflag:s26], $0x400  }
0x4a7: {  	[sflag:s26] =	ssyncset.done $0x0  }
0x4a8: {  	[sflag:s26] =	ssyncadd.s32 $0xFFFFFC00  }
0x4a9: {  	_ =	swait.ge [sflag:s25], $0x400  }
0x4aa: {  	[sflag:s25] =	ssyncset.done $0x0  }
0x4ab: {  	[sflag:s25] =	ssyncadd.s32 $0xFFFFFC00  }
0x4ac: {  	_ =	swait.ge [sflag:s26], $0x400  }
0x4ad: {  	[sflag:s26] =	ssyncset.done $0x0  }
0x4ae: {  	[sflag:s26] =	ssyncadd.s32 $0xFFFFFC00  }
0x4af: {  	_ =	swait.ge [sflag:s25], $0x400  }
0x4b0: {  	[sflag:s25] =	ssyncset.done $0x0  }
0x4b1: {  	[sflag:s25] =	ssyncadd.s32 $0xFFFFFC00  }
0x4b2: {  	_ =	swait.ge [sflag:s26], $0x400  }
0x4b3: {  	[sflag:s26] =	ssyncset.done $0x0  }
0x4b4: {  	[sflag:s26] =	ssyncadd.s32 $0xFFFFFC00  }
0x4b5: {  	_ =	swait.ge [sflag:s25], $0x400  }
0x4b6: {  	[sflag:s25] =	ssyncset.done $0x0  }
0x4b7: {  	[sflag:s25] =	ssyncadd.s32 $0xFFFFFC00  }
0x4b8: {  	_ =	swait.ge [sflag:s26], $0x400  }
0x4b9: {  	[sflag:s26] =	ssyncset.done $0x0  }
0x4ba: {  	[sflag:s26] =	ssyncadd.s32 $0xFFFFFC00  }
0x4bb: {  	_ =	swait.ge [sflag:s25], $0x400  }
0x4bc: {  	[sflag:s25] =	ssyncset.done $0x0  }
0x4bd: {  	[sflag:s25] =	ssyncadd.s32 $0xFFFFFC00  }
0x4be: {  	_ =	swait.ge [sflag:s26], $0x400  }
0x4bf: {  	[sflag:s26] =	ssyncset.done $0x0  }
0x4c0: {  	[sflag:s26] =	ssyncadd.s32 $0xFFFFFC00  }
0x4c1: {  	_ =	swait.ge [sflag:s25], $0x400  }
0x4c2: {  	[sflag:s25] =	ssyncset.done $0x0  }
0x4c3: {  	[sflag:s25] =	ssyncadd.s32 $0xFFFFFC00  }
0x4c4: {  	_ =	swait.ge [sflag:s26], $0x400  }
0x4c5: {  	[sflag:s26] =	ssyncset.done $0x0  }
0x4c6: {  	[sflag:s26] =	ssyncadd.s32 $0xFFFFFC00  }
0x4c7: {  	_ =	swait.ge [sflag:s25], $0x400  }
0x4c8: {  	[sflag:s25] =	ssyncset.done $0x0  }
0x4c9: {  	[sflag:s25] =	ssyncadd.s32 $0xFFFFFC00  }
0x4ca: {  	_ =	swait.ge [sflag:s26], $0x400  }
0x4cb: {  	[sflag:s26] =	ssyncset.done $0x0  }
0x4cc: {  	[sflag:s26] =	ssyncadd.s32 $0xFFFFFC00  }
0x4cd: {  	_ =	swait.ge [sflag:s25], $0x400  }
0x4ce: {  	[sflag:s25] =	ssyncset.done $0x0  }
0x4cf: {  	[sflag:s25] =	ssyncadd.s32 $0xFFFFFC00  }
0x4d0: {  	_ =	swait.ge [sflag:s26], $0x400  }
0x4d1: {  	[sflag:s26] =	ssyncset.done $0x0  }
0x4d2: {  	[sflag:s26] =	ssyncadd.s32 $0xFFFFFC00  }
0x4d3: {  	_ =	swait.ge [sflag:s25], $0x400  }
0x4d4: {  	[sflag:s25] =	ssyncset.done $0x0  }
0x4d5: {  	[sflag:s25] =	ssyncadd.s32 $0xFFFFFC00  }
0x4d6: {  	_ =	swait.ge [sflag:s26], $0x400  }
0x4d7: {  	[sflag:s26] =	ssyncset.done $0x0  }
0x4d8: {  	[sflag:s26] =	ssyncadd.s32 $0xFFFFFC00  }
0x4d9: {  	_ =	swait.ge [sflag:s25], $0x400  }
0x4da: {  	[sflag:s25] =	ssyncset.done $0x0  }
0x4db: {  	[sflag:s25] =	ssyncadd.s32 $0xFFFFFC00  }
0x4dc: {  	_ =	swait.ge [sflag:s26], $0x400  }
0x4dd: {  	[sflag:s26] =	ssyncset.done $0x0  }
0x4de: {  	[sflag:s26] =	ssyncadd.s32 $0xFFFFFC00  }
0x4df: {  	_ =	swait.ge [sflag:s25], $0x400  }
0x4e0: {  	[sflag:s25] =	ssyncset.done $0x0  }
0x4e1: {  	[sflag:s25] =	ssyncadd.s32 $0xFFFFFC00  }
0x4e2: {  	_ =	swait.ge [sflag:s26], $0x400  }
0x4e3: {  	[sflag:s26] =	ssyncset.done $0x0  }
0x4e4: {  	[sflag:s26] =	ssyncadd.s32 $0xFFFFFC00  }
0x4e5: {  	_ =	swait.ge [sflag:s25], $0x400  }
0x4e6: {  	[sflag:s25] =	ssyncset.done $0x0  }
0x4e7: {  	[sflag:s25] =	ssyncadd.s32 $0xFFFFFC00  }
0x4e8: {  	_ =	swait.ge [sflag:s26], $0x400  }
0x4e9: {  	[sflag:s26] =	ssyncset.done $0x0  }
0x4ea: {  	[sflag:s26] =	ssyncadd.s32 $0xFFFFFC00  }
0x4eb: {  	_ =	swait.ge [sflag:s25], $0x400  }
0x4ec: {  	[sflag:s25] =	ssyncset.done $0x0  }
0x4ed: {  	[sflag:s25] =	ssyncadd.s32 $0xFFFFFC00  }
0x4ee: {  	_ =	swait.ge [sflag:s26], $0x400  }
0x4ef: {  	[sflag:s26] =	ssyncset.done $0x0  }
0x4f0: {  	[sflag:s26] =	ssyncadd.s32 $0xFFFFFC00  }
0x4f1: {  	_ =	swait.ge [sflag:s25], $0x400  }
0x4f2: {  	[sflag:s25] =	ssyncset.done $0x0  }
0x4f3: {  	[sflag:s25] =	ssyncadd.s32 $0xFFFFFC00  }
0x4f4: {  	_ =	swait.ge [sflag:s26], $0x400  }
0x4f5: {  	v3 =	vld [tilespmem:$0x1FF00]  }
0x4f6: {  	v6 =	vld [tilespmem:$0x1FC00]  }
0x4f7: {  	v9 =	vld [tilespmem:$0x1FC10]  }
0x4f8: {  	v11 =	vld [tilespmem:$0x1FC20]  }
0x4f9: {  	v13 =	vld [tilespmem:$0x1FC30]  }
0x4fa: {  	v15 =	vld [tilespmem:$0x1FC40]  }
0x4fb: {  	v27 =	vld [tilespmem:$0x1FC50]  }
0x4fc: {  	v30 =	vld [tilespmem:$0x1FC60]  }
0x4fd: {  	v33 =	vld [tilespmem:$0x1FC70]  }
0x4fe: {  	v36 =	vld [tilespmem:$0x1FC80]  }
0x4ff: {  	v39 =	vld [tilespmem:$0x1FC90]  }
0x500: {  	v42 =	vld [tilespmem:$0x1FCA0]  }
0x501: {  	[sflag:s26] =	ssyncset.done $0x0;
	v45 =	vld [tilespmem:$0x1FCB0]  }
0x502: {  	v48 =	vld [tilespmem:$0x1FCC0];
	[sflag:s26] =	ssyncadd.s32 $0xFFFFFC00  }
0x503: {  	v24 =	vld [tilespmem:s23+$0x400]  }
0x504: {  	v25 =	vld [tilespmem:s23+$0x600]  }
0x505: {  	v51 =	vld [tilespmem:$0x1FCD0]  }
0x506: {  	v54 =	vld [tilespmem:$0x1FCE0]  }
0x507: {  	v57 =	vld [tilespmem:$0x1FCF0]  }
0x508: {  	v60 =	vld [tilespmem:$0x1FD00];
	v1 =	vshll.u32 v24, $0x7  }
0x509: {  	v63 =	vld [tilespmem:$0x1FD10];
	v2 =	vshll.u32 v25, $0x7;
	v0 =	vadd.s32 v3, v1  }
0x50a: {  	v20 =	vld [tilespmem:$0x1FD20];
	v3 =	vadd.s32 v3, v2  }
0x50b: {  	v23 =	vld [tilespmem:$0x1FD30];
	v4 =	vadd.s32 v6, v2  }
0x50c: {  	v5 =	vld [tilespmem:s23+$0x8800];
	v6 =	vadd.s32 v6, v1  }
0x50d: {  	v7 =	vld [tilespmem:s23+$0x8A00];
	v8 =	vadd.s32 v9, v2  }
0x50e: {  	v9 =	vadd.s32 v9, v1;
	v0 =	vld.idx.msk [tilespmem:v0+s15+$0x0], $0xffff  }
0x50f: {  	v10 =	vadd.s32 v11, v2;
	v3 =	vld.idx.msk [tilespmem:v3+s16+$0x0], $0xffff  }
0x510: {  	v11 =	vadd.s32 v11, v1;
	v4 =	vld.idx.msk [tilespmem:v4+s16+$0x0], $0xffff  }
0x511: {  	v12 =	vadd.s32 v13, v2;
	v6 =	vld.idx.msk [tilespmem:v6+s15+$0x0], $0xffff  }
0x512: {  	v13 =	vadd.s32 v13, v1;
	v8 =	vld.idx.msk [tilespmem:v8+s16+$0x0], $0xffff  }
0x513: {  	v14 =	vadd.s32 v15, v2;
	v9 =	vld.idx.msk [tilespmem:v9+s15+$0x0], $0xffff  }
0x514: {  	v26 =	vadd.s32 v15, v1;
	v10 =	vld.idx.msk [tilespmem:v10+s16+$0x0], $0xffff  }
0x515: {  	v11 =	vld.idx.msk [tilespmem:v11+s15+$0x0], $0xffff  }
0x516: {  	v28 =	vadd.s32 v27, v2;
	v12 =	vld.idx.msk [tilespmem:v12+s16+$0x0], $0xffff  }
0x517: {  	v29 =	vadd.s32 v27, v1;
	v13 =	vld.idx.msk [tilespmem:v13+s15+$0x0], $0xffff  }
0x518: {  	v32 =	vadd.s32 v30, v1;
	v14 =	vld.idx.msk [tilespmem:v14+s16+$0x0], $0xffff  }
0x519: {  	v5 =	vadd.f32 v7, v5;
	v35 =	vadd.s32 v33, v1;
	v7 =	vld.idx.msk [tilespmem:v26+s15+$0x0], $0xffff  }
0x51a: {  	v38 =	vadd.s32 v36, v1;
	v26 =	vld [tilespmem:$0x1FD40]  }
0x51b: {  	v41 =	vadd.s32 v39, v1;
	v0 =	vmul.f32 v3, v0;
	v3 =	vld.idx.msk [tilespmem:v28+s16+$0x0], $0xffff  }
0x51c: {  	v4 =	vmul.f32 v4, v6;
	v6 =	vld.idx.msk [tilespmem:v29+s15+$0x0], $0xffff  }
0x51d: {  	v8 =	vmul.f32 v8, v9;
	v9 =	vld.idx.msk [tilespmem:v32+s15+$0x0], $0xffff  }
0x51e: {  	v10 =	vmul.f32 v10, v11;
	v11 =	vld.idx.msk [tilespmem:v35+s15+$0x0], $0xffff  }
0x51f: {  	v12 =	vmul.f32 v12, v13;
	v13 =	vld.idx.msk [tilespmem:v38+s15+$0x0], $0xffff  }
0x520: {  	v7 =	vmul.f32 v14, v7;
	v14 =	vld.idx.msk [tilespmem:v41+s15+$0x0], $0xffff  }
0x521: {  	v31 =	vadd.s32 v30, v2;
	v29 =	vld [tilespmem:$0x1FD50]  }
0x522: {  	v34 =	vadd.s32 v33, v2;
	v32 =	vld [tilespmem:$0x1FD60]  }
0x523: {  	v44 =	vadd.s32 v42, v1;
	v35 =	vld [tilespmem:$0x1FD70]  }
0x524: {  	v38 =	vld [tilespmem:$0x1FD80]  }
0x525: {  	v37 =	vadd.s32 v36, v2;
	v41 =	vld [tilespmem:$0x1FD90];
	v0 =	vadd.f32 v0, v5  }
0x526: {  	v47 =	vadd.s32 v45, v1;
	v5 =	vld.idx.msk [tilespmem:v31+s16+$0x0], $0xffff  }
0x527: {  	v0 =	vadd.f32 v4, v0;
	v4 =	vld.idx.msk [tilespmem:v34+s16+$0x0], $0xffff  }
0x528: {  	v40 =	vadd.s32 v39, v2;
	v3 =	vmul.f32 v3, v6;
	v6 =	vld.idx.msk [tilespmem:v44+s15+$0x0], $0xffff  }
0x529: {  	v50 =	vadd.s32 v48, v1;
	v44 =	vld [tilespmem:$0x1FDA0]  }
0x52a: {  	v0 =	vadd.f32 v8, v0;
	v8 =	vld.idx.msk [tilespmem:v37+s16+$0x0], $0xffff  }
0x52b: {  	v43 =	vadd.s32 v42, v2;
	v5 =	vmul.f32 v5, v9;
	v9 =	vld.idx.msk [tilespmem:v47+s15+$0x0], $0xffff  }
0x52c: {  	v53 =	vadd.s32 v51, v1;
	v47 =	vld [tilespmem:$0x1FDB0]  }
0x52d: {  	v0 =	vadd.f32 v10, v0;
	v10 =	vld.idx.msk [tilespmem:v40+s16+$0x0], $0xffff  }
0x52e: {  	v46 =	vadd.s32 v45, v2;
	v4 =	vmul.f32 v4, v11;
	v11 =	vld.idx.msk [tilespmem:v50+s15+$0x0], $0xffff  }
0x52f: {  	v56 =	vadd.s32 v54, v1;
	v50 =	vld [tilespmem:$0x1FDC0]  }
0x530: {  	v0 =	vadd.f32 v12, v0;
	v12 =	vld.idx.msk [tilespmem:v43+s16+$0x0], $0xffff  }
0x531: {  	v49 =	vadd.s32 v48, v2;
	v8 =	vmul.f32 v8, v13;
	v13 =	vld.idx.msk [tilespmem:v53+s15+$0x0], $0xffff  }
0x532: {  	v59 =	vadd.s32 v57, v1;
	v53 =	vld [tilespmem:$0x1FDD0]  }
0x533: {  	v0 =	vadd.f32 v7, v0;
	v7 =	vld.idx.msk [tilespmem:v46+s16+$0x0], $0xffff  }
0x534: {  	v52 =	vadd.s32 v51, v2;
	v10 =	vmul.f32 v10, v14;
	v14 =	vld.idx.msk [tilespmem:v56+s15+$0x0], $0xffff  }
0x535: {  	v62 =	vadd.s32 v60, v1;
	v56 =	vld [tilespmem:$0x1FDE0]  }
0x536: {  	v0 =	vadd.f32 v3, v0;
	v3 =	vld.idx.msk [tilespmem:v49+s16+$0x0], $0xffff  }
0x537: {  	v55 =	vadd.s32 v54, v2;
	v6 =	vmul.f32 v12, v6;
	v12 =	vld.idx.msk [tilespmem:v59+s15+$0x0], $0xffff  }
0x538: {  	v19 =	vadd.s32 v63, v1;
	v59 =	vld [tilespmem:$0x1FDF0]  }
0x539: {  	v0 =	vadd.f32 v5, v0;
	v5 =	vld.idx.msk [tilespmem:v52+s16+$0x0], $0xffff  }
0x53a: {  	v58 =	vadd.s32 v57, v2;
	v7 =	vmul.f32 v7, v9;
	v9 =	vld.idx.msk [tilespmem:v62+s15+$0x0], $0xffff  }
0x53b: {  	v22 =	vadd.s32 v20, v1;
	v62 =	vld [tilespmem:$0x1FE00]  }
0x53c: {  	v0 =	vadd.f32 v4, v0;
	v4 =	vld.idx.msk [tilespmem:v55+s16+$0x0], $0xffff  }
0x53d: {  	v61 =	vadd.s32 v60, v2;
	v3 =	vmul.f32 v3, v11;
	v11 =	vld.idx.msk [tilespmem:v19+s15+$0x0], $0xffff  }
0x53e: {  	v25 =	vadd.s32 v23, v1;
	v19 =	vld [tilespmem:$0x1FE10]  }
0x53f: {  	v0 =	vadd.f32 v8, v0;
	v8 =	vld.idx.msk [tilespmem:v58+s16+$0x0], $0xffff  }
0x540: {  	v18 =	vadd.s32 v63, v2;
	v5 =	vmul.f32 v5, v13;
	v13 =	vld.idx.msk [tilespmem:v22+s15+$0x0], $0xffff  }
0x541: {  	v28 =	vadd.s32 v26, v1;
	v22 =	vld [tilespmem:$0x1FE20]  }
0x542: {  	v0 =	vadd.f32 v10, v0;
	v10 =	vld.idx.msk [tilespmem:v61+s16+$0x0], $0xffff  }
0x543: {  	v21 =	vadd.s32 v20, v2;
	v4 =	vmul.f32 v4, v14;
	v14 =	vld.idx.msk [tilespmem:v25+s15+$0x0], $0xffff  }
0x544: {  	v31 =	vadd.s32 v29, v1;
	v25 =	vld [tilespmem:$0x1FE30]  }
0x545: {  	v0 =	vadd.f32 v6, v0;
	v6 =	vld.idx.msk [tilespmem:v18+s16+$0x0], $0xffff  }
0x546: {  	v24 =	vadd.s32 v23, v2;
	v8 =	vmul.f32 v8, v12;
	v12 =	vld.idx.msk [tilespmem:v28+s15+$0x0], $0xffff  }
0x547: {  	v34 =	vadd.s32 v32, v1;
	v28 =	vld [tilespmem:$0x1FE40]  }
0x548: {  	v0 =	vadd.f32 v7, v0;
	v7 =	vld.idx.msk [tilespmem:v21+s16+$0x0], $0xffff  }
0x549: {  	v27 =	vadd.s32 v26, v2;
	v9 =	vmul.f32 v10, v9;
	v10 =	vld.idx.msk [tilespmem:v31+s15+$0x0], $0xffff  }
0x54a: {  	v37 =	vadd.s32 v35, v1;
	v31 =	vld [tilespmem:$0x1FE50]  }
0x54b: {  	v0 =	vadd.f32 v3, v0;
	v3 =	vld.idx.msk [tilespmem:v24+s16+$0x0], $0xffff  }
0x54c: {  	v30 =	vadd.s32 v29, v2;
	v6 =	vmul.f32 v6, v11;
	v11 =	vld.idx.msk [tilespmem:v34+s15+$0x0], $0xffff  }
0x54d: {  	v40 =	vadd.s32 v38, v1;
	v34 =	vld [tilespmem:$0x1FE60]  }
0x54e: {  	v0 =	vadd.f32 v5, v0;
	v5 =	vld.idx.msk [tilespmem:v27+s16+$0x0], $0xffff  }
0x54f: {  	v33 =	vadd.s32 v32, v2;
	v7 =	vmul.f32 v7, v13;
	v13 =	vld.idx.msk [tilespmem:v37+s15+$0x0], $0xffff  }
0x550: {  	v43 =	vadd.s32 v41, v1;
	v37 =	vld [tilespmem:$0x1FE70]  }
0x551: {  	v0 =	vadd.f32 v4, v0;
	v4 =	vld.idx.msk [tilespmem:v30+s16+$0x0], $0xffff  }
0x552: {  	v36 =	vadd.s32 v35, v2;
	v3 =	vmul.f32 v3, v14;
	v14 =	vld.idx.msk [tilespmem:v40+s15+$0x0], $0xffff  }
0x553: {  	v46 =	vadd.s32 v44, v1;
	v40 =	vld [tilespmem:$0x1FE80]  }
0x554: {  	v0 =	vadd.f32 v8, v0;
	v8 =	vld.idx.msk [tilespmem:v33+s16+$0x0], $0xffff  }
0x555: {  	v39 =	vadd.s32 v38, v2;
	v5 =	vmul.f32 v5, v12;
	v12 =	vld.idx.msk [tilespmem:v43+s15+$0x0], $0xffff  }
0x556: {  	v49 =	vadd.s32 v47, v1;
	v43 =	vld [tilespmem:$0x1FE90]  }
0x557: {  	v0 =	vadd.f32 v9, v0;
	v9 =	vld.idx.msk [tilespmem:v36+s16+$0x0], $0xffff  }
0x558: {  	v42 =	vadd.s32 v41, v2;
	v4 =	vmul.f32 v4, v10;
	v10 =	vld.idx.msk [tilespmem:v46+s15+$0x0], $0xffff  }
0x559: {  	v52 =	vadd.s32 v50, v1;
	v46 =	vld [tilespmem:$0x1FEA0]  }
0x55a: {  	v0 =	vadd.f32 v6, v0;
	v6 =	vld.idx.msk [tilespmem:v39+s16+$0x0], $0xffff  }
0x55b: {  	v45 =	vadd.s32 v44, v2;
	v8 =	vmul.f32 v8, v11;
	v11 =	vld.idx.msk [tilespmem:v49+s15+$0x0], $0xffff  }
0x55c: {  	v55 =	vadd.s32 v53, v1;
	v49 =	vld [tilespmem:$0x1FEB0]  }
0x55d: {  	v0 =	vadd.f32 v7, v0;
	v7 =	vld.idx.msk [tilespmem:v42+s16+$0x0], $0xffff  }
0x55e: {  	v48 =	vadd.s32 v47, v2;
	v9 =	vmul.f32 v9, v13;
	v13 =	vld.idx.msk [tilespmem:v52+s15+$0x0], $0xffff  }
0x55f: {  	v58 =	vadd.s32 v56, v1;
	v52 =	vld [tilespmem:$0x1FEC0]  }
0x560: {  	v0 =	vadd.f32 v3, v0;
	v3 =	vld.idx.msk [tilespmem:v45+s16+$0x0], $0xffff  }
0x561: {  	v51 =	vadd.s32 v50, v2;
	v6 =	vmul.f32 v6, v14;
	v14 =	vld.idx.msk [tilespmem:v55+s15+$0x0], $0xffff  }
0x562: {  	v61 =	vadd.s32 v59, v1;
	v55 =	vld [tilespmem:$0x1FED0]  }
0x563: {  	v0 =	vadd.f32 v5, v0;
	v5 =	vld.idx.msk [tilespmem:v48+s16+$0x0], $0xffff  }
0x564: {  	v54 =	vadd.s32 v53, v2;
	v7 =	vmul.f32 v7, v12;
	v12 =	vld.idx.msk [tilespmem:v58+s15+$0x0], $0xffff  }
0x565: {  	v18 =	vadd.s32 v62, v1;
	v58 =	vld [tilespmem:$0x1FEE0]  }
0x566: {  	v0 =	vadd.f32 v4, v0;
	v4 =	vld.idx.msk [tilespmem:v51+s16+$0x0], $0xffff  }
0x567: {  	v57 =	vadd.s32 v56, v2;
	v3 =	vmul.f32 v3, v10;
	v10 =	vld.idx.msk [tilespmem:v61+s15+$0x0], $0xffff  }
0x568: {  	v21 =	vadd.s32 v19, v1;
	v61 =	vld [tilespmem:$0x1FEF0]  }
0x569: {  	v0 =	vadd.f32 v8, v0;
	v8 =	vld.idx.msk [tilespmem:v54+s16+$0x0], $0xffff  }
0x56a: {  	v60 =	vadd.s32 v59, v2;
	v5 =	vmul.f32 v5, v11;
	v11 =	vld.idx.msk [tilespmem:v18+s15+$0x0], $0xffff  }
0x56b: {  	v24 =	vadd.s32 v22, v1;
	v18 =	vld [tilespmem:$0x1FF10]  }
0x56c: {  	v0 =	vadd.f32 v9, v0;
	v9 =	vld.idx.msk [tilespmem:v57+s16+$0x0], $0xffff  }
0x56d: {  	v63 =	vadd.s32 v62, v2;
	v4 =	vmul.f32 v4, v13;
	v13 =	vld.idx.msk [tilespmem:v21+s15+$0x0], $0xffff  }
0x56e: {  	v27 =	vadd.s32 v25, v1;
	v21 =	vld [tilespmem:$0x1FF20]  }
0x56f: {  	v0 =	vadd.f32 v6, v0;
	v6 =	vld.idx.msk [tilespmem:v60+s16+$0x0], $0xffff  }
0x570: {  	v20 =	vadd.s32 v19, v2;
	v8 =	vmul.f32 v8, v14;
	v14 =	vld.idx.msk [tilespmem:v24+s15+$0x0], $0xffff  }
0x571: {  	v30 =	vadd.s32 v28, v1;
	v24 =	vld [tilespmem:$0x1FF30]  }
0x572: {  	v0 =	vadd.f32 v7, v0;
	v7 =	vld.idx.msk [tilespmem:v63+s16+$0x0], $0xffff  }
0x573: {  	v23 =	vadd.s32 v22, v2;
	v9 =	vmul.f32 v9, v12;
	v12 =	vld.idx.msk [tilespmem:v27+s15+$0x0], $0xffff  }
0x574: {  	v33 =	vadd.s32 v31, v1;
	v27 =	vld [tilespmem:$0x1FF40]  }
0x575: {  	v0 =	vadd.f32 v3, v0;
	v3 =	vld.idx.msk [tilespmem:v20+s16+$0x0], $0xffff  }
0x576: {  	v26 =	vadd.s32 v25, v2;
	v6 =	vmul.f32 v6, v10;
	v10 =	vld.idx.msk [tilespmem:v30+s15+$0x0], $0xffff  }
0x577: {  	v36 =	vadd.s32 v34, v1;
	v30 =	vld [tilespmem:$0x1FF50]  }
0x578: {  	v0 =	vadd.f32 v5, v0;
	v5 =	vld.idx.msk [tilespmem:v23+s16+$0x0], $0xffff  }
0x579: {  	v29 =	vadd.s32 v28, v2;
	v7 =	vmul.f32 v7, v11;
	v11 =	vld.idx.msk [tilespmem:v33+s15+$0x0], $0xffff  }
0x57a: {  	v39 =	vadd.s32 v37, v1;
	v33 =	vld [tilespmem:$0x1FF60]  }
0x57b: {  	v0 =	vadd.f32 v4, v0;
	v4 =	vld.idx.msk [tilespmem:v26+s16+$0x0], $0xffff  }
0x57c: {  	v32 =	vadd.s32 v31, v2;
	v3 =	vmul.f32 v3, v13;
	v13 =	vld.idx.msk [tilespmem:v36+s15+$0x0], $0xffff  }
0x57d: {  	v42 =	vadd.s32 v40, v1;
	v36 =	vld [tilespmem:$0x1FF70];
	v0 =	vadd.f32 v8, v0  }
0x57e: {  	v8 =	vld.idx.msk [tilespmem:v29+s16+$0x0], $0xffff  }
0x57f: {  	v35 =	vadd.s32 v34, v2;
	v5 =	vmul.f32 v5, v14;
	v14 =	vld.idx.msk [tilespmem:v39+s15+$0x0], $0xffff;
	v0 =	vadd.f32 v9, v0  }
0x580: {  	v45 =	vadd.s32 v43, v1;
	v39 =	vld [tilespmem:$0x1FF80]  }
0x581: {  	v9 =	vld.idx.msk [tilespmem:v32+s16+$0x0], $0xffff;
	v0 =	vadd.f32 v6, v0  }
0x582: {  	v38 =	vadd.s32 v37, v2;
	v4 =	vmul.f32 v4, v12;
	v12 =	vld.idx.msk [tilespmem:v42+s15+$0x0], $0xffff  }
0x583: {  	v48 =	vadd.s32 v46, v1;
	v42 =	vld [tilespmem:$0x1FF90];
	v0 =	vadd.f32 v7, v0  }
0x584: {  	v6 =	vld.idx.msk [tilespmem:v35+s16+$0x0], $0xffff  }
0x585: {  	v41 =	vadd.s32 v40, v2;
	v8 =	vmul.f32 v8, v10;
	v10 =	vld.idx.msk [tilespmem:v45+s15+$0x0], $0xffff;
	v0 =	vadd.f32 v3, v0  }
0x586: {  	v51 =	vadd.s32 v49, v1;
	v45 =	vld [tilespmem:$0x1FFA0]  }
0x587: {  	v7 =	vld.idx.msk [tilespmem:v38+s16+$0x0], $0xffff;
	v0 =	vadd.f32 v5, v0  }
0x588: {  	v44 =	vadd.s32 v43, v2;
	v9 =	vmul.f32 v9, v11;
	v11 =	vld.idx.msk [tilespmem:v48+s15+$0x0], $0xffff  }
0x589: {  	v54 =	vadd.s32 v52, v1;
	v48 =	vld [tilespmem:$0x1FFB0];
	v0 =	vadd.f32 v4, v0  }
0x58a: {  	v3 =	vld.idx.msk [tilespmem:v41+s16+$0x0], $0xffff  }
0x58b: {  	v47 =	vadd.s32 v46, v2;
	v6 =	vmul.f32 v6, v13;
	v13 =	vld.idx.msk [tilespmem:v51+s15+$0x0], $0xffff;
	v0 =	vadd.f32 v8, v0  }
0x58c: {  	v57 =	vadd.s32 v55, v1;
	v51 =	vld [tilespmem:$0x1FFC0]  }
0x58d: {  	v50 =	vadd.s32 v49, v2;
	v5 =	vld.idx.msk [tilespmem:v44+s16+$0x0], $0xffff;
	v0 =	vadd.f32 v9, v0  }
0x58e: {  	v7 =	vmul.f32 v7, v14;
	v14 =	vld.idx.msk [tilespmem:v54+s15+$0x0], $0xffff  }
0x58f: {  	v53 =	vadd.s32 v52, v2;
	v54 =	vld [tilespmem:$0x1FFD0];
	v0 =	vadd.f32 v6, v0  }
0x590: {  	v60 =	vadd.s32 v58, v1;
	v4 =	vld.idx.msk [tilespmem:v47+s16+$0x0], $0xffff  }
0x591: {  	v56 =	vadd.s32 v55, v2;
	v3 =	vmul.f32 v3, v12;
	v12 =	vld.idx.msk [tilespmem:v57+s15+$0x0], $0xffff;
	v0 =	vadd.f32 v7, v0  }
0x592: {  	v8 =	vld.idx.msk [tilespmem:v50+s16+$0x0], $0xffff  }
0x593: {  	v59 =	vadd.s32 v58, v2;
	v57 =	vld [tilespmem:$0x1FFE0];
	v5 =	vmul.f32 v5, v10;
	v0 =	vadd.f32 v3, v0  }
0x594: {  	v63 =	vadd.s32 v61, v1;
	v9 =	vld.idx.msk [tilespmem:v53+s16+$0x0], $0xffff  }
0x595: {  	v62 =	vadd.s32 v61, v2;
	v10 =	vld.idx.msk [tilespmem:v60+s15+$0x0], $0xffff;
	v4 =	vmul.f32 v4, v11;
	v0 =	vadd.f32 v5, v0  }
0x596: {  	v20 =	vadd.s32 v18, v1;
	v6 =	vld.idx.msk [tilespmem:v56+s16+$0x0], $0xffff  }
0x597: {  	v19 =	vadd.s32 v18, v2;
	v60 =	vld [tilespmem:$0x1FFF0];
	v8 =	vmul.f32 v8, v13;
	v0 =	vadd.f32 v4, v0  }
0x598: {  	v23 =	vadd.s32 v21, v1;
	v7 =	vld.idx.msk [tilespmem:v59+s16+$0x0], $0xffff  }
0x599: {  	v22 =	vadd.s32 v21, v2;
	v11 =	vld.idx.msk [tilespmem:v63+s15+$0x0], $0xffff;
	v9 =	vmul.f32 v9, v14;
	v0 =	vadd.f32 v8, v0  }
0x59a: {  	v26 =	vadd.s32 v24, v1;
	v3 =	vld.idx.msk [tilespmem:v62+s16+$0x0], $0xffff  }
0x59b: {  	v25 =	vadd.s32 v24, v2;
	v13 =	vld.idx.msk [tilespmem:v20+s15+$0x0], $0xffff;
	v6 =	vmul.f32 v6, v12;
	v0 =	vadd.f32 v9, v0  }
0x59c: {  	v29 =	vadd.s32 v27, v1;
	v5 =	vld.idx.msk [tilespmem:v19+s16+$0x0], $0xffff  }
0x59d: {  	v28 =	vadd.s32 v27, v2;
	v14 =	vld.idx.msk [tilespmem:v23+s15+$0x0], $0xffff;
	v7 =	vmul.f32 v7, v10;
	v0 =	vadd.f32 v6, v0  }
0x59e: {  	v32 =	vadd.s32 v30, v1;
	v4 =	vld.idx.msk [tilespmem:v22+s16+$0x0], $0xffff  }
0x59f: {  	v31 =	vadd.s32 v30, v2;
	v12 =	vld.idx.msk [tilespmem:v26+s15+$0x0], $0xffff;
	v3 =	vmul.f32 v3, v11;
	v0 =	vadd.f32 v7, v0  }
0x5a0: {  	v35 =	vadd.s32 v33, v1;
	v8 =	vld.idx.msk [tilespmem:v25+s16+$0x0], $0xffff  }
0x5a1: {  	v34 =	vadd.s32 v33, v2;
	v10 =	vld.idx.msk [tilespmem:v29+s15+$0x0], $0xffff;
	v5 =	vmul.f32 v5, v13;
	v0 =	vadd.f32 v3, v0  }
0x5a2: {  	v38 =	vadd.s32 v36, v1;
	v9 =	vld.idx.msk [tilespmem:v28+s16+$0x0], $0xffff  }
0x5a3: {  	v37 =	vadd.s32 v36, v2;
	v11 =	vld.idx.msk [tilespmem:v32+s15+$0x0], $0xffff;
	v4 =	vmul.f32 v4, v14;
	v0 =	vadd.f32 v5, v0  }
0x5a4: {  	v41 =	vadd.s32 v39, v1;
	v6 =	vld.idx.msk [tilespmem:v31+s16+$0x0], $0xffff  }
0x5a5: {  	v40 =	vadd.s32 v39, v2;
	v13 =	vld.idx.msk [tilespmem:v35+s15+$0x0], $0xffff;
	v8 =	vmul.f32 v8, v12;
	v0 =	vadd.f32 v4, v0  }
0x5a6: {  	v44 =	vadd.s32 v42, v1;
	v7 =	vld.idx.msk [tilespmem:v34+s16+$0x0], $0xffff  }
0x5a7: {  	v43 =	vadd.s32 v42, v2;
	v14 =	vld.idx.msk [tilespmem:v38+s15+$0x0], $0xffff;
	v9 =	vmul.f32 v9, v10;
	v0 =	vadd.f32 v8, v0  }
0x5a8: {  	v47 =	vadd.s32 v45, v1;
	v3 =	vld.idx.msk [tilespmem:v37+s16+$0x0], $0xffff  }
0x5a9: {  	v46 =	vadd.s32 v45, v2;
	v12 =	vld.idx.msk [tilespmem:v41+s15+$0x0], $0xffff;
	v6 =	vmul.f32 v6, v11;
	v0 =	vadd.f32 v9, v0  }
0x5aa: {  	v50 =	vadd.s32 v48, v1;
	v5 =	vld.idx.msk [tilespmem:v40+s16+$0x0], $0xffff  }
0x5ab: {  	v49 =	vadd.s32 v48, v2;
	v10 =	vld.idx.msk [tilespmem:v44+s15+$0x0], $0xffff;
	v7 =	vmul.f32 v7, v13;
	v0 =	vadd.f32 v6, v0  }
0x5ac: {  	v53 =	vadd.s32 v51, v1;
	v4 =	vld.idx.msk [tilespmem:v43+s16+$0x0], $0xffff  }
0x5ad: {  	v52 =	vadd.s32 v51, v2;
	v11 =	vld.idx.msk [tilespmem:v47+s15+$0x0], $0xffff;
	v3 =	vmul.f32 v3, v14;
	v0 =	vadd.f32 v7, v0  }
0x5ae: {  	v55 =	vadd.s32 v54, v2;
	v8 =	vld.idx.msk [tilespmem:v46+s16+$0x0], $0xffff  }
0x5af: {  	v56 =	vadd.s32 v54, v1;
	v13 =	vld.idx.msk [tilespmem:v50+s15+$0x0], $0xffff;
	v5 =	vmul.f32 v5, v12;
	v0 =	vadd.f32 v3, v0  }
0x5b0: {  	v58 =	vadd.s32 v57, v2;
	v9 =	vld.idx.msk [tilespmem:v49+s16+$0x0], $0xffff  }
0x5b1: {  	v59 =	vadd.s32 v57, v1;
	v61 =	vld.idx.msk [tilespmem:v53+s15+$0x0], $0xffff;
	v4 =	vmul.f32 v4, v10;
	v0 =	vadd.f32 v5, v0  }
0x5b2: {  	v2 =	vadd.s32 v60, v2;
	v6 =	vld.idx.msk [tilespmem:v52+s16+$0x0], $0xffff  }
0x5b3: {  	v1 =	vadd.s32 v60, v1;
	v62 =	vld.idx.msk [tilespmem:v55+s16+$0x0], $0xffff;
	v8 =	vmul.f32 v8, v11;
	v0 =	vadd.f32 v4, v0  }
0x5b4: {  	v63 =	vld.idx.msk [tilespmem:v56+s15+$0x0], $0xffff  }
0x5b5: {  	v9 =	vmul.f32 v9, v13;
	v3 =	vld.idx.msk [tilespmem:v58+s16+$0x0], $0xffff;
	v0 =	vadd.f32 v8, v0  }
0x5b6: {  	v5 =	vld.idx.msk [tilespmem:v59+s15+$0x0], $0xffff  }
0x5b7: {  	v2 =	vld.idx.msk [tilespmem:v2+s16+$0x0], $0xffff;
	v6 =	vmul.f32 v6, v61;
	v0 =	vadd.f32 v9, v0  }
0x5b8: {  	v1 =	vld.idx.msk [tilespmem:v1+s15+$0x0], $0xffff  }
0x5b9: {  	v4 =	vmul.f32 v62, v63;
	v0 =	vadd.f32 v6, v0;
	_ =	sdelay $0x1  }
0x5ba: {  	v3 =	vmul.f32 v3, v5;
	v0 =	vadd.f32 v4, v0;
	_ =	sdelay $0x1  }
0x5bb: {  	v1 =	vmul.f32 v2, v1;
	v0 =	vadd.f32 v3, v0;
	_ =	sdelay $0x1  }
0x5bc: {  	v0 =	vadd.f32 v1, v0;
	_ =	sdelay $0x1  }
0x5bd: {  	v0 =	vsub.f32 $0.0e+00, v0;
	_ =	sdelay $0x1  }
0x5be: {  	v0 =	vmul.f32 $1.442695020e+00, v0;
	_ =	sdelay $0x1  }
0x5bf: {  	(erf) = vpow2.f32 v0;
	_ =	sdelay $0x8  }
0x5c0: {  	v0 =	vpop (erf)  }
0x5c1: {  	v0 =	vadd.f32 $1.000000000e+00, v0;
	_ =	sdelay $0x1  }
0x5c2: {  	(erf) = vrcp.f32 v0;
	_ =	sdelay $0x8  }
0x5c3: {  	v0 =	vpop (erf)  }
0x5c4: {  	s28 =	sld [smem:$0x7F9];
	v0 =	vmul.f32 $5.000000000e+00, v0;
	_ =	sdelay $0x1  }
0x5c5: {  	s1 =	simm.s32 $0x3;
	s29 =	simm.s32 $0x8C00;
	[tilespmem:s23+$0x8C00] =	vst v0  }
0x5c6: {  	[hbm4b:s28+s18] =	stream.linear.scatter [tilespmem:s29], [sflag:$0x3], $0x200, $0x38;
	[tilespmem:$0x8E00] =	vst v63  }
0x5c7: {  	_ =	swait.ge [sflag:s1], $0x200  }
0x5c8: {  	s30 =	sld [smem:$0x7F1]  }
0x5c9: {  	s31 =	sld [smem:$0x7FA];
	_ =	sdelay $0x1  }
0x5ca: {  	s2 =	sadd.s32 $0x1, s30  }
0x5cb: {  	p0 =	sne.s32 s2, s31  }
.Ltmp1:
0x5cc: {  	_ = 	snop;
	(pc) =	sbr.rel @p0 .LBB2_1-.Ltmp1, $3  }
0x5cd: {  	_ =	sdelay $0x1  }
0x5ce: {  	[sflag:s1] =	ssyncset.done $0x0  }
0x5cf: {  	[sflag:s1] =	ssyncadd.s32 $0xFFFFFE00  }
0x5d0: {  	_ =	sfence.sel $0x180000  }
0x5d1: {  	[bflag:$0x0] =	sbarrier.arrive $0xFFFF  }
0x5d2: {  	_ =	strace $0x9000004D  }
0x5d3: {  	s0 =	stileid.u32;
	[bflag:$0x2] =	sbarrier.arrive $0xFFFF  }
0x5d4: {  	p0 =	sne.s32 s0, $0x0;
	s0 =	rddreg [dreg:$0x4]  }
0x5d5: {  	s0 =	sadd.s32 @!p0 $0x100000, s0  }
0x5d6: {  	[sflag:s0] =	ssyncadd.tile.s32 @!p0 $0x1;
	_ =	shalt  }
.Lfunc_end2:
_tile_overlayer_lowered:
.L_overlay_start_2:
0x5d7: {  	(tag) =	ssettag $0x2  }
0x5d8: {  	s0 =	rddreg [dreg:$0x0];
	s2 =	stileid.u32  }
0x5d9: {  	s1 =	rddreg [dreg:$0x1];
	p0 =	sne.s32 s2, $0x0  }
0x5da: {  	s3 =	rddreg [dreg:$0x2];
	[bflag:$0x3] =	sbarrier.arrive $0xFFFF;
	s2 =	simm.s32 @!p0 $0x1C03  }
0x5db: {  	[timem:s3], [sflag:s2] =	dma.local @!p0 [hbm:s0], s1  }
0x5dc: {  	s0 =	simm.s32 @!p0 $0x3  }
0x5dd: {  	_ =	swait.ge @!p0 [sflag:s0], s1  }
0x5de: {  	s1 =	ssub.s32 @!p0 $0x0, s1;
	[sflag:s0] =	ssyncset.done @!p0 $0x0  }
0x5df: {  	[sflag:s0] =	ssyncadd.s32 @!p0 s1  }
0x5e0: {  	[bflag:$0x3] =	sbarrier.arrive $0xFFFF  }
0x5e1: {  	_ =	shalt  }

</sc_bundles>
